<compile_context>
chip_gen: v7x
topology: tpu7x:2x2x1
jax: 0.10.2.dev20260603
libtpu: 0.0.44.dev20260713+nightly
codegen_flags: <defaults>
</compile_context>

<pallas_src>
import functools

import jax
import jax.numpy as jnp
from jax import lax
from jax.experimental import pallas as pl
from jax.experimental.pallas import tpu as pltpu
from jax.experimental.pallas import tpu_sc as plsc

_N = 10000
_E = 320000
_D = 128
_H = 8
_DH = 16

_NC = 2
_NS = 16
_NW = _NC * _NS
_EPW = _E // _NW
_CH = 80
_NCHUNK = _EPW // _CH
_ZMAIN = 624
_ZTAIL = _N - _NS * _ZMAIN



def _mm_body(x_ref, ws_ref, bs_ref, wd_ref, bd_ref, fs_ref, fd_ref):
    xb = x_ref[...]
    fs_ref[...] = jnp.dot(xb, ws_ref[...], preferred_element_type=jnp.float32) + bs_ref[...]
    fd_ref[...] = jnp.dot(xb, wd_ref[...], preferred_element_type=jnp.float32) + bd_ref[...]


def _linear_transforms(x, W_src, b_src, W_dst, b_dst):
    grid = 10
    rows = _N // grid
    return pl.pallas_call(
        _mm_body,
        grid=(grid,),
        in_specs=[
            pl.BlockSpec((rows, _D), lambda i: (i, 0)),
            pl.BlockSpec((_D, _D), lambda i: (0, 0)),
            pl.BlockSpec((1, _D), lambda i: (0, 0)),
            pl.BlockSpec((_D, _D), lambda i: (0, 0)),
            pl.BlockSpec((1, _D), lambda i: (0, 0)),
        ],
        out_specs=[
            pl.BlockSpec((rows, _D), lambda i: (i, 0)),
            pl.BlockSpec((rows, _D), lambda i: (i, 0)),
        ],
        out_shape=[
            jax.ShapeDtypeStruct((_N, _D), jnp.float32),
            jax.ShapeDtypeStruct((_N, _D), jnp.float32),
        ],
    )(x, W_src, b_src.reshape(1, _D), W_dst, b_dst.reshape(1, _D))



def _sc_gather_z(fs, fd, src1, dst1):
    mesh = plsc.VectorSubcoreMesh(core_axis_name="c", subcore_axis_name="s")

    @functools.partial(
        pl.kernel,
        out_type=jax.ShapeDtypeStruct((_E, _D), jnp.float32),
        mesh=mesh,
        scratch_types=[
            pltpu.VMEM((_EPW,), jnp.int32),
            pltpu.VMEM((_EPW,), jnp.int32),
            pltpu.VMEM((_CH, _D), jnp.float32),
            pltpu.VMEM((_CH, _D), jnp.float32),
            pltpu.VMEM((_CH, _D), jnp.float32),
            pltpu.VMEM((_CH, _D), jnp.float32),
            pltpu.SemaphoreType.DMA,
            pltpu.SemaphoreType.DMA,
        ],
    )
    def k(fs_hbm, fd_hbm, src_hbm, dst_hbm, z_hbm,
          idx_s, idx_d, rs0, rd0, rs1, rd1, sem0, sem1):
        c = lax.axis_index("c")
        s = lax.axis_index("s")
        wid = c * _NS + s
        base = wid * _EPW
        pltpu.sync_copy(src_hbm.at[pl.ds(base, _EPW)], idx_s)
        pltpu.sync_copy(dst_hbm.at[pl.ds(base, _EPW)], idx_d)

        def issue(kk, rs, rd, sem):
            pltpu.async_copy(fs_hbm.at[idx_s.at[pl.ds(kk * _CH, _CH)]], rs, sem)
            pltpu.async_copy(fd_hbm.at[idx_d.at[pl.ds(kk * _CH, _CH)]], rd, sem)

        def process(kk, rs, rd, sem):
            pltpu.make_async_copy(
                fs_hbm.at[idx_s.at[pl.ds(kk * _CH, _CH)]], rs, sem).wait()
            pltpu.make_async_copy(
                fd_hbm.at[idx_d.at[pl.ds(kk * _CH, _CH)]], rd, sem).wait()

            def edge(i, _):
                for j in range(_D // 16):
                    u = rs[i, pl.ds(j * 16, 16)] + rd[i, pl.ds(j * 16, 16)]
                    rs[i, pl.ds(j * 16, 16)] = (
                        jnp.maximum(u, 0.0) + 0.2 * jnp.minimum(u, 0.0))
                return 0
            lax.fori_loop(0, _CH, edge, 0)
            pltpu.sync_copy(rs, z_hbm.at[pl.ds(base + kk * _CH, _CH)])

        issue(0, rs0, rd0, sem0)

        def pair(t, _):
            kk = t * 2
            issue(kk + 1, rs1, rd1, sem1)
            process(kk, rs0, rd0, sem0)
            issue(kk + 2, rs0, rd0, sem0)
            process(kk + 1, rs1, rd1, sem1)
            return 0
        lax.fori_loop(0, (_NCHUNK - 1) // 2, pair, 0)
        process(_NCHUNK - 1, rs0, rd0, sem0)

    return k(fs, fd, src1, dst1)



def _ex_body(z_ref, a_ref, ex_ref):
    ex_ref[...] = jnp.exp(
        jnp.dot(z_ref[...], a_ref[...], preferred_element_type=jnp.float32))


def _tc_logits(z, A128):
    grid = 32
    rows = _E // grid
    return pl.pallas_call(
        _ex_body,
        grid=(grid,),
        in_specs=[
            pl.BlockSpec((rows, _D), lambda i: (i, 0)),
            pl.BlockSpec((_D, _D), lambda i: (0, 0)),
        ],
        out_specs=pl.BlockSpec((rows, _D), lambda i: (i, 0)),
        out_shape=jax.ShapeDtypeStruct((_E, _D), jnp.float32),
    )(z, A128)



def _sc_denom(ex, dst3):
    mesh = plsc.VectorSubcoreMesh(core_axis_name="c", subcore_axis_name="s")

    @functools.partial(
        pl.kernel,
        out_type=jax.ShapeDtypeStruct((_NC, _N, _D), jnp.float32),
        mesh=mesh,
        scratch_types=[
            pltpu.VMEM((_NCHUNK, _CH), jnp.int32),
            pltpu.VMEM((_CH, _D), jnp.float32),
            pltpu.VMEM((_CH, _D), jnp.float32),
            pltpu.VMEM_SHARED((_N, _D), jnp.float32),
            pltpu.SemaphoreType.DMA,
            pltpu.SemaphoreType.DMA,
        ],
    )
    def k(ex_hbm, dst_hbm, den_hbm, idx_d, ex0, ex1, den_sh, sem0, sem1):
        c = lax.axis_index("c")
        s = lax.axis_index("s")
        wid = c * _NS + s
        base = wid * _EPW
        zc = 48
        pltpu.sync_copy(dst_hbm.at[wid], idx_d)

        def zrow(i, _):
            for j in range(_D // 16):
                ex0[i, pl.ds(j * 16, 16)] = jnp.zeros((16,), jnp.float32)
            return 0
        lax.fori_loop(0, zc, zrow, 0)

        def zblk(t, _):
            pltpu.sync_copy(ex0.at[pl.ds(0, zc)],
                            den_sh.at[pl.ds(s * _ZMAIN + t * zc, zc)])
            return 0
        lax.fori_loop(0, _ZMAIN // zc, zblk, 0)

        @pl.when(s == 0)
        def _():
            pltpu.sync_copy(ex0.at[pl.ds(0, _ZTAIL)],
                            den_sh.at[pl.ds(_NS * _ZMAIN, _ZTAIL)])
        plsc.subcore_barrier()

        def issue(kk, exv, sem):
            pltpu.async_copy(ex_hbm.at[pl.ds(base + kk * _CH, _CH)], exv, sem)

        def process(kk, exv, sem):
            pltpu.make_async_copy(
                ex_hbm.at[pl.ds(base + kk * _CH, _CH)], exv, sem).wait()
            pltpu.sync_copy(exv, den_sh.at[idx_d.at[kk]], add=True)

        issue(0, ex0, sem0)

        def pair(t, _):
            kk = t * 2
            issue(kk + 1, ex1, sem1)
            process(kk, ex0, sem0)
            issue(kk + 2, ex0, sem0)
            process(kk + 1, ex1, sem1)
            return 0
        lax.fori_loop(0, (_NCHUNK - 1) // 2, pair, 0)
        process(_NCHUNK - 1, ex0, sem0)

        plsc.subcore_barrier()

        def dblk(t, _):
            r0 = s * _ZMAIN + t * zc
            pltpu.sync_copy(den_sh.at[pl.ds(r0, zc)], ex0.at[pl.ds(0, zc)])
            pltpu.sync_copy(ex0.at[pl.ds(0, zc)], den_hbm.at[c, pl.ds(r0, zc)])
            return 0
        lax.fori_loop(0, _ZMAIN // zc, dblk, 0)

        @pl.when(s == 0)
        def _():
            pltpu.sync_copy(den_sh.at[pl.ds(_NS * _ZMAIN, _ZTAIL)],
                            ex0.at[pl.ds(0, _ZTAIL)])
            pltpu.sync_copy(ex0.at[pl.ds(0, _ZTAIL)],
                            den_hbm.at[c, pl.ds(_NS * _ZMAIN, _ZTAIL)])

    return k(ex, dst3)



def _den_body(d0_ref, d1_ref, out_ref):
    out_ref[...] = d0_ref[...] + d1_ref[...]


def _tc_den128(den):
    return pl.pallas_call(
        _den_body,
        out_shape=jax.ShapeDtypeStruct((_N, _D), jnp.float32),
    )(den[0], den[1])



def _sc_pass2(fs, src, dst, exh, den128):
    mesh = plsc.VectorSubcoreMesh(core_axis_name="c", subcore_axis_name="s")
    ch = 40
    nchunk = _EPW // ch

    @functools.partial(
        pl.kernel,
        out_type=(
            jax.ShapeDtypeStruct((_E * _H,), jnp.float32),
            jax.ShapeDtypeStruct((_NC, _N, _D), jnp.float32),
        ),
        mesh=mesh,
        scratch_types=[
            pltpu.VMEM((ch,), jnp.int32),
            pltpu.VMEM((ch,), jnp.int32),
            pltpu.VMEM((ch,), jnp.int32),
            pltpu.VMEM((ch,), jnp.int32),
            pltpu.VMEM((ch, _D), jnp.float32),
            pltpu.VMEM((ch, _D), jnp.float32),
            pltpu.VMEM((ch, _D), jnp.float32),
            pltpu.VMEM((ch, _D), jnp.float32),
            pltpu.VMEM((ch, _D), jnp.float32),
            pltpu.VMEM((ch * _H + 8,), jnp.float32),
            pltpu.VMEM((ch, _D), jnp.float32),
            pltpu.VMEM_SHARED((_N, _D), jnp.float32),
            pltpu.SemaphoreType.DMA,
            pltpu.SemaphoreType.DMA,
        ],
    )
    def k(fs_hbm, src_hbm, dst_hbm, ex_hbm, den_hbm, al_hbm, out_hbm,
          is0, id0, is1, id1, rs0, rs1, db0, db1, exv, albuf, msg,
          out_sh, sem0, sem1):
        c = lax.axis_index("c")
        s = lax.axis_index("s")
        base = (c * _NS + s) * _EPW
        zc = 24

        def zrow(i, _):
            for j in range(_D // 16):
                msg[i, pl.ds(j * 16, 16)] = jnp.zeros((16,), jnp.float32)
            return 0
        lax.fori_loop(0, zc, zrow, 0)

        def zblk(t, _):
            pltpu.sync_copy(msg.at[pl.ds(0, zc)],
                            out_sh.at[pl.ds(s * _ZMAIN + t * zc, zc)])
            return 0
        lax.fori_loop(0, _ZMAIN // zc, zblk, 0)

        @pl.when(s == 0)
        def _():
            pltpu.sync_copy(msg.at[pl.ds(0, _ZTAIL)],
                            out_sh.at[pl.ds(_NS * _ZMAIN, _ZTAIL)])
        plsc.subcore_barrier()

        def issue(kk, isx, idx, rs, db, sem):
            off = base + kk * ch
            pltpu.sync_copy(src_hbm.at[pl.ds(off, ch)], isx)
            pltpu.sync_copy(dst_hbm.at[pl.ds(off, ch)], idx)
            pltpu.async_copy(fs_hbm.at[isx], rs, sem)
            pltpu.async_copy(den_hbm.at[idx], db, sem)

        def process(kk, isx, idx, rs, db, sem):
            off = base + kk * ch
            d3 = pltpu.async_copy(ex_hbm.at[pl.ds(off, ch)], exv, sem)
            pltpu.make_async_copy(fs_hbm.at[isx], rs, sem).wait()
            pltpu.make_async_copy(den_hbm.at[idx], db, sem).wait()
            d3.wait()

            def edge(i, _):
                den_v = db[i, pl.ds(0, 16)] + 1e-9
                a_v = exv[i, pl.ds(0, 16)] / den_v
                albuf[pl.ds(i * _H, 16)] = a_v
                for h in range(_H):
                    msg[i, pl.ds(h * 16, 16)] = rs[i, pl.ds(h * 16, 16)] * a_v[h]
                return 0
            lax.fori_loop(0, ch, edge, 0)

            pltpu.sync_copy(albuf.at[pl.ds(0, ch * _H)],
                            al_hbm.at[pl.ds(off * _H, ch * _H)])
            pltpu.sync_copy(msg, out_sh.at[idx], add=True)

        issue(0, is0, id0, rs0, db0, sem0)

        def pair(t, _):
            kk = t * 2
            issue(kk + 1, is1, id1, rs1, db1, sem1)
            process(kk, is0, id0, rs0, db0, sem0)

            @pl.when(kk + 2 < nchunk)
            def _():
                issue(kk + 2, is0, id0, rs0, db0, sem0)
            process(kk + 1, is1, id1, rs1, db1, sem1)
            return 0
        lax.fori_loop(0, nchunk // 2, pair, 0)

        plsc.subcore_barrier()

        def dblk(t, _):
            r0 = s * _ZMAIN + t * zc
            pltpu.sync_copy(out_sh.at[pl.ds(r0, zc)], msg.at[pl.ds(0, zc)])
            pltpu.sync_copy(msg.at[pl.ds(0, zc)], out_hbm.at[c, pl.ds(r0, zc)])
            return 0
        lax.fori_loop(0, _ZMAIN // zc, dblk, 0)

        @pl.when(s == 0)
        def _():
            pltpu.sync_copy(out_sh.at[pl.ds(_NS * _ZMAIN, _ZTAIL)],
                            msg.at[pl.ds(0, _ZTAIL)])
            pltpu.sync_copy(msg.at[pl.ds(0, _ZTAIL)],
                            out_hbm.at[c, pl.ds(_NS * _ZMAIN, _ZTAIL)])

    return k(fs, src, dst, exh, den128)



def _bn_body(p0_ref, p1_ref, x_ref, g_ref, b_ref, out_ref):
    t = p0_ref[...] + p1_ref[...] + x_ref[...]
    mean = jnp.mean(t, axis=0, keepdims=True)
    d = t - mean
    var = jnp.mean(d * d, axis=0, keepdims=True)
    y = d * jax.lax.rsqrt(var + 1e-5) * g_ref[...] + b_ref[...]
    out_ref[...] = jnp.maximum(y, 0.0)


def _bn_relu(p0, p1, x, gamma, beta):
    return pl.pallas_call(
        _bn_body,
        out_shape=jax.ShapeDtypeStruct((_N, _D), jnp.float32),
    )(p0, p1, x, gamma.reshape(1, _D), beta.reshape(1, _D))


def kernel(x, edge_index, W_src, b_src, W_dst, b_dst, attn_a, gamma, beta):
    src = edge_index[0]
    dst = edge_index[1]
    A128 = (attn_a[:, :, None] * jnp.eye(_H, dtype=attn_a.dtype)[:, None, :])
    A128 = jnp.pad(A128.reshape(_D, _H), ((0, 0), (0, _D - _H)))

    dst3 = dst.reshape(_NW, _NCHUNK, _CH)
    fs, fd = _linear_transforms(x, W_src, b_src, W_dst, b_dst)
    z = _sc_gather_z(fs, fd, src, dst)
    exh = _tc_logits(z, A128)
    den = _sc_denom(exh, dst3)
    den128 = _tc_den128(den)
    al8, outp = _sc_pass2(fs, src, dst, exh, den128)
    feat = _bn_relu(outp[0], outp[1], x, gamma, beta)
    return feat, al8.reshape(_E, _H, 1)

# --- scband reference (transcript-rebuilt; emitter-appended) ---
"""Pipeline reference for scband-deep-graph-conv-layer-17300128269006 (READ-ONLY COPY).

The authoritative reference and input builder live on the scoring server;
editing this copy changes nothing except your own understanding.
"""

import jax, jax.numpy as jnp
import numpy as np

N = 10000
E = 320000
D_IN = 128
NODES = 128
H = 8
DH = NODES // H  # 16 per-head dim (gat_nodes)


def setup_inputs(seed: int = 0) -> dict:
    key = jax.random.key(seed)
    ks = jax.random.split(key, 10)
    x = jax.random.normal(ks[0], (N, D_IN), dtype=jnp.float32)
    edge_index = jax.random.randint(ks[1], (2, E), 0, N, dtype=jnp.int32)
    # GATv2Conv params (share_weights=False -> separate src/dst linear, bias=True)
    W_src = jax.random.normal(ks[2], (D_IN, H * DH), dtype=jnp.float32) * 0.05
    b_src = jnp.zeros((H * DH,), dtype=jnp.float32)
    W_dst = jax.random.normal(ks[3], (D_IN, H * DH), dtype=jnp.float32) * 0.05
    b_dst = jnp.zeros((H * DH,), dtype=jnp.float32)
    attn_a = jax.random.normal(ks[4], (H, DH), dtype=jnp.float32) * 0.1
    # BatchNorm1d affine params
    gamma = jnp.ones((NODES,), dtype=jnp.float32)
    beta = jnp.zeros((NODES,), dtype=jnp.float32)
    return {"x": x, "edge_index": edge_index, "W_src": W_src, "b_src": b_src,
            "W_dst": W_dst, "b_dst": b_dst, "attn_a": attn_a,
            "gamma": gamma, "beta": beta}


def reference(x, edge_index, W_src, b_src, W_dst, b_dst, attn_a, gamma, beta):
    src = edge_index[0]
    dst = edge_index[1]
    # GATv2: separate linear transforms for src/dst roles
    feat_src = (x @ W_src + b_src).reshape(N, H, DH)
    feat_dst = (x @ W_dst + b_dst).reshape(N, H, DH)
    # e_ij = a^T LeakyReLU(Wsrc x_i + Wdst x_j)
    e = jax.nn.leaky_relu(feat_src[src] + feat_dst[dst], negative_slope=0.2)  # [E,H,DH]
    logits = jnp.einsum('ehd,hd->eh', e, attn_a)  # [E,H]
    # edge softmax grouped by destination node (allow_zero_in_degree=True)
    m = jax.ops.segment_max(logits, dst, num_segments=N)
    m = jnp.where(jnp.isfinite(m), m, 0.0)
    ex = jnp.exp(logits - m[dst])
    denom = jax.ops.segment_sum(ex, dst, num_segments=N)
    alpha = ex / (denom[dst] + 1e-9)  # [E,H]
    # message passing: scatter-add of alpha-weighted src features
    out = jax.ops.segment_sum(feat_src[src] * alpha[..., None], dst, num_segments=N)  # [N,H,DH]
    # residual (in_feats == num_heads*out_feats -> identity residual)
    out = out + x.reshape(N, H, DH)
    feat = out.reshape(N, NODES)
    # BatchNorm1d (training-mode batch stats) + ReLU
    mean = jnp.mean(feat, axis=0)
    var = jnp.var(feat, axis=0)
    feat = (feat - mean) / jnp.sqrt(var + 1e-5) * gamma + beta
    feat = jax.nn.relu(feat)
    attn = alpha[..., None]  # [E,H,1] as DGL returns
    return feat, attn

if __name__ == "__main__":
    import jax
    _d = setup_inputs()
    print(jax.jit(kernel)(*tuple(_d.values())))

</pallas_src>

<mosaic_0001>
#map = affine_map<(d0, d1) -> (0, 0)>
#map1 = affine_map<(d0, d1) -> (0, 0, 0)>
module attributes {stable_mosaic.version = 14 : i64} {
  func.func @k(%arg0: i32, %arg1: i32, %arg2: memref<320000x128xf32, #tpu.memory_space<hbm>>, %arg3: memref<32x125x80xi32, #tpu.memory_space<hbm>>, %arg4: memref<2x10000x128xf32, #tpu.memory_space<hbm>>, %arg5: memref<125x80xi32, #tpu.memory_space<vmem>>, %arg6: memref<80x128xf32, #tpu.memory_space<vmem>>, %arg7: memref<80x128xf32, #tpu.memory_space<vmem>>, %arg8: memref<10000x128xf32, #tpu.memory_space<vmem_shared>>, %arg9: memref<!tpu.dma_semaphore, #tpu.memory_space<semaphore_mem>>, %arg10: memref<!tpu.dma_semaphore, #tpu.memory_space<semaphore_mem>>) attributes {dimension_semantics = [#tpu.dimension_semantics<core_parallel>, #tpu.dimension_semantics<subcore_parallel>], iteration_bounds = array<i64: 2, 16>, scalar_prefetch = 0 : i64, scratch_operands = 6 : i64, tpu.core_type = #tpu.core_type<sc_vector_subcore>, window_params = [{transform_indices = #map}, {transform_indices = #map1}, {transform_indices = #map1}]} {
    %mul3A = arith.constant 16 : i32
    %mul3A_0 = arith.muli %arg0, %mul3A : i32
    %add3A = arith.addi %mul3A_0, %arg1 : i32
    %mul3A_1 = arith.constant 10000 : i32
    %mul3A_2 = arith.muli %add3A, %mul3A_1 : i32
    "tpu.region"() ({
      %run_scoped3A_48 = tpu.sem_alloc : memref<!tpu.dma_semaphore, #tpu.memory_space<semaphore_mem>>
      %dma_start3A_49 = arith.constant 0 : i32
      %dma_start3A_50 = arith.constant 0 : i32
      %dma_start3A_51 = tpu.memref_slice %arg3[%add3A, %dma_start3A_49, %dma_start3A_50] : memref<32x125x80xi32, #tpu.memory_space<hbm>> -> memref<1x125x80xi32, #tpu.memory_space<hbm>>
      %dma_start3A_52 = tpu.memref_squeeze %dma_start3A_51 : memref<1x125x80xi32, #tpu.memory_space<hbm>> -> memref<125x80xi32, #tpu.memory_space<hbm>>
      %dma_start3A_53 = arith.constant 0 : i32
      %dma_start3A_54 = arith.constant 0 : i32
      %dma_start3A_55 = tpu.memref_slice %arg3[%add3A, %dma_start3A_53, %dma_start3A_54] : memref<32x125x80xi32, #tpu.memory_space<hbm>> -> memref<1x125x80xi32, #tpu.memory_space<hbm>>
      %dma_start3A_56 = tpu.memref_squeeze %dma_start3A_55 : memref<1x125x80xi32, #tpu.memory_space<hbm>> -> memref<125x80xi32, #tpu.memory_space<hbm>>
      tpu.enqueue_dma source(%dma_start3A_56 : memref<125x80xi32, #tpu.memory_space<hbm>>) target(%arg5 : memref<125x80xi32, #tpu.memory_space<vmem>>) target_semaphore(%run_scoped3A_48 : memref<!tpu.dma_semaphore, #tpu.memory_space<semaphore_mem>>)
      %dma_wait3A_57 = arith.constant 0 : i32
      %dma_wait3A_58 = arith.constant 0 : i32
      %dma_wait3A_59 = tpu.memref_slice %arg3[%add3A, %dma_wait3A_57, %dma_wait3A_58] : memref<32x125x80xi32, #tpu.memory_space<hbm>> -> memref<1x125x80xi32, #tpu.memory_space<hbm>>
      %dma_wait3A_60 = tpu.memref_squeeze %dma_wait3A_59 : memref<1x125x80xi32, #tpu.memory_space<hbm>> -> memref<125x80xi32, #tpu.memory_space<hbm>>
      %dma_wait3A_61 = arith.constant 0 : i32
      %dma_wait3A_62 = arith.constant 0 : i32
      %dma_wait3A_63 = tpu.memref_slice %arg3[%add3A, %dma_wait3A_61, %dma_wait3A_62] : memref<32x125x80xi32, #tpu.memory_space<hbm>> -> memref<1x125x80xi32, #tpu.memory_space<hbm>>
      %dma_wait3A_64 = tpu.memref_squeeze %dma_wait3A_63 : memref<1x125x80xi32, #tpu.memory_space<hbm>> -> memref<125x80xi32, #tpu.memory_space<hbm>>
      tpu.wait_dma2 semaphore(%run_scoped3A_48 : memref<!tpu.dma_semaphore, #tpu.memory_space<semaphore_mem>>) src(%dma_wait3A_64 : memref<125x80xi32, #tpu.memory_space<hbm>>) dst(%arg5 : memref<125x80xi32, #tpu.memory_space<vmem>>)
      tpu.yield
    }) : () -> ()
    %scan3A = arith.constant 0 : i32
    %scan3A_3 = arith.constant 0 : i32
    %scan3A_4 = arith.constant 48 : i32
    %scan3A_5 = arith.addi %scan3A_3, %scan3A_4 : i32
    %scan3A_6 = arith.constant 1 : i32
    %scan3A_7 = scf.for %scan3A_48 = %scan3A_3 to %scan3A_5 step %scan3A_6 iter_args(%scan3A_49 = %scan3A) -> (i32)  : i32 {
      %broadcast_in_dim3A = arith.constant 0.000000e+00 : f32
      %broadcast_in_dim3A_50 = vector.broadcast %broadcast_in_dim3A : f32 to vector<16xf32>
      %swap3A = arith.index_cast %scan3A_48 : i32 to index
      %swap3A_51 = arith.constant 0 : index
      %swap3A_52 = tpu.vector_load %arg6[%swap3A, %swap3A_51] {strides = array<i32>} : memref<80x128xf32, #tpu.memory_space<vmem>>, vector<1x16xf32>,
      %swap3A_53 = vector.shape_cast %swap3A_52 : vector<1x16xf32> to vector<16xf32>
      %swap3A_54 = vector.shape_cast %broadcast_in_dim3A_50 : vector<16xf32> to vector<1x16xf32>
      tpu.vector_store %arg6[%swap3A, %swap3A_51], %swap3A_54 {strides = array<i32>} : memref<80x128xf32, #tpu.memory_space<vmem>>, vector<1x16xf32>,
      %broadcast_in_dim3A_55 = arith.constant 0.000000e+00 : f32
      %broadcast_in_dim3A_56 = vector.broadcast %broadcast_in_dim3A_55 : f32 to vector<16xf32>
      %swap3A_57 = arith.index_cast %scan3A_48 : i32 to index
      %swap3A_58 = arith.constant 16 : index
      %swap3A_59 = tpu.vector_load %arg6[%swap3A_57, %swap3A_58] {strides = array<i32>} : memref<80x128xf32, #tpu.memory_space<vmem>>, vector<1x16xf32>,
      %swap3A_60 = vector.shape_cast %swap3A_59 : vector<1x16xf32> to vector<16xf32>
      %swap3A_61 = vector.shape_cast %broadcast_in_dim3A_56 : vector<16xf32> to vector<1x16xf32>
      tpu.vector_store %arg6[%swap3A_57, %swap3A_58], %swap3A_61 {strides = array<i32>} : memref<80x128xf32, #tpu.memory_space<vmem>>, vector<1x16xf32>,
      %broadcast_in_dim3A_62 = arith.constant 0.000000e+00 : f32
      %broadcast_in_dim3A_63 = vector.broadcast %broadcast_in_dim3A_62 : f32 to vector<16xf32>
      %swap3A_64 = arith.index_cast %scan3A_48 : i32 to index
      %swap3A_65 = arith.constant 32 : index
      %swap3A_66 = tpu.vector_load %arg6[%swap3A_64, %swap3A_65] {strides = array<i32>} : memref<80x128xf32, #tpu.memory_space<vmem>>, vector<1x16xf32>,
      %swap3A_67 = vector.shape_cast %swap3A_66 : vector<1x16xf32> to vector<16xf32>
      %swap3A_68 = vector.shape_cast %broadcast_in_dim3A_63 : vector<16xf32> to vector<1x16xf32>
      tpu.vector_store %arg6[%swap3A_64, %swap3A_65], %swap3A_68 {strides = array<i32>} : memref<80x128xf32, #tpu.memory_space<vmem>>, vector<1x16xf32>,
      %broadcast_in_dim3A_69 = arith.constant 0.000000e+00 : f32
      %broadcast_in_dim3A_70 = vector.broadcast %broadcast_in_dim3A_69 : f32 to vector<16xf32>
      %swap3A_71 = arith.index_cast %scan3A_48 : i32 to index
      %swap3A_72 = arith.constant 48 : index
      %swap3A_73 = tpu.vector_load %arg6[%swap3A_71, %swap3A_72] {strides = array<i32>} : memref<80x128xf32, #tpu.memory_space<vmem>>, vector<1x16xf32>,
      %swap3A_74 = vector.shape_cast %swap3A_73 : vector<1x16xf32> to vector<16xf32>
      %swap3A_75 = vector.shape_cast %broadcast_in_dim3A_70 : vector<16xf32> to vector<1x16xf32>
      tpu.vector_store %arg6[%swap3A_71, %swap3A_72], %swap3A_75 {strides = array<i32>} : memref<80x128xf32, #tpu.memory_space<vmem>>, vector<1x16xf32>,
      %broadcast_in_dim3A_76 = arith.constant 0.000000e+00 : f32
      %broadcast_in_dim3A_77 = vector.broadcast %broadcast_in_dim3A_76 : f32 to vector<16xf32>
      %swap3A_78 = arith.index_cast %scan3A_48 : i32 to index
      %swap3A_79 = arith.constant 64 : index
      %swap3A_80 = tpu.vector_load %arg6[%swap3A_78, %swap3A_79] {strides = array<i32>} : memref<80x128xf32, #tpu.memory_space<vmem>>, vector<1x16xf32>,
      %swap3A_81 = vector.shape_cast %swap3A_80 : vector<1x16xf32> to vector<16xf32>
      %swap3A_82 = vector.shape_cast %broadcast_in_dim3A_77 : vector<16xf32> to vector<1x16xf32>
      tpu.vector_store %arg6[%swap3A_78, %swap3A_79], %swap3A_82 {strides = array<i32>} : memref<80x128xf32, #tpu.memory_space<vmem>>, vector<1x16xf32>,
      %broadcast_in_dim3A_83 = arith.constant 0.000000e+00 : f32
      %broadcast_in_dim3A_84 = vector.broadcast %broadcast_in_dim3A_83 : f32 to vector<16xf32>
      %swap3A_85 = arith.index_cast %scan3A_48 : i32 to index
      %swap3A_86 = arith.constant 80 : index
      %swap3A_87 = tpu.vector_load %arg6[%swap3A_85, %swap3A_86] {strides = array<i32>} : memref<80x128xf32, #tpu.memory_space<vmem>>, vector<1x16xf32>,
      %swap3A_88 = vector.shape_cast %swap3A_87 : vector<1x16xf32> to vector<16xf32>
      %swap3A_89 = vector.shape_cast %broadcast_in_dim3A_84 : vector<16xf32> to vector<1x16xf32>
      tpu.vector_store %arg6[%swap3A_85, %swap3A_86], %swap3A_89 {strides = array<i32>} : memref<80x128xf32, #tpu.memory_space<vmem>>, vector<1x16xf32>,
      %broadcast_in_dim3A_90 = arith.constant 0.000000e+00 : f32
      %broadcast_in_dim3A_91 = vector.broadcast %broadcast_in_dim3A_90 : f32 to vector<16xf32>
      %swap3A_92 = arith.index_cast %scan3A_48 : i32 to index
      %swap3A_93 = arith.constant 96 : index
      %swap3A_94 = tpu.vector_load %arg6[%swap3A_92, %swap3A_93] {strides = array<i32>} : memref<80x128xf32, #tpu.memory_space<vmem>>, vector<1x16xf32>,
      %swap3A_95 = vector.shape_cast %swap3A_94 : vector<1x16xf32> to vector<16xf32>
      %swap3A_96 = vector.shape_cast %broadcast_in_dim3A_91 : vector<16xf32> to vector<1x16xf32>
      tpu.vector_store %arg6[%swap3A_92, %swap3A_93], %swap3A_96 {strides = array<i32>} : memref<80x128xf32, #tpu.memory_space<vmem>>, vector<1x16xf32>,
      %broadcast_in_dim3A_97 = arith.constant 0.000000e+00 : f32
      %broadcast_in_dim3A_98 = vector.broadcast %broadcast_in_dim3A_97 : f32 to vector<16xf32>
      %swap3A_99 = arith.index_cast %scan3A_48 : i32 to index
      %swap3A_100 = arith.constant 112 : index
      %swap3A_101 = tpu.vector_load %arg6[%swap3A_99, %swap3A_100] {strides = array<i32>} : memref<80x128xf32, #tpu.memory_space<vmem>>, vector<1x16xf32>,
      %swap3A_102 = vector.shape_cast %swap3A_101 : vector<1x16xf32> to vector<16xf32>
      %swap3A_103 = vector.shape_cast %broadcast_in_dim3A_98 : vector<16xf32> to vector<1x16xf32>
      tpu.vector_store %arg6[%swap3A_99, %swap3A_100], %swap3A_103 {strides = array<i32>} : memref<80x128xf32, #tpu.memory_space<vmem>>, vector<1x16xf32>,
      %scan3A_104 = arith.constant 0 : i32
      scf.yield %scan3A_104 : i32
    }
    %scan3A_8 = arith.constant 48 : i32
    %scan3A_9 = arith.constant 0 : i32
    %scan3A_10 = arith.constant 0 : i32
    %scan3A_11 = arith.constant 13 : i32
    %scan3A_12 = arith.addi %scan3A_10, %scan3A_11 : i32
    %scan3A_13 = arith.constant 1 : i32
    %scan3A_14 = scf.for %scan3A_48 = %scan3A_10 to %scan3A_12 step %scan3A_13 iter_args(%scan3A_49 = %scan3A_9) -> (i32)  : i32 {
      %mul3A_50 = arith.constant 624 : i32
      %mul3A_51 = arith.muli %arg1, %mul3A_50 : i32
      %mul3A_52 = arith.constant 48 : i32
      %mul3A_53 = arith.muli %scan3A_48, %mul3A_52 : i32
      %add3A_54 = arith.addi %mul3A_51, %mul3A_53 : i32
      "tpu.region"() ({
        %run_scoped3A_56 = tpu.sem_alloc : memref<!tpu.dma_semaphore, #tpu.memory_space<semaphore_mem>>
        %dma_start3A_57 = arith.constant 0 : i32
        %dma_start3A_58 = arith.constant 0 : i32
        %dma_start3A_59 = tpu.memref_slice %arg6[%dma_start3A_57, %dma_start3A_58] : memref<80x128xf32, #tpu.memory_space<vmem>> -> memref<48x128xf32, #tpu.memory_space<vmem>>
        %dma_start3A_60 = arith.constant 0 : i32
        %dma_start3A_61 = tpu.memref_slice %arg8[%add3A_54, %dma_start3A_60] : memref<10000x128xf32, #tpu.memory_space<vmem_shared>> -> memref<48x128xf32, #tpu.memory_space<vmem_shared>>
        %dma_start3A_62 = arith.constant 0 : i32
        %dma_start3A_63 = tpu.memref_slice %arg8[%add3A_54, %dma_start3A_62] : memref<10000x128xf32, #tpu.memory_space<vmem_shared>> -> memref<48x128xf32, #tpu.memory_space<vmem_shared>>
        %dma_start3A_64 = arith.constant 0 : i32
        %dma_start3A_65 = arith.constant 0 : i32
        %dma_start3A_66 = tpu.memref_slice %arg6[%dma_start3A_64, %dma_start3A_65] : memref<80x128xf32, #tpu.memory_space<vmem>> -> memref<48x128xf32, #tpu.memory_space<vmem>>
        tpu.enqueue_dma source(%dma_start3A_66 : memref<48x128xf32, #tpu.memory_space<vmem>>) target(%dma_start3A_63 : memref<48x128xf32, #tpu.memory_space<vmem_shared>>) target_semaphore(%run_scoped3A_56 : memref<!tpu.dma_semaphore, #tpu.memory_space<semaphore_mem>>)
        %dma_wait3A_67 = arith.constant 0 : i32
        %dma_wait3A_68 = arith.constant 0 : i32
        %dma_wait3A_69 = tpu.memref_slice %arg6[%dma_wait3A_67, %dma_wait3A_68] : memref<80x128xf32, #tpu.memory_space<vmem>> -> memref<48x128xf32, #tpu.memory_space<vmem>>
        %dma_wait3A_70 = arith.constant 0 : i32
        %dma_wait3A_71 = tpu.memref_slice %arg8[%add3A_54, %dma_wait3A_70] : memref<10000x128xf32, #tpu.memory_space<vmem_shared>> -> memref<48x128xf32, #tpu.memory_space<vmem_shared>>
        %dma_wait3A_72 = arith.constant 0 : i32
        %dma_wait3A_73 = tpu.memref_slice %arg8[%add3A_54, %dma_wait3A_72] : memref<10000x128xf32, #tpu.memory_space<vmem_shared>> -> memref<48x128xf32, #tpu.memory_space<vmem_shared>>
        %dma_wait3A_74 = arith.constant 0 : i32
        %dma_wait3A_75 = arith.constant 0 : i32
        %dma_wait3A_76 = tpu.memref_slice %arg6[%dma_wait3A_74, %dma_wait3A_75] : memref<80x128xf32, #tpu.memory_space<vmem>> -> memref<48x128xf32, #tpu.memory_space<vmem>>
        tpu.wait_dma2 semaphore(%run_scoped3A_56 : memref<!tpu.dma_semaphore, #tpu.memory_space<semaphore_mem>>) src(%dma_wait3A_76 : memref<48x128xf32, #tpu.memory_space<vmem>>) dst(%dma_wait3A_73 : memref<48x128xf32, #tpu.memory_space<vmem_shared>>)
        tpu.yield
      }) : () -> ()
      %scan3A_55 = arith.constant 0 : i32
      scf.yield %scan3A_55 : i32
    }
    %scan3A_15 = arith.constant 13 : i32
    %eq3A = arith.constant 0 : i32
    %eq3A_16 = arith.cmpi eq, %arg1, %eq3A : i32
    %convert_element_type3A = arith.extui %eq3A_16 : i1 to i32
    %cond3A = arith.constant 0 : i32
    %cond3A_17 = arith.cmpi ne, %convert_element_type3A, %cond3A : i32
    scf.if %cond3A_17 {
      "tpu.region"() ({
        %run_scoped3A_48 = tpu.sem_alloc : memref<!tpu.dma_semaphore, #tpu.memory_space<semaphore_mem>>
        %dma_start3A_49 = arith.constant 0 : i32
        %dma_start3A_50 = arith.constant 0 : i32
        %dma_start3A_51 = tpu.memref_slice %arg6[%dma_start3A_49, %dma_start3A_50] : memref<80x128xf32, #tpu.memory_space<vmem>> -> memref<16x128xf32, #tpu.memory_space<vmem>>
        %dma_start3A_52 = arith.constant 9984 : i32
        %dma_start3A_53 = arith.constant 0 : i32
        %dma_start3A_54 = tpu.memref_slice %arg8[%dma_start3A_52, %dma_start3A_53] : memref<10000x128xf32, #tpu.memory_space<vmem_shared>> -> memref<16x128xf32, #tpu.memory_space<vmem_shared>>
        %dma_start3A_55 = arith.constant 9984 : i32
        %dma_start3A_56 = arith.constant 0 : i32
        %dma_start3A_57 = tpu.memref_slice %arg8[%dma_start3A_55, %dma_start3A_56] : memref<10000x128xf32, #tpu.memory_space<vmem_shared>> -> memref<16x128xf32, #tpu.memory_space<vmem_shared>>
        %dma_start3A_58 = arith.constant 0 : i32
        %dma_start3A_59 = arith.constant 0 : i32
        %dma_start3A_60 = tpu.memref_slice %arg6[%dma_start3A_58, %dma_start3A_59] : memref<80x128xf32, #tpu.memory_space<vmem>> -> memref<16x128xf32, #tpu.memory_space<vmem>>
        tpu.enqueue_dma source(%dma_start3A_60 : memref<16x128xf32, #tpu.memory_space<vmem>>) target(%dma_start3A_57 : memref<16x128xf32, #tpu.memory_space<vmem_shared>>) target_semaphore(%run_scoped3A_48 : memref<!tpu.dma_semaphore, #tpu.memory_space<semaphore_mem>>)
        %dma_wait3A_61 = arith.constant 0 : i32
        %dma_wait3A_62 = arith.constant 0 : i32
        %dma_wait3A_63 = tpu.memref_slice %arg6[%dma_wait3A_61, %dma_wait3A_62] : memref<80x128xf32, #tpu.memory_space<vmem>> -> memref<16x128xf32, #tpu.memory_space<vmem>>
        %dma_wait3A_64 = arith.constant 9984 : i32
        %dma_wait3A_65 = arith.constant 0 : i32
        %dma_wait3A_66 = tpu.memref_slice %arg8[%dma_wait3A_64, %dma_wait3A_65] : memref<10000x128xf32, #tpu.memory_space<vmem_shared>> -> memref<16x128xf32, #tpu.memory_space<vmem_shared>>
        %dma_wait3A_67 = arith.constant 9984 : i32
        %dma_wait3A_68 = arith.constant 0 : i32
        %dma_wait3A_69 = tpu.memref_slice %arg8[%dma_wait3A_67, %dma_wait3A_68] : memref<10000x128xf32, #tpu.memory_space<vmem_shared>> -> memref<16x128xf32, #tpu.memory_space<vmem_shared>>
        %dma_wait3A_70 = arith.constant 0 : i32
        %dma_wait3A_71 = arith.constant 0 : i32
        %dma_wait3A_72 = tpu.memref_slice %arg6[%dma_wait3A_70, %dma_wait3A_71] : memref<80x128xf32, #tpu.memory_space<vmem>> -> memref<16x128xf32, #tpu.memory_space<vmem>>
        tpu.wait_dma2 semaphore(%run_scoped3A_48 : memref<!tpu.dma_semaphore, #tpu.memory_space<semaphore_mem>>) src(%dma_wait3A_72 : memref<16x128xf32, #tpu.memory_space<vmem>>) dst(%dma_wait3A_69 : memref<16x128xf32, #tpu.memory_space<vmem_shared>>)
        tpu.yield
      }) : () -> ()
    } else {
    }
    %barrier3A = arith.constant 0 : index
    tpu.barrier barrier_id(%barrier3A)
    %add3A_18 = arith.constant 0 : i32
    %add3A_19 = arith.addi %mul3A_2, %add3A_18 : i32
    %dma_start3A = arith.constant 0 : i32
    %dma_start3A_20 = tpu.memref_slice %arg2[%add3A_19, %dma_start3A] : memref<320000x128xf32, #tpu.memory_space<hbm>> -> memref<80x128xf32, #tpu.memory_space<hbm>>
    %dma_start3A_21 = arith.constant 0 : i32
    %dma_start3A_22 = tpu.memref_slice %arg2[%add3A_19, %dma_start3A_21] : memref<320000x128xf32, #tpu.memory_space<hbm>> -> memref<80x128xf32, #tpu.memory_space<hbm>>
    tpu.enqueue_dma source(%dma_start3A_22 : memref<80x128xf32, #tpu.memory_space<hbm>>) target(%arg6 : memref<80x128xf32, #tpu.memory_space<vmem>>) target_semaphore(%arg9 : memref<!tpu.dma_semaphore, #tpu.memory_space<semaphore_mem>>)
    %scan3A_23 = arith.constant 0 : i32
    %scan3A_24 = arith.constant 0 : i32
    %scan3A_25 = arith.constant 62 : i32
    %scan3A_26 = arith.addi %scan3A_24, %scan3A_25 : i32
    %scan3A_27 = arith.constant 1 : i32
    %scan3A_28 = scf.for %scan3A_48 = %scan3A_24 to %scan3A_26 step %scan3A_27 iter_args(%scan3A_49 = %scan3A_23) -> (i32)  : i32 {
      %mul3A_50 = arith.constant 2 : i32
      %mul3A_51 = arith.muli %scan3A_48, %mul3A_50 : i32
      %add3A_52 = arith.constant 1 : i32
      %add3A_53 = arith.addi %mul3A_51, %add3A_52 : i32
      %mul3A_54 = arith.constant 80 : i32
      %mul3A_55 = arith.muli %add3A_53, %mul3A_54 : i32
      %add3A_56 = arith.addi %mul3A_2, %mul3A_55 : i32
      %dma_start3A_57 = arith.constant 0 : i32
      %dma_start3A_58 = tpu.memref_slice %arg2[%add3A_56, %dma_start3A_57] : memref<320000x128xf32, #tpu.memory_space<hbm>> -> memref<80x128xf32, #tpu.memory_space<hbm>>
      %dma_start3A_59 = arith.constant 0 : i32
      %dma_start3A_60 = tpu.memref_slice %arg2[%add3A_56, %dma_start3A_59] : memref<320000x128xf32, #tpu.memory_space<hbm>> -> memref<80x128xf32, #tpu.memory_space<hbm>>
      tpu.enqueue_dma source(%dma_start3A_60 : memref<80x128xf32, #tpu.memory_space<hbm>>) target(%arg7 : memref<80x128xf32, #tpu.memory_space<vmem>>) target_semaphore(%arg10 : memref<!tpu.dma_semaphore, #tpu.memory_space<semaphore_mem>>)
      %mul3A_61 = arith.constant 80 : i32
      %mul3A_62 = arith.muli %mul3A_51, %mul3A_61 : i32
      %add3A_63 = arith.addi %mul3A_2, %mul3A_62 : i32
      %dma_wait3A_64 = arith.constant 0 : i32
      %dma_wait3A_65 = tpu.memref_slice %arg2[%add3A_63, %dma_wait3A_64] : memref<320000x128xf32, #tpu.memory_space<hbm>> -> memref<80x128xf32, #tpu.memory_space<hbm>>
      %dma_wait3A_66 = arith.constant 0 : i32
      %dma_wait3A_67 = tpu.memref_slice %arg2[%add3A_63, %dma_wait3A_66] : memref<320000x128xf32, #tpu.memory_space<hbm>> -> memref<80x128xf32, #tpu.memory_space<hbm>>
      tpu.wait_dma2 semaphore(%arg9 : memref<!tpu.dma_semaphore, #tpu.memory_space<semaphore_mem>>) src(%dma_wait3A_67 : memref<80x128xf32, #tpu.memory_space<hbm>>) dst(%arg6 : memref<80x128xf32, #tpu.memory_space<vmem>>)
      "tpu.region"() ({
        %run_scoped3A_87 = tpu.sem_alloc : memref<!tpu.dma_semaphore, #tpu.memory_space<semaphore_mem>>
        %dma_start3A_88 = arith.constant 0 : i32
        %dma_start3A_89 = tpu.memref_slice %arg5[%mul3A_51, %dma_start3A_88] : memref<125x80xi32, #tpu.memory_space<vmem>> -> memref<1x80xi32, #tpu.memory_space<vmem>>
        %dma_start3A_90 = tpu.memref_squeeze %dma_start3A_89 : memref<1x80xi32, #tpu.memory_space<vmem>> -> memref<80xi32, #tpu.memory_space<vmem>>
        %dma_start3A_91 = arith.constant 0 : i32
        %dma_start3A_92 = arith.constant 0 : i32
        %dma_start3A_93 = tpu.memref_slice %arg8[%dma_start3A_91, %dma_start3A_92] : memref<10000x128xf32, #tpu.memory_space<vmem_shared>> -> memref<10000x128xf32, #tpu.memory_space<vmem_shared>>
        tpu.enqueue_indirect_dma source(%arg6 : memref<80x128xf32, #tpu.memory_space<vmem>>) target(%dma_start3A_93 : memref<10000x128xf32, #tpu.memory_space<vmem_shared>>) offsets(%dma_start3A_90 : memref<80xi32, #tpu.memory_space<vmem>>) semaphore(%run_scoped3A_87 : memref<!tpu.dma_semaphore, #tpu.memory_space<semaphore_mem>>) {add = true}
        %dma_wait3A_94 = arith.constant 0 : i32
        %dma_wait3A_95 = tpu.memref_slice %arg5[%mul3A_51, %dma_wait3A_94] : memref<125x80xi32, #tpu.memory_space<vmem>> -> memref<1x80xi32, #tpu.memory_space<vmem>>
        %dma_wait3A_96 = tpu.memref_squeeze %dma_wait3A_95 : memref<1x80xi32, #tpu.memory_space<vmem>> -> memref<80xi32, #tpu.memory_space<vmem>>
        %dma_wait3A_97 = arith.constant 0 : i32
        %dma_wait3A_98 = arith.constant 0 : i32
        %dma_wait3A_99 = tpu.memref_slice %arg8[%dma_wait3A_97, %dma_wait3A_98] : memref<10000x128xf32, #tpu.memory_space<vmem_shared>> -> memref<10000x128xf32, #tpu.memory_space<vmem_shared>>
        tpu.wait_indirect_dma semaphore(%run_scoped3A_87 : memref<!tpu.dma_semaphore, #tpu.memory_space<semaphore_mem>>) src(%arg6 : memref<80x128xf32, #tpu.memory_space<vmem>>) dst(%dma_wait3A_99 : memref<10000x128xf32, #tpu.memory_space<vmem_shared>>)
        tpu.yield
      }) : () -> ()
      %add3A_68 = arith.constant 2 : i32
      %add3A_69 = arith.addi %mul3A_51, %add3A_68 : i32
      %mul3A_70 = arith.constant 80 : i32
      %mul3A_71 = arith.muli %add3A_69, %mul3A_70 : i32
      %add3A_72 = arith.addi %mul3A_2, %mul3A_71 : i32
      %dma_start3A_73 = arith.constant 0 : i32
      %dma_start3A_74 = tpu.memref_slice %arg2[%add3A_72, %dma_start3A_73] : memref<320000x128xf32, #tpu.memory_space<hbm>> -> memref<80x128xf32, #tpu.memory_space<hbm>>
      %dma_start3A_75 = arith.constant 0 : i32
      %dma_start3A_76 = tpu.memref_slice %arg2[%add3A_72, %dma_start3A_75] : memref<320000x128xf32, #tpu.memory_space<hbm>> -> memref<80x128xf32, #tpu.memory_space<hbm>>
      tpu.enqueue_dma source(%dma_start3A_76 : memref<80x128xf32, #tpu.memory_space<hbm>>) target(%arg6 : memref<80x128xf32, #tpu.memory_space<vmem>>) target_semaphore(%arg9 : memref<!tpu.dma_semaphore, #tpu.memory_space<semaphore_mem>>)
      %add3A_77 = arith.constant 1 : i32
      %add3A_78 = arith.addi %mul3A_51, %add3A_77 : i32
      %mul3A_79 = arith.constant 80 : i32
      %mul3A_80 = arith.muli %add3A_78, %mul3A_79 : i32
      %add3A_81 = arith.addi %mul3A_2, %mul3A_80 : i32
      %dma_wait3A_82 = arith.constant 0 : i32
      %dma_wait3A_83 = tpu.memref_slice %arg2[%add3A_81, %dma_wait3A_82] : memref<320000x128xf32, #tpu.memory_space<hbm>> -> memref<80x128xf32, #tpu.memory_space<hbm>>
      %dma_wait3A_84 = arith.constant 0 : i32
      %dma_wait3A_85 = tpu.memref_slice %arg2[%add3A_81, %dma_wait3A_84] : memref<320000x128xf32, #tpu.memory_space<hbm>> -> memref<80x128xf32, #tpu.memory_space<hbm>>
      tpu.wait_dma2 semaphore(%arg10 : memref<!tpu.dma_semaphore, #tpu.memory_space<semaphore_mem>>) src(%dma_wait3A_85 : memref<80x128xf32, #tpu.memory_space<hbm>>) dst(%arg7 : memref<80x128xf32, #tpu.memory_space<vmem>>)
      "tpu.region"() ({
        %run_scoped3A_87 = tpu.sem_alloc : memref<!tpu.dma_semaphore, #tpu.memory_space<semaphore_mem>>
        %dma_start3A_88 = arith.constant 0 : i32
        %dma_start3A_89 = tpu.memref_slice %arg5[%add3A_78, %dma_start3A_88] : memref<125x80xi32, #tpu.memory_space<vmem>> -> memref<1x80xi32, #tpu.memory_space<vmem>>
        %dma_start3A_90 = tpu.memref_squeeze %dma_start3A_89 : memref<1x80xi32, #tpu.memory_space<vmem>> -> memref<80xi32, #tpu.memory_space<vmem>>
        %dma_start3A_91 = arith.constant 0 : i32
        %dma_start3A_92 = arith.constant 0 : i32
        %dma_start3A_93 = tpu.memref_slice %arg8[%dma_start3A_91, %dma_start3A_92] : memref<10000x128xf32, #tpu.memory_space<vmem_shared>> -> memref<10000x128xf32, #tpu.memory_space<vmem_shared>>
        tpu.enqueue_indirect_dma source(%arg7 : memref<80x128xf32, #tpu.memory_space<vmem>>) target(%dma_start3A_93 : memref<10000x128xf32, #tpu.memory_space<vmem_shared>>) offsets(%dma_start3A_90 : memref<80xi32, #tpu.memory_space<vmem>>) semaphore(%run_scoped3A_87 : memref<!tpu.dma_semaphore, #tpu.memory_space<semaphore_mem>>) {add = true}
        %dma_wait3A_94 = arith.constant 0 : i32
        %dma_wait3A_95 = tpu.memref_slice %arg5[%add3A_78, %dma_wait3A_94] : memref<125x80xi32, #tpu.memory_space<vmem>> -> memref<1x80xi32, #tpu.memory_space<vmem>>
        %dma_wait3A_96 = tpu.memref_squeeze %dma_wait3A_95 : memref<1x80xi32, #tpu.memory_space<vmem>> -> memref<80xi32, #tpu.memory_space<vmem>>
        %dma_wait3A_97 = arith.constant 0 : i32
        %dma_wait3A_98 = arith.constant 0 : i32
        %dma_wait3A_99 = tpu.memref_slice %arg8[%dma_wait3A_97, %dma_wait3A_98] : memref<10000x128xf32, #tpu.memory_space<vmem_shared>> -> memref<10000x128xf32, #tpu.memory_space<vmem_shared>>
        tpu.wait_indirect_dma semaphore(%run_scoped3A_87 : memref<!tpu.dma_semaphore, #tpu.memory_space<semaphore_mem>>) src(%arg7 : memref<80x128xf32, #tpu.memory_space<vmem>>) dst(%dma_wait3A_99 : memref<10000x128xf32, #tpu.memory_space<vmem_shared>>)
        tpu.yield
      }) : () -> ()
      %scan3A_86 = arith.constant 0 : i32
      scf.yield %scan3A_86 : i32
    }
    %scan3A_29 = arith.constant 62 : i32
    %add3A_30 = arith.constant 9920 : i32
    %add3A_31 = arith.addi %mul3A_2, %add3A_30 : i32
    %dma_wait3A = arith.constant 0 : i32
    %dma_wait3A_32 = tpu.memref_slice %arg2[%add3A_31, %dma_wait3A] : memref<320000x128xf32, #tpu.memory_space<hbm>> -> memref<80x128xf32, #tpu.memory_space<hbm>>
    %dma_wait3A_33 = arith.constant 0 : i32
    %dma_wait3A_34 = tpu.memref_slice %arg2[%add3A_31, %dma_wait3A_33] : memref<320000x128xf32, #tpu.memory_space<hbm>> -> memref<80x128xf32, #tpu.memory_space<hbm>>
    tpu.wait_dma2 semaphore(%arg9 : memref<!tpu.dma_semaphore, #tpu.memory_space<semaphore_mem>>) src(%dma_wait3A_34 : memref<80x128xf32, #tpu.memory_space<hbm>>) dst(%arg6 : memref<80x128xf32, #tpu.memory_space<vmem>>)
    %run_scoped3A = arith.constant 124 : i32
    "tpu.region"() ({
      %run_scoped3A_48 = tpu.sem_alloc : memref<!tpu.dma_semaphore, #tpu.memory_space<semaphore_mem>>
      %dma_start3A_49 = arith.constant 0 : i32
      %dma_start3A_50 = tpu.memref_slice %arg5[%run_scoped3A, %dma_start3A_49] : memref<125x80xi32, #tpu.memory_space<vmem>> -> memref<1x80xi32, #tpu.memory_space<vmem>>
      %dma_start3A_51 = tpu.memref_squeeze %dma_start3A_50 : memref<1x80xi32, #tpu.memory_space<vmem>> -> memref<80xi32, #tpu.memory_space<vmem>>
      %dma_start3A_52 = arith.constant 0 : i32
      %dma_start3A_53 = arith.constant 0 : i32
      %dma_start3A_54 = tpu.memref_slice %arg8[%dma_start3A_52, %dma_start3A_53] : memref<10000x128xf32, #tpu.memory_space<vmem_shared>> -> memref<10000x128xf32, #tpu.memory_space<vmem_shared>>
      tpu.enqueue_indirect_dma source(%arg6 : memref<80x128xf32, #tpu.memory_space<vmem>>) target(%dma_start3A_54 : memref<10000x128xf32, #tpu.memory_space<vmem_shared>>) offsets(%dma_start3A_51 : memref<80xi32, #tpu.memory_space<vmem>>) semaphore(%run_scoped3A_48 : memref<!tpu.dma_semaphore, #tpu.memory_space<semaphore_mem>>) {add = true}
      %dma_wait3A_55 = arith.constant 0 : i32
      %dma_wait3A_56 = tpu.memref_slice %arg5[%run_scoped3A, %dma_wait3A_55] : memref<125x80xi32, #tpu.memory_space<vmem>> -> memref<1x80xi32, #tpu.memory_space<vmem>>
      %dma_wait3A_57 = tpu.memref_squeeze %dma_wait3A_56 : memref<1x80xi32, #tpu.memory_space<vmem>> -> memref<80xi32, #tpu.memory_space<vmem>>
      %dma_wait3A_58 = arith.constant 0 : i32
      %dma_wait3A_59 = arith.constant 0 : i32
      %dma_wait3A_60 = tpu.memref_slice %arg8[%dma_wait3A_58, %dma_wait3A_59] : memref<10000x128xf32, #tpu.memory_space<vmem_shared>> -> memref<10000x128xf32, #tpu.memory_space<vmem_shared>>
      tpu.wait_indirect_dma semaphore(%run_scoped3A_48 : memref<!tpu.dma_semaphore, #tpu.memory_space<semaphore_mem>>) src(%arg6 : memref<80x128xf32, #tpu.memory_space<vmem>>) dst(%dma_wait3A_60 : memref<10000x128xf32, #tpu.memory_space<vmem_shared>>)
      tpu.yield
    }) : () -> ()
    %barrier3A_35 = arith.constant 0 : index
    tpu.barrier barrier_id(%barrier3A_35)
    %scan3A_36 = arith.constant 0 : i32
    %scan3A_37 = arith.constant 0 : i32
    %scan3A_38 = arith.constant 13 : i32
    %scan3A_39 = arith.addi %scan3A_37, %scan3A_38 : i32
    %scan3A_40 = arith.constant 1 : i32
    %scan3A_41 = scf.for %scan3A_48 = %scan3A_37 to %scan3A_39 step %scan3A_40 iter_args(%scan3A_49 = %scan3A_36) -> (i32)  : i32 {
      %mul3A_50 = arith.constant 624 : i32
      %mul3A_51 = arith.muli %arg1, %mul3A_50 : i32
      %mul3A_52 = arith.constant 48 : i32
      %mul3A_53 = arith.muli %scan3A_48, %mul3A_52 : i32
      %add3A_54 = arith.addi %mul3A_51, %mul3A_53 : i32
      "tpu.region"() ({
        %run_scoped3A_56 = tpu.sem_alloc : memref<!tpu.dma_semaphore, #tpu.memory_space<semaphore_mem>>
        %dma_start3A_57 = arith.constant 0 : i32
        %dma_start3A_58 = arith.constant 0 : i32
        %dma_start3A_59 = tpu.memref_slice %arg6[%dma_start3A_57, %dma_start3A_58] : memref<80x128xf32, #tpu.memory_space<vmem>> -> memref<48x128xf32, #tpu.memory_space<vmem>>
        %dma_start3A_60 = arith.constant 0 : i32
        %dma_start3A_61 = tpu.memref_slice %arg8[%add3A_54, %dma_start3A_60] : memref<10000x128xf32, #tpu.memory_space<vmem_shared>> -> memref<48x128xf32, #tpu.memory_space<vmem_shared>>
        %dma_start3A_62 = arith.constant 0 : i32
        %dma_start3A_63 = arith.constant 0 : i32
        %dma_start3A_64 = tpu.memref_slice %arg6[%dma_start3A_62, %dma_start3A_63] : memref<80x128xf32, #tpu.memory_space<vmem>> -> memref<48x128xf32, #tpu.memory_space<vmem>>
        %dma_start3A_65 = arith.constant 0 : i32
        %dma_start3A_66 = tpu.memref_slice %arg8[%add3A_54, %dma_start3A_65] : memref<10000x128xf32, #tpu.memory_space<vmem_shared>> -> memref<48x128xf32, #tpu.memory_space<vmem_shared>>
        tpu.enqueue_dma source(%dma_start3A_66 : memref<48x128xf32, #tpu.memory_space<vmem_shared>>) target(%dma_start3A_64 : memref<48x128xf32, #tpu.memory_space<vmem>>) target_semaphore(%run_scoped3A_56 : memref<!tpu.dma_semaphore, #tpu.memory_space<semaphore_mem>>)
        %dma_wait3A_67 = arith.constant 0 : i32
        %dma_wait3A_68 = arith.constant 0 : i32
        %dma_wait3A_69 = tpu.memref_slice %arg6[%dma_wait3A_67, %dma_wait3A_68] : memref<80x128xf32, #tpu.memory_space<vmem>> -> memref<48x128xf32, #tpu.memory_space<vmem>>
        %dma_wait3A_70 = arith.constant 0 : i32
        %dma_wait3A_71 = tpu.memref_slice %arg8[%add3A_54, %dma_wait3A_70] : memref<10000x128xf32, #tpu.memory_space<vmem_shared>> -> memref<48x128xf32, #tpu.memory_space<vmem_shared>>
        %dma_wait3A_72 = arith.constant 0 : i32
        %dma_wait3A_73 = arith.constant 0 : i32
        %dma_wait3A_74 = tpu.memref_slice %arg6[%dma_wait3A_72, %dma_wait3A_73] : memref<80x128xf32, #tpu.memory_space<vmem>> -> memref<48x128xf32, #tpu.memory_space<vmem>>
        %dma_wait3A_75 = arith.constant 0 : i32
        %dma_wait3A_76 = tpu.memref_slice %arg8[%add3A_54, %dma_wait3A_75] : memref<10000x128xf32, #tpu.memory_space<vmem_shared>> -> memref<48x128xf32, #tpu.memory_space<vmem_shared>>
        tpu.wait_dma2 semaphore(%run_scoped3A_56 : memref<!tpu.dma_semaphore, #tpu.memory_space<semaphore_mem>>) src(%dma_wait3A_76 : memref<48x128xf32, #tpu.memory_space<vmem_shared>>) dst(%dma_wait3A_74 : memref<48x128xf32, #tpu.memory_space<vmem>>)
        tpu.yield
      }) : () -> ()
      "tpu.region"() ({
        %run_scoped3A_56 = tpu.sem_alloc : memref<!tpu.dma_semaphore, #tpu.memory_space<semaphore_mem>>
        %dma_start3A_57 = arith.constant 0 : i32
        %dma_start3A_58 = arith.constant 0 : i32
        %dma_start3A_59 = tpu.memref_slice %arg6[%dma_start3A_57, %dma_start3A_58] : memref<80x128xf32, #tpu.memory_space<vmem>> -> memref<48x128xf32, #tpu.memory_space<vmem>>
        %dma_start3A_60 = arith.constant 0 : i32
        %dma_start3A_61 = tpu.memref_slice %arg4[%arg0, %add3A_54, %dma_start3A_60] : memref<2x10000x128xf32, #tpu.memory_space<hbm>> -> memref<1x48x128xf32, #tpu.memory_space<hbm>>
        %dma_start3A_62 = tpu.memref_squeeze %dma_start3A_61 : memref<1x48x128xf32, #tpu.memory_space<hbm>> -> memref<48x128xf32, #tpu.memory_space<hbm>>
        %dma_start3A_63 = arith.constant 0 : i32
        %dma_start3A_64 = tpu.memref_slice %arg4[%arg0, %add3A_54, %dma_start3A_63] : memref<2x10000x128xf32, #tpu.memory_space<hbm>> -> memref<1x48x128xf32, #tpu.memory_space<hbm>>
        %dma_start3A_65 = tpu.memref_squeeze %dma_start3A_64 : memref<1x48x128xf32, #tpu.memory_space<hbm>> -> memref<48x128xf32, #tpu.memory_space<hbm>>
        %dma_start3A_66 = arith.constant 0 : i32
        %dma_start3A_67 = arith.constant 0 : i32
        %dma_start3A_68 = tpu.memref_slice %arg6[%dma_start3A_66, %dma_start3A_67] : memref<80x128xf32, #tpu.memory_space<vmem>> -> memref<48x128xf32, #tpu.memory_space<vmem>>
        tpu.enqueue_dma source(%dma_start3A_68 : memref<48x128xf32, #tpu.memory_space<vmem>>) target(%dma_start3A_65 : memref<48x128xf32, #tpu.memory_space<hbm>>) target_semaphore(%run_scoped3A_56 : memref<!tpu.dma_semaphore, #tpu.memory_space<semaphore_mem>>)
        %dma_wait3A_69 = arith.constant 0 : i32
        %dma_wait3A_70 = arith.constant 0 : i32
        %dma_wait3A_71 = tpu.memref_slice %arg6[%dma_wait3A_69, %dma_wait3A_70] : memref<80x128xf32, #tpu.memory_space<vmem>> -> memref<48x128xf32, #tpu.memory_space<vmem>>
        %dma_wait3A_72 = arith.constant 0 : i32
        %dma_wait3A_73 = tpu.memref_slice %arg4[%arg0, %add3A_54, %dma_wait3A_72] : memref<2x10000x128xf32, #tpu.memory_space<hbm>> -> memref<1x48x128xf32, #tpu.memory_space<hbm>>
        %dma_wait3A_74 = tpu.memref_squeeze %dma_wait3A_73 : memref<1x48x128xf32, #tpu.memory_space<hbm>> -> memref<48x128xf32, #tpu.memory_space<hbm>>
        %dma_wait3A_75 = arith.constant 0 : i32
        %dma_wait3A_76 = tpu.memref_slice %arg4[%arg0, %add3A_54, %dma_wait3A_75] : memref<2x10000x128xf32, #tpu.memory_space<hbm>> -> memref<1x48x128xf32, #tpu.memory_space<hbm>>
        %dma_wait3A_77 = tpu.memref_squeeze %dma_wait3A_76 : memref<1x48x128xf32, #tpu.memory_space<hbm>> -> memref<48x128xf32, #tpu.memory_space<hbm>>
        %dma_wait3A_78 = arith.constant 0 : i32
        %dma_wait3A_79 = arith.constant 0 : i32
        %dma_wait3A_80 = tpu.memref_slice %arg6[%dma_wait3A_78, %dma_wait3A_79] : memref<80x128xf32, #tpu.memory_space<vmem>> -> memref<48x128xf32, #tpu.memory_space<vmem>>
        tpu.wait_dma2 semaphore(%run_scoped3A_56 : memref<!tpu.dma_semaphore, #tpu.memory_space<semaphore_mem>>) src(%dma_wait3A_80 : memref<48x128xf32, #tpu.memory_space<vmem>>) dst(%dma_wait3A_77 : memref<48x128xf32, #tpu.memory_space<hbm>>)
        tpu.yield
      }) : () -> ()
      %scan3A_55 = arith.constant 0 : i32
      scf.yield %scan3A_55 : i32
    }
    %scan3A_42 = arith.constant 13 : i32
    %eq3A_43 = arith.constant 0 : i32
    %eq3A_44 = arith.cmpi eq, %arg1, %eq3A_43 : i32
    %convert_element_type3A_45 = arith.extui %eq3A_44 : i1 to i32
    %cond3A_46 = arith.constant 0 : i32
    %cond3A_47 = arith.cmpi ne, %convert_element_type3A_45, %cond3A_46 : i32
    scf.if %cond3A_47 {
      "tpu.region"() ({
        %run_scoped3A_48 = tpu.sem_alloc : memref<!tpu.dma_semaphore, #tpu.memory_space<semaphore_mem>>
        %dma_start3A_49 = arith.constant 0 : i32
        %dma_start3A_50 = arith.constant 0 : i32
        %dma_start3A_51 = tpu.memref_slice %arg6[%dma_start3A_49, %dma_start3A_50] : memref<80x128xf32, #tpu.memory_space<vmem>> -> memref<16x128xf32, #tpu.memory_space<vmem>>
        %dma_start3A_52 = arith.constant 9984 : i32
        %dma_start3A_53 = arith.constant 0 : i32
        %dma_start3A_54 = tpu.memref_slice %arg8[%dma_start3A_52, %dma_start3A_53] : memref<10000x128xf32, #tpu.memory_space<vmem_shared>> -> memref<16x128xf32, #tpu.memory_space<vmem_shared>>
        %dma_start3A_55 = arith.constant 0 : i32
        %dma_start3A_56 = arith.constant 0 : i32
        %dma_start3A_57 = tpu.memref_slice %arg6[%dma_start3A_55, %dma_start3A_56] : memref<80x128xf32, #tpu.memory_space<vmem>> -> memref<16x128xf32, #tpu.memory_space<vmem>>
        %dma_start3A_58 = arith.constant 9984 : i32
        %dma_start3A_59 = arith.constant 0 : i32
        %dma_start3A_60 = tpu.memref_slice %arg8[%dma_start3A_58, %dma_start3A_59] : memref<10000x128xf32, #tpu.memory_space<vmem_shared>> -> memref<16x128xf32, #tpu.memory_space<vmem_shared>>
        tpu.enqueue_dma source(%dma_start3A_60 : memref<16x128xf32, #tpu.memory_space<vmem_shared>>) target(%dma_start3A_57 : memref<16x128xf32, #tpu.memory_space<vmem>>) target_semaphore(%run_scoped3A_48 : memref<!tpu.dma_semaphore, #tpu.memory_space<semaphore_mem>>)
        %dma_wait3A_61 = arith.constant 0 : i32
        %dma_wait3A_62 = arith.constant 0 : i32
        %dma_wait3A_63 = tpu.memref_slice %arg6[%dma_wait3A_61, %dma_wait3A_62] : memref<80x128xf32, #tpu.memory_space<vmem>> -> memref<16x128xf32, #tpu.memory_space<vmem>>
        %dma_wait3A_64 = arith.constant 9984 : i32
        %dma_wait3A_65 = arith.constant 0 : i32
        %dma_wait3A_66 = tpu.memref_slice %arg8[%dma_wait3A_64, %dma_wait3A_65] : memref<10000x128xf32, #tpu.memory_space<vmem_shared>> -> memref<16x128xf32, #tpu.memory_space<vmem_shared>>
        %dma_wait3A_67 = arith.constant 0 : i32
        %dma_wait3A_68 = arith.constant 0 : i32
        %dma_wait3A_69 = tpu.memref_slice %arg6[%dma_wait3A_67, %dma_wait3A_68] : memref<80x128xf32, #tpu.memory_space<vmem>> -> memref<16x128xf32, #tpu.memory_space<vmem>>
        %dma_wait3A_70 = arith.constant 9984 : i32
        %dma_wait3A_71 = arith.constant 0 : i32
        %dma_wait3A_72 = tpu.memref_slice %arg8[%dma_wait3A_70, %dma_wait3A_71] : memref<10000x128xf32, #tpu.memory_space<vmem_shared>> -> memref<16x128xf32, #tpu.memory_space<vmem_shared>>
        tpu.wait_dma2 semaphore(%run_scoped3A_48 : memref<!tpu.dma_semaphore, #tpu.memory_space<semaphore_mem>>) src(%dma_wait3A_72 : memref<16x128xf32, #tpu.memory_space<vmem_shared>>) dst(%dma_wait3A_69 : memref<16x128xf32, #tpu.memory_space<vmem>>)
        tpu.yield
      }) : () -> ()
      "tpu.region"() ({
        %run_scoped3A_48 = tpu.sem_alloc : memref<!tpu.dma_semaphore, #tpu.memory_space<semaphore_mem>>
        %dma_start3A_49 = arith.constant 0 : i32
        %dma_start3A_50 = arith.constant 0 : i32
        %dma_start3A_51 = tpu.memref_slice %arg6[%dma_start3A_49, %dma_start3A_50] : memref<80x128xf32, #tpu.memory_space<vmem>> -> memref<16x128xf32, #tpu.memory_space<vmem>>
        %dma_start3A_52 = arith.constant 9984 : i32
        %dma_start3A_53 = arith.constant 0 : i32
        %dma_start3A_54 = tpu.memref_slice %arg4[%arg0, %dma_start3A_52, %dma_start3A_53] : memref<2x10000x128xf32, #tpu.memory_space<hbm>> -> memref<1x16x128xf32, #tpu.memory_space<hbm>>
        %dma_start3A_55 = tpu.memref_squeeze %dma_start3A_54 : memref<1x16x128xf32, #tpu.memory_space<hbm>> -> memref<16x128xf32, #tpu.memory_space<hbm>>
        %dma_start3A_56 = arith.constant 9984 : i32
        %dma_start3A_57 = arith.constant 0 : i32
        %dma_start3A_58 = tpu.memref_slice %arg4[%arg0, %dma_start3A_56, %dma_start3A_57] : memref<2x10000x128xf32, #tpu.memory_space<hbm>> -> memref<1x16x128xf32, #tpu.memory_space<hbm>>
        %dma_start3A_59 = tpu.memref_squeeze %dma_start3A_58 : memref<1x16x128xf32, #tpu.memory_space<hbm>> -> memref<16x128xf32, #tpu.memory_space<hbm>>
        %dma_start3A_60 = arith.constant 0 : i32
        %dma_start3A_61 = arith.constant 0 : i32
        %dma_start3A_62 = tpu.memref_slice %arg6[%dma_start3A_60, %dma_start3A_61] : memref<80x128xf32, #tpu.memory_space<vmem>> -> memref<16x128xf32, #tpu.memory_space<vmem>>
        tpu.enqueue_dma source(%dma_start3A_62 : memref<16x128xf32, #tpu.memory_space<vmem>>) target(%dma_start3A_59 : memref<16x128xf32, #tpu.memory_space<hbm>>) target_semaphore(%run_scoped3A_48 : memref<!tpu.dma_semaphore, #tpu.memory_space<semaphore_mem>>)
        %dma_wait3A_63 = arith.constant 0 : i32
        %dma_wait3A_64 = arith.constant 0 : i32
        %dma_wait3A_65 = tpu.memref_slice %arg6[%dma_wait3A_63, %dma_wait3A_64] : memref<80x128xf32, #tpu.memory_space<vmem>> -> memref<16x128xf32, #tpu.memory_space<vmem>>
        %dma_wait3A_66 = arith.constant 9984 : i32
        %dma_wait3A_67 = arith.constant 0 : i32
        %dma_wait3A_68 = tpu.memref_slice %arg4[%arg0, %dma_wait3A_66, %dma_wait3A_67] : memref<2x10000x128xf32, #tpu.memory_space<hbm>> -> memref<1x16x128xf32, #tpu.memory_space<hbm>>
        %dma_wait3A_69 = tpu.memref_squeeze %dma_wait3A_68 : memref<1x16x128xf32, #tpu.memory_space<hbm>> -> memref<16x128xf32, #tpu.memory_space<hbm>>
        %dma_wait3A_70 = arith.constant 9984 : i32
        %dma_wait3A_71 = arith.constant 0 : i32
        %dma_wait3A_72 = tpu.memref_slice %arg4[%arg0, %dma_wait3A_70, %dma_wait3A_71] : memref<2x10000x128xf32, #tpu.memory_space<hbm>> -> memref<1x16x128xf32, #tpu.memory_space<hbm>>
        %dma_wait3A_73 = tpu.memref_squeeze %dma_wait3A_72 : memref<1x16x128xf32, #tpu.memory_space<hbm>> -> memref<16x128xf32, #tpu.memory_space<hbm>>
        %dma_wait3A_74 = arith.constant 0 : i32
        %dma_wait3A_75 = arith.constant 0 : i32
        %dma_wait3A_76 = tpu.memref_slice %arg6[%dma_wait3A_74, %dma_wait3A_75] : memref<80x128xf32, #tpu.memory_space<vmem>> -> memref<16x128xf32, #tpu.memory_space<vmem>>
        tpu.wait_dma2 semaphore(%run_scoped3A_48 : memref<!tpu.dma_semaphore, #tpu.memory_space<semaphore_mem>>) src(%dma_wait3A_76 : memref<16x128xf32, #tpu.memory_space<vmem>>) dst(%dma_wait3A_73 : memref<16x128xf32, #tpu.memory_space<hbm>>)
        tpu.yield
      }) : () -> ()
    } else {
    }
    return
  }
}

#map = affine_map<(d0, d1) -> (0, 0)>
#map1 = affine_map<(d0, d1) -> (0)>
module attributes {stable_mosaic.version = 14 : i64} {
  func.func @k(%arg0: i32, %arg1: i32, %arg2: memref<10000x128xf32, #tpu.memory_space<hbm>>, %arg3: memref<10000x128xf32, #tpu.memory_space<hbm>>, %arg4: memref<320000xi32, #tpu.memory_space<hbm>>, %arg5: memref<320000xi32, #tpu.memory_space<hbm>>, %arg6: memref<320000x128xf32, #tpu.memory_space<hbm>>, %arg7: memref<10000xi32, #tpu.memory_space<vmem>>, %arg8: memref<10000xi32, #tpu.memory_space<vmem>>, %arg9: memref<80x128xf32, #tpu.memory_space<vmem>>, %arg10: memref<80x128xf32, #tpu.memory_space<vmem>>, %arg11: memref<80x128xf32, #tpu.memory_space<vmem>>, %arg12: memref<80x128xf32, #tpu.memory_space<vmem>>, %arg13: memref<!tpu.dma_semaphore, #tpu.memory_space<semaphore_mem>>, %arg14: memref<!tpu.dma_semaphore, #tpu.memory_space<semaphore_mem>>) attributes {dimension_semantics = [#tpu.dimension_semantics<core_parallel>, #tpu.dimension_semantics<subcore_parallel>], iteration_bounds = array<i64: 2, 16>, scalar_prefetch = 0 : i64, scratch_operands = 8 : i64, tpu.core_type = #tpu.core_type<sc_vector_subcore>, window_params = [{transform_indices = #map}, {transform_indices = #map}, {transform_indices = #map1}, {transform_indices = #map1}, {transform_indices = #map}]} {
    %mul3A = arith.constant 16 : i32
    %mul3A_0 = arith.muli %arg0, %mul3A : i32
    %add3A = arith.addi %mul3A_0, %arg1 : i32
    %mul3A_1 = arith.constant 10000 : i32
    %mul3A_2 = arith.muli %add3A, %mul3A_1 : i32
    "tpu.region"() ({
      %run_scoped3A = tpu.sem_alloc : memref<!tpu.dma_semaphore, #tpu.memory_space<semaphore_mem>>
      %dma_start3A_36 = tpu.memref_slice %arg4[%mul3A_2] : memref<320000xi32, #tpu.memory_space<hbm>> -> memref<10000xi32, #tpu.memory_space<hbm>>
      %dma_start3A_37 = tpu.memref_slice %arg4[%mul3A_2] : memref<320000xi32, #tpu.memory_space<hbm>> -> memref<10000xi32, #tpu.memory_space<hbm>>
      tpu.enqueue_dma source(%dma_start3A_37 : memref<10000xi32, #tpu.memory_space<hbm>>) target(%arg7 : memref<10000xi32, #tpu.memory_space<vmem>>) target_semaphore(%run_scoped3A : memref<!tpu.dma_semaphore, #tpu.memory_space<semaphore_mem>>)
      %dma_wait3A_38 = tpu.memref_slice %arg4[%mul3A_2] : memref<320000xi32, #tpu.memory_space<hbm>> -> memref<10000xi32, #tpu.memory_space<hbm>>
      %dma_wait3A_39 = tpu.memref_slice %arg4[%mul3A_2] : memref<320000xi32, #tpu.memory_space<hbm>> -> memref<10000xi32, #tpu.memory_space<hbm>>
      tpu.wait_dma2 semaphore(%run_scoped3A : memref<!tpu.dma_semaphore, #tpu.memory_space<semaphore_mem>>) src(%dma_wait3A_39 : memref<10000xi32, #tpu.memory_space<hbm>>) dst(%arg7 : memref<10000xi32, #tpu.memory_space<vmem>>)
      tpu.yield
    }) : () -> ()
    "tpu.region"() ({
      %run_scoped3A = tpu.sem_alloc : memref<!tpu.dma_semaphore, #tpu.memory_space<semaphore_mem>>
      %dma_start3A_36 = tpu.memref_slice %arg5[%mul3A_2] : memref<320000xi32, #tpu.memory_space<hbm>> -> memref<10000xi32, #tpu.memory_space<hbm>>
      %dma_start3A_37 = tpu.memref_slice %arg5[%mul3A_2] : memref<320000xi32, #tpu.memory_space<hbm>> -> memref<10000xi32, #tpu.memory_space<hbm>>
      tpu.enqueue_dma source(%dma_start3A_37 : memref<10000xi32, #tpu.memory_space<hbm>>) target(%arg8 : memref<10000xi32, #tpu.memory_space<vmem>>) target_semaphore(%run_scoped3A : memref<!tpu.dma_semaphore, #tpu.memory_space<semaphore_mem>>)
      %dma_wait3A_38 = tpu.memref_slice %arg5[%mul3A_2] : memref<320000xi32, #tpu.memory_space<hbm>> -> memref<10000xi32, #tpu.memory_space<hbm>>
      %dma_wait3A_39 = tpu.memref_slice %arg5[%mul3A_2] : memref<320000xi32, #tpu.memory_space<hbm>> -> memref<10000xi32, #tpu.memory_space<hbm>>
      tpu.wait_dma2 semaphore(%run_scoped3A : memref<!tpu.dma_semaphore, #tpu.memory_space<semaphore_mem>>) src(%dma_wait3A_39 : memref<10000xi32, #tpu.memory_space<hbm>>) dst(%arg8 : memref<10000xi32, #tpu.memory_space<vmem>>)
      tpu.yield
    }) : () -> ()
    %dma_start3A = arith.constant 0 : i32
    %dma_start3A_3 = tpu.memref_slice %arg7[%dma_start3A] : memref<10000xi32, #tpu.memory_space<vmem>> -> memref<80xi32, #tpu.memory_space<vmem>>
    %dma_start3A_4 = arith.constant 0 : i32
    %dma_start3A_5 = arith.constant 0 : i32
    %dma_start3A_6 = tpu.memref_slice %arg2[%dma_start3A_4, %dma_start3A_5] : memref<10000x128xf32, #tpu.memory_space<hbm>> -> memref<10000x128xf32, #tpu.memory_space<hbm>>
    tpu.enqueue_indirect_dma source(%dma_start3A_6 : memref<10000x128xf32, #tpu.memory_space<hbm>>) target(%arg9 : memref<80x128xf32, #tpu.memory_space<vmem>>) offsets(%dma_start3A_3 : memref<80xi32, #tpu.memory_space<vmem>>) semaphore(%arg13 : memref<!tpu.dma_semaphore, #tpu.memory_space<semaphore_mem>>)
    %dma_start3A_7 = arith.constant 0 : i32
    %dma_start3A_8 = tpu.memref_slice %arg8[%dma_start3A_7] : memref<10000xi32, #tpu.memory_space<vmem>> -> memref<80xi32, #tpu.memory_space<vmem>>
    %dma_start3A_9 = arith.constant 0 : i32
    %dma_start3A_10 = arith.constant 0 : i32
    %dma_start3A_11 = tpu.memref_slice %arg3[%dma_start3A_9, %dma_start3A_10] : memref<10000x128xf32, #tpu.memory_space<hbm>> -> memref<10000x128xf32, #tpu.memory_space<hbm>>
    tpu.enqueue_indirect_dma source(%dma_start3A_11 : memref<10000x128xf32, #tpu.memory_space<hbm>>) target(%arg10 : memref<80x128xf32, #tpu.memory_space<vmem>>) offsets(%dma_start3A_8 : memref<80xi32, #tpu.memory_space<vmem>>) semaphore(%arg13 : memref<!tpu.dma_semaphore, #tpu.memory_space<semaphore_mem>>)
    %scan3A = arith.constant 0 : i32
    %scan3A_12 = arith.constant 0 : i32
    %scan3A_13 = arith.constant 62 : i32
    %scan3A_14 = arith.addi %scan3A_12, %scan3A_13 : i32
    %scan3A_15 = arith.constant 1 : i32
    %scan3A_16 = scf.for %scan3A_36 = %scan3A_12 to %scan3A_14 step %scan3A_15 iter_args(%scan3A_37 = %scan3A) -> (i32)  : i32 {
      %mul3A_38 = arith.constant 2 : i32
      %mul3A_39 = arith.muli %scan3A_36, %mul3A_38 : i32
      %add3A_40 = arith.constant 1 : i32
      %add3A_41 = arith.addi %mul3A_39, %add3A_40 : i32
      %mul3A_42 = arith.constant 80 : i32
      %mul3A_43 = arith.muli %add3A_41, %mul3A_42 : i32
      %dma_start3A_44 = tpu.memref_slice %arg7[%mul3A_43] : memref<10000xi32, #tpu.memory_space<vmem>> -> memref<80xi32, #tpu.memory_space<vmem>>
      %dma_start3A_45 = arith.constant 0 : i32
      %dma_start3A_46 = arith.constant 0 : i32
      %dma_start3A_47 = tpu.memref_slice %arg2[%dma_start3A_45, %dma_start3A_46] : memref<10000x128xf32, #tpu.memory_space<hbm>> -> memref<10000x128xf32, #tpu.memory_space<hbm>>
      tpu.enqueue_indirect_dma source(%dma_start3A_47 : memref<10000x128xf32, #tpu.memory_space<hbm>>) target(%arg11 : memref<80x128xf32, #tpu.memory_space<vmem>>) offsets(%dma_start3A_44 : memref<80xi32, #tpu.memory_space<vmem>>) semaphore(%arg14 : memref<!tpu.dma_semaphore, #tpu.memory_space<semaphore_mem>>)
      %mul3A_48 = arith.constant 80 : i32
      %mul3A_49 = arith.muli %add3A_41, %mul3A_48 : i32
      %dma_start3A_50 = tpu.memref_slice %arg8[%mul3A_49] : memref<10000xi32, #tpu.memory_space<vmem>> -> memref<80xi32, #tpu.memory_space<vmem>>
      %dma_start3A_51 = arith.constant 0 : i32
      %dma_start3A_52 = arith.constant 0 : i32
      %dma_start3A_53 = tpu.memref_slice %arg3[%dma_start3A_51, %dma_start3A_52] : memref<10000x128xf32, #tpu.memory_space<hbm>> -> memref<10000x128xf32, #tpu.memory_space<hbm>>
      tpu.enqueue_indirect_dma source(%dma_start3A_53 : memref<10000x128xf32, #tpu.memory_space<hbm>>) target(%arg12 : memref<80x128xf32, #tpu.memory_space<vmem>>) offsets(%dma_start3A_50 : memref<80xi32, #tpu.memory_space<vmem>>) semaphore(%arg14 : memref<!tpu.dma_semaphore, #tpu.memory_space<semaphore_mem>>)
      %mul3A_54 = arith.constant 80 : i32
      %mul3A_55 = arith.muli %mul3A_39, %mul3A_54 : i32
      %dma_wait3A_56 = tpu.memref_slice %arg7[%mul3A_55] : memref<10000xi32, #tpu.memory_space<vmem>> -> memref<80xi32, #tpu.memory_space<vmem>>
      %dma_wait3A_57 = arith.constant 0 : i32
      %dma_wait3A_58 = arith.constant 0 : i32
      %dma_wait3A_59 = tpu.memref_slice %arg2[%dma_wait3A_57, %dma_wait3A_58] : memref<10000x128xf32, #tpu.memory_space<hbm>> -> memref<10000x128xf32, #tpu.memory_space<hbm>>
      tpu.wait_indirect_dma semaphore(%arg13 : memref<!tpu.dma_semaphore, #tpu.memory_space<semaphore_mem>>) src(%dma_wait3A_59 : memref<10000x128xf32, #tpu.memory_space<hbm>>) dst(%arg9 : memref<80x128xf32, #tpu.memory_space<vmem>>)
      %mul3A_60 = arith.constant 80 : i32
      %mul3A_61 = arith.muli %mul3A_39, %mul3A_60 : i32
      %dma_wait3A_62 = tpu.memref_slice %arg8[%mul3A_61] : memref<10000xi32, #tpu.memory_space<vmem>> -> memref<80xi32, #tpu.memory_space<vmem>>
      %dma_wait3A_63 = arith.constant 0 : i32
      %dma_wait3A_64 = arith.constant 0 : i32
      %dma_wait3A_65 = tpu.memref_slice %arg3[%dma_wait3A_63, %dma_wait3A_64] : memref<10000x128xf32, #tpu.memory_space<hbm>> -> memref<10000x128xf32, #tpu.memory_space<hbm>>
      tpu.wait_indirect_dma semaphore(%arg13 : memref<!tpu.dma_semaphore, #tpu.memory_space<semaphore_mem>>) src(%dma_wait3A_65 : memref<10000x128xf32, #tpu.memory_space<hbm>>) dst(%arg10 : memref<80x128xf32, #tpu.memory_space<vmem>>)
      %scan3A_66 = arith.constant 0 : i32
      %scan3A_67 = arith.constant 0 : i32
      %scan3A_68 = arith.constant 80 : i32
      %scan3A_69 = arith.addi %scan3A_67, %scan3A_68 : i32
      %scan3A_70 = arith.constant 1 : i32
      %scan3A_71 = scf.for %scan3A_115 = %scan3A_67 to %scan3A_69 step %scan3A_70 iter_args(%scan3A_116 = %scan3A_66) -> (i32)  : i32 {
        %get3A = arith.index_cast %scan3A_115 : i32 to index
        %get3A_117 = arith.constant 0 : index
        %get3A_118 = tpu.vector_load %arg9[%get3A, %get3A_117] {strides = array<i32>} : memref<80x128xf32, #tpu.memory_space<vmem>>, vector<1x16xf32>,
        %get3A_119 = vector.shape_cast %get3A_118 : vector<1x16xf32> to vector<16xf32>
        %get3A_120 = arith.index_cast %scan3A_115 : i32 to index
        %get3A_121 = arith.constant 0 : index
        %get3A_122 = tpu.vector_load %arg10[%get3A_120, %get3A_121] {strides = array<i32>} : memref<80x128xf32, #tpu.memory_space<vmem>>, vector<1x16xf32>,
        %get3A_123 = vector.shape_cast %get3A_122 : vector<1x16xf32> to vector<16xf32>
        %add3A_124 = arith.addf %get3A_119, %get3A_123 : vector<16xf32>
        %max3A = arith.constant 0.000000e+00 : f32
        %max3A_125 = vector.broadcast %max3A : f32 to vector<16xf32>
        %max3A_126 = arith.maximumf %add3A_124, %max3A_125 : vector<16xf32>
        %min3A = arith.constant 0.000000e+00 : f32
        %min3A_127 = vector.broadcast %min3A : f32 to vector<16xf32>
        %min3A_128 = arith.minimumf %add3A_124, %min3A_127 : vector<16xf32>
        %mul3A_129 = arith.constant 2.000000e-01 : f32
        %mul3A_130 = vector.broadcast %mul3A_129 : f32 to vector<16xf32>
        %mul3A_131 = arith.mulf %mul3A_130, %min3A_128 : vector<16xf32>
        %add3A_132 = arith.addf %max3A_126, %mul3A_131 : vector<16xf32>
        %swap3A = arith.index_cast %scan3A_115 : i32 to index
        %swap3A_133 = arith.constant 0 : index
        %swap3A_134 = tpu.vector_load %arg9[%swap3A, %swap3A_133] {strides = array<i32>} : memref<80x128xf32, #tpu.memory_space<vmem>>, vector<1x16xf32>,
        %swap3A_135 = vector.shape_cast %swap3A_134 : vector<1x16xf32> to vector<16xf32>
        %swap3A_136 = vector.shape_cast %add3A_132 : vector<16xf32> to vector<1x16xf32>
        tpu.vector_store %arg9[%swap3A, %swap3A_133], %swap3A_136 {strides = array<i32>} : memref<80x128xf32, #tpu.memory_space<vmem>>, vector<1x16xf32>,
        %get3A_137 = arith.index_cast %scan3A_115 : i32 to index
        %get3A_138 = arith.constant 16 : index
        %get3A_139 = tpu.vector_load %arg9[%get3A_137, %get3A_138] {strides = array<i32>} : memref<80x128xf32, #tpu.memory_space<vmem>>, vector<1x16xf32>,
        %get3A_140 = vector.shape_cast %get3A_139 : vector<1x16xf32> to vector<16xf32>
        %get3A_141 = arith.index_cast %scan3A_115 : i32 to index
        %get3A_142 = arith.constant 16 : index
        %get3A_143 = tpu.vector_load %arg10[%get3A_141, %get3A_142] {strides = array<i32>} : memref<80x128xf32, #tpu.memory_space<vmem>>, vector<1x16xf32>,
        %get3A_144 = vector.shape_cast %get3A_143 : vector<1x16xf32> to vector<16xf32>
        %add3A_145 = arith.addf %get3A_140, %get3A_144 : vector<16xf32>
        %max3A_146 = arith.constant 0.000000e+00 : f32
        %max3A_147 = vector.broadcast %max3A_146 : f32 to vector<16xf32>
        %max3A_148 = arith.maximumf %add3A_145, %max3A_147 : vector<16xf32>
        %min3A_149 = arith.constant 0.000000e+00 : f32
        %min3A_150 = vector.broadcast %min3A_149 : f32 to vector<16xf32>
        %min3A_151 = arith.minimumf %add3A_145, %min3A_150 : vector<16xf32>
        %mul3A_152 = arith.constant 2.000000e-01 : f32
        %mul3A_153 = vector.broadcast %mul3A_152 : f32 to vector<16xf32>
        %mul3A_154 = arith.mulf %mul3A_153, %min3A_151 : vector<16xf32>
        %add3A_155 = arith.addf %max3A_148, %mul3A_154 : vector<16xf32>
        %swap3A_156 = arith.index_cast %scan3A_115 : i32 to index
        %swap3A_157 = arith.constant 16 : index
        %swap3A_158 = tpu.vector_load %arg9[%swap3A_156, %swap3A_157] {strides = array<i32>} : memref<80x128xf32, #tpu.memory_space<vmem>>, vector<1x16xf32>,
        %swap3A_159 = vector.shape_cast %swap3A_158 : vector<1x16xf32> to vector<16xf32>
        %swap3A_160 = vector.shape_cast %add3A_155 : vector<16xf32> to vector<1x16xf32>
        tpu.vector_store %arg9[%swap3A_156, %swap3A_157], %swap3A_160 {strides = array<i32>} : memref<80x128xf32, #tpu.memory_space<vmem>>, vector<1x16xf32>,
        %get3A_161 = arith.index_cast %scan3A_115 : i32 to index
        %get3A_162 = arith.constant 32 : index
        %get3A_163 = tpu.vector_load %arg9[%get3A_161, %get3A_162] {strides = array<i32>} : memref<80x128xf32, #tpu.memory_space<vmem>>, vector<1x16xf32>,
        %get3A_164 = vector.shape_cast %get3A_163 : vector<1x16xf32> to vector<16xf32>
        %get3A_165 = arith.index_cast %scan3A_115 : i32 to index
        %get3A_166 = arith.constant 32 : index
        %get3A_167 = tpu.vector_load %arg10[%get3A_165, %get3A_166] {strides = array<i32>} : memref<80x128xf32, #tpu.memory_space<vmem>>, vector<1x16xf32>,
        %get3A_168 = vector.shape_cast %get3A_167 : vector<1x16xf32> to vector<16xf32>
        %add3A_169 = arith.addf %get3A_164, %get3A_168 : vector<16xf32>
        %max3A_170 = arith.constant 0.000000e+00 : f32
        %max3A_171 = vector.broadcast %max3A_170 : f32 to vector<16xf32>
        %max3A_172 = arith.maximumf %add3A_169, %max3A_171 : vector<16xf32>
        %min3A_173 = arith.constant 0.000000e+00 : f32
        %min3A_174 = vector.broadcast %min3A_173 : f32 to vector<16xf32>
        %min3A_175 = arith.minimumf %add3A_169, %min3A_174 : vector<16xf32>
        %mul3A_176 = arith.constant 2.000000e-01 : f32
        %mul3A_177 = vector.broadcast %mul3A_176 : f32 to vector<16xf32>
        %mul3A_178 = arith.mulf %mul3A_177, %min3A_175 : vector<16xf32>
        %add3A_179 = arith.addf %max3A_172, %mul3A_178 : vector<16xf32>
        %swap3A_180 = arith.index_cast %scan3A_115 : i32 to index
        %swap3A_181 = arith.constant 32 : index
        %swap3A_182 = tpu.vector_load %arg9[%swap3A_180, %swap3A_181] {strides = array<i32>} : memref<80x128xf32, #tpu.memory_space<vmem>>, vector<1x16xf32>,
        %swap3A_183 = vector.shape_cast %swap3A_182 : vector<1x16xf32> to vector<16xf32>
        %swap3A_184 = vector.shape_cast %add3A_179 : vector<16xf32> to vector<1x16xf32>
        tpu.vector_store %arg9[%swap3A_180, %swap3A_181], %swap3A_184 {strides = array<i32>} : memref<80x128xf32, #tpu.memory_space<vmem>>, vector<1x16xf32>,
        %get3A_185 = arith.index_cast %scan3A_115 : i32 to index
        %get3A_186 = arith.constant 48 : index
        %get3A_187 = tpu.vector_load %arg9[%get3A_185, %get3A_186] {strides = array<i32>} : memref<80x128xf32, #tpu.memory_space<vmem>>, vector<1x16xf32>,
        %get3A_188 = vector.shape_cast %get3A_187 : vector<1x16xf32> to vector<16xf32>
        %get3A_189 = arith.index_cast %scan3A_115 : i32 to index
        %get3A_190 = arith.constant 48 : index
        %get3A_191 = tpu.vector_load %arg10[%get3A_189, %get3A_190] {strides = array<i32>} : memref<80x128xf32, #tpu.memory_space<vmem>>, vector<1x16xf32>,
        %get3A_192 = vector.shape_cast %get3A_191 : vector<1x16xf32> to vector<16xf32>
        %add3A_193 = arith.addf %get3A_188, %get3A_192 : vector<16xf32>
        %max3A_194 = arith.constant 0.000000e+00 : f32
        %max3A_195 = vector.broadcast %max3A_194 : f32 to vector<16xf32>
        %max3A_196 = arith.maximumf %add3A_193, %max3A_195 : vector<16xf32>
        %min3A_197 = arith.constant 0.000000e+00 : f32
        %min3A_198 = vector.broadcast %min3A_197 : f32 to vector<16xf32>
        %min3A_199 = arith.minimumf %add3A_193, %min3A_198 : vector<16xf32>
        %mul3A_200 = arith.constant 2.000000e-01 : f32
        %mul3A_201 = vector.broadcast %mul3A_200 : f32 to vector<16xf32>
        %mul3A_202 = arith.mulf %mul3A_201, %min3A_199 : vector<16xf32>
        %add3A_203 = arith.addf %max3A_196, %mul3A_202 : vector<16xf32>
        %swap3A_204 = arith.index_cast %scan3A_115 : i32 to index
        %swap3A_205 = arith.constant 48 : index
        %swap3A_206 = tpu.vector_load %arg9[%swap3A_204, %swap3A_205] {strides = array<i32>} : memref<80x128xf32, #tpu.memory_space<vmem>>, vector<1x16xf32>,
        %swap3A_207 = vector.shape_cast %swap3A_206 : vector<1x16xf32> to vector<16xf32>
        %swap3A_208 = vector.shape_cast %add3A_203 : vector<16xf32> to vector<1x16xf32>
        tpu.vector_store %arg9[%swap3A_204, %swap3A_205], %swap3A_208 {strides = array<i32>} : memref<80x128xf32, #tpu.memory_space<vmem>>, vector<1x16xf32>,
        %get3A_209 = arith.index_cast %scan3A_115 : i32 to index
        %get3A_210 = arith.constant 64 : index
        %get3A_211 = tpu.vector_load %arg9[%get3A_209, %get3A_210] {strides = array<i32>} : memref<80x128xf32, #tpu.memory_space<vmem>>, vector<1x16xf32>,
        %get3A_212 = vector.shape_cast %get3A_211 : vector<1x16xf32> to vector<16xf32>
        %get3A_213 = arith.index_cast %scan3A_115 : i32 to index
        %get3A_214 = arith.constant 64 : index
        %get3A_215 = tpu.vector_load %arg10[%get3A_213, %get3A_214] {strides = array<i32>} : memref<80x128xf32, #tpu.memory_space<vmem>>, vector<1x16xf32>,
        %get3A_216 = vector.shape_cast %get3A_215 : vector<1x16xf32> to vector<16xf32>
        %add3A_217 = arith.addf %get3A_212, %get3A_216 : vector<16xf32>
        %max3A_218 = arith.constant 0.000000e+00 : f32
        %max3A_219 = vector.broadcast %max3A_218 : f32 to vector<16xf32>
        %max3A_220 = arith.maximumf %add3A_217, %max3A_219 : vector<16xf32>
        %min3A_221 = arith.constant 0.000000e+00 : f32
        %min3A_222 = vector.broadcast %min3A_221 : f32 to vector<16xf32>
        %min3A_223 = arith.minimumf %add3A_217, %min3A_222 : vector<16xf32>
        %mul3A_224 = arith.constant 2.000000e-01 : f32
        %mul3A_225 = vector.broadcast %mul3A_224 : f32 to vector<16xf32>
        %mul3A_226 = arith.mulf %mul3A_225, %min3A_223 : vector<16xf32>
        %add3A_227 = arith.addf %max3A_220, %mul3A_226 : vector<16xf32>
        %swap3A_228 = arith.index_cast %scan3A_115 : i32 to index
        %swap3A_229 = arith.constant 64 : index
        %swap3A_230 = tpu.vector_load %arg9[%swap3A_228, %swap3A_229] {strides = array<i32>} : memref<80x128xf32, #tpu.memory_space<vmem>>, vector<1x16xf32>,
        %swap3A_231 = vector.shape_cast %swap3A_230 : vector<1x16xf32> to vector<16xf32>
        %swap3A_232 = vector.shape_cast %add3A_227 : vector<16xf32> to vector<1x16xf32>
        tpu.vector_store %arg9[%swap3A_228, %swap3A_229], %swap3A_232 {strides = array<i32>} : memref<80x128xf32, #tpu.memory_space<vmem>>, vector<1x16xf32>,
        %get3A_233 = arith.index_cast %scan3A_115 : i32 to index
        %get3A_234 = arith.constant 80 : index
        %get3A_235 = tpu.vector_load %arg9[%get3A_233, %get3A_234] {strides = array<i32>} : memref<80x128xf32, #tpu.memory_space<vmem>>, vector<1x16xf32>,
        %get3A_236 = vector.shape_cast %get3A_235 : vector<1x16xf32> to vector<16xf32>
        %get3A_237 = arith.index_cast %scan3A_115 : i32 to index
        %get3A_238 = arith.constant 80 : index
        %get3A_239 = tpu.vector_load %arg10[%get3A_237, %get3A_238] {strides = array<i32>} : memref<80x128xf32, #tpu.memory_space<vmem>>, vector<1x16xf32>,
        %get3A_240 = vector.shape_cast %get3A_239 : vector<1x16xf32> to vector<16xf32>
        %add3A_241 = arith.addf %get3A_236, %get3A_240 : vector<16xf32>
        %max3A_242 = arith.constant 0.000000e+00 : f32
        %max3A_243 = vector.broadcast %max3A_242 : f32 to vector<16xf32>
        %max3A_244 = arith.maximumf %add3A_241, %max3A_243 : vector<16xf32>
        %min3A_245 = arith.constant 0.000000e+00 : f32
        %min3A_246 = vector.broadcast %min3A_245 : f32 to vector<16xf32>
        %min3A_247 = arith.minimumf %add3A_241, %min3A_246 : vector<16xf32>
        %mul3A_248 = arith.constant 2.000000e-01 : f32
        %mul3A_249 = vector.broadcast %mul3A_248 : f32 to vector<16xf32>
        %mul3A_250 = arith.mulf %mul3A_249, %min3A_247 : vector<16xf32>
        %add3A_251 = arith.addf %max3A_244, %mul3A_250 : vector<16xf32>
        %swap3A_252 = arith.index_cast %scan3A_115 : i32 to index
        %swap3A_253 = arith.constant 80 : index
        %swap3A_254 = tpu.vector_load %arg9[%swap3A_252, %swap3A_253] {strides = array<i32>} : memref<80x128xf32, #tpu.memory_space<vmem>>, vector<1x16xf32>,
        %swap3A_255 = vector.shape_cast %swap3A_254 : vector<1x16xf32> to vector<16xf32>
        %swap3A_256 = vector.shape_cast %add3A_251 : vector<16xf32> to vector<1x16xf32>
        tpu.vector_store %arg9[%swap3A_252, %swap3A_253], %swap3A_256 {strides = array<i32>} : memref<80x128xf32, #tpu.memory_space<vmem>>, vector<1x16xf32>,
        %get3A_257 = arith.index_cast %scan3A_115 : i32 to index
        %get3A_258 = arith.constant 96 : index
        %get3A_259 = tpu.vector_load %arg9[%get3A_257, %get3A_258] {strides = array<i32>} : memref<80x128xf32, #tpu.memory_space<vmem>>, vector<1x16xf32>,
        %get3A_260 = vector.shape_cast %get3A_259 : vector<1x16xf32> to vector<16xf32>
        %get3A_261 = arith.index_cast %scan3A_115 : i32 to index
        %get3A_262 = arith.constant 96 : index
        %get3A_263 = tpu.vector_load %arg10[%get3A_261, %get3A_262] {strides = array<i32>} : memref<80x128xf32, #tpu.memory_space<vmem>>, vector<1x16xf32>,
        %get3A_264 = vector.shape_cast %get3A_263 : vector<1x16xf32> to vector<16xf32>
        %add3A_265 = arith.addf %get3A_260, %get3A_264 : vector<16xf32>
        %max3A_266 = arith.constant 0.000000e+00 : f32
        %max3A_267 = vector.broadcast %max3A_266 : f32 to vector<16xf32>
        %max3A_268 = arith.maximumf %add3A_265, %max3A_267 : vector<16xf32>
        %min3A_269 = arith.constant 0.000000e+00 : f32
        %min3A_270 = vector.broadcast %min3A_269 : f32 to vector<16xf32>
        %min3A_271 = arith.minimumf %add3A_265, %min3A_270 : vector<16xf32>
        %mul3A_272 = arith.constant 2.000000e-01 : f32
        %mul3A_273 = vector.broadcast %mul3A_272 : f32 to vector<16xf32>
        %mul3A_274 = arith.mulf %mul3A_273, %min3A_271 : vector<16xf32>
        %add3A_275 = arith.addf %max3A_268, %mul3A_274 : vector<16xf32>
        %swap3A_276 = arith.index_cast %scan3A_115 : i32 to index
        %swap3A_277 = arith.constant 96 : index
        %swap3A_278 = tpu.vector_load %arg9[%swap3A_276, %swap3A_277] {strides = array<i32>} : memref<80x128xf32, #tpu.memory_space<vmem>>, vector<1x16xf32>,
        %swap3A_279 = vector.shape_cast %swap3A_278 : vector<1x16xf32> to vector<16xf32>
        %swap3A_280 = vector.shape_cast %add3A_275 : vector<16xf32> to vector<1x16xf32>
        tpu.vector_store %arg9[%swap3A_276, %swap3A_277], %swap3A_280 {strides = array<i32>} : memref<80x128xf32, #tpu.memory_space<vmem>>, vector<1x16xf32>,
        %get3A_281 = arith.index_cast %scan3A_115 : i32 to index
        %get3A_282 = arith.constant 112 : index
        %get3A_283 = tpu.vector_load %arg9[%get3A_281, %get3A_282] {strides = array<i32>} : memref<80x128xf32, #tpu.memory_space<vmem>>, vector<1x16xf32>,
        %get3A_284 = vector.shape_cast %get3A_283 : vector<1x16xf32> to vector<16xf32>
        %get3A_285 = arith.index_cast %scan3A_115 : i32 to index
        %get3A_286 = arith.constant 112 : index
        %get3A_287 = tpu.vector_load %arg10[%get3A_285, %get3A_286] {strides = array<i32>} : memref<80x128xf32, #tpu.memory_space<vmem>>, vector<1x16xf32>,
        %get3A_288 = vector.shape_cast %get3A_287 : vector<1x16xf32> to vector<16xf32>
        %add3A_289 = arith.addf %get3A_284, %get3A_288 : vector<16xf32>
        %max3A_290 = arith.constant 0.000000e+00 : f32
        %max3A_291 = vector.broadcast %max3A_290 : f32 to vector<16xf32>
        %max3A_292 = arith.maximumf %add3A_289, %max3A_291 : vector<16xf32>
        %min3A_293 = arith.constant 0.000000e+00 : f32
        %min3A_294 = vector.broadcast %min3A_293 : f32 to vector<16xf32>
        %min3A_295 = arith.minimumf %add3A_289, %min3A_294 : vector<16xf32>
        %mul3A_296 = arith.constant 2.000000e-01 : f32
        %mul3A_297 = vector.broadcast %mul3A_296 : f32 to vector<16xf32>
        %mul3A_298 = arith.mulf %mul3A_297, %min3A_295 : vector<16xf32>
        %add3A_299 = arith.addf %max3A_292, %mul3A_298 : vector<16xf32>
        %swap3A_300 = arith.index_cast %scan3A_115 : i32 to index
        %swap3A_301 = arith.constant 112 : index
        %swap3A_302 = tpu.vector_load %arg9[%swap3A_300, %swap3A_301] {strides = array<i32>} : memref<80x128xf32, #tpu.memory_space<vmem>>, vector<1x16xf32>,
        %swap3A_303 = vector.shape_cast %swap3A_302 : vector<1x16xf32> to vector<16xf32>
        %swap3A_304 = vector.shape_cast %add3A_299 : vector<16xf32> to vector<1x16xf32>
        tpu.vector_store %arg9[%swap3A_300, %swap3A_301], %swap3A_304 {strides = array<i32>} : memref<80x128xf32, #tpu.memory_space<vmem>>, vector<1x16xf32>,
        %scan3A_305 = arith.constant 0 : i32
        scf.yield %scan3A_305 : i32
      }
      %scan3A_72 = arith.constant 80 : i32
      %mul3A_73 = arith.constant 80 : i32
      %mul3A_74 = arith.muli %mul3A_39, %mul3A_73 : i32
      %add3A_75 = arith.addi %mul3A_2, %mul3A_74 : i32
      "tpu.region"() ({
        %run_scoped3A = tpu.sem_alloc : memref<!tpu.dma_semaphore, #tpu.memory_space<semaphore_mem>>
        %dma_start3A_115 = arith.constant 0 : i32
        %dma_start3A_116 = tpu.memref_slice %arg6[%add3A_75, %dma_start3A_115] : memref<320000x128xf32, #tpu.memory_space<hbm>> -> memref<80x128xf32, #tpu.memory_space<hbm>>
        %dma_start3A_117 = arith.constant 0 : i32
        %dma_start3A_118 = tpu.memref_slice %arg6[%add3A_75, %dma_start3A_117] : memref<320000x128xf32, #tpu.memory_space<hbm>> -> memref<80x128xf32, #tpu.memory_space<hbm>>
        tpu.enqueue_dma source(%arg9 : memref<80x128xf32, #tpu.memory_space<vmem>>) target(%dma_start3A_118 : memref<80x128xf32, #tpu.memory_space<hbm>>) target_semaphore(%run_scoped3A : memref<!tpu.dma_semaphore, #tpu.memory_space<semaphore_mem>>)
        %dma_wait3A_119 = arith.constant 0 : i32
        %dma_wait3A_120 = tpu.memref_slice %arg6[%add3A_75, %dma_wait3A_119] : memref<320000x128xf32, #tpu.memory_space<hbm>> -> memref<80x128xf32, #tpu.memory_space<hbm>>
        %dma_wait3A_121 = arith.constant 0 : i32
        %dma_wait3A_122 = tpu.memref_slice %arg6[%add3A_75, %dma_wait3A_121] : memref<320000x128xf32, #tpu.memory_space<hbm>> -> memref<80x128xf32, #tpu.memory_space<hbm>>
        tpu.wait_dma2 semaphore(%run_scoped3A : memref<!tpu.dma_semaphore, #tpu.memory_space<semaphore_mem>>) src(%arg9 : memref<80x128xf32, #tpu.memory_space<vmem>>) dst(%dma_wait3A_122 : memref<80x128xf32, #tpu.memory_space<hbm>>)
        tpu.yield
      }) : () -> ()
      %add3A_76 = arith.constant 2 : i32
      %add3A_77 = arith.addi %mul3A_39, %add3A_76 : i32
      %mul3A_78 = arith.constant 80 : i32
      %mul3A_79 = arith.muli %add3A_77, %mul3A_78 : i32
      %dma_start3A_80 = tpu.memref_slice %arg7[%mul3A_79] : memref<10000xi32, #tpu.memory_space<vmem>> -> memref<80xi32, #tpu.memory_space<vmem>>
      %dma_start3A_81 = arith.constant 0 : i32
      %dma_start3A_82 = arith.constant 0 : i32
      %dma_start3A_83 = tpu.memref_slice %arg2[%dma_start3A_81, %dma_start3A_82] : memref<10000x128xf32, #tpu.memory_space<hbm>> -> memref<10000x128xf32, #tpu.memory_space<hbm>>
      tpu.enqueue_indirect_dma source(%dma_start3A_83 : memref<10000x128xf32, #tpu.memory_space<hbm>>) target(%arg9 : memref<80x128xf32, #tpu.memory_space<vmem>>) offsets(%dma_start3A_80 : memref<80xi32, #tpu.memory_space<vmem>>) semaphore(%arg13 : memref<!tpu.dma_semaphore, #tpu.memory_space<semaphore_mem>>)
      %mul3A_84 = arith.constant 80 : i32
      %mul3A_85 = arith.muli %add3A_77, %mul3A_84 : i32
      %dma_start3A_86 = tpu.memref_slice %arg8[%mul3A_85] : memref<10000xi32, #tpu.memory_space<vmem>> -> memref<80xi32, #tpu.memory_space<vmem>>
      %dma_start3A_87 = arith.constant 0 : i32
      %dma_start3A_88 = arith.constant 0 : i32
      %dma_start3A_89 = tpu.memref_slice %arg3[%dma_start3A_87, %dma_start3A_88] : memref<10000x128xf32, #tpu.memory_space<hbm>> -> memref<10000x128xf32, #tpu.memory_space<hbm>>
      tpu.enqueue_indirect_dma source(%dma_start3A_89 : memref<10000x128xf32, #tpu.memory_space<hbm>>) target(%arg10 : memref<80x128xf32, #tpu.memory_space<vmem>>) offsets(%dma_start3A_86 : memref<80xi32, #tpu.memory_space<vmem>>) semaphore(%arg13 : memref<!tpu.dma_semaphore, #tpu.memory_space<semaphore_mem>>)
      %add3A_90 = arith.constant 1 : i32
      %add3A_91 = arith.addi %mul3A_39, %add3A_90 : i32
      %mul3A_92 = arith.constant 80 : i32
      %mul3A_93 = arith.muli %add3A_91, %mul3A_92 : i32
      %dma_wait3A_94 = tpu.memref_slice %arg7[%mul3A_93] : memref<10000xi32, #tpu.memory_space<vmem>> -> memref<80xi32, #tpu.memory_space<vmem>>
      %dma_wait3A_95 = arith.constant 0 : i32
      %dma_wait3A_96 = arith.constant 0 : i32
      %dma_wait3A_97 = tpu.memref_slice %arg2[%dma_wait3A_95, %dma_wait3A_96] : memref<10000x128xf32, #tpu.memory_space<hbm>> -> memref<10000x128xf32, #tpu.memory_space<hbm>>
      tpu.wait_indirect_dma semaphore(%arg14 : memref<!tpu.dma_semaphore, #tpu.memory_space<semaphore_mem>>) src(%dma_wait3A_97 : memref<10000x128xf32, #tpu.memory_space<hbm>>) dst(%arg11 : memref<80x128xf32, #tpu.memory_space<vmem>>)
      %mul3A_98 = arith.constant 80 : i32
      %mul3A_99 = arith.muli %add3A_91, %mul3A_98 : i32
      %dma_wait3A_100 = tpu.memref_slice %arg8[%mul3A_99] : memref<10000xi32, #tpu.memory_space<vmem>> -> memref<80xi32, #tpu.memory_space<vmem>>
      %dma_wait3A_101 = arith.constant 0 : i32
      %dma_wait3A_102 = arith.constant 0 : i32
      %dma_wait3A_103 = tpu.memref_slice %arg3[%dma_wait3A_101, %dma_wait3A_102] : memref<10000x128xf32, #tpu.memory_space<hbm>> -> memref<10000x128xf32, #tpu.memory_space<hbm>>
      tpu.wait_indirect_dma semaphore(%arg14 : memref<!tpu.dma_semaphore, #tpu.memory_space<semaphore_mem>>) src(%dma_wait3A_103 : memref<10000x128xf32, #tpu.memory_space<hbm>>) dst(%arg12 : memref<80x128xf32, #tpu.memory_space<vmem>>)
      %scan3A_104 = arith.constant 0 : i32
      %scan3A_105 = arith.constant 0 : i32
      %scan3A_106 = arith.constant 80 : i32
      %scan3A_107 = arith.addi %scan3A_105, %scan3A_106 : i32
      %scan3A_108 = arith.constant 1 : i32
      %scan3A_109 = scf.for %scan3A_115 = %scan3A_105 to %scan3A_107 step %scan3A_108 iter_args(%scan3A_116 = %scan3A_104) -> (i32)  : i32 {
        %get3A = arith.index_cast %scan3A_115 : i32 to index
        %get3A_117 = arith.constant 0 : index
        %get3A_118 = tpu.vector_load %arg11[%get3A, %get3A_117] {strides = array<i32>} : memref<80x128xf32, #tpu.memory_space<vmem>>, vector<1x16xf32>,
        %get3A_119 = vector.shape_cast %get3A_118 : vector<1x16xf32> to vector<16xf32>
        %get3A_120 = arith.index_cast %scan3A_115 : i32 to index
        %get3A_121 = arith.constant 0 : index
        %get3A_122 = tpu.vector_load %arg12[%get3A_120, %get3A_121] {strides = array<i32>} : memref<80x128xf32, #tpu.memory_space<vmem>>, vector<1x16xf32>,
        %get3A_123 = vector.shape_cast %get3A_122 : vector<1x16xf32> to vector<16xf32>
        %add3A_124 = arith.addf %get3A_119, %get3A_123 : vector<16xf32>
        %max3A = arith.constant 0.000000e+00 : f32
        %max3A_125 = vector.broadcast %max3A : f32 to vector<16xf32>
        %max3A_126 = arith.maximumf %add3A_124, %max3A_125 : vector<16xf32>
        %min3A = arith.constant 0.000000e+00 : f32
        %min3A_127 = vector.broadcast %min3A : f32 to vector<16xf32>
        %min3A_128 = arith.minimumf %add3A_124, %min3A_127 : vector<16xf32>
        %mul3A_129 = arith.constant 2.000000e-01 : f32
        %mul3A_130 = vector.broadcast %mul3A_129 : f32 to vector<16xf32>
        %mul3A_131 = arith.mulf %mul3A_130, %min3A_128 : vector<16xf32>
        %add3A_132 = arith.addf %max3A_126, %mul3A_131 : vector<16xf32>
        %swap3A = arith.index_cast %scan3A_115 : i32 to index
        %swap3A_133 = arith.constant 0 : index
        %swap3A_134 = tpu.vector_load %arg11[%swap3A, %swap3A_133] {strides = array<i32>} : memref<80x128xf32, #tpu.memory_space<vmem>>, vector<1x16xf32>,
        %swap3A_135 = vector.shape_cast %swap3A_134 : vector<1x16xf32> to vector<16xf32>
        %swap3A_136 = vector.shape_cast %add3A_132 : vector<16xf32> to vector<1x16xf32>
        tpu.vector_store %arg11[%swap3A, %swap3A_133], %swap3A_136 {strides = array<i32>} : memref<80x128xf32, #tpu.memory_space<vmem>>, vector<1x16xf32>,
        %get3A_137 = arith.index_cast %scan3A_115 : i32 to index
        %get3A_138 = arith.constant 16 : index
        %get3A_139 = tpu.vector_load %arg11[%get3A_137, %get3A_138] {strides = array<i32>} : memref<80x128xf32, #tpu.memory_space<vmem>>, vector<1x16xf32>,
        %get3A_140 = vector.shape_cast %get3A_139 : vector<1x16xf32> to vector<16xf32>
        %get3A_141 = arith.index_cast %scan3A_115 : i32 to index
        %get3A_142 = arith.constant 16 : index
        %get3A_143 = tpu.vector_load %arg12[%get3A_141, %get3A_142] {strides = array<i32>} : memref<80x128xf32, #tpu.memory_space<vmem>>, vector<1x16xf32>,
        %get3A_144 = vector.shape_cast %get3A_143 : vector<1x16xf32> to vector<16xf32>
        %add3A_145 = arith.addf %get3A_140, %get3A_144 : vector<16xf32>
        %max3A_146 = arith.constant 0.000000e+00 : f32
        %max3A_147 = vector.broadcast %max3A_146 : f32 to vector<16xf32>
        %max3A_148 = arith.maximumf %add3A_145, %max3A_147 : vector<16xf32>
        %min3A_149 = arith.constant 0.000000e+00 : f32
        %min3A_150 = vector.broadcast %min3A_149 : f32 to vector<16xf32>
        %min3A_151 = arith.minimumf %add3A_145, %min3A_150 : vector<16xf32>
        %mul3A_152 = arith.constant 2.000000e-01 : f32
        %mul3A_153 = vector.broadcast %mul3A_152 : f32 to vector<16xf32>
        %mul3A_154 = arith.mulf %mul3A_153, %min3A_151 : vector<16xf32>
        %add3A_155 = arith.addf %max3A_148, %mul3A_154 : vector<16xf32>
        %swap3A_156 = arith.index_cast %scan3A_115 : i32 to index
        %swap3A_157 = arith.constant 16 : index
        %swap3A_158 = tpu.vector_load %arg11[%swap3A_156, %swap3A_157] {strides = array<i32>} : memref<80x128xf32, #tpu.memory_space<vmem>>, vector<1x16xf32>,
        %swap3A_159 = vector.shape_cast %swap3A_158 : vector<1x16xf32> to vector<16xf32>
        %swap3A_160 = vector.shape_cast %add3A_155 : vector<16xf32> to vector<1x16xf32>
        tpu.vector_store %arg11[%swap3A_156, %swap3A_157], %swap3A_160 {strides = array<i32>} : memref<80x128xf32, #tpu.memory_space<vmem>>, vector<1x16xf32>,
        %get3A_161 = arith.index_cast %scan3A_115 : i32 to index
        %get3A_162 = arith.constant 32 : index
        %get3A_163 = tpu.vector_load %arg11[%get3A_161, %get3A_162] {strides = array<i32>} : memref<80x128xf32, #tpu.memory_space<vmem>>, vector<1x16xf32>,
        %get3A_164 = vector.shape_cast %get3A_163 : vector<1x16xf32> to vector<16xf32>
        %get3A_165 = arith.index_cast %scan3A_115 : i32 to index
        %get3A_166 = arith.constant 32 : index
        %get3A_167 = tpu.vector_load %arg12[%get3A_165, %get3A_166] {strides = array<i32>} : memref<80x128xf32, #tpu.memory_space<vmem>>, vector<1x16xf32>,
        %get3A_168 = vector.shape_cast %get3A_167 : vector<1x16xf32> to vector<16xf32>
        %add3A_169 = arith.addf %get3A_164, %get3A_168 : vector<16xf32>
        %max3A_170 = arith.constant 0.000000e+00 : f32
        %max3A_171 = vector.broadcast %max3A_170 : f32 to vector<16xf32>
        %max3A_172 = arith.maximumf %add3A_169, %max3A_171 : vector<16xf32>
        %min3A_173 = arith.constant 0.000000e+00 : f32
        %min3A_174 = vector.broadcast %min3A_173 : f32 to vector<16xf32>
        %min3A_175 = arith.minimumf %add3A_169, %min3A_174 : vector<16xf32>
        %mul3A_176 = arith.constant 2.000000e-01 : f32
        %mul3A_177 = vector.broadcast %mul3A_176 : f32 to vector<16xf32>
        %mul3A_178 = arith.mulf %mul3A_177, %min3A_175 : vector<16xf32>
        %add3A_179 = arith.addf %max3A_172, %mul3A_178 : vector<16xf32>
        %swap3A_180 = arith.index_cast %scan3A_115 : i32 to index
        %swap3A_181 = arith.constant 32 : index
        %swap3A_182 = tpu.vector_load %arg11[%swap3A_180, %swap3A_181] {strides = array<i32>} : memref<80x128xf32, #tpu.memory_space<vmem>>, vector<1x16xf32>,
        %swap3A_183 = vector.shape_cast %swap3A_182 : vector<1x16xf32> to vector<16xf32>
        %swap3A_184 = vector.shape_cast %add3A_179 : vector<16xf32> to vector<1x16xf32>
        tpu.vector_store %arg11[%swap3A_180, %swap3A_181], %swap3A_184 {strides = array<i32>} : memref<80x128xf32, #tpu.memory_space<vmem>>, vector<1x16xf32>,
        %get3A_185 = arith.index_cast %scan3A_115 : i32 to index
        %get3A_186 = arith.constant 48 : index
        %get3A_187 = tpu.vector_load %arg11[%get3A_185, %get3A_186] {strides = array<i32>} : memref<80x128xf32, #tpu.memory_space<vmem>>, vector<1x16xf32>,
        %get3A_188 = vector.shape_cast %get3A_187 : vector<1x16xf32> to vector<16xf32>
        %get3A_189 = arith.index_cast %scan3A_115 : i32 to index
        %get3A_190 = arith.constant 48 : index
        %get3A_191 = tpu.vector_load %arg12[%get3A_189, %get3A_190] {strides = array<i32>} : memref<80x128xf32, #tpu.memory_space<vmem>>, vector<1x16xf32>,
        %get3A_192 = vector.shape_cast %get3A_191 : vector<1x16xf32> to vector<16xf32>
        %add3A_193 = arith.addf %get3A_188, %get3A_192 : vector<16xf32>
        %max3A_194 = arith.constant 0.000000e+00 : f32
        %max3A_195 = vector.broadcast %max3A_194 : f32 to vector<16xf32>
        %max3A_196 = arith.maximumf %add3A_193, %max3A_195 : vector<16xf32>
        %min3A_197 = arith.constant 0.000000e+00 : f32
        %min3A_198 = vector.broadcast %min3A_197 : f32 to vector<16xf32>
        %min3A_199 = arith.minimumf %add3A_193, %min3A_198 : vector<16xf32>
        %mul3A_200 = arith.constant 2.000000e-01 : f32
        %mul3A_201 = vector.broadcast %mul3A_200 : f32 to vector<16xf32>
        %mul3A_202 = arith.mulf %mul3A_201, %min3A_199 : vector<16xf32>
        %add3A_203 = arith.addf %max3A_196, %mul3A_202 : vector<16xf32>
        %swap3A_204 = arith.index_cast %scan3A_115 : i32 to index
        %swap3A_205 = arith.constant 48 : index
        %swap3A_206 = tpu.vector_load %arg11[%swap3A_204, %swap3A_205] {strides = array<i32>} : memref<80x128xf32, #tpu.memory_space<vmem>>, vector<1x16xf32>,
        %swap3A_207 = vector.shape_cast %swap3A_206 : vector<1x16xf32> to vector<16xf32>
        %swap3A_208 = vector.shape_cast %add3A_203 : vector<16xf32> to vector<1x16xf32>
        tpu.vector_store %arg11[%swap3A_204, %swap3A_205], %swap3A_208 {strides = array<i32>} : memref<80x128xf32, #tpu.memory_space<vmem>>, vector<1x16xf32>,
        %get3A_209 = arith.index_cast %scan3A_115 : i32 to index
        %get3A_210 = arith.constant 64 : index
        %get3A_211 = tpu.vector_load %arg11[%get3A_209, %get3A_210] {strides = array<i32>} : memref<80x128xf32, #tpu.memory_space<vmem>>, vector<1x16xf32>,
        %get3A_212 = vector.shape_cast %get3A_211 : vector<1x16xf32> to vector<16xf32>
        %get3A_213 = arith.index_cast %scan3A_115 : i32 to index
        %get3A_214 = arith.constant 64 : index
        %get3A_215 = tpu.vector_load %arg12[%get3A_213, %get3A_214] {strides = array<i32>} : memref<80x128xf32, #tpu.memory_space<vmem>>, vector<1x16xf32>,
        %get3A_216 = vector.shape_cast %get3A_215 : vector<1x16xf32> to vector<16xf32>
        %add3A_217 = arith.addf %get3A_212, %get3A_216 : vector<16xf32>
        %max3A_218 = arith.constant 0.000000e+00 : f32
        %max3A_219 = vector.broadcast %max3A_218 : f32 to vector<16xf32>
        %max3A_220 = arith.maximumf %add3A_217, %max3A_219 : vector<16xf32>
        %min3A_221 = arith.constant 0.000000e+00 : f32
        %min3A_222 = vector.broadcast %min3A_221 : f32 to vector<16xf32>
        %min3A_223 = arith.minimumf %add3A_217, %min3A_222 : vector<16xf32>
        %mul3A_224 = arith.constant 2.000000e-01 : f32
        %mul3A_225 = vector.broadcast %mul3A_224 : f32 to vector<16xf32>
        %mul3A_226 = arith.mulf %mul3A_225, %min3A_223 : vector<16xf32>
        %add3A_227 = arith.addf %max3A_220, %mul3A_226 : vector<16xf32>
        %swap3A_228 = arith.index_cast %scan3A_115 : i32 to index
        %swap3A_229 = arith.constant 64 : index
        %swap3A_230 = tpu.vector_load %arg11[%swap3A_228, %swap3A_229] {strides = array<i32>} : memref<80x128xf32, #tpu.memory_space<vmem>>, vector<1x16xf32>,
        %swap3A_231 = vector.shape_cast %swap3A_230 : vector<1x16xf32> to vector<16xf32>
        %swap3A_232 = vector.shape_cast %add3A_227 : vector<16xf32> to vector<1x16xf32>
        tpu.vector_store %arg11[%swap3A_228, %swap3A_229], %swap3A_232 {strides = array<i32>} : memref<80x128xf32, #tpu.memory_space<vmem>>, vector<1x16xf32>,
        %get3A_233 = arith.index_cast %scan3A_115 : i32 to index
        %get3A_234 = arith.constant 80 : index
        %get3A_235 = tpu.vector_load %arg11[%get3A_233, %get3A_234] {strides = array<i32>} : memref<80x128xf32, #tpu.memory_space<vmem>>, vector<1x16xf32>,
        %get3A_236 = vector.shape_cast %get3A_235 : vector<1x16xf32> to vector<16xf32>
        %get3A_237 = arith.index_cast %scan3A_115 : i32 to index
        %get3A_238 = arith.constant 80 : index
        %get3A_239 = tpu.vector_load %arg12[%get3A_237, %get3A_238] {strides = array<i32>} : memref<80x128xf32, #tpu.memory_space<vmem>>, vector<1x16xf32>,
        %get3A_240 = vector.shape_cast %get3A_239 : vector<1x16xf32> to vector<16xf32>
        %add3A_241 = arith.addf %get3A_236, %get3A_240 : vector<16xf32>
        %max3A_242 = arith.constant 0.000000e+00 : f32
        %max3A_243 = vector.broadcast %max3A_242 : f32 to vector<16xf32>
        %max3A_244 = arith.maximumf %add3A_241, %max3A_243 : vector<16xf32>
        %min3A_245 = arith.constant 0.000000e+00 : f32
        %min3A_246 = vector.broadcast %min3A_245 : f32 to vector<16xf32>
        %min3A_247 = arith.minimumf %add3A_241, %min3A_246 : vector<16xf32>
        %mul3A_248 = arith.constant 2.000000e-01 : f32
        %mul3A_249 = vector.broadcast %mul3A_248 : f32 to vector<16xf32>
        %mul3A_250 = arith.mulf %mul3A_249, %min3A_247 : vector<16xf32>
        %add3A_251 = arith.addf %max3A_244, %mul3A_250 : vector<16xf32>
        %swap3A_252 = arith.index_cast %scan3A_115 : i32 to index
        %swap3A_253 = arith.constant 80 : index
        %swap3A_254 = tpu.vector_load %arg11[%swap3A_252, %swap3A_253] {strides = array<i32>} : memref<80x128xf32, #tpu.memory_space<vmem>>, vector<1x16xf32>,
        %swap3A_255 = vector.shape_cast %swap3A_254 : vector<1x16xf32> to vector<16xf32>
        %swap3A_256 = vector.shape_cast %add3A_251 : vector<16xf32> to vector<1x16xf32>
        tpu.vector_store %arg11[%swap3A_252, %swap3A_253], %swap3A_256 {strides = array<i32>} : memref<80x128xf32, #tpu.memory_space<vmem>>, vector<1x16xf32>,
        %get3A_257 = arith.index_cast %scan3A_115 : i32 to index
        %get3A_258 = arith.constant 96 : index
        %get3A_259 = tpu.vector_load %arg11[%get3A_257, %get3A_258] {strides = array<i32>} : memref<80x128xf32, #tpu.memory_space<vmem>>, vector<1x16xf32>,
        %get3A_260 = vector.shape_cast %get3A_259 : vector<1x16xf32> to vector<16xf32>
        %get3A_261 = arith.index_cast %scan3A_115 : i32 to index
        %get3A_262 = arith.constant 96 : index
        %get3A_263 = tpu.vector_load %arg12[%get3A_261, %get3A_262] {strides = array<i32>} : memref<80x128xf32, #tpu.memory_space<vmem>>, vector<1x16xf32>,
        %get3A_264 = vector.shape_cast %get3A_263 : vector<1x16xf32> to vector<16xf32>
        %add3A_265 = arith.addf %get3A_260, %get3A_264 : vector<16xf32>
        %max3A_266 = arith.constant 0.000000e+00 : f32
        %max3A_267 = vector.broadcast %max3A_266 : f32 to vector<16xf32>
        %max3A_268 = arith.maximumf %add3A_265, %max3A_267 : vector<16xf32>
        %min3A_269 = arith.constant 0.000000e+00 : f32
        %min3A_270 = vector.broadcast %min3A_269 : f32 to vector<16xf32>
        %min3A_271 = arith.minimumf %add3A_265, %min3A_270 : vector<16xf32>
        %mul3A_272 = arith.constant 2.000000e-01 : f32
        %mul3A_273 = vector.broadcast %mul3A_272 : f32 to vector<16xf32>
        %mul3A_274 = arith.mulf %mul3A_273, %min3A_271 : vector<16xf32>
        %add3A_275 = arith.addf %max3A_268, %mul3A_274 : vector<16xf32>
        %swap3A_276 = arith.index_cast %scan3A_115 : i32 to index
        %swap3A_277 = arith.constant 96 : index
        %swap3A_278 = tpu.vector_load %arg11[%swap3A_276, %swap3A_277] {strides = array<i32>} : memref<80x128xf32, #tpu.memory_space<vmem>>, vector<1x16xf32>,
        %swap3A_279 = vector.shape_cast %swap3A_278 : vector<1x16xf32> to vector<16xf32>
        %swap3A_280 = vector.shape_cast %add3A_275 : vector<16xf32> to vector<1x16xf32>
        tpu.vector_store %arg11[%swap3A_276, %swap3A_277], %swap3A_280 {strides = array<i32>} : memref<80x128xf32, #tpu.memory_space<vmem>>, vector<1x16xf32>,
        %get3A_281 = arith.index_cast %scan3A_115 : i32 to index
        %get3A_282 = arith.constant 112 : index
        %get3A_283 = tpu.vector_load %arg11[%get3A_281, %get3A_282] {strides = array<i32>} : memref<80x128xf32, #tpu.memory_space<vmem>>, vector<1x16xf32>,
        %get3A_284 = vector.shape_cast %get3A_283 : vector<1x16xf32> to vector<16xf32>
        %get3A_285 = arith.index_cast %scan3A_115 : i32 to index
        %get3A_286 = arith.constant 112 : index
        %get3A_287 = tpu.vector_load %arg12[%get3A_285, %get3A_286] {strides = array<i32>} : memref<80x128xf32, #tpu.memory_space<vmem>>, vector<1x16xf32>,
        %get3A_288 = vector.shape_cast %get3A_287 : vector<1x16xf32> to vector<16xf32>
        %add3A_289 = arith.addf %get3A_284, %get3A_288 : vector<16xf32>
        %max3A_290 = arith.constant 0.000000e+00 : f32
        %max3A_291 = vector.broadcast %max3A_290 : f32 to vector<16xf32>
        %max3A_292 = arith.maximumf %add3A_289, %max3A_291 : vector<16xf32>
        %min3A_293 = arith.constant 0.000000e+00 : f32
        %min3A_294 = vector.broadcast %min3A_293 : f32 to vector<16xf32>
        %min3A_295 = arith.minimumf %add3A_289, %min3A_294 : vector<16xf32>
        %mul3A_296 = arith.constant 2.000000e-01 : f32
        %mul3A_297 = vector.broadcast %mul3A_296 : f32 to vector<16xf32>
        %mul3A_298 = arith.mulf %mul3A_297, %min3A_295 : vector<16xf32>
        %add3A_299 = arith.addf %max3A_292, %mul3A_298 : vector<16xf32>
        %swap3A_300 = arith.index_cast %scan3A_115 : i32 to index
        %swap3A_301 = arith.constant 112 : index
        %swap3A_302 = tpu.vector_load %arg11[%swap3A_300, %swap3A_301] {strides = array<i32>} : memref<80x128xf32, #tpu.memory_space<vmem>>, vector<1x16xf32>,
        %swap3A_303 = vector.shape_cast %swap3A_302 : vector<1x16xf32> to vector<16xf32>
        %swap3A_304 = vector.shape_cast %add3A_299 : vector<16xf32> to vector<1x16xf32>
        tpu.vector_store %arg11[%swap3A_300, %swap3A_301], %swap3A_304 {strides = array<i32>} : memref<80x128xf32, #tpu.memory_space<vmem>>, vector<1x16xf32>,
        %scan3A_305 = arith.constant 0 : i32
        scf.yield %scan3A_305 : i32
      }
      %scan3A_110 = arith.constant 80 : i32
      %mul3A_111 = arith.constant 80 : i32
      %mul3A_112 = arith.muli %add3A_91, %mul3A_111 : i32
      %add3A_113 = arith.addi %mul3A_2, %mul3A_112 : i32
      "tpu.region"() ({
        %run_scoped3A = tpu.sem_alloc : memref<!tpu.dma_semaphore, #tpu.memory_space<semaphore_mem>>
        %dma_start3A_115 = arith.constant 0 : i32
        %dma_start3A_116 = tpu.memref_slice %arg6[%add3A_113, %dma_start3A_115] : memref<320000x128xf32, #tpu.memory_space<hbm>> -> memref<80x128xf32, #tpu.memory_space<hbm>>
        %dma_start3A_117 = arith.constant 0 : i32
        %dma_start3A_118 = tpu.memref_slice %arg6[%add3A_113, %dma_start3A_117] : memref<320000x128xf32, #tpu.memory_space<hbm>> -> memref<80x128xf32, #tpu.memory_space<hbm>>
        tpu.enqueue_dma source(%arg11 : memref<80x128xf32, #tpu.memory_space<vmem>>) target(%dma_start3A_118 : memref<80x128xf32, #tpu.memory_space<hbm>>) target_semaphore(%run_scoped3A : memref<!tpu.dma_semaphore, #tpu.memory_space<semaphore_mem>>)
        %dma_wait3A_119 = arith.constant 0 : i32
        %dma_wait3A_120 = tpu.memref_slice %arg6[%add3A_113, %dma_wait3A_119] : memref<320000x128xf32, #tpu.memory_space<hbm>> -> memref<80x128xf32, #tpu.memory_space<hbm>>
        %dma_wait3A_121 = arith.constant 0 : i32
        %dma_wait3A_122 = tpu.memref_slice %arg6[%add3A_113, %dma_wait3A_121] : memref<320000x128xf32, #tpu.memory_space<hbm>> -> memref<80x128xf32, #tpu.memory_space<hbm>>
        tpu.wait_dma2 semaphore(%run_scoped3A : memref<!tpu.dma_semaphore, #tpu.memory_space<semaphore_mem>>) src(%arg11 : memref<80x128xf32, #tpu.memory_space<vmem>>) dst(%dma_wait3A_122 : memref<80x128xf32, #tpu.memory_space<hbm>>)
        tpu.yield
      }) : () -> ()
      %scan3A_114 = arith.constant 0 : i32
      scf.yield %scan3A_114 : i32
    }
    %scan3A_17 = arith.constant 62 : i32
    %dma_wait3A = arith.constant 9920 : i32
    %dma_wait3A_18 = tpu.memref_slice %arg7[%dma_wait3A] : memref<10000xi32, #tpu.memory_space<vmem>> -> memref<80xi32, #tpu.memory_space<vmem>>
    %dma_wait3A_19 = arith.constant 0 : i32
    %dma_wait3A_20 = arith.constant 0 : i32
    %dma_wait3A_21 = tpu.memref_slice %arg2[%dma_wait3A_19, %dma_wait3A_20] : memref<10000x128xf32, #tpu.memory_space<hbm>> -> memref<10000x128xf32, #tpu.memory_space<hbm>>
    tpu.wait_indirect_dma semaphore(%arg13 : memref<!tpu.dma_semaphore, #tpu.memory_space<semaphore_mem>>) src(%dma_wait3A_21 : memref<10000x128xf32, #tpu.memory_space<hbm>>) dst(%arg9 : memref<80x128xf32, #tpu.memory_space<vmem>>)
    %dma_wait3A_22 = arith.constant 9920 : i32
    %dma_wait3A_23 = tpu.memref_slice %arg8[%dma_wait3A_22] : memref<10000xi32, #tpu.memory_space<vmem>> -> memref<80xi32, #tpu.memory_space<vmem>>
    %dma_wait3A_24 = arith.constant 0 : i32
    %dma_wait3A_25 = arith.constant 0 : i32
    %dma_wait3A_26 = tpu.memref_slice %arg3[%dma_wait3A_24, %dma_wait3A_25] : memref<10000x128xf32, #tpu.memory_space<hbm>> -> memref<10000x128xf32, #tpu.memory_space<hbm>>
    tpu.wait_indirect_dma semaphore(%arg13 : memref<!tpu.dma_semaphore, #tpu.memory_space<semaphore_mem>>) src(%dma_wait3A_26 : memref<10000x128xf32, #tpu.memory_space<hbm>>) dst(%arg10 : memref<80x128xf32, #tpu.memory_space<vmem>>)
    %scan3A_27 = arith.constant 0 : i32
    %scan3A_28 = arith.constant 0 : i32
    %scan3A_29 = arith.constant 80 : i32
    %scan3A_30 = arith.addi %scan3A_28, %scan3A_29 : i32
    %scan3A_31 = arith.constant 1 : i32
    %scan3A_32 = scf.for %scan3A_36 = %scan3A_28 to %scan3A_30 step %scan3A_31 iter_args(%scan3A_37 = %scan3A_27) -> (i32)  : i32 {
      %get3A = arith.index_cast %scan3A_36 : i32 to index
      %get3A_38 = arith.constant 0 : index
      %get3A_39 = tpu.vector_load %arg9[%get3A, %get3A_38] {strides = array<i32>} : memref<80x128xf32, #tpu.memory_space<vmem>>, vector<1x16xf32>,
      %get3A_40 = vector.shape_cast %get3A_39 : vector<1x16xf32> to vector<16xf32>
      %get3A_41 = arith.index_cast %scan3A_36 : i32 to index
      %get3A_42 = arith.constant 0 : index
      %get3A_43 = tpu.vector_load %arg10[%get3A_41, %get3A_42] {strides = array<i32>} : memref<80x128xf32, #tpu.memory_space<vmem>>, vector<1x16xf32>,
      %get3A_44 = vector.shape_cast %get3A_43 : vector<1x16xf32> to vector<16xf32>
      %add3A_45 = arith.addf %get3A_40, %get3A_44 : vector<16xf32>
      %max3A = arith.constant 0.000000e+00 : f32
      %max3A_46 = vector.broadcast %max3A : f32 to vector<16xf32>
      %max3A_47 = arith.maximumf %add3A_45, %max3A_46 : vector<16xf32>
      %min3A = arith.constant 0.000000e+00 : f32
      %min3A_48 = vector.broadcast %min3A : f32 to vector<16xf32>
      %min3A_49 = arith.minimumf %add3A_45, %min3A_48 : vector<16xf32>
      %mul3A_50 = arith.constant 2.000000e-01 : f32
      %mul3A_51 = vector.broadcast %mul3A_50 : f32 to vector<16xf32>
      %mul3A_52 = arith.mulf %mul3A_51, %min3A_49 : vector<16xf32>
      %add3A_53 = arith.addf %max3A_47, %mul3A_52 : vector<16xf32>
      %swap3A = arith.index_cast %scan3A_36 : i32 to index
      %swap3A_54 = arith.constant 0 : index
      %swap3A_55 = tpu.vector_load %arg9[%swap3A, %swap3A_54] {strides = array<i32>} : memref<80x128xf32, #tpu.memory_space<vmem>>, vector<1x16xf32>,
      %swap3A_56 = vector.shape_cast %swap3A_55 : vector<1x16xf32> to vector<16xf32>
      %swap3A_57 = vector.shape_cast %add3A_53 : vector<16xf32> to vector<1x16xf32>
      tpu.vector_store %arg9[%swap3A, %swap3A_54], %swap3A_57 {strides = array<i32>} : memref<80x128xf32, #tpu.memory_space<vmem>>, vector<1x16xf32>,
      %get3A_58 = arith.index_cast %scan3A_36 : i32 to index
      %get3A_59 = arith.constant 16 : index
      %get3A_60 = tpu.vector_load %arg9[%get3A_58, %get3A_59] {strides = array<i32>} : memref<80x128xf32, #tpu.memory_space<vmem>>, vector<1x16xf32>,
      %get3A_61 = vector.shape_cast %get3A_60 : vector<1x16xf32> to vector<16xf32>
      %get3A_62 = arith.index_cast %scan3A_36 : i32 to index
      %get3A_63 = arith.constant 16 : index
      %get3A_64 = tpu.vector_load %arg10[%get3A_62, %get3A_63] {strides = array<i32>} : memref<80x128xf32, #tpu.memory_space<vmem>>, vector<1x16xf32>,
      %get3A_65 = vector.shape_cast %get3A_64 : vector<1x16xf32> to vector<16xf32>
      %add3A_66 = arith.addf %get3A_61, %get3A_65 : vector<16xf32>
      %max3A_67 = arith.constant 0.000000e+00 : f32
      %max3A_68 = vector.broadcast %max3A_67 : f32 to vector<16xf32>
      %max3A_69 = arith.maximumf %add3A_66, %max3A_68 : vector<16xf32>
      %min3A_70 = arith.constant 0.000000e+00 : f32
      %min3A_71 = vector.broadcast %min3A_70 : f32 to vector<16xf32>
      %min3A_72 = arith.minimumf %add3A_66, %min3A_71 : vector<16xf32>
      %mul3A_73 = arith.constant 2.000000e-01 : f32
      %mul3A_74 = vector.broadcast %mul3A_73 : f32 to vector<16xf32>
      %mul3A_75 = arith.mulf %mul3A_74, %min3A_72 : vector<16xf32>
      %add3A_76 = arith.addf %max3A_69, %mul3A_75 : vector<16xf32>
      %swap3A_77 = arith.index_cast %scan3A_36 : i32 to index
      %swap3A_78 = arith.constant 16 : index
      %swap3A_79 = tpu.vector_load %arg9[%swap3A_77, %swap3A_78] {strides = array<i32>} : memref<80x128xf32, #tpu.memory_space<vmem>>, vector<1x16xf32>,
      %swap3A_80 = vector.shape_cast %swap3A_79 : vector<1x16xf32> to vector<16xf32>
      %swap3A_81 = vector.shape_cast %add3A_76 : vector<16xf32> to vector<1x16xf32>
      tpu.vector_store %arg9[%swap3A_77, %swap3A_78], %swap3A_81 {strides = array<i32>} : memref<80x128xf32, #tpu.memory_space<vmem>>, vector<1x16xf32>,
      %get3A_82 = arith.index_cast %scan3A_36 : i32 to index
      %get3A_83 = arith.constant 32 : index
      %get3A_84 = tpu.vector_load %arg9[%get3A_82, %get3A_83] {strides = array<i32>} : memref<80x128xf32, #tpu.memory_space<vmem>>, vector<1x16xf32>,
      %get3A_85 = vector.shape_cast %get3A_84 : vector<1x16xf32> to vector<16xf32>
      %get3A_86 = arith.index_cast %scan3A_36 : i32 to index
      %get3A_87 = arith.constant 32 : index
      %get3A_88 = tpu.vector_load %arg10[%get3A_86, %get3A_87] {strides = array<i32>} : memref<80x128xf32, #tpu.memory_space<vmem>>, vector<1x16xf32>,
      %get3A_89 = vector.shape_cast %get3A_88 : vector<1x16xf32> to vector<16xf32>
      %add3A_90 = arith.addf %get3A_85, %get3A_89 : vector<16xf32>
      %max3A_91 = arith.constant 0.000000e+00 : f32
      %max3A_92 = vector.broadcast %max3A_91 : f32 to vector<16xf32>
      %max3A_93 = arith.maximumf %add3A_90, %max3A_92 : vector<16xf32>
      %min3A_94 = arith.constant 0.000000e+00 : f32
      %min3A_95 = vector.broadcast %min3A_94 : f32 to vector<16xf32>
      %min3A_96 = arith.minimumf %add3A_90, %min3A_95 : vector<16xf32>
      %mul3A_97 = arith.constant 2.000000e-01 : f32
      %mul3A_98 = vector.broadcast %mul3A_97 : f32 to vector<16xf32>
      %mul3A_99 = arith.mulf %mul3A_98, %min3A_96 : vector<16xf32>
      %add3A_100 = arith.addf %max3A_93, %mul3A_99 : vector<16xf32>
      %swap3A_101 = arith.index_cast %scan3A_36 : i32 to index
      %swap3A_102 = arith.constant 32 : index
      %swap3A_103 = tpu.vector_load %arg9[%swap3A_101, %swap3A_102] {strides = array<i32>} : memref<80x128xf32, #tpu.memory_space<vmem>>, vector<1x16xf32>,
      %swap3A_104 = vector.shape_cast %swap3A_103 : vector<1x16xf32> to vector<16xf32>
      %swap3A_105 = vector.shape_cast %add3A_100 : vector<16xf32> to vector<1x16xf32>
      tpu.vector_store %arg9[%swap3A_101, %swap3A_102], %swap3A_105 {strides = array<i32>} : memref<80x128xf32, #tpu.memory_space<vmem>>, vector<1x16xf32>,
      %get3A_106 = arith.index_cast %scan3A_36 : i32 to index
      %get3A_107 = arith.constant 48 : index
      %get3A_108 = tpu.vector_load %arg9[%get3A_106, %get3A_107] {strides = array<i32>} : memref<80x128xf32, #tpu.memory_space<vmem>>, vector<1x16xf32>,
      %get3A_109 = vector.shape_cast %get3A_108 : vector<1x16xf32> to vector<16xf32>
      %get3A_110 = arith.index_cast %scan3A_36 : i32 to index
      %get3A_111 = arith.constant 48 : index
      %get3A_112 = tpu.vector_load %arg10[%get3A_110, %get3A_111] {strides = array<i32>} : memref<80x128xf32, #tpu.memory_space<vmem>>, vector<1x16xf32>,
      %get3A_113 = vector.shape_cast %get3A_112 : vector<1x16xf32> to vector<16xf32>
      %add3A_114 = arith.addf %get3A_109, %get3A_113 : vector<16xf32>
      %max3A_115 = arith.constant 0.000000e+00 : f32
      %max3A_116 = vector.broadcast %max3A_115 : f32 to vector<16xf32>
      %max3A_117 = arith.maximumf %add3A_114, %max3A_116 : vector<16xf32>
      %min3A_118 = arith.constant 0.000000e+00 : f32
      %min3A_119 = vector.broadcast %min3A_118 : f32 to vector<16xf32>
      %min3A_120 = arith.minimumf %add3A_114, %min3A_119 : vector<16xf32>
      %mul3A_121 = arith.constant 2.000000e-01 : f32
      %mul3A_122 = vector.broadcast %mul3A_121 : f32 to vector<16xf32>
      %mul3A_123 = arith.mulf %mul3A_122, %min3A_120 : vector<16xf32>
      %add3A_124 = arith.addf %max3A_117, %mul3A_123 : vector<16xf32>
      %swap3A_125 = arith.index_cast %scan3A_36 : i32 to index
      %swap3A_126 = arith.constant 48 : index
      %swap3A_127 = tpu.vector_load %arg9[%swap3A_125, %swap3A_126] {strides = array<i32>} : memref<80x128xf32, #tpu.memory_space<vmem>>, vector<1x16xf32>,
      %swap3A_128 = vector.shape_cast %swap3A_127 : vector<1x16xf32> to vector<16xf32>
      %swap3A_129 = vector.shape_cast %add3A_124 : vector<16xf32> to vector<1x16xf32>
      tpu.vector_store %arg9[%swap3A_125, %swap3A_126], %swap3A_129 {strides = array<i32>} : memref<80x128xf32, #tpu.memory_space<vmem>>, vector<1x16xf32>,
      %get3A_130 = arith.index_cast %scan3A_36 : i32 to index
      %get3A_131 = arith.constant 64 : index
      %get3A_132 = tpu.vector_load %arg9[%get3A_130, %get3A_131] {strides = array<i32>} : memref<80x128xf32, #tpu.memory_space<vmem>>, vector<1x16xf32>,
      %get3A_133 = vector.shape_cast %get3A_132 : vector<1x16xf32> to vector<16xf32>
      %get3A_134 = arith.index_cast %scan3A_36 : i32 to index
      %get3A_135 = arith.constant 64 : index
      %get3A_136 = tpu.vector_load %arg10[%get3A_134, %get3A_135] {strides = array<i32>} : memref<80x128xf32, #tpu.memory_space<vmem>>, vector<1x16xf32>,
      %get3A_137 = vector.shape_cast %get3A_136 : vector<1x16xf32> to vector<16xf32>
      %add3A_138 = arith.addf %get3A_133, %get3A_137 : vector<16xf32>
      %max3A_139 = arith.constant 0.000000e+00 : f32
      %max3A_140 = vector.broadcast %max3A_139 : f32 to vector<16xf32>
      %max3A_141 = arith.maximumf %add3A_138, %max3A_140 : vector<16xf32>
      %min3A_142 = arith.constant 0.000000e+00 : f32
      %min3A_143 = vector.broadcast %min3A_142 : f32 to vector<16xf32>
      %min3A_144 = arith.minimumf %add3A_138, %min3A_143 : vector<16xf32>
      %mul3A_145 = arith.constant 2.000000e-01 : f32
      %mul3A_146 = vector.broadcast %mul3A_145 : f32 to vector<16xf32>
      %mul3A_147 = arith.mulf %mul3A_146, %min3A_144 : vector<16xf32>
      %add3A_148 = arith.addf %max3A_141, %mul3A_147 : vector<16xf32>
      %swap3A_149 = arith.index_cast %scan3A_36 : i32 to index
      %swap3A_150 = arith.constant 64 : index
      %swap3A_151 = tpu.vector_load %arg9[%swap3A_149, %swap3A_150] {strides = array<i32>} : memref<80x128xf32, #tpu.memory_space<vmem>>, vector<1x16xf32>,
      %swap3A_152 = vector.shape_cast %swap3A_151 : vector<1x16xf32> to vector<16xf32>
      %swap3A_153 = vector.shape_cast %add3A_148 : vector<16xf32> to vector<1x16xf32>
      tpu.vector_store %arg9[%swap3A_149, %swap3A_150], %swap3A_153 {strides = array<i32>} : memref<80x128xf32, #tpu.memory_space<vmem>>, vector<1x16xf32>,
      %get3A_154 = arith.index_cast %scan3A_36 : i32 to index
      %get3A_155 = arith.constant 80 : index
      %get3A_156 = tpu.vector_load %arg9[%get3A_154, %get3A_155] {strides = array<i32>} : memref<80x128xf32, #tpu.memory_space<vmem>>, vector<1x16xf32>,
      %get3A_157 = vector.shape_cast %get3A_156 : vector<1x16xf32> to vector<16xf32>
      %get3A_158 = arith.index_cast %scan3A_36 : i32 to index
      %get3A_159 = arith.constant 80 : index
      %get3A_160 = tpu.vector_load %arg10[%get3A_158, %get3A_159] {strides = array<i32>} : memref<80x128xf32, #tpu.memory_space<vmem>>, vector<1x16xf32>,
      %get3A_161 = vector.shape_cast %get3A_160 : vector<1x16xf32> to vector<16xf32>
      %add3A_162 = arith.addf %get3A_157, %get3A_161 : vector<16xf32>
      %max3A_163 = arith.constant 0.000000e+00 : f32
      %max3A_164 = vector.broadcast %max3A_163 : f32 to vector<16xf32>
      %max3A_165 = arith.maximumf %add3A_162, %max3A_164 : vector<16xf32>
      %min3A_166 = arith.constant 0.000000e+00 : f32
      %min3A_167 = vector.broadcast %min3A_166 : f32 to vector<16xf32>
      %min3A_168 = arith.minimumf %add3A_162, %min3A_167 : vector<16xf32>
      %mul3A_169 = arith.constant 2.000000e-01 : f32
      %mul3A_170 = vector.broadcast %mul3A_169 : f32 to vector<16xf32>
      %mul3A_171 = arith.mulf %mul3A_170, %min3A_168 : vector<16xf32>
      %add3A_172 = arith.addf %max3A_165, %mul3A_171 : vector<16xf32>
      %swap3A_173 = arith.index_cast %scan3A_36 : i32 to index
      %swap3A_174 = arith.constant 80 : index
      %swap3A_175 = tpu.vector_load %arg9[%swap3A_173, %swap3A_174] {strides = array<i32>} : memref<80x128xf32, #tpu.memory_space<vmem>>, vector<1x16xf32>,
      %swap3A_176 = vector.shape_cast %swap3A_175 : vector<1x16xf32> to vector<16xf32>
      %swap3A_177 = vector.shape_cast %add3A_172 : vector<16xf32> to vector<1x16xf32>
      tpu.vector_store %arg9[%swap3A_173, %swap3A_174], %swap3A_177 {strides = array<i32>} : memref<80x128xf32, #tpu.memory_space<vmem>>, vector<1x16xf32>,
      %get3A_178 = arith.index_cast %scan3A_36 : i32 to index
      %get3A_179 = arith.constant 96 : index
      %get3A_180 = tpu.vector_load %arg9[%get3A_178, %get3A_179] {strides = array<i32>} : memref<80x128xf32, #tpu.memory_space<vmem>>, vector<1x16xf32>,
      %get3A_181 = vector.shape_cast %get3A_180 : vector<1x16xf32> to vector<16xf32>
      %get3A_182 = arith.index_cast %scan3A_36 : i32 to index
      %get3A_183 = arith.constant 96 : index
      %get3A_184 = tpu.vector_load %arg10[%get3A_182, %get3A_183] {strides = array<i32>} : memref<80x128xf32, #tpu.memory_space<vmem>>, vector<1x16xf32>,
      %get3A_185 = vector.shape_cast %get3A_184 : vector<1x16xf32> to vector<16xf32>
      %add3A_186 = arith.addf %get3A_181, %get3A_185 : vector<16xf32>
      %max3A_187 = arith.constant 0.000000e+00 : f32
      %max3A_188 = vector.broadcast %max3A_187 : f32 to vector<16xf32>
      %max3A_189 = arith.maximumf %add3A_186, %max3A_188 : vector<16xf32>
      %min3A_190 = arith.constant 0.000000e+00 : f32
      %min3A_191 = vector.broadcast %min3A_190 : f32 to vector<16xf32>
      %min3A_192 = arith.minimumf %add3A_186, %min3A_191 : vector<16xf32>
      %mul3A_193 = arith.constant 2.000000e-01 : f32
      %mul3A_194 = vector.broadcast %mul3A_193 : f32 to vector<16xf32>
      %mul3A_195 = arith.mulf %mul3A_194, %min3A_192 : vector<16xf32>
      %add3A_196 = arith.addf %max3A_189, %mul3A_195 : vector<16xf32>
      %swap3A_197 = arith.index_cast %scan3A_36 : i32 to index
      %swap3A_198 = arith.constant 96 : index
      %swap3A_199 = tpu.vector_load %arg9[%swap3A_197, %swap3A_198] {strides = array<i32>} : memref<80x128xf32, #tpu.memory_space<vmem>>, vector<1x16xf32>,
      %swap3A_200 = vector.shape_cast %swap3A_199 : vector<1x16xf32> to vector<16xf32>
      %swap3A_201 = vector.shape_cast %add3A_196 : vector<16xf32> to vector<1x16xf32>
      tpu.vector_store %arg9[%swap3A_197, %swap3A_198], %swap3A_201 {strides = array<i32>} : memref<80x128xf32, #tpu.memory_space<vmem>>, vector<1x16xf32>,
      %get3A_202 = arith.index_cast %scan3A_36 : i32 to index
      %get3A_203 = arith.constant 112 : index
      %get3A_204 = tpu.vector_load %arg9[%get3A_202, %get3A_203] {strides = array<i32>} : memref<80x128xf32, #tpu.memory_space<vmem>>, vector<1x16xf32>,
      %get3A_205 = vector.shape_cast %get3A_204 : vector<1x16xf32> to vector<16xf32>
      %get3A_206 = arith.index_cast %scan3A_36 : i32 to index
      %get3A_207 = arith.constant 112 : index
      %get3A_208 = tpu.vector_load %arg10[%get3A_206, %get3A_207] {strides = array<i32>} : memref<80x128xf32, #tpu.memory_space<vmem>>, vector<1x16xf32>,
      %get3A_209 = vector.shape_cast %get3A_208 : vector<1x16xf32> to vector<16xf32>
      %add3A_210 = arith.addf %get3A_205, %get3A_209 : vector<16xf32>
      %max3A_211 = arith.constant 0.000000e+00 : f32
      %max3A_212 = vector.broadcast %max3A_211 : f32 to vector<16xf32>
      %max3A_213 = arith.maximumf %add3A_210, %max3A_212 : vector<16xf32>
      %min3A_214 = arith.constant 0.000000e+00 : f32
      %min3A_215 = vector.broadcast %min3A_214 : f32 to vector<16xf32>
      %min3A_216 = arith.minimumf %add3A_210, %min3A_215 : vector<16xf32>
      %mul3A_217 = arith.constant 2.000000e-01 : f32
      %mul3A_218 = vector.broadcast %mul3A_217 : f32 to vector<16xf32>
      %mul3A_219 = arith.mulf %mul3A_218, %min3A_216 : vector<16xf32>
      %add3A_220 = arith.addf %max3A_213, %mul3A_219 : vector<16xf32>
      %swap3A_221 = arith.index_cast %scan3A_36 : i32 to index
      %swap3A_222 = arith.constant 112 : index
      %swap3A_223 = tpu.vector_load %arg9[%swap3A_221, %swap3A_222] {strides = array<i32>} : memref<80x128xf32, #tpu.memory_space<vmem>>, vector<1x16xf32>,
      %swap3A_224 = vector.shape_cast %swap3A_223 : vector<1x16xf32> to vector<16xf32>
      %swap3A_225 = vector.shape_cast %add3A_220 : vector<16xf32> to vector<1x16xf32>
      tpu.vector_store %arg9[%swap3A_221, %swap3A_222], %swap3A_225 {strides = array<i32>} : memref<80x128xf32, #tpu.memory_space<vmem>>, vector<1x16xf32>,
      %scan3A_226 = arith.constant 0 : i32
      scf.yield %scan3A_226 : i32
    }
    %scan3A_33 = arith.constant 80 : i32
    %add3A_34 = arith.constant 9920 : i32
    %add3A_35 = arith.addi %mul3A_2, %add3A_34 : i32
    "tpu.region"() ({
      %run_scoped3A = tpu.sem_alloc : memref<!tpu.dma_semaphore, #tpu.memory_space<semaphore_mem>>
      %dma_start3A_36 = arith.constant 0 : i32
      %dma_start3A_37 = tpu.memref_slice %arg6[%add3A_35, %dma_start3A_36] : memref<320000x128xf32, #tpu.memory_space<hbm>> -> memref<80x128xf32, #tpu.memory_space<hbm>>
      %dma_start3A_38 = arith.constant 0 : i32
      %dma_start3A_39 = tpu.memref_slice %arg6[%add3A_35, %dma_start3A_38] : memref<320000x128xf32, #tpu.memory_space<hbm>> -> memref<80x128xf32, #tpu.memory_space<hbm>>
      tpu.enqueue_dma source(%arg9 : memref<80x128xf32, #tpu.memory_space<vmem>>) target(%dma_start3A_39 : memref<80x128xf32, #tpu.memory_space<hbm>>) target_semaphore(%run_scoped3A : memref<!tpu.dma_semaphore, #tpu.memory_space<semaphore_mem>>)
      %dma_wait3A_40 = arith.constant 0 : i32
      %dma_wait3A_41 = tpu.memref_slice %arg6[%add3A_35, %dma_wait3A_40] : memref<320000x128xf32, #tpu.memory_space<hbm>> -> memref<80x128xf32, #tpu.memory_space<hbm>>
      %dma_wait3A_42 = arith.constant 0 : i32
      %dma_wait3A_43 = tpu.memref_slice %arg6[%add3A_35, %dma_wait3A_42] : memref<320000x128xf32, #tpu.memory_space<hbm>> -> memref<80x128xf32, #tpu.memory_space<hbm>>
      tpu.wait_dma2 semaphore(%run_scoped3A : memref<!tpu.dma_semaphore, #tpu.memory_space<semaphore_mem>>) src(%arg9 : memref<80x128xf32, #tpu.memory_space<vmem>>) dst(%dma_wait3A_43 : memref<80x128xf32, #tpu.memory_space<hbm>>)
      tpu.yield
    }) : () -> ()
    return
  }
}

#map = affine_map<(d0, d1) -> (0, 0)>
#map1 = affine_map<(d0, d1) -> (0)>
#map2 = affine_map<(d0, d1) -> (0, 0, 0)>
module attributes {stable_mosaic.version = 14 : i64} {
  func.func @k(%arg0: i32, %arg1: i32, %arg2: memref<10000x128xf32, #tpu.memory_space<hbm>>, %arg3: memref<320000xi32, #tpu.memory_space<hbm>>, %arg4: memref<320000xi32, #tpu.memory_space<hbm>>, %arg5: memref<320000x128xf32, #tpu.memory_space<hbm>>, %arg6: memref<10000x128xf32, #tpu.memory_space<hbm>>, %arg7: memref<2560000xf32, #tpu.memory_space<hbm>>, %arg8: memref<2x10000x128xf32, #tpu.memory_space<hbm>>, %arg9: memref<40xi32, #tpu.memory_space<vmem>>, %arg10: memref<40xi32, #tpu.memory_space<vmem>>, %arg11: memref<40xi32, #tpu.memory_space<vmem>>, %arg12: memref<40xi32, #tpu.memory_space<vmem>>, %arg13: memref<40x128xf32, #tpu.memory_space<vmem>>, %arg14: memref<40x128xf32, #tpu.memory_space<vmem>>, %arg15: memref<40x128xf32, #tpu.memory_space<vmem>>, %arg16: memref<40x128xf32, #tpu.memory_space<vmem>>, %arg17: memref<40x128xf32, #tpu.memory_space<vmem>>, %arg18: memref<328xf32, #tpu.memory_space<vmem>>, %arg19: memref<40x128xf32, #tpu.memory_space<vmem>>, %arg20: memref<10000x128xf32, #tpu.memory_space<vmem_shared>>, %arg21: memref<!tpu.dma_semaphore, #tpu.memory_space<semaphore_mem>>, %arg22: memref<!tpu.dma_semaphore, #tpu.memory_space<semaphore_mem>>) attributes {dimension_semantics = [#tpu.dimension_semantics<core_parallel>, #tpu.dimension_semantics<subcore_parallel>], iteration_bounds = array<i64: 2, 16>, scalar_prefetch = 0 : i64, scratch_operands = 14 : i64, tpu.core_type = #tpu.core_type<sc_vector_subcore>, window_params = [{transform_indices = #map}, {transform_indices = #map1}, {transform_indices = #map1}, {transform_indices = #map}, {transform_indices = #map}, {transform_indices = #map1}, {transform_indices = #map2}]} {
    %mul3A = arith.constant 16 : i32
    %mul3A_0 = arith.muli %arg0, %mul3A : i32
    %add3A = arith.addi %mul3A_0, %arg1 : i32
    %mul3A_1 = arith.constant 10000 : i32
    %mul3A_2 = arith.muli %add3A, %mul3A_1 : i32
    %scan3A = arith.constant 0 : i32
    %scan3A_3 = arith.constant 0 : i32
    %scan3A_4 = arith.constant 24 : i32
    %scan3A_5 = arith.addi %scan3A_3, %scan3A_4 : i32
    %scan3A_6 = arith.constant 1 : i32
    %scan3A_7 = scf.for %scan3A_45 = %scan3A_3 to %scan3A_5 step %scan3A_6 iter_args(%scan3A_46 = %scan3A) -> (i32)  : i32 {
      %broadcast_in_dim3A = arith.constant 0.000000e+00 : f32
      %broadcast_in_dim3A_47 = vector.broadcast %broadcast_in_dim3A : f32 to vector<16xf32>
      %swap3A = arith.index_cast %scan3A_45 : i32 to index
      %swap3A_48 = arith.constant 0 : index
      %swap3A_49 = tpu.vector_load %arg19[%swap3A, %swap3A_48] {strides = array<i32>} : memref<40x128xf32, #tpu.memory_space<vmem>>, vector<1x16xf32>,
      %swap3A_50 = vector.shape_cast %swap3A_49 : vector<1x16xf32> to vector<16xf32>
      %swap3A_51 = vector.shape_cast %broadcast_in_dim3A_47 : vector<16xf32> to vector<1x16xf32>
      tpu.vector_store %arg19[%swap3A, %swap3A_48], %swap3A_51 {strides = array<i32>} : memref<40x128xf32, #tpu.memory_space<vmem>>, vector<1x16xf32>,
      %broadcast_in_dim3A_52 = arith.constant 0.000000e+00 : f32
      %broadcast_in_dim3A_53 = vector.broadcast %broadcast_in_dim3A_52 : f32 to vector<16xf32>
      %swap3A_54 = arith.index_cast %scan3A_45 : i32 to index
      %swap3A_55 = arith.constant 16 : index
      %swap3A_56 = tpu.vector_load %arg19[%swap3A_54, %swap3A_55] {strides = array<i32>} : memref<40x128xf32, #tpu.memory_space<vmem>>, vector<1x16xf32>,
      %swap3A_57 = vector.shape_cast %swap3A_56 : vector<1x16xf32> to vector<16xf32>
      %swap3A_58 = vector.shape_cast %broadcast_in_dim3A_53 : vector<16xf32> to vector<1x16xf32>
      tpu.vector_store %arg19[%swap3A_54, %swap3A_55], %swap3A_58 {strides = array<i32>} : memref<40x128xf32, #tpu.memory_space<vmem>>, vector<1x16xf32>,
      %broadcast_in_dim3A_59 = arith.constant 0.000000e+00 : f32
      %broadcast_in_dim3A_60 = vector.broadcast %broadcast_in_dim3A_59 : f32 to vector<16xf32>
      %swap3A_61 = arith.index_cast %scan3A_45 : i32 to index
      %swap3A_62 = arith.constant 32 : index
      %swap3A_63 = tpu.vector_load %arg19[%swap3A_61, %swap3A_62] {strides = array<i32>} : memref<40x128xf32, #tpu.memory_space<vmem>>, vector<1x16xf32>,
      %swap3A_64 = vector.shape_cast %swap3A_63 : vector<1x16xf32> to vector<16xf32>
      %swap3A_65 = vector.shape_cast %broadcast_in_dim3A_60 : vector<16xf32> to vector<1x16xf32>
      tpu.vector_store %arg19[%swap3A_61, %swap3A_62], %swap3A_65 {strides = array<i32>} : memref<40x128xf32, #tpu.memory_space<vmem>>, vector<1x16xf32>,
      %broadcast_in_dim3A_66 = arith.constant 0.000000e+00 : f32
      %broadcast_in_dim3A_67 = vector.broadcast %broadcast_in_dim3A_66 : f32 to vector<16xf32>
      %swap3A_68 = arith.index_cast %scan3A_45 : i32 to index
      %swap3A_69 = arith.constant 48 : index
      %swap3A_70 = tpu.vector_load %arg19[%swap3A_68, %swap3A_69] {strides = array<i32>} : memref<40x128xf32, #tpu.memory_space<vmem>>, vector<1x16xf32>,
      %swap3A_71 = vector.shape_cast %swap3A_70 : vector<1x16xf32> to vector<16xf32>
      %swap3A_72 = vector.shape_cast %broadcast_in_dim3A_67 : vector<16xf32> to vector<1x16xf32>
      tpu.vector_store %arg19[%swap3A_68, %swap3A_69], %swap3A_72 {strides = array<i32>} : memref<40x128xf32, #tpu.memory_space<vmem>>, vector<1x16xf32>,
      %broadcast_in_dim3A_73 = arith.constant 0.000000e+00 : f32
      %broadcast_in_dim3A_74 = vector.broadcast %broadcast_in_dim3A_73 : f32 to vector<16xf32>
      %swap3A_75 = arith.index_cast %scan3A_45 : i32 to index
      %swap3A_76 = arith.constant 64 : index
      %swap3A_77 = tpu.vector_load %arg19[%swap3A_75, %swap3A_76] {strides = array<i32>} : memref<40x128xf32, #tpu.memory_space<vmem>>, vector<1x16xf32>,
      %swap3A_78 = vector.shape_cast %swap3A_77 : vector<1x16xf32> to vector<16xf32>
      %swap3A_79 = vector.shape_cast %broadcast_in_dim3A_74 : vector<16xf32> to vector<1x16xf32>
      tpu.vector_store %arg19[%swap3A_75, %swap3A_76], %swap3A_79 {strides = array<i32>} : memref<40x128xf32, #tpu.memory_space<vmem>>, vector<1x16xf32>,
      %broadcast_in_dim3A_80 = arith.constant 0.000000e+00 : f32
      %broadcast_in_dim3A_81 = vector.broadcast %broadcast_in_dim3A_80 : f32 to vector<16xf32>
      %swap3A_82 = arith.index_cast %scan3A_45 : i32 to index
      %swap3A_83 = arith.constant 80 : index
      %swap3A_84 = tpu.vector_load %arg19[%swap3A_82, %swap3A_83] {strides = array<i32>} : memref<40x128xf32, #tpu.memory_space<vmem>>, vector<1x16xf32>,
      %swap3A_85 = vector.shape_cast %swap3A_84 : vector<1x16xf32> to vector<16xf32>
      %swap3A_86 = vector.shape_cast %broadcast_in_dim3A_81 : vector<16xf32> to vector<1x16xf32>
      tpu.vector_store %arg19[%swap3A_82, %swap3A_83], %swap3A_86 {strides = array<i32>} : memref<40x128xf32, #tpu.memory_space<vmem>>, vector<1x16xf32>,
      %broadcast_in_dim3A_87 = arith.constant 0.000000e+00 : f32
      %broadcast_in_dim3A_88 = vector.broadcast %broadcast_in_dim3A_87 : f32 to vector<16xf32>
      %swap3A_89 = arith.index_cast %scan3A_45 : i32 to index
      %swap3A_90 = arith.constant 96 : index
      %swap3A_91 = tpu.vector_load %arg19[%swap3A_89, %swap3A_90] {strides = array<i32>} : memref<40x128xf32, #tpu.memory_space<vmem>>, vector<1x16xf32>,
      %swap3A_92 = vector.shape_cast %swap3A_91 : vector<1x16xf32> to vector<16xf32>
      %swap3A_93 = vector.shape_cast %broadcast_in_dim3A_88 : vector<16xf32> to vector<1x16xf32>
      tpu.vector_store %arg19[%swap3A_89, %swap3A_90], %swap3A_93 {strides = array<i32>} : memref<40x128xf32, #tpu.memory_space<vmem>>, vector<1x16xf32>,
      %broadcast_in_dim3A_94 = arith.constant 0.000000e+00 : f32
      %broadcast_in_dim3A_95 = vector.broadcast %broadcast_in_dim3A_94 : f32 to vector<16xf32>
      %swap3A_96 = arith.index_cast %scan3A_45 : i32 to index
      %swap3A_97 = arith.constant 112 : index
      %swap3A_98 = tpu.vector_load %arg19[%swap3A_96, %swap3A_97] {strides = array<i32>} : memref<40x128xf32, #tpu.memory_space<vmem>>, vector<1x16xf32>,
      %swap3A_99 = vector.shape_cast %swap3A_98 : vector<1x16xf32> to vector<16xf32>
      %swap3A_100 = vector.shape_cast %broadcast_in_dim3A_95 : vector<16xf32> to vector<1x16xf32>
      tpu.vector_store %arg19[%swap3A_96, %swap3A_97], %swap3A_100 {strides = array<i32>} : memref<40x128xf32, #tpu.memory_space<vmem>>, vector<1x16xf32>,
      %scan3A_101 = arith.constant 0 : i32
      scf.yield %scan3A_101 : i32
    }
    %scan3A_8 = arith.constant 24 : i32
    %scan3A_9 = arith.constant 0 : i32
    %scan3A_10 = arith.constant 0 : i32
    %scan3A_11 = arith.constant 26 : i32
    %scan3A_12 = arith.addi %scan3A_10, %scan3A_11 : i32
    %scan3A_13 = arith.constant 1 : i32
    %scan3A_14 = scf.for %scan3A_45 = %scan3A_10 to %scan3A_12 step %scan3A_13 iter_args(%scan3A_46 = %scan3A_9) -> (i32)  : i32 {
      %mul3A_47 = arith.constant 624 : i32
      %mul3A_48 = arith.muli %arg1, %mul3A_47 : i32
      %mul3A_49 = arith.constant 24 : i32
      %mul3A_50 = arith.muli %scan3A_45, %mul3A_49 : i32
      %add3A_51 = arith.addi %mul3A_48, %mul3A_50 : i32
      "tpu.region"() ({
        %run_scoped3A = tpu.sem_alloc : memref<!tpu.dma_semaphore, #tpu.memory_space<semaphore_mem>>
        %dma_start3A_53 = arith.constant 0 : i32
        %dma_start3A_54 = arith.constant 0 : i32
        %dma_start3A_55 = tpu.memref_slice %arg19[%dma_start3A_53, %dma_start3A_54] : memref<40x128xf32, #tpu.memory_space<vmem>> -> memref<24x128xf32, #tpu.memory_space<vmem>>
        %dma_start3A_56 = arith.constant 0 : i32
        %dma_start3A_57 = tpu.memref_slice %arg20[%add3A_51, %dma_start3A_56] : memref<10000x128xf32, #tpu.memory_space<vmem_shared>> -> memref<24x128xf32, #tpu.memory_space<vmem_shared>>
        %dma_start3A_58 = arith.constant 0 : i32
        %dma_start3A_59 = tpu.memref_slice %arg20[%add3A_51, %dma_start3A_58] : memref<10000x128xf32, #tpu.memory_space<vmem_shared>> -> memref<24x128xf32, #tpu.memory_space<vmem_shared>>
        %dma_start3A_60 = arith.constant 0 : i32
        %dma_start3A_61 = arith.constant 0 : i32
        %dma_start3A_62 = tpu.memref_slice %arg19[%dma_start3A_60, %dma_start3A_61] : memref<40x128xf32, #tpu.memory_space<vmem>> -> memref<24x128xf32, #tpu.memory_space<vmem>>
        tpu.enqueue_dma source(%dma_start3A_62 : memref<24x128xf32, #tpu.memory_space<vmem>>) target(%dma_start3A_59 : memref<24x128xf32, #tpu.memory_space<vmem_shared>>) target_semaphore(%run_scoped3A : memref<!tpu.dma_semaphore, #tpu.memory_space<semaphore_mem>>)
        %dma_wait3A = arith.constant 0 : i32
        %dma_wait3A_63 = arith.constant 0 : i32
        %dma_wait3A_64 = tpu.memref_slice %arg19[%dma_wait3A, %dma_wait3A_63] : memref<40x128xf32, #tpu.memory_space<vmem>> -> memref<24x128xf32, #tpu.memory_space<vmem>>
        %dma_wait3A_65 = arith.constant 0 : i32
        %dma_wait3A_66 = tpu.memref_slice %arg20[%add3A_51, %dma_wait3A_65] : memref<10000x128xf32, #tpu.memory_space<vmem_shared>> -> memref<24x128xf32, #tpu.memory_space<vmem_shared>>
        %dma_wait3A_67 = arith.constant 0 : i32
        %dma_wait3A_68 = tpu.memref_slice %arg20[%add3A_51, %dma_wait3A_67] : memref<10000x128xf32, #tpu.memory_space<vmem_shared>> -> memref<24x128xf32, #tpu.memory_space<vmem_shared>>
        %dma_wait3A_69 = arith.constant 0 : i32
        %dma_wait3A_70 = arith.constant 0 : i32
        %dma_wait3A_71 = tpu.memref_slice %arg19[%dma_wait3A_69, %dma_wait3A_70] : memref<40x128xf32, #tpu.memory_space<vmem>> -> memref<24x128xf32, #tpu.memory_space<vmem>>
        tpu.wait_dma2 semaphore(%run_scoped3A : memref<!tpu.dma_semaphore, #tpu.memory_space<semaphore_mem>>) src(%dma_wait3A_71 : memref<24x128xf32, #tpu.memory_space<vmem>>) dst(%dma_wait3A_68 : memref<24x128xf32, #tpu.memory_space<vmem_shared>>)
        tpu.yield
      }) : () -> ()
      %scan3A_52 = arith.constant 0 : i32
      scf.yield %scan3A_52 : i32
    }
    %scan3A_15 = arith.constant 26 : i32
    %eq3A = arith.constant 0 : i32
    %eq3A_16 = arith.cmpi eq, %arg1, %eq3A : i32
    %convert_element_type3A = arith.extui %eq3A_16 : i1 to i32
    %cond3A = arith.constant 0 : i32
    %cond3A_17 = arith.cmpi ne, %convert_element_type3A, %cond3A : i32
    scf.if %cond3A_17 {
      "tpu.region"() ({
        %run_scoped3A = tpu.sem_alloc : memref<!tpu.dma_semaphore, #tpu.memory_space<semaphore_mem>>
        %dma_start3A_45 = arith.constant 0 : i32
        %dma_start3A_46 = arith.constant 0 : i32
        %dma_start3A_47 = tpu.memref_slice %arg19[%dma_start3A_45, %dma_start3A_46] : memref<40x128xf32, #tpu.memory_space<vmem>> -> memref<16x128xf32, #tpu.memory_space<vmem>>
        %dma_start3A_48 = arith.constant 9984 : i32
        %dma_start3A_49 = arith.constant 0 : i32
        %dma_start3A_50 = tpu.memref_slice %arg20[%dma_start3A_48, %dma_start3A_49] : memref<10000x128xf32, #tpu.memory_space<vmem_shared>> -> memref<16x128xf32, #tpu.memory_space<vmem_shared>>
        %dma_start3A_51 = arith.constant 9984 : i32
        %dma_start3A_52 = arith.constant 0 : i32
        %dma_start3A_53 = tpu.memref_slice %arg20[%dma_start3A_51, %dma_start3A_52] : memref<10000x128xf32, #tpu.memory_space<vmem_shared>> -> memref<16x128xf32, #tpu.memory_space<vmem_shared>>
        %dma_start3A_54 = arith.constant 0 : i32
        %dma_start3A_55 = arith.constant 0 : i32
        %dma_start3A_56 = tpu.memref_slice %arg19[%dma_start3A_54, %dma_start3A_55] : memref<40x128xf32, #tpu.memory_space<vmem>> -> memref<16x128xf32, #tpu.memory_space<vmem>>
        tpu.enqueue_dma source(%dma_start3A_56 : memref<16x128xf32, #tpu.memory_space<vmem>>) target(%dma_start3A_53 : memref<16x128xf32, #tpu.memory_space<vmem_shared>>) target_semaphore(%run_scoped3A : memref<!tpu.dma_semaphore, #tpu.memory_space<semaphore_mem>>)
        %dma_wait3A = arith.constant 0 : i32
        %dma_wait3A_57 = arith.constant 0 : i32
        %dma_wait3A_58 = tpu.memref_slice %arg19[%dma_wait3A, %dma_wait3A_57] : memref<40x128xf32, #tpu.memory_space<vmem>> -> memref<16x128xf32, #tpu.memory_space<vmem>>
        %dma_wait3A_59 = arith.constant 9984 : i32
        %dma_wait3A_60 = arith.constant 0 : i32
        %dma_wait3A_61 = tpu.memref_slice %arg20[%dma_wait3A_59, %dma_wait3A_60] : memref<10000x128xf32, #tpu.memory_space<vmem_shared>> -> memref<16x128xf32, #tpu.memory_space<vmem_shared>>
        %dma_wait3A_62 = arith.constant 9984 : i32
        %dma_wait3A_63 = arith.constant 0 : i32
        %dma_wait3A_64 = tpu.memref_slice %arg20[%dma_wait3A_62, %dma_wait3A_63] : memref<10000x128xf32, #tpu.memory_space<vmem_shared>> -> memref<16x128xf32, #tpu.memory_space<vmem_shared>>
        %dma_wait3A_65 = arith.constant 0 : i32
        %dma_wait3A_66 = arith.constant 0 : i32
        %dma_wait3A_67 = tpu.memref_slice %arg19[%dma_wait3A_65, %dma_wait3A_66] : memref<40x128xf32, #tpu.memory_space<vmem>> -> memref<16x128xf32, #tpu.memory_space<vmem>>
        tpu.wait_dma2 semaphore(%run_scoped3A : memref<!tpu.dma_semaphore, #tpu.memory_space<semaphore_mem>>) src(%dma_wait3A_67 : memref<16x128xf32, #tpu.memory_space<vmem>>) dst(%dma_wait3A_64 : memref<16x128xf32, #tpu.memory_space<vmem_shared>>)
        tpu.yield
      }) : () -> ()
    } else {
    }
    %barrier3A = arith.constant 0 : index
    tpu.barrier barrier_id(%barrier3A)
    %add3A_18 = arith.constant 0 : i32
    %add3A_19 = arith.addi %mul3A_2, %add3A_18 : i32
    "tpu.region"() ({
      %run_scoped3A = tpu.sem_alloc : memref<!tpu.dma_semaphore, #tpu.memory_space<semaphore_mem>>
      %dma_start3A_45 = tpu.memref_slice %arg3[%add3A_19] : memref<320000xi32, #tpu.memory_space<hbm>> -> memref<40xi32, #tpu.memory_space<hbm>>
      %dma_start3A_46 = tpu.memref_slice %arg3[%add3A_19] : memref<320000xi32, #tpu.memory_space<hbm>> -> memref<40xi32, #tpu.memory_space<hbm>>
      tpu.enqueue_dma source(%dma_start3A_46 : memref<40xi32, #tpu.memory_space<hbm>>) target(%arg9 : memref<40xi32, #tpu.memory_space<vmem>>) target_semaphore(%run_scoped3A : memref<!tpu.dma_semaphore, #tpu.memory_space<semaphore_mem>>)
      %dma_wait3A = tpu.memref_slice %arg3[%add3A_19] : memref<320000xi32, #tpu.memory_space<hbm>> -> memref<40xi32, #tpu.memory_space<hbm>>
      %dma_wait3A_47 = tpu.memref_slice %arg3[%add3A_19] : memref<320000xi32, #tpu.memory_space<hbm>> -> memref<40xi32, #tpu.memory_space<hbm>>
      tpu.wait_dma2 semaphore(%run_scoped3A : memref<!tpu.dma_semaphore, #tpu.memory_space<semaphore_mem>>) src(%dma_wait3A_47 : memref<40xi32, #tpu.memory_space<hbm>>) dst(%arg9 : memref<40xi32, #tpu.memory_space<vmem>>)
      tpu.yield
    }) : () -> ()
    "tpu.region"() ({
      %run_scoped3A = tpu.sem_alloc : memref<!tpu.dma_semaphore, #tpu.memory_space<semaphore_mem>>
      %dma_start3A_45 = tpu.memref_slice %arg4[%add3A_19] : memref<320000xi32, #tpu.memory_space<hbm>> -> memref<40xi32, #tpu.memory_space<hbm>>
      %dma_start3A_46 = tpu.memref_slice %arg4[%add3A_19] : memref<320000xi32, #tpu.memory_space<hbm>> -> memref<40xi32, #tpu.memory_space<hbm>>
      tpu.enqueue_dma source(%dma_start3A_46 : memref<40xi32, #tpu.memory_space<hbm>>) target(%arg10 : memref<40xi32, #tpu.memory_space<vmem>>) target_semaphore(%run_scoped3A : memref<!tpu.dma_semaphore, #tpu.memory_space<semaphore_mem>>)
      %dma_wait3A = tpu.memref_slice %arg4[%add3A_19] : memref<320000xi32, #tpu.memory_space<hbm>> -> memref<40xi32, #tpu.memory_space<hbm>>
      %dma_wait3A_47 = tpu.memref_slice %arg4[%add3A_19] : memref<320000xi32, #tpu.memory_space<hbm>> -> memref<40xi32, #tpu.memory_space<hbm>>
      tpu.wait_dma2 semaphore(%run_scoped3A : memref<!tpu.dma_semaphore, #tpu.memory_space<semaphore_mem>>) src(%dma_wait3A_47 : memref<40xi32, #tpu.memory_space<hbm>>) dst(%arg10 : memref<40xi32, #tpu.memory_space<vmem>>)
      tpu.yield
    }) : () -> ()
    %dma_start3A = arith.constant 0 : i32
    %dma_start3A_20 = arith.constant 0 : i32
    %dma_start3A_21 = tpu.memref_slice %arg2[%dma_start3A, %dma_start3A_20] : memref<10000x128xf32, #tpu.memory_space<hbm>> -> memref<10000x128xf32, #tpu.memory_space<hbm>>
    tpu.enqueue_indirect_dma source(%dma_start3A_21 : memref<10000x128xf32, #tpu.memory_space<hbm>>) target(%arg13 : memref<40x128xf32, #tpu.memory_space<vmem>>) offsets(%arg9 : memref<40xi32, #tpu.memory_space<vmem>>) semaphore(%arg21 : memref<!tpu.dma_semaphore, #tpu.memory_space<semaphore_mem>>)
    %dma_start3A_22 = arith.constant 0 : i32
    %dma_start3A_23 = arith.constant 0 : i32
    %dma_start3A_24 = tpu.memref_slice %arg6[%dma_start3A_22, %dma_start3A_23] : memref<10000x128xf32, #tpu.memory_space<hbm>> -> memref<10000x128xf32, #tpu.memory_space<hbm>>
    tpu.enqueue_indirect_dma source(%dma_start3A_24 : memref<10000x128xf32, #tpu.memory_space<hbm>>) target(%arg15 : memref<40x128xf32, #tpu.memory_space<vmem>>) offsets(%arg10 : memref<40xi32, #tpu.memory_space<vmem>>) semaphore(%arg21 : memref<!tpu.dma_semaphore, #tpu.memory_space<semaphore_mem>>)
    %scan3A_25 = arith.constant 0 : i32
    %scan3A_26 = arith.constant 0 : i32
    %scan3A_27 = arith.constant 125 : i32
    %scan3A_28 = arith.addi %scan3A_26, %scan3A_27 : i32
    %scan3A_29 = arith.constant 1 : i32
    %scan3A_30 = scf.for %scan3A_45 = %scan3A_26 to %scan3A_28 step %scan3A_29 iter_args(%scan3A_46 = %scan3A_25) -> (i32)  : i32 {
      %mul3A_47 = arith.constant 2 : i32
      %mul3A_48 = arith.muli %scan3A_45, %mul3A_47 : i32
      %add3A_49 = arith.constant 1 : i32
      %add3A_50 = arith.addi %mul3A_48, %add3A_49 : i32
      %mul3A_51 = arith.constant 40 : i32
      %mul3A_52 = arith.muli %add3A_50, %mul3A_51 : i32
      %add3A_53 = arith.addi %mul3A_2, %mul3A_52 : i32
      "tpu.region"() ({
        %run_scoped3A = tpu.sem_alloc : memref<!tpu.dma_semaphore, #tpu.memory_space<semaphore_mem>>
        %dma_start3A_120 = tpu.memref_slice %arg3[%add3A_53] : memref<320000xi32, #tpu.memory_space<hbm>> -> memref<40xi32, #tpu.memory_space<hbm>>
        %dma_start3A_121 = tpu.memref_slice %arg3[%add3A_53] : memref<320000xi32, #tpu.memory_space<hbm>> -> memref<40xi32, #tpu.memory_space<hbm>>
        tpu.enqueue_dma source(%dma_start3A_121 : memref<40xi32, #tpu.memory_space<hbm>>) target(%arg11 : memref<40xi32, #tpu.memory_space<vmem>>) target_semaphore(%run_scoped3A : memref<!tpu.dma_semaphore, #tpu.memory_space<semaphore_mem>>)
        %dma_wait3A_122 = tpu.memref_slice %arg3[%add3A_53] : memref<320000xi32, #tpu.memory_space<hbm>> -> memref<40xi32, #tpu.memory_space<hbm>>
        %dma_wait3A_123 = tpu.memref_slice %arg3[%add3A_53] : memref<320000xi32, #tpu.memory_space<hbm>> -> memref<40xi32, #tpu.memory_space<hbm>>
        tpu.wait_dma2 semaphore(%run_scoped3A : memref<!tpu.dma_semaphore, #tpu.memory_space<semaphore_mem>>) src(%dma_wait3A_123 : memref<40xi32, #tpu.memory_space<hbm>>) dst(%arg11 : memref<40xi32, #tpu.memory_space<vmem>>)
        tpu.yield
      }) : () -> ()
      "tpu.region"() ({
        %run_scoped3A = tpu.sem_alloc : memref<!tpu.dma_semaphore, #tpu.memory_space<semaphore_mem>>
        %dma_start3A_120 = tpu.memref_slice %arg4[%add3A_53] : memref<320000xi32, #tpu.memory_space<hbm>> -> memref<40xi32, #tpu.memory_space<hbm>>
        %dma_start3A_121 = tpu.memref_slice %arg4[%add3A_53] : memref<320000xi32, #tpu.memory_space<hbm>> -> memref<40xi32, #tpu.memory_space<hbm>>
        tpu.enqueue_dma source(%dma_start3A_121 : memref<40xi32, #tpu.memory_space<hbm>>) target(%arg12 : memref<40xi32, #tpu.memory_space<vmem>>) target_semaphore(%run_scoped3A : memref<!tpu.dma_semaphore, #tpu.memory_space<semaphore_mem>>)
        %dma_wait3A_122 = tpu.memref_slice %arg4[%add3A_53] : memref<320000xi32, #tpu.memory_space<hbm>> -> memref<40xi32, #tpu.memory_space<hbm>>
        %dma_wait3A_123 = tpu.memref_slice %arg4[%add3A_53] : memref<320000xi32, #tpu.memory_space<hbm>> -> memref<40xi32, #tpu.memory_space<hbm>>
        tpu.wait_dma2 semaphore(%run_scoped3A : memref<!tpu.dma_semaphore, #tpu.memory_space<semaphore_mem>>) src(%dma_wait3A_123 : memref<40xi32, #tpu.memory_space<hbm>>) dst(%arg12 : memref<40xi32, #tpu.memory_space<vmem>>)
        tpu.yield
      }) : () -> ()
      %dma_start3A_54 = arith.constant 0 : i32
      %dma_start3A_55 = arith.constant 0 : i32
      %dma_start3A_56 = tpu.memref_slice %arg2[%dma_start3A_54, %dma_start3A_55] : memref<10000x128xf32, #tpu.memory_space<hbm>> -> memref<10000x128xf32, #tpu.memory_space<hbm>>
      tpu.enqueue_indirect_dma source(%dma_start3A_56 : memref<10000x128xf32, #tpu.memory_space<hbm>>) target(%arg14 : memref<40x128xf32, #tpu.memory_space<vmem>>) offsets(%arg11 : memref<40xi32, #tpu.memory_space<vmem>>) semaphore(%arg22 : memref<!tpu.dma_semaphore, #tpu.memory_space<semaphore_mem>>)
      %dma_start3A_57 = arith.constant 0 : i32
      %dma_start3A_58 = arith.constant 0 : i32
      %dma_start3A_59 = tpu.memref_slice %arg6[%dma_start3A_57, %dma_start3A_58] : memref<10000x128xf32, #tpu.memory_space<hbm>> -> memref<10000x128xf32, #tpu.memory_space<hbm>>
      tpu.enqueue_indirect_dma source(%dma_start3A_59 : memref<10000x128xf32, #tpu.memory_space<hbm>>) target(%arg16 : memref<40x128xf32, #tpu.memory_space<vmem>>) offsets(%arg12 : memref<40xi32, #tpu.memory_space<vmem>>) semaphore(%arg22 : memref<!tpu.dma_semaphore, #tpu.memory_space<semaphore_mem>>)
      %mul3A_60 = arith.constant 40 : i32
      %mul3A_61 = arith.muli %mul3A_48, %mul3A_60 : i32
      %add3A_62 = arith.addi %mul3A_2, %mul3A_61 : i32
      %dma_start3A_63 = arith.constant 0 : i32
      %dma_start3A_64 = tpu.memref_slice %arg5[%add3A_62, %dma_start3A_63] : memref<320000x128xf32, #tpu.memory_space<hbm>> -> memref<40x128xf32, #tpu.memory_space<hbm>>
      %dma_start3A_65 = arith.constant 0 : i32
      %dma_start3A_66 = tpu.memref_slice %arg5[%add3A_62, %dma_start3A_65] : memref<320000x128xf32, #tpu.memory_space<hbm>> -> memref<40x128xf32, #tpu.memory_space<hbm>>
      tpu.enqueue_dma source(%dma_start3A_66 : memref<40x128xf32, #tpu.memory_space<hbm>>) target(%arg17 : memref<40x128xf32, #tpu.memory_space<vmem>>) target_semaphore(%arg21 : memref<!tpu.dma_semaphore, #tpu.memory_space<semaphore_mem>>)
      %dma_wait3A = arith.constant 0 : i32
      %dma_wait3A_67 = arith.constant 0 : i32
      %dma_wait3A_68 = tpu.memref_slice %arg2[%dma_wait3A, %dma_wait3A_67] : memref<10000x128xf32, #tpu.memory_space<hbm>> -> memref<10000x128xf32, #tpu.memory_space<hbm>>
      tpu.wait_indirect_dma semaphore(%arg21 : memref<!tpu.dma_semaphore, #tpu.memory_space<semaphore_mem>>) src(%dma_wait3A_68 : memref<10000x128xf32, #tpu.memory_space<hbm>>) dst(%arg13 : memref<40x128xf32, #tpu.memory_space<vmem>>)
      %dma_wait3A_69 = arith.constant 0 : i32
      %dma_wait3A_70 = arith.constant 0 : i32
      %dma_wait3A_71 = tpu.memref_slice %arg6[%dma_wait3A_69, %dma_wait3A_70] : memref<10000x128xf32, #tpu.memory_space<hbm>> -> memref<10000x128xf32, #tpu.memory_space<hbm>>
      tpu.wait_indirect_dma semaphore(%arg21 : memref<!tpu.dma_semaphore, #tpu.memory_space<semaphore_mem>>) src(%dma_wait3A_71 : memref<10000x128xf32, #tpu.memory_space<hbm>>) dst(%arg15 : memref<40x128xf32, #tpu.memory_space<vmem>>)
      %dma_wait3A_72 = arith.constant 0 : i32
      %dma_wait3A_73 = tpu.memref_slice %arg5[%add3A_62, %dma_wait3A_72] : memref<320000x128xf32, #tpu.memory_space<hbm>> -> memref<40x128xf32, #tpu.memory_space<hbm>>
      %dma_wait3A_74 = arith.constant 0 : i32
      %dma_wait3A_75 = tpu.memref_slice %arg5[%add3A_62, %dma_wait3A_74] : memref<320000x128xf32, #tpu.memory_space<hbm>> -> memref<40x128xf32, #tpu.memory_space<hbm>>
      tpu.wait_dma2 semaphore(%arg21 : memref<!tpu.dma_semaphore, #tpu.memory_space<semaphore_mem>>) src(%dma_wait3A_75 : memref<40x128xf32, #tpu.memory_space<hbm>>) dst(%arg17 : memref<40x128xf32, #tpu.memory_space<vmem>>)
      %scan3A_76 = arith.constant 0 : i32
      %scan3A_77 = arith.constant 0 : i32
      %scan3A_78 = arith.constant 40 : i32
      %scan3A_79 = arith.addi %scan3A_77, %scan3A_78 : i32
      %scan3A_80 = arith.constant 1 : i32
      %scan3A_81 = scf.for %scan3A_120 = %scan3A_77 to %scan3A_79 step %scan3A_80 iter_args(%scan3A_121 = %scan3A_76) -> (i32)  : i32 {
        %get3A = arith.index_cast %scan3A_120 : i32 to index
        %get3A_122 = arith.constant 0 : index
        %get3A_123 = tpu.vector_load %arg15[%get3A, %get3A_122] {strides = array<i32>} : memref<40x128xf32, #tpu.memory_space<vmem>>, vector<1x16xf32>,
        %get3A_124 = vector.shape_cast %get3A_123 : vector<1x16xf32> to vector<16xf32>
        %add3A_125 = arith.constant 9.99999971E-10 : f32
        %add3A_126 = vector.broadcast %add3A_125 : f32 to vector<16xf32>
        %add3A_127 = arith.addf %get3A_124, %add3A_126 : vector<16xf32>
        %get3A_128 = arith.index_cast %scan3A_120 : i32 to index
        %get3A_129 = arith.constant 0 : index
        %get3A_130 = tpu.vector_load %arg17[%get3A_128, %get3A_129] {strides = array<i32>} : memref<40x128xf32, #tpu.memory_space<vmem>>, vector<1x16xf32>,
        %get3A_131 = vector.shape_cast %get3A_130 : vector<1x16xf32> to vector<16xf32>
        %div3A = arith.divf %get3A_131, %add3A_127 : vector<16xf32>
        %mul3A_132 = arith.constant 8 : i32
        %mul3A_133 = arith.muli %scan3A_120, %mul3A_132 : i32
        %swap3A = arith.index_cast %mul3A_133 : i32 to index
        %swap3A_134 = tpu.vector_load %arg18[%swap3A] {strides = array<i32>} : memref<328xf32, #tpu.memory_space<vmem>>, vector<16xf32>,
        %swap3A_135 = vector.shape_cast %swap3A_134 : vector<16xf32> to vector<16xf32>
        %swap3A_136 = vector.shape_cast %div3A : vector<16xf32> to vector<16xf32>
        tpu.vector_store %arg18[%swap3A], %swap3A_136 {strides = array<i32>} : memref<328xf32, #tpu.memory_space<vmem>>, vector<16xf32>,
        %get3A_137 = arith.index_cast %scan3A_120 : i32 to index
        %get3A_138 = arith.constant 0 : index
        %get3A_139 = tpu.vector_load %arg13[%get3A_137, %get3A_138] {strides = array<i32>} : memref<40x128xf32, #tpu.memory_space<vmem>>, vector<1x16xf32>,
        %get3A_140 = vector.shape_cast %get3A_139 : vector<1x16xf32> to vector<16xf32>
        %slice3A = vector.extract_strided_slice %div3A {offsets = [0], sizes = [1], strides = [1]} : vector<16xf32> to vector<1xf32>
        %squeeze3A = vector.extract %slice3A[0] : f32 from vector<1xf32>
        %mul3A_141 = vector.broadcast %squeeze3A : f32 to vector<16xf32>
        %mul3A_142 = arith.mulf %get3A_140, %mul3A_141 : vector<16xf32>
        %swap3A_143 = arith.index_cast %scan3A_120 : i32 to index
        %swap3A_144 = arith.constant 0 : index
        %swap3A_145 = tpu.vector_load %arg19[%swap3A_143, %swap3A_144] {strides = array<i32>} : memref<40x128xf32, #tpu.memory_space<vmem>>, vector<1x16xf32>,
        %swap3A_146 = vector.shape_cast %swap3A_145 : vector<1x16xf32> to vector<16xf32>
        %swap3A_147 = vector.shape_cast %mul3A_142 : vector<16xf32> to vector<1x16xf32>
        tpu.vector_store %arg19[%swap3A_143, %swap3A_144], %swap3A_147 {strides = array<i32>} : memref<40x128xf32, #tpu.memory_space<vmem>>, vector<1x16xf32>,
        %get3A_148 = arith.index_cast %scan3A_120 : i32 to index
        %get3A_149 = arith.constant 16 : index
        %get3A_150 = tpu.vector_load %arg13[%get3A_148, %get3A_149] {strides = array<i32>} : memref<40x128xf32, #tpu.memory_space<vmem>>, vector<1x16xf32>,
        %get3A_151 = vector.shape_cast %get3A_150 : vector<1x16xf32> to vector<16xf32>
        %slice3A_152 = vector.extract_strided_slice %div3A {offsets = [1], sizes = [1], strides = [1]} : vector<16xf32> to vector<1xf32>
        %squeeze3A_153 = vector.extract %slice3A_152[0] : f32 from vector<1xf32>
        %mul3A_154 = vector.broadcast %squeeze3A_153 : f32 to vector<16xf32>
        %mul3A_155 = arith.mulf %get3A_151, %mul3A_154 : vector<16xf32>
        %swap3A_156 = arith.index_cast %scan3A_120 : i32 to index
        %swap3A_157 = arith.constant 16 : index
        %swap3A_158 = tpu.vector_load %arg19[%swap3A_156, %swap3A_157] {strides = array<i32>} : memref<40x128xf32, #tpu.memory_space<vmem>>, vector<1x16xf32>,
        %swap3A_159 = vector.shape_cast %swap3A_158 : vector<1x16xf32> to vector<16xf32>
        %swap3A_160 = vector.shape_cast %mul3A_155 : vector<16xf32> to vector<1x16xf32>
        tpu.vector_store %arg19[%swap3A_156, %swap3A_157], %swap3A_160 {strides = array<i32>} : memref<40x128xf32, #tpu.memory_space<vmem>>, vector<1x16xf32>,
        %get3A_161 = arith.index_cast %scan3A_120 : i32 to index
        %get3A_162 = arith.constant 32 : index
        %get3A_163 = tpu.vector_load %arg13[%get3A_161, %get3A_162] {strides = array<i32>} : memref<40x128xf32, #tpu.memory_space<vmem>>, vector<1x16xf32>,
        %get3A_164 = vector.shape_cast %get3A_163 : vector<1x16xf32> to vector<16xf32>
        %slice3A_165 = vector.extract_strided_slice %div3A {offsets = [2], sizes = [1], strides = [1]} : vector<16xf32> to vector<1xf32>
        %squeeze3A_166 = vector.extract %slice3A_165[0] : f32 from vector<1xf32>
        %mul3A_167 = vector.broadcast %squeeze3A_166 : f32 to vector<16xf32>
        %mul3A_168 = arith.mulf %get3A_164, %mul3A_167 : vector<16xf32>
        %swap3A_169 = arith.index_cast %scan3A_120 : i32 to index
        %swap3A_170 = arith.constant 32 : index
        %swap3A_171 = tpu.vector_load %arg19[%swap3A_169, %swap3A_170] {strides = array<i32>} : memref<40x128xf32, #tpu.memory_space<vmem>>, vector<1x16xf32>,
        %swap3A_172 = vector.shape_cast %swap3A_171 : vector<1x16xf32> to vector<16xf32>
        %swap3A_173 = vector.shape_cast %mul3A_168 : vector<16xf32> to vector<1x16xf32>
        tpu.vector_store %arg19[%swap3A_169, %swap3A_170], %swap3A_173 {strides = array<i32>} : memref<40x128xf32, #tpu.memory_space<vmem>>, vector<1x16xf32>,
        %get3A_174 = arith.index_cast %scan3A_120 : i32 to index
        %get3A_175 = arith.constant 48 : index
        %get3A_176 = tpu.vector_load %arg13[%get3A_174, %get3A_175] {strides = array<i32>} : memref<40x128xf32, #tpu.memory_space<vmem>>, vector<1x16xf32>,
        %get3A_177 = vector.shape_cast %get3A_176 : vector<1x16xf32> to vector<16xf32>
        %slice3A_178 = vector.extract_strided_slice %div3A {offsets = [3], sizes = [1], strides = [1]} : vector<16xf32> to vector<1xf32>
        %squeeze3A_179 = vector.extract %slice3A_178[0] : f32 from vector<1xf32>
        %mul3A_180 = vector.broadcast %squeeze3A_179 : f32 to vector<16xf32>
        %mul3A_181 = arith.mulf %get3A_177, %mul3A_180 : vector<16xf32>
        %swap3A_182 = arith.index_cast %scan3A_120 : i32 to index
        %swap3A_183 = arith.constant 48 : index
        %swap3A_184 = tpu.vector_load %arg19[%swap3A_182, %swap3A_183] {strides = array<i32>} : memref<40x128xf32, #tpu.memory_space<vmem>>, vector<1x16xf32>,
        %swap3A_185 = vector.shape_cast %swap3A_184 : vector<1x16xf32> to vector<16xf32>
        %swap3A_186 = vector.shape_cast %mul3A_181 : vector<16xf32> to vector<1x16xf32>
        tpu.vector_store %arg19[%swap3A_182, %swap3A_183], %swap3A_186 {strides = array<i32>} : memref<40x128xf32, #tpu.memory_space<vmem>>, vector<1x16xf32>,
        %get3A_187 = arith.index_cast %scan3A_120 : i32 to index
        %get3A_188 = arith.constant 64 : index
        %get3A_189 = tpu.vector_load %arg13[%get3A_187, %get3A_188] {strides = array<i32>} : memref<40x128xf32, #tpu.memory_space<vmem>>, vector<1x16xf32>,
        %get3A_190 = vector.shape_cast %get3A_189 : vector<1x16xf32> to vector<16xf32>
        %slice3A_191 = vector.extract_strided_slice %div3A {offsets = [4], sizes = [1], strides = [1]} : vector<16xf32> to vector<1xf32>
        %squeeze3A_192 = vector.extract %slice3A_191[0] : f32 from vector<1xf32>
        %mul3A_193 = vector.broadcast %squeeze3A_192 : f32 to vector<16xf32>
        %mul3A_194 = arith.mulf %get3A_190, %mul3A_193 : vector<16xf32>
        %swap3A_195 = arith.index_cast %scan3A_120 : i32 to index
        %swap3A_196 = arith.constant 64 : index
        %swap3A_197 = tpu.vector_load %arg19[%swap3A_195, %swap3A_196] {strides = array<i32>} : memref<40x128xf32, #tpu.memory_space<vmem>>, vector<1x16xf32>,
        %swap3A_198 = vector.shape_cast %swap3A_197 : vector<1x16xf32> to vector<16xf32>
        %swap3A_199 = vector.shape_cast %mul3A_194 : vector<16xf32> to vector<1x16xf32>
        tpu.vector_store %arg19[%swap3A_195, %swap3A_196], %swap3A_199 {strides = array<i32>} : memref<40x128xf32, #tpu.memory_space<vmem>>, vector<1x16xf32>,
        %get3A_200 = arith.index_cast %scan3A_120 : i32 to index
        %get3A_201 = arith.constant 80 : index
        %get3A_202 = tpu.vector_load %arg13[%get3A_200, %get3A_201] {strides = array<i32>} : memref<40x128xf32, #tpu.memory_space<vmem>>, vector<1x16xf32>,
        %get3A_203 = vector.shape_cast %get3A_202 : vector<1x16xf32> to vector<16xf32>
        %slice3A_204 = vector.extract_strided_slice %div3A {offsets = [5], sizes = [1], strides = [1]} : vector<16xf32> to vector<1xf32>
        %squeeze3A_205 = vector.extract %slice3A_204[0] : f32 from vector<1xf32>
        %mul3A_206 = vector.broadcast %squeeze3A_205 : f32 to vector<16xf32>
        %mul3A_207 = arith.mulf %get3A_203, %mul3A_206 : vector<16xf32>
        %swap3A_208 = arith.index_cast %scan3A_120 : i32 to index
        %swap3A_209 = arith.constant 80 : index
        %swap3A_210 = tpu.vector_load %arg19[%swap3A_208, %swap3A_209] {strides = array<i32>} : memref<40x128xf32, #tpu.memory_space<vmem>>, vector<1x16xf32>,
        %swap3A_211 = vector.shape_cast %swap3A_210 : vector<1x16xf32> to vector<16xf32>
        %swap3A_212 = vector.shape_cast %mul3A_207 : vector<16xf32> to vector<1x16xf32>
        tpu.vector_store %arg19[%swap3A_208, %swap3A_209], %swap3A_212 {strides = array<i32>} : memref<40x128xf32, #tpu.memory_space<vmem>>, vector<1x16xf32>,
        %get3A_213 = arith.index_cast %scan3A_120 : i32 to index
        %get3A_214 = arith.constant 96 : index
        %get3A_215 = tpu.vector_load %arg13[%get3A_213, %get3A_214] {strides = array<i32>} : memref<40x128xf32, #tpu.memory_space<vmem>>, vector<1x16xf32>,
        %get3A_216 = vector.shape_cast %get3A_215 : vector<1x16xf32> to vector<16xf32>
        %slice3A_217 = vector.extract_strided_slice %div3A {offsets = [6], sizes = [1], strides = [1]} : vector<16xf32> to vector<1xf32>
        %squeeze3A_218 = vector.extract %slice3A_217[0] : f32 from vector<1xf32>
        %mul3A_219 = vector.broadcast %squeeze3A_218 : f32 to vector<16xf32>
        %mul3A_220 = arith.mulf %get3A_216, %mul3A_219 : vector<16xf32>
        %swap3A_221 = arith.index_cast %scan3A_120 : i32 to index
        %swap3A_222 = arith.constant 96 : index
        %swap3A_223 = tpu.vector_load %arg19[%swap3A_221, %swap3A_222] {strides = array<i32>} : memref<40x128xf32, #tpu.memory_space<vmem>>, vector<1x16xf32>,
        %swap3A_224 = vector.shape_cast %swap3A_223 : vector<1x16xf32> to vector<16xf32>
        %swap3A_225 = vector.shape_cast %mul3A_220 : vector<16xf32> to vector<1x16xf32>
        tpu.vector_store %arg19[%swap3A_221, %swap3A_222], %swap3A_225 {strides = array<i32>} : memref<40x128xf32, #tpu.memory_space<vmem>>, vector<1x16xf32>,
        %get3A_226 = arith.index_cast %scan3A_120 : i32 to index
        %get3A_227 = arith.constant 112 : index
        %get3A_228 = tpu.vector_load %arg13[%get3A_226, %get3A_227] {strides = array<i32>} : memref<40x128xf32, #tpu.memory_space<vmem>>, vector<1x16xf32>,
        %get3A_229 = vector.shape_cast %get3A_228 : vector<1x16xf32> to vector<16xf32>
        %slice3A_230 = vector.extract_strided_slice %div3A {offsets = [7], sizes = [1], strides = [1]} : vector<16xf32> to vector<1xf32>
        %squeeze3A_231 = vector.extract %slice3A_230[0] : f32 from vector<1xf32>
        %mul3A_232 = vector.broadcast %squeeze3A_231 : f32 to vector<16xf32>
        %mul3A_233 = arith.mulf %get3A_229, %mul3A_232 : vector<16xf32>
        %swap3A_234 = arith.index_cast %scan3A_120 : i32 to index
        %swap3A_235 = arith.constant 112 : index
        %swap3A_236 = tpu.vector_load %arg19[%swap3A_234, %swap3A_235] {strides = array<i32>} : memref<40x128xf32, #tpu.memory_space<vmem>>, vector<1x16xf32>,
        %swap3A_237 = vector.shape_cast %swap3A_236 : vector<1x16xf32> to vector<16xf32>
        %swap3A_238 = vector.shape_cast %mul3A_233 : vector<16xf32> to vector<1x16xf32>
        tpu.vector_store %arg19[%swap3A_234, %swap3A_235], %swap3A_238 {strides = array<i32>} : memref<40x128xf32, #tpu.memory_space<vmem>>, vector<1x16xf32>,
        %scan3A_239 = arith.constant 0 : i32
        scf.yield %scan3A_239 : i32
      }
      %scan3A_82 = arith.constant 40 : i32
      %mul3A_83 = arith.constant 8 : i32
      %mul3A_84 = arith.muli %add3A_62, %mul3A_83 : i32
      "tpu.region"() ({
        %run_scoped3A = tpu.sem_alloc : memref<!tpu.dma_semaphore, #tpu.memory_space<semaphore_mem>>
        %dma_start3A_120 = arith.constant 0 : i32
        %dma_start3A_121 = tpu.memref_slice %arg18[%dma_start3A_120] : memref<328xf32, #tpu.memory_space<vmem>> -> memref<320xf32, #tpu.memory_space<vmem>>
        %dma_start3A_122 = tpu.memref_slice %arg7[%mul3A_84] : memref<2560000xf32, #tpu.memory_space<hbm>> -> memref<320xf32, #tpu.memory_space<hbm>>
        %dma_start3A_123 = tpu.memref_slice %arg7[%mul3A_84] : memref<2560000xf32, #tpu.memory_space<hbm>> -> memref<320xf32, #tpu.memory_space<hbm>>
        %dma_start3A_124 = arith.constant 0 : i32
        %dma_start3A_125 = tpu.memref_slice %arg18[%dma_start3A_124] : memref<328xf32, #tpu.memory_space<vmem>> -> memref<320xf32, #tpu.memory_space<vmem>>
        tpu.enqueue_dma source(%dma_start3A_125 : memref<320xf32, #tpu.memory_space<vmem>>) target(%dma_start3A_123 : memref<320xf32, #tpu.memory_space<hbm>>) target_semaphore(%run_scoped3A : memref<!tpu.dma_semaphore, #tpu.memory_space<semaphore_mem>>)
        %dma_wait3A_126 = arith.constant 0 : i32
        %dma_wait3A_127 = tpu.memref_slice %arg18[%dma_wait3A_126] : memref<328xf32, #tpu.memory_space<vmem>> -> memref<320xf32, #tpu.memory_space<vmem>>
        %dma_wait3A_128 = tpu.memref_slice %arg7[%mul3A_84] : memref<2560000xf32, #tpu.memory_space<hbm>> -> memref<320xf32, #tpu.memory_space<hbm>>
        %dma_wait3A_129 = tpu.memref_slice %arg7[%mul3A_84] : memref<2560000xf32, #tpu.memory_space<hbm>> -> memref<320xf32, #tpu.memory_space<hbm>>
        %dma_wait3A_130 = arith.constant 0 : i32
        %dma_wait3A_131 = tpu.memref_slice %arg18[%dma_wait3A_130] : memref<328xf32, #tpu.memory_space<vmem>> -> memref<320xf32, #tpu.memory_space<vmem>>
        tpu.wait_dma2 semaphore(%run_scoped3A : memref<!tpu.dma_semaphore, #tpu.memory_space<semaphore_mem>>) src(%dma_wait3A_131 : memref<320xf32, #tpu.memory_space<vmem>>) dst(%dma_wait3A_129 : memref<320xf32, #tpu.memory_space<hbm>>)
        tpu.yield
      }) : () -> ()
      "tpu.region"() ({
        %run_scoped3A = tpu.sem_alloc : memref<!tpu.dma_semaphore, #tpu.memory_space<semaphore_mem>>
        %dma_start3A_120 = arith.constant 0 : i32
        %dma_start3A_121 = arith.constant 0 : i32
        %dma_start3A_122 = tpu.memref_slice %arg20[%dma_start3A_120, %dma_start3A_121] : memref<10000x128xf32, #tpu.memory_space<vmem_shared>> -> memref<10000x128xf32, #tpu.memory_space<vmem_shared>>
        tpu.enqueue_indirect_dma source(%arg19 : memref<40x128xf32, #tpu.memory_space<vmem>>) target(%dma_start3A_122 : memref<10000x128xf32, #tpu.memory_space<vmem_shared>>) offsets(%arg10 : memref<40xi32, #tpu.memory_space<vmem>>) semaphore(%run_scoped3A : memref<!tpu.dma_semaphore, #tpu.memory_space<semaphore_mem>>) {add = true}
        %dma_wait3A_123 = arith.constant 0 : i32
        %dma_wait3A_124 = arith.constant 0 : i32
        %dma_wait3A_125 = tpu.memref_slice %arg20[%dma_wait3A_123, %dma_wait3A_124] : memref<10000x128xf32, #tpu.memory_space<vmem_shared>> -> memref<10000x128xf32, #tpu.memory_space<vmem_shared>>
        tpu.wait_indirect_dma semaphore(%run_scoped3A : memref<!tpu.dma_semaphore, #tpu.memory_space<semaphore_mem>>) src(%arg19 : memref<40x128xf32, #tpu.memory_space<vmem>>) dst(%dma_wait3A_125 : memref<10000x128xf32, #tpu.memory_space<vmem_shared>>)
        tpu.yield
      }) : () -> ()
      %add3A_85 = arith.constant 2 : i32
      %add3A_86 = arith.addi %mul3A_48, %add3A_85 : i32
      %lt3A = arith.constant 250 : i32
      %lt3A_87 = arith.cmpi slt, %add3A_86, %lt3A : i32
      %convert_element_type3A_88 = arith.extui %lt3A_87 : i1 to i32
      %cond3A_89 = arith.constant 0 : i32
      %cond3A_90 = arith.cmpi ne, %convert_element_type3A_88, %cond3A_89 : i32
      scf.if %cond3A_90 {
        %add3A_120 = arith.constant 2 : i32
        %add3A_121 = arith.addi %mul3A_48, %add3A_120 : i32
        %mul3A_122 = arith.constant 40 : i32
        %mul3A_123 = arith.muli %add3A_121, %mul3A_122 : i32
        %add3A_124 = arith.addi %mul3A_2, %mul3A_123 : i32
        "tpu.region"() ({
          %run_scoped3A = tpu.sem_alloc : memref<!tpu.dma_semaphore, #tpu.memory_space<semaphore_mem>>
          %dma_start3A_131 = tpu.memref_slice %arg3[%add3A_124] : memref<320000xi32, #tpu.memory_space<hbm>> -> memref<40xi32, #tpu.memory_space<hbm>>
          %dma_start3A_132 = tpu.memref_slice %arg3[%add3A_124] : memref<320000xi32, #tpu.memory_space<hbm>> -> memref<40xi32, #tpu.memory_space<hbm>>
          tpu.enqueue_dma source(%dma_start3A_132 : memref<40xi32, #tpu.memory_space<hbm>>) target(%arg9 : memref<40xi32, #tpu.memory_space<vmem>>) target_semaphore(%run_scoped3A : memref<!tpu.dma_semaphore, #tpu.memory_space<semaphore_mem>>)
          %dma_wait3A_133 = tpu.memref_slice %arg3[%add3A_124] : memref<320000xi32, #tpu.memory_space<hbm>> -> memref<40xi32, #tpu.memory_space<hbm>>
          %dma_wait3A_134 = tpu.memref_slice %arg3[%add3A_124] : memref<320000xi32, #tpu.memory_space<hbm>> -> memref<40xi32, #tpu.memory_space<hbm>>
          tpu.wait_dma2 semaphore(%run_scoped3A : memref<!tpu.dma_semaphore, #tpu.memory_space<semaphore_mem>>) src(%dma_wait3A_134 : memref<40xi32, #tpu.memory_space<hbm>>) dst(%arg9 : memref<40xi32, #tpu.memory_space<vmem>>)
          tpu.yield
        }) : () -> ()
        "tpu.region"() ({
          %run_scoped3A = tpu.sem_alloc : memref<!tpu.dma_semaphore, #tpu.memory_space<semaphore_mem>>
          %dma_start3A_131 = tpu.memref_slice %arg4[%add3A_124] : memref<320000xi32, #tpu.memory_space<hbm>> -> memref<40xi32, #tpu.memory_space<hbm>>
          %dma_start3A_132 = tpu.memref_slice %arg4[%add3A_124] : memref<320000xi32, #tpu.memory_space<hbm>> -> memref<40xi32, #tpu.memory_space<hbm>>
          tpu.enqueue_dma source(%dma_start3A_132 : memref<40xi32, #tpu.memory_space<hbm>>) target(%arg10 : memref<40xi32, #tpu.memory_space<vmem>>) target_semaphore(%run_scoped3A : memref<!tpu.dma_semaphore, #tpu.memory_space<semaphore_mem>>)
          %dma_wait3A_133 = tpu.memref_slice %arg4[%add3A_124] : memref<320000xi32, #tpu.memory_space<hbm>> -> memref<40xi32, #tpu.memory_space<hbm>>
          %dma_wait3A_134 = tpu.memref_slice %arg4[%add3A_124] : memref<320000xi32, #tpu.memory_space<hbm>> -> memref<40xi32, #tpu.memory_space<hbm>>
          tpu.wait_dma2 semaphore(%run_scoped3A : memref<!tpu.dma_semaphore, #tpu.memory_space<semaphore_mem>>) src(%dma_wait3A_134 : memref<40xi32, #tpu.memory_space<hbm>>) dst(%arg10 : memref<40xi32, #tpu.memory_space<vmem>>)
          tpu.yield
        }) : () -> ()
        %dma_start3A_125 = arith.constant 0 : i32
        %dma_start3A_126 = arith.constant 0 : i32
        %dma_start3A_127 = tpu.memref_slice %arg2[%dma_start3A_125, %dma_start3A_126] : memref<10000x128xf32, #tpu.memory_space<hbm>> -> memref<10000x128xf32, #tpu.memory_space<hbm>>
        tpu.enqueue_indirect_dma source(%dma_start3A_127 : memref<10000x128xf32, #tpu.memory_space<hbm>>) target(%arg13 : memref<40x128xf32, #tpu.memory_space<vmem>>) offsets(%arg9 : memref<40xi32, #tpu.memory_space<vmem>>) semaphore(%arg21 : memref<!tpu.dma_semaphore, #tpu.memory_space<semaphore_mem>>)
        %dma_start3A_128 = arith.constant 0 : i32
        %dma_start3A_129 = arith.constant 0 : i32
        %dma_start3A_130 = tpu.memref_slice %arg6[%dma_start3A_128, %dma_start3A_129] : memref<10000x128xf32, #tpu.memory_space<hbm>> -> memref<10000x128xf32, #tpu.memory_space<hbm>>
        tpu.enqueue_indirect_dma source(%dma_start3A_130 : memref<10000x128xf32, #tpu.memory_space<hbm>>) target(%arg15 : memref<40x128xf32, #tpu.memory_space<vmem>>) offsets(%arg10 : memref<40xi32, #tpu.memory_space<vmem>>) semaphore(%arg21 : memref<!tpu.dma_semaphore, #tpu.memory_space<semaphore_mem>>)
      } else {
      }
      %add3A_91 = arith.constant 1 : i32
      %add3A_92 = arith.addi %mul3A_48, %add3A_91 : i32
      %mul3A_93 = arith.constant 40 : i32
      %mul3A_94 = arith.muli %add3A_92, %mul3A_93 : i32
      %add3A_95 = arith.addi %mul3A_2, %mul3A_94 : i32
      %dma_start3A_96 = arith.constant 0 : i32
      %dma_start3A_97 = tpu.memref_slice %arg5[%add3A_95, %dma_start3A_96] : memref<320000x128xf32, #tpu.memory_space<hbm>> -> memref<40x128xf32, #tpu.memory_space<hbm>>
      %dma_start3A_98 = arith.constant 0 : i32
      %dma_start3A_99 = tpu.memref_slice %arg5[%add3A_95, %dma_start3A_98] : memref<320000x128xf32, #tpu.memory_space<hbm>> -> memref<40x128xf32, #tpu.memory_space<hbm>>
      tpu.enqueue_dma source(%dma_start3A_99 : memref<40x128xf32, #tpu.memory_space<hbm>>) target(%arg17 : memref<40x128xf32, #tpu.memory_space<vmem>>) target_semaphore(%arg22 : memref<!tpu.dma_semaphore, #tpu.memory_space<semaphore_mem>>)
      %dma_wait3A_100 = arith.constant 0 : i32
      %dma_wait3A_101 = arith.constant 0 : i32
      %dma_wait3A_102 = tpu.memref_slice %arg2[%dma_wait3A_100, %dma_wait3A_101] : memref<10000x128xf32, #tpu.memory_space<hbm>> -> memref<10000x128xf32, #tpu.memory_space<hbm>>
      tpu.wait_indirect_dma semaphore(%arg22 : memref<!tpu.dma_semaphore, #tpu.memory_space<semaphore_mem>>) src(%dma_wait3A_102 : memref<10000x128xf32, #tpu.memory_space<hbm>>) dst(%arg14 : memref<40x128xf32, #tpu.memory_space<vmem>>)
      %dma_wait3A_103 = arith.constant 0 : i32
      %dma_wait3A_104 = arith.constant 0 : i32
      %dma_wait3A_105 = tpu.memref_slice %arg6[%dma_wait3A_103, %dma_wait3A_104] : memref<10000x128xf32, #tpu.memory_space<hbm>> -> memref<10000x128xf32, #tpu.memory_space<hbm>>
      tpu.wait_indirect_dma semaphore(%arg22 : memref<!tpu.dma_semaphore, #tpu.memory_space<semaphore_mem>>) src(%dma_wait3A_105 : memref<10000x128xf32, #tpu.memory_space<hbm>>) dst(%arg16 : memref<40x128xf32, #tpu.memory_space<vmem>>)
      %dma_wait3A_106 = arith.constant 0 : i32
      %dma_wait3A_107 = tpu.memref_slice %arg5[%add3A_95, %dma_wait3A_106] : memref<320000x128xf32, #tpu.memory_space<hbm>> -> memref<40x128xf32, #tpu.memory_space<hbm>>
      %dma_wait3A_108 = arith.constant 0 : i32
      %dma_wait3A_109 = tpu.memref_slice %arg5[%add3A_95, %dma_wait3A_108] : memref<320000x128xf32, #tpu.memory_space<hbm>> -> memref<40x128xf32, #tpu.memory_space<hbm>>
      tpu.wait_dma2 semaphore(%arg22 : memref<!tpu.dma_semaphore, #tpu.memory_space<semaphore_mem>>) src(%dma_wait3A_109 : memref<40x128xf32, #tpu.memory_space<hbm>>) dst(%arg17 : memref<40x128xf32, #tpu.memory_space<vmem>>)
      %scan3A_110 = arith.constant 0 : i32
      %scan3A_111 = arith.constant 0 : i32
      %scan3A_112 = arith.constant 40 : i32
      %scan3A_113 = arith.addi %scan3A_111, %scan3A_112 : i32
      %scan3A_114 = arith.constant 1 : i32
      %scan3A_115 = scf.for %scan3A_120 = %scan3A_111 to %scan3A_113 step %scan3A_114 iter_args(%scan3A_121 = %scan3A_110) -> (i32)  : i32 {
        %get3A = arith.index_cast %scan3A_120 : i32 to index
        %get3A_122 = arith.constant 0 : index
        %get3A_123 = tpu.vector_load %arg16[%get3A, %get3A_122] {strides = array<i32>} : memref<40x128xf32, #tpu.memory_space<vmem>>, vector<1x16xf32>,
        %get3A_124 = vector.shape_cast %get3A_123 : vector<1x16xf32> to vector<16xf32>
        %add3A_125 = arith.constant 9.99999971E-10 : f32
        %add3A_126 = vector.broadcast %add3A_125 : f32 to vector<16xf32>
        %add3A_127 = arith.addf %get3A_124, %add3A_126 : vector<16xf32>
        %get3A_128 = arith.index_cast %scan3A_120 : i32 to index
        %get3A_129 = arith.constant 0 : index
        %get3A_130 = tpu.vector_load %arg17[%get3A_128, %get3A_129] {strides = array<i32>} : memref<40x128xf32, #tpu.memory_space<vmem>>, vector<1x16xf32>,
        %get3A_131 = vector.shape_cast %get3A_130 : vector<1x16xf32> to vector<16xf32>
        %div3A = arith.divf %get3A_131, %add3A_127 : vector<16xf32>
        %mul3A_132 = arith.constant 8 : i32
        %mul3A_133 = arith.muli %scan3A_120, %mul3A_132 : i32
        %swap3A = arith.index_cast %mul3A_133 : i32 to index
        %swap3A_134 = tpu.vector_load %arg18[%swap3A] {strides = array<i32>} : memref<328xf32, #tpu.memory_space<vmem>>, vector<16xf32>,
        %swap3A_135 = vector.shape_cast %swap3A_134 : vector<16xf32> to vector<16xf32>
        %swap3A_136 = vector.shape_cast %div3A : vector<16xf32> to vector<16xf32>
        tpu.vector_store %arg18[%swap3A], %swap3A_136 {strides = array<i32>} : memref<328xf32, #tpu.memory_space<vmem>>, vector<16xf32>,
        %get3A_137 = arith.index_cast %scan3A_120 : i32 to index
        %get3A_138 = arith.constant 0 : index
        %get3A_139 = tpu.vector_load %arg14[%get3A_137, %get3A_138] {strides = array<i32>} : memref<40x128xf32, #tpu.memory_space<vmem>>, vector<1x16xf32>,
        %get3A_140 = vector.shape_cast %get3A_139 : vector<1x16xf32> to vector<16xf32>
        %slice3A = vector.extract_strided_slice %div3A {offsets = [0], sizes = [1], strides = [1]} : vector<16xf32> to vector<1xf32>
        %squeeze3A = vector.extract %slice3A[0] : f32 from vector<1xf32>
        %mul3A_141 = vector.broadcast %squeeze3A : f32 to vector<16xf32>
        %mul3A_142 = arith.mulf %get3A_140, %mul3A_141 : vector<16xf32>
        %swap3A_143 = arith.index_cast %scan3A_120 : i32 to index
        %swap3A_144 = arith.constant 0 : index
        %swap3A_145 = tpu.vector_load %arg19[%swap3A_143, %swap3A_144] {strides = array<i32>} : memref<40x128xf32, #tpu.memory_space<vmem>>, vector<1x16xf32>,
        %swap3A_146 = vector.shape_cast %swap3A_145 : vector<1x16xf32> to vector<16xf32>
        %swap3A_147 = vector.shape_cast %mul3A_142 : vector<16xf32> to vector<1x16xf32>
        tpu.vector_store %arg19[%swap3A_143, %swap3A_144], %swap3A_147 {strides = array<i32>} : memref<40x128xf32, #tpu.memory_space<vmem>>, vector<1x16xf32>,
        %get3A_148 = arith.index_cast %scan3A_120 : i32 to index
        %get3A_149 = arith.constant 16 : index
        %get3A_150 = tpu.vector_load %arg14[%get3A_148, %get3A_149] {strides = array<i32>} : memref<40x128xf32, #tpu.memory_space<vmem>>, vector<1x16xf32>,
        %get3A_151 = vector.shape_cast %get3A_150 : vector<1x16xf32> to vector<16xf32>
        %slice3A_152 = vector.extract_strided_slice %div3A {offsets = [1], sizes = [1], strides = [1]} : vector<16xf32> to vector<1xf32>
        %squeeze3A_153 = vector.extract %slice3A_152[0] : f32 from vector<1xf32>
        %mul3A_154 = vector.broadcast %squeeze3A_153 : f32 to vector<16xf32>
        %mul3A_155 = arith.mulf %get3A_151, %mul3A_154 : vector<16xf32>
        %swap3A_156 = arith.index_cast %scan3A_120 : i32 to index
        %swap3A_157 = arith.constant 16 : index
        %swap3A_158 = tpu.vector_load %arg19[%swap3A_156, %swap3A_157] {strides = array<i32>} : memref<40x128xf32, #tpu.memory_space<vmem>>, vector<1x16xf32>,
        %swap3A_159 = vector.shape_cast %swap3A_158 : vector<1x16xf32> to vector<16xf32>
        %swap3A_160 = vector.shape_cast %mul3A_155 : vector<16xf32> to vector<1x16xf32>
        tpu.vector_store %arg19[%swap3A_156, %swap3A_157], %swap3A_160 {strides = array<i32>} : memref<40x128xf32, #tpu.memory_space<vmem>>, vector<1x16xf32>,
        %get3A_161 = arith.index_cast %scan3A_120 : i32 to index
        %get3A_162 = arith.constant 32 : index
        %get3A_163 = tpu.vector_load %arg14[%get3A_161, %get3A_162] {strides = array<i32>} : memref<40x128xf32, #tpu.memory_space<vmem>>, vector<1x16xf32>,
        %get3A_164 = vector.shape_cast %get3A_163 : vector<1x16xf32> to vector<16xf32>
        %slice3A_165 = vector.extract_strided_slice %div3A {offsets = [2], sizes = [1], strides = [1]} : vector<16xf32> to vector<1xf32>
        %squeeze3A_166 = vector.extract %slice3A_165[0] : f32 from vector<1xf32>
        %mul3A_167 = vector.broadcast %squeeze3A_166 : f32 to vector<16xf32>
        %mul3A_168 = arith.mulf %get3A_164, %mul3A_167 : vector<16xf32>
        %swap3A_169 = arith.index_cast %scan3A_120 : i32 to index
        %swap3A_170 = arith.constant 32 : index
        %swap3A_171 = tpu.vector_load %arg19[%swap3A_169, %swap3A_170] {strides = array<i32>} : memref<40x128xf32, #tpu.memory_space<vmem>>, vector<1x16xf32>,
        %swap3A_172 = vector.shape_cast %swap3A_171 : vector<1x16xf32> to vector<16xf32>
        %swap3A_173 = vector.shape_cast %mul3A_168 : vector<16xf32> to vector<1x16xf32>
        tpu.vector_store %arg19[%swap3A_169, %swap3A_170], %swap3A_173 {strides = array<i32>} : memref<40x128xf32, #tpu.memory_space<vmem>>, vector<1x16xf32>,
        %get3A_174 = arith.index_cast %scan3A_120 : i32 to index
        %get3A_175 = arith.constant 48 : index
        %get3A_176 = tpu.vector_load %arg14[%get3A_174, %get3A_175] {strides = array<i32>} : memref<40x128xf32, #tpu.memory_space<vmem>>, vector<1x16xf32>,
        %get3A_177 = vector.shape_cast %get3A_176 : vector<1x16xf32> to vector<16xf32>
        %slice3A_178 = vector.extract_strided_slice %div3A {offsets = [3], sizes = [1], strides = [1]} : vector<16xf32> to vector<1xf32>
        %squeeze3A_179 = vector.extract %slice3A_178[0] : f32 from vector<1xf32>
        %mul3A_180 = vector.broadcast %squeeze3A_179 : f32 to vector<16xf32>
        %mul3A_181 = arith.mulf %get3A_177, %mul3A_180 : vector<16xf32>
        %swap3A_182 = arith.index_cast %scan3A_120 : i32 to index
        %swap3A_183 = arith.constant 48 : index
        %swap3A_184 = tpu.vector_load %arg19[%swap3A_182, %swap3A_183] {strides = array<i32>} : memref<40x128xf32, #tpu.memory_space<vmem>>, vector<1x16xf32>,
        %swap3A_185 = vector.shape_cast %swap3A_184 : vector<1x16xf32> to vector<16xf32>
        %swap3A_186 = vector.shape_cast %mul3A_181 : vector<16xf32> to vector<1x16xf32>
        tpu.vector_store %arg19[%swap3A_182, %swap3A_183], %swap3A_186 {strides = array<i32>} : memref<40x128xf32, #tpu.memory_space<vmem>>, vector<1x16xf32>,
        %get3A_187 = arith.index_cast %scan3A_120 : i32 to index
        %get3A_188 = arith.constant 64 : index
        %get3A_189 = tpu.vector_load %arg14[%get3A_187, %get3A_188] {strides = array<i32>} : memref<40x128xf32, #tpu.memory_space<vmem>>, vector<1x16xf32>,
        %get3A_190 = vector.shape_cast %get3A_189 : vector<1x16xf32> to vector<16xf32>
        %slice3A_191 = vector.extract_strided_slice %div3A {offsets = [4], sizes = [1], strides = [1]} : vector<16xf32> to vector<1xf32>
        %squeeze3A_192 = vector.extract %slice3A_191[0] : f32 from vector<1xf32>
        %mul3A_193 = vector.broadcast %squeeze3A_192 : f32 to vector<16xf32>
        %mul3A_194 = arith.mulf %get3A_190, %mul3A_193 : vector<16xf32>
        %swap3A_195 = arith.index_cast %scan3A_120 : i32 to index
        %swap3A_196 = arith.constant 64 : index
        %swap3A_197 = tpu.vector_load %arg19[%swap3A_195, %swap3A_196] {strides = array<i32>} : memref<40x128xf32, #tpu.memory_space<vmem>>, vector<1x16xf32>,
        %swap3A_198 = vector.shape_cast %swap3A_197 : vector<1x16xf32> to vector<16xf32>
        %swap3A_199 = vector.shape_cast %mul3A_194 : vector<16xf32> to vector<1x16xf32>
        tpu.vector_store %arg19[%swap3A_195, %swap3A_196], %swap3A_199 {strides = array<i32>} : memref<40x128xf32, #tpu.memory_space<vmem>>, vector<1x16xf32>,
        %get3A_200 = arith.index_cast %scan3A_120 : i32 to index
        %get3A_201 = arith.constant 80 : index
        %get3A_202 = tpu.vector_load %arg14[%get3A_200, %get3A_201] {strides = array<i32>} : memref<40x128xf32, #tpu.memory_space<vmem>>, vector<1x16xf32>,
        %get3A_203 = vector.shape_cast %get3A_202 : vector<1x16xf32> to vector<16xf32>
        %slice3A_204 = vector.extract_strided_slice %div3A {offsets = [5], sizes = [1], strides = [1]} : vector<16xf32> to vector<1xf32>
        %squeeze3A_205 = vector.extract %slice3A_204[0] : f32 from vector<1xf32>
        %mul3A_206 = vector.broadcast %squeeze3A_205 : f32 to vector<16xf32>
        %mul3A_207 = arith.mulf %get3A_203, %mul3A_206 : vector<16xf32>
        %swap3A_208 = arith.index_cast %scan3A_120 : i32 to index
        %swap3A_209 = arith.constant 80 : index
        %swap3A_210 = tpu.vector_load %arg19[%swap3A_208, %swap3A_209] {strides = array<i32>} : memref<40x128xf32, #tpu.memory_space<vmem>>, vector<1x16xf32>,
        %swap3A_211 = vector.shape_cast %swap3A_210 : vector<1x16xf32> to vector<16xf32>
        %swap3A_212 = vector.shape_cast %mul3A_207 : vector<16xf32> to vector<1x16xf32>
        tpu.vector_store %arg19[%swap3A_208, %swap3A_209], %swap3A_212 {strides = array<i32>} : memref<40x128xf32, #tpu.memory_space<vmem>>, vector<1x16xf32>,
        %get3A_213 = arith.index_cast %scan3A_120 : i32 to index
        %get3A_214 = arith.constant 96 : index
        %get3A_215 = tpu.vector_load %arg14[%get3A_213, %get3A_214] {strides = array<i32>} : memref<40x128xf32, #tpu.memory_space<vmem>>, vector<1x16xf32>,
        %get3A_216 = vector.shape_cast %get3A_215 : vector<1x16xf32> to vector<16xf32>
        %slice3A_217 = vector.extract_strided_slice %div3A {offsets = [6], sizes = [1], strides = [1]} : vector<16xf32> to vector<1xf32>
        %squeeze3A_218 = vector.extract %slice3A_217[0] : f32 from vector<1xf32>
        %mul3A_219 = vector.broadcast %squeeze3A_218 : f32 to vector<16xf32>
        %mul3A_220 = arith.mulf %get3A_216, %mul3A_219 : vector<16xf32>
        %swap3A_221 = arith.index_cast %scan3A_120 : i32 to index
        %swap3A_222 = arith.constant 96 : index
        %swap3A_223 = tpu.vector_load %arg19[%swap3A_221, %swap3A_222] {strides = array<i32>} : memref<40x128xf32, #tpu.memory_space<vmem>>, vector<1x16xf32>,
        %swap3A_224 = vector.shape_cast %swap3A_223 : vector<1x16xf32> to vector<16xf32>
        %swap3A_225 = vector.shape_cast %mul3A_220 : vector<16xf32> to vector<1x16xf32>
        tpu.vector_store %arg19[%swap3A_221, %swap3A_222], %swap3A_225 {strides = array<i32>} : memref<40x128xf32, #tpu.memory_space<vmem>>, vector<1x16xf32>,
        %get3A_226 = arith.index_cast %scan3A_120 : i32 to index
        %get3A_227 = arith.constant 112 : index
        %get3A_228 = tpu.vector_load %arg14[%get3A_226, %get3A_227] {strides = array<i32>} : memref<40x128xf32, #tpu.memory_space<vmem>>, vector<1x16xf32>,
        %get3A_229 = vector.shape_cast %get3A_228 : vector<1x16xf32> to vector<16xf32>
        %slice3A_230 = vector.extract_strided_slice %div3A {offsets = [7], sizes = [1], strides = [1]} : vector<16xf32> to vector<1xf32>
        %squeeze3A_231 = vector.extract %slice3A_230[0] : f32 from vector<1xf32>
        %mul3A_232 = vector.broadcast %squeeze3A_231 : f32 to vector<16xf32>
        %mul3A_233 = arith.mulf %get3A_229, %mul3A_232 : vector<16xf32>
        %swap3A_234 = arith.index_cast %scan3A_120 : i32 to index
        %swap3A_235 = arith.constant 112 : index
        %swap3A_236 = tpu.vector_load %arg19[%swap3A_234, %swap3A_235] {strides = array<i32>} : memref<40x128xf32, #tpu.memory_space<vmem>>, vector<1x16xf32>,
        %swap3A_237 = vector.shape_cast %swap3A_236 : vector<1x16xf32> to vector<16xf32>
        %swap3A_238 = vector.shape_cast %mul3A_233 : vector<16xf32> to vector<1x16xf32>
        tpu.vector_store %arg19[%swap3A_234, %swap3A_235], %swap3A_238 {strides = array<i32>} : memref<40x128xf32, #tpu.memory_space<vmem>>, vector<1x16xf32>,
        %scan3A_239 = arith.constant 0 : i32
        scf.yield %scan3A_239 : i32
      }
      %scan3A_116 = arith.constant 40 : i32
      %mul3A_117 = arith.constant 8 : i32
      %mul3A_118 = arith.muli %add3A_95, %mul3A_117 : i32
      "tpu.region"() ({
        %run_scoped3A = tpu.sem_alloc : memref<!tpu.dma_semaphore, #tpu.memory_space<semaphore_mem>>
        %dma_start3A_120 = arith.constant 0 : i32
        %dma_start3A_121 = tpu.memref_slice %arg18[%dma_start3A_120] : memref<328xf32, #tpu.memory_space<vmem>> -> memref<320xf32, #tpu.memory_space<vmem>>
        %dma_start3A_122 = tpu.memref_slice %arg7[%mul3A_118] : memref<2560000xf32, #tpu.memory_space<hbm>> -> memref<320xf32, #tpu.memory_space<hbm>>
        %dma_start3A_123 = tpu.memref_slice %arg7[%mul3A_118] : memref<2560000xf32, #tpu.memory_space<hbm>> -> memref<320xf32, #tpu.memory_space<hbm>>
        %dma_start3A_124 = arith.constant 0 : i32
        %dma_start3A_125 = tpu.memref_slice %arg18[%dma_start3A_124] : memref<328xf32, #tpu.memory_space<vmem>> -> memref<320xf32, #tpu.memory_space<vmem>>
        tpu.enqueue_dma source(%dma_start3A_125 : memref<320xf32, #tpu.memory_space<vmem>>) target(%dma_start3A_123 : memref<320xf32, #tpu.memory_space<hbm>>) target_semaphore(%run_scoped3A : memref<!tpu.dma_semaphore, #tpu.memory_space<semaphore_mem>>)
        %dma_wait3A_126 = arith.constant 0 : i32
        %dma_wait3A_127 = tpu.memref_slice %arg18[%dma_wait3A_126] : memref<328xf32, #tpu.memory_space<vmem>> -> memref<320xf32, #tpu.memory_space<vmem>>
        %dma_wait3A_128 = tpu.memref_slice %arg7[%mul3A_118] : memref<2560000xf32, #tpu.memory_space<hbm>> -> memref<320xf32, #tpu.memory_space<hbm>>
        %dma_wait3A_129 = tpu.memref_slice %arg7[%mul3A_118] : memref<2560000xf32, #tpu.memory_space<hbm>> -> memref<320xf32, #tpu.memory_space<hbm>>
        %dma_wait3A_130 = arith.constant 0 : i32
        %dma_wait3A_131 = tpu.memref_slice %arg18[%dma_wait3A_130] : memref<328xf32, #tpu.memory_space<vmem>> -> memref<320xf32, #tpu.memory_space<vmem>>
        tpu.wait_dma2 semaphore(%run_scoped3A : memref<!tpu.dma_semaphore, #tpu.memory_space<semaphore_mem>>) src(%dma_wait3A_131 : memref<320xf32, #tpu.memory_space<vmem>>) dst(%dma_wait3A_129 : memref<320xf32, #tpu.memory_space<hbm>>)
        tpu.yield
      }) : () -> ()
      "tpu.region"() ({
        %run_scoped3A = tpu.sem_alloc : memref<!tpu.dma_semaphore, #tpu.memory_space<semaphore_mem>>
        %dma_start3A_120 = arith.constant 0 : i32
        %dma_start3A_121 = arith.constant 0 : i32
        %dma_start3A_122 = tpu.memref_slice %arg20[%dma_start3A_120, %dma_start3A_121] : memref<10000x128xf32, #tpu.memory_space<vmem_shared>> -> memref<10000x128xf32, #tpu.memory_space<vmem_shared>>
        tpu.enqueue_indirect_dma source(%arg19 : memref<40x128xf32, #tpu.memory_space<vmem>>) target(%dma_start3A_122 : memref<10000x128xf32, #tpu.memory_space<vmem_shared>>) offsets(%arg12 : memref<40xi32, #tpu.memory_space<vmem>>) semaphore(%run_scoped3A : memref<!tpu.dma_semaphore, #tpu.memory_space<semaphore_mem>>) {add = true}
        %dma_wait3A_123 = arith.constant 0 : i32
        %dma_wait3A_124 = arith.constant 0 : i32
        %dma_wait3A_125 = tpu.memref_slice %arg20[%dma_wait3A_123, %dma_wait3A_124] : memref<10000x128xf32, #tpu.memory_space<vmem_shared>> -> memref<10000x128xf32, #tpu.memory_space<vmem_shared>>
        tpu.wait_indirect_dma semaphore(%run_scoped3A : memref<!tpu.dma_semaphore, #tpu.memory_space<semaphore_mem>>) src(%arg19 : memref<40x128xf32, #tpu.memory_space<vmem>>) dst(%dma_wait3A_125 : memref<10000x128xf32, #tpu.memory_space<vmem_shared>>)
        tpu.yield
      }) : () -> ()
      %scan3A_119 = arith.constant 0 : i32
      scf.yield %scan3A_119 : i32
    }
    %scan3A_31 = arith.constant 125 : i32
    %barrier3A_32 = arith.constant 0 : index
    tpu.barrier barrier_id(%barrier3A_32)
    %scan3A_33 = arith.constant 0 : i32
    %scan3A_34 = arith.constant 0 : i32
    %scan3A_35 = arith.constant 26 : i32
    %scan3A_36 = arith.addi %scan3A_34, %scan3A_35 : i32
    %scan3A_37 = arith.constant 1 : i32
    %scan3A_38 = scf.for %scan3A_45 = %scan3A_34 to %scan3A_36 step %scan3A_37 iter_args(%scan3A_46 = %scan3A_33) -> (i32)  : i32 {
      %mul3A_47 = arith.constant 624 : i32
      %mul3A_48 = arith.muli %arg1, %mul3A_47 : i32
      %mul3A_49 = arith.constant 24 : i32
      %mul3A_50 = arith.muli %scan3A_45, %mul3A_49 : i32
      %add3A_51 = arith.addi %mul3A_48, %mul3A_50 : i32
      "tpu.region"() ({
        %run_scoped3A = tpu.sem_alloc : memref<!tpu.dma_semaphore, #tpu.memory_space<semaphore_mem>>
        %dma_start3A_53 = arith.constant 0 : i32
        %dma_start3A_54 = arith.constant 0 : i32
        %dma_start3A_55 = tpu.memref_slice %arg19[%dma_start3A_53, %dma_start3A_54] : memref<40x128xf32, #tpu.memory_space<vmem>> -> memref<24x128xf32, #tpu.memory_space<vmem>>
        %dma_start3A_56 = arith.constant 0 : i32
        %dma_start3A_57 = tpu.memref_slice %arg20[%add3A_51, %dma_start3A_56] : memref<10000x128xf32, #tpu.memory_space<vmem_shared>> -> memref<24x128xf32, #tpu.memory_space<vmem_shared>>
        %dma_start3A_58 = arith.constant 0 : i32
        %dma_start3A_59 = arith.constant 0 : i32
        %dma_start3A_60 = tpu.memref_slice %arg19[%dma_start3A_58, %dma_start3A_59] : memref<40x128xf32, #tpu.memory_space<vmem>> -> memref<24x128xf32, #tpu.memory_space<vmem>>
        %dma_start3A_61 = arith.constant 0 : i32
        %dma_start3A_62 = tpu.memref_slice %arg20[%add3A_51, %dma_start3A_61] : memref<10000x128xf32, #tpu.memory_space<vmem_shared>> -> memref<24x128xf32, #tpu.memory_space<vmem_shared>>
        tpu.enqueue_dma source(%dma_start3A_62 : memref<24x128xf32, #tpu.memory_space<vmem_shared>>) target(%dma_start3A_60 : memref<24x128xf32, #tpu.memory_space<vmem>>) target_semaphore(%run_scoped3A : memref<!tpu.dma_semaphore, #tpu.memory_space<semaphore_mem>>)
        %dma_wait3A = arith.constant 0 : i32
        %dma_wait3A_63 = arith.constant 0 : i32
        %dma_wait3A_64 = tpu.memref_slice %arg19[%dma_wait3A, %dma_wait3A_63] : memref<40x128xf32, #tpu.memory_space<vmem>> -> memref<24x128xf32, #tpu.memory_space<vmem>>
        %dma_wait3A_65 = arith.constant 0 : i32
        %dma_wait3A_66 = tpu.memref_slice %arg20[%add3A_51, %dma_wait3A_65] : memref<10000x128xf32, #tpu.memory_space<vmem_shared>> -> memref<24x128xf32, #tpu.memory_space<vmem_shared>>
        %dma_wait3A_67 = arith.constant 0 : i32
        %dma_wait3A_68 = arith.constant 0 : i32
        %dma_wait3A_69 = tpu.memref_slice %arg19[%dma_wait3A_67, %dma_wait3A_68] : memref<40x128xf32, #tpu.memory_space<vmem>> -> memref<24x128xf32, #tpu.memory_space<vmem>>
        %dma_wait3A_70 = arith.constant 0 : i32
        %dma_wait3A_71 = tpu.memref_slice %arg20[%add3A_51, %dma_wait3A_70] : memref<10000x128xf32, #tpu.memory_space<vmem_shared>> -> memref<24x128xf32, #tpu.memory_space<vmem_shared>>
        tpu.wait_dma2 semaphore(%run_scoped3A : memref<!tpu.dma_semaphore, #tpu.memory_space<semaphore_mem>>) src(%dma_wait3A_71 : memref<24x128xf32, #tpu.memory_space<vmem_shared>>) dst(%dma_wait3A_69 : memref<24x128xf32, #tpu.memory_space<vmem>>)
        tpu.yield
      }) : () -> ()
      "tpu.region"() ({
        %run_scoped3A = tpu.sem_alloc : memref<!tpu.dma_semaphore, #tpu.memory_space<semaphore_mem>>
        %dma_start3A_53 = arith.constant 0 : i32
        %dma_start3A_54 = arith.constant 0 : i32
        %dma_start3A_55 = tpu.memref_slice %arg19[%dma_start3A_53, %dma_start3A_54] : memref<40x128xf32, #tpu.memory_space<vmem>> -> memref<24x128xf32, #tpu.memory_space<vmem>>
        %dma_start3A_56 = arith.constant 0 : i32
        %dma_start3A_57 = tpu.memref_slice %arg8[%arg0, %add3A_51, %dma_start3A_56] : memref<2x10000x128xf32, #tpu.memory_space<hbm>> -> memref<1x24x128xf32, #tpu.memory_space<hbm>>
        %dma_start3A_58 = tpu.memref_squeeze %dma_start3A_57 : memref<1x24x128xf32, #tpu.memory_space<hbm>> -> memref<24x128xf32, #tpu.memory_space<hbm>>
        %dma_start3A_59 = arith.constant 0 : i32
        %dma_start3A_60 = tpu.memref_slice %arg8[%arg0, %add3A_51, %dma_start3A_59] : memref<2x10000x128xf32, #tpu.memory_space<hbm>> -> memref<1x24x128xf32, #tpu.memory_space<hbm>>
        %dma_start3A_61 = tpu.memref_squeeze %dma_start3A_60 : memref<1x24x128xf32, #tpu.memory_space<hbm>> -> memref<24x128xf32, #tpu.memory_space<hbm>>
        %dma_start3A_62 = arith.constant 0 : i32
        %dma_start3A_63 = arith.constant 0 : i32
        %dma_start3A_64 = tpu.memref_slice %arg19[%dma_start3A_62, %dma_start3A_63] : memref<40x128xf32, #tpu.memory_space<vmem>> -> memref<24x128xf32, #tpu.memory_space<vmem>>
        tpu.enqueue_dma source(%dma_start3A_64 : memref<24x128xf32, #tpu.memory_space<vmem>>) target(%dma_start3A_61 : memref<24x128xf32, #tpu.memory_space<hbm>>) target_semaphore(%run_scoped3A : memref<!tpu.dma_semaphore, #tpu.memory_space<semaphore_mem>>)
        %dma_wait3A = arith.constant 0 : i32
        %dma_wait3A_65 = arith.constant 0 : i32
        %dma_wait3A_66 = tpu.memref_slice %arg19[%dma_wait3A, %dma_wait3A_65] : memref<40x128xf32, #tpu.memory_space<vmem>> -> memref<24x128xf32, #tpu.memory_space<vmem>>
        %dma_wait3A_67 = arith.constant 0 : i32
        %dma_wait3A_68 = tpu.memref_slice %arg8[%arg0, %add3A_51, %dma_wait3A_67] : memref<2x10000x128xf32, #tpu.memory_space<hbm>> -> memref<1x24x128xf32, #tpu.memory_space<hbm>>
        %dma_wait3A_69 = tpu.memref_squeeze %dma_wait3A_68 : memref<1x24x128xf32, #tpu.memory_space<hbm>> -> memref<24x128xf32, #tpu.memory_space<hbm>>
        %dma_wait3A_70 = arith.constant 0 : i32
        %dma_wait3A_71 = tpu.memref_slice %arg8[%arg0, %add3A_51, %dma_wait3A_70] : memref<2x10000x128xf32, #tpu.memory_space<hbm>> -> memref<1x24x128xf32, #tpu.memory_space<hbm>>
        %dma_wait3A_72 = tpu.memref_squeeze %dma_wait3A_71 : memref<1x24x128xf32, #tpu.memory_space<hbm>> -> memref<24x128xf32, #tpu.memory_space<hbm>>
        %dma_wait3A_73 = arith.constant 0 : i32
        %dma_wait3A_74 = arith.constant 0 : i32
        %dma_wait3A_75 = tpu.memref_slice %arg19[%dma_wait3A_73, %dma_wait3A_74] : memref<40x128xf32, #tpu.memory_space<vmem>> -> memref<24x128xf32, #tpu.memory_space<vmem>>
        tpu.wait_dma2 semaphore(%run_scoped3A : memref<!tpu.dma_semaphore, #tpu.memory_space<semaphore_mem>>) src(%dma_wait3A_75 : memref<24x128xf32, #tpu.memory_space<vmem>>) dst(%dma_wait3A_72 : memref<24x128xf32, #tpu.memory_space<hbm>>)
        tpu.yield
      }) : () -> ()
      %scan3A_52 = arith.constant 0 : i32
      scf.yield %scan3A_52 : i32
    }
    %scan3A_39 = arith.constant 26 : i32
    %eq3A_40 = arith.constant 0 : i32
    %eq3A_41 = arith.cmpi eq, %arg1, %eq3A_40 : i32
    %convert_element_type3A_42 = arith.extui %eq3A_41 : i1 to i32
    %cond3A_43 = arith.constant 0 : i32
    %cond3A_44 = arith.cmpi ne, %convert_element_type3A_42, %cond3A_43 : i32
    scf.if %cond3A_44 {
      "tpu.region"() ({
        %run_scoped3A = tpu.sem_alloc : memref<!tpu.dma_semaphore, #tpu.memory_space<semaphore_mem>>
        %dma_start3A_45 = arith.constant 0 : i32
        %dma_start3A_46 = arith.constant 0 : i32
        %dma_start3A_47 = tpu.memref_slice %arg19[%dma_start3A_45, %dma_start3A_46] : memref<40x128xf32, #tpu.memory_space<vmem>> -> memref<16x128xf32, #tpu.memory_space<vmem>>
        %dma_start3A_48 = arith.constant 9984 : i32
        %dma_start3A_49 = arith.constant 0 : i32
        %dma_start3A_50 = tpu.memref_slice %arg20[%dma_start3A_48, %dma_start3A_49] : memref<10000x128xf32, #tpu.memory_space<vmem_shared>> -> memref<16x128xf32, #tpu.memory_space<vmem_shared>>
        %dma_start3A_51 = arith.constant 0 : i32
        %dma_start3A_52 = arith.constant 0 : i32
        %dma_start3A_53 = tpu.memref_slice %arg19[%dma_start3A_51, %dma_start3A_52] : memref<40x128xf32, #tpu.memory_space<vmem>> -> memref<16x128xf32, #tpu.memory_space<vmem>>
        %dma_start3A_54 = arith.constant 9984 : i32
        %dma_start3A_55 = arith.constant 0 : i32
        %dma_start3A_56 = tpu.memref_slice %arg20[%dma_start3A_54, %dma_start3A_55] : memref<10000x128xf32, #tpu.memory_space<vmem_shared>> -> memref<16x128xf32, #tpu.memory_space<vmem_shared>>
        tpu.enqueue_dma source(%dma_start3A_56 : memref<16x128xf32, #tpu.memory_space<vmem_shared>>) target(%dma_start3A_53 : memref<16x128xf32, #tpu.memory_space<vmem>>) target_semaphore(%run_scoped3A : memref<!tpu.dma_semaphore, #tpu.memory_space<semaphore_mem>>)
        %dma_wait3A = arith.constant 0 : i32
        %dma_wait3A_57 = arith.constant 0 : i32
        %dma_wait3A_58 = tpu.memref_slice %arg19[%dma_wait3A, %dma_wait3A_57] : memref<40x128xf32, #tpu.memory_space<vmem>> -> memref<16x128xf32, #tpu.memory_space<vmem>>
        %dma_wait3A_59 = arith.constant 9984 : i32
        %dma_wait3A_60 = arith.constant 0 : i32
        %dma_wait3A_61 = tpu.memref_slice %arg20[%dma_wait3A_59, %dma_wait3A_60] : memref<10000x128xf32, #tpu.memory_space<vmem_shared>> -> memref<16x128xf32, #tpu.memory_space<vmem_shared>>
        %dma_wait3A_62 = arith.constant 0 : i32
        %dma_wait3A_63 = arith.constant 0 : i32
        %dma_wait3A_64 = tpu.memref_slice %arg19[%dma_wait3A_62, %dma_wait3A_63] : memref<40x128xf32, #tpu.memory_space<vmem>> -> memref<16x128xf32, #tpu.memory_space<vmem>>
        %dma_wait3A_65 = arith.constant 9984 : i32
        %dma_wait3A_66 = arith.constant 0 : i32
        %dma_wait3A_67 = tpu.memref_slice %arg20[%dma_wait3A_65, %dma_wait3A_66] : memref<10000x128xf32, #tpu.memory_space<vmem_shared>> -> memref<16x128xf32, #tpu.memory_space<vmem_shared>>
        tpu.wait_dma2 semaphore(%run_scoped3A : memref<!tpu.dma_semaphore, #tpu.memory_space<semaphore_mem>>) src(%dma_wait3A_67 : memref<16x128xf32, #tpu.memory_space<vmem_shared>>) dst(%dma_wait3A_64 : memref<16x128xf32, #tpu.memory_space<vmem>>)
        tpu.yield
      }) : () -> ()
      "tpu.region"() ({
        %run_scoped3A = tpu.sem_alloc : memref<!tpu.dma_semaphore, #tpu.memory_space<semaphore_mem>>
        %dma_start3A_45 = arith.constant 0 : i32
        %dma_start3A_46 = arith.constant 0 : i32
        %dma_start3A_47 = tpu.memref_slice %arg19[%dma_start3A_45, %dma_start3A_46] : memref<40x128xf32, #tpu.memory_space<vmem>> -> memref<16x128xf32, #tpu.memory_space<vmem>>
        %dma_start3A_48 = arith.constant 9984 : i32
        %dma_start3A_49 = arith.constant 0 : i32
        %dma_start3A_50 = tpu.memref_slice %arg8[%arg0, %dma_start3A_48, %dma_start3A_49] : memref<2x10000x128xf32, #tpu.memory_space<hbm>> -> memref<1x16x128xf32, #tpu.memory_space<hbm>>
        %dma_start3A_51 = tpu.memref_squeeze %dma_start3A_50 : memref<1x16x128xf32, #tpu.memory_space<hbm>> -> memref<16x128xf32, #tpu.memory_space<hbm>>
        %dma_start3A_52 = arith.constant 9984 : i32
        %dma_start3A_53 = arith.constant 0 : i32
        %dma_start3A_54 = tpu.memref_slice %arg8[%arg0, %dma_start3A_52, %dma_start3A_53] : memref<2x10000x128xf32, #tpu.memory_space<hbm>> -> memref<1x16x128xf32, #tpu.memory_space<hbm>>
        %dma_start3A_55 = tpu.memref_squeeze %dma_start3A_54 : memref<1x16x128xf32, #tpu.memory_space<hbm>> -> memref<16x128xf32, #tpu.memory_space<hbm>>
        %dma_start3A_56 = arith.constant 0 : i32
        %dma_start3A_57 = arith.constant 0 : i32
        %dma_start3A_58 = tpu.memref_slice %arg19[%dma_start3A_56, %dma_start3A_57] : memref<40x128xf32, #tpu.memory_space<vmem>> -> memref<16x128xf32, #tpu.memory_space<vmem>>
        tpu.enqueue_dma source(%dma_start3A_58 : memref<16x128xf32, #tpu.memory_space<vmem>>) target(%dma_start3A_55 : memref<16x128xf32, #tpu.memory_space<hbm>>) target_semaphore(%run_scoped3A : memref<!tpu.dma_semaphore, #tpu.memory_space<semaphore_mem>>)
        %dma_wait3A = arith.constant 0 : i32
        %dma_wait3A_59 = arith.constant 0 : i32
        %dma_wait3A_60 = tpu.memref_slice %arg19[%dma_wait3A, %dma_wait3A_59] : memref<40x128xf32, #tpu.memory_space<vmem>> -> memref<16x128xf32, #tpu.memory_space<vmem>>
        %dma_wait3A_61 = arith.constant 9984 : i32
        %dma_wait3A_62 = arith.constant 0 : i32
        %dma_wait3A_63 = tpu.memref_slice %arg8[%arg0, %dma_wait3A_61, %dma_wait3A_62] : memref<2x10000x128xf32, #tpu.memory_space<hbm>> -> memref<1x16x128xf32, #tpu.memory_space<hbm>>
        %dma_wait3A_64 = tpu.memref_squeeze %dma_wait3A_63 : memref<1x16x128xf32, #tpu.memory_space<hbm>> -> memref<16x128xf32, #tpu.memory_space<hbm>>
        %dma_wait3A_65 = arith.constant 9984 : i32
        %dma_wait3A_66 = arith.constant 0 : i32
        %dma_wait3A_67 = tpu.memref_slice %arg8[%arg0, %dma_wait3A_65, %dma_wait3A_66] : memref<2x10000x128xf32, #tpu.memory_space<hbm>> -> memref<1x16x128xf32, #tpu.memory_space<hbm>>
        %dma_wait3A_68 = tpu.memref_squeeze %dma_wait3A_67 : memref<1x16x128xf32, #tpu.memory_space<hbm>> -> memref<16x128xf32, #tpu.memory_space<hbm>>
        %dma_wait3A_69 = arith.constant 0 : i32
        %dma_wait3A_70 = arith.constant 0 : i32
        %dma_wait3A_71 = tpu.memref_slice %arg19[%dma_wait3A_69, %dma_wait3A_70] : memref<40x128xf32, #tpu.memory_space<vmem>> -> memref<16x128xf32, #tpu.memory_space<vmem>>
        tpu.wait_dma2 semaphore(%run_scoped3A : memref<!tpu.dma_semaphore, #tpu.memory_space<semaphore_mem>>) src(%dma_wait3A_71 : memref<16x128xf32, #tpu.memory_space<vmem>>) dst(%dma_wait3A_68 : memref<16x128xf32, #tpu.memory_space<hbm>>)
        tpu.yield
      }) : () -> ()
    } else {
    }
    return
  }
}

module attributes {stable_mosaic.version = 14 : i64} {
  func.func @_mm_body(%arg0: i32, %arg1: memref<1000x128xf32, #tpu.memory_space<vmem>>, %arg2: memref<128x128xf32, #tpu.memory_space<vmem>>, %arg3: memref<1x128xf32, #tpu.memory_space<vmem>>, %arg4: memref<128x128xf32, #tpu.memory_space<vmem>>, %arg5: memref<1x128xf32, #tpu.memory_space<vmem>>, %arg6: memref<1000x128xf32, #tpu.memory_space<vmem>>, %arg7: memref<1000x128xf32, #tpu.memory_space<vmem>>) attributes {dimension_semantics = [#tpu.dimension_semantics<arbitrary>], iteration_bounds = array<i64: 10>, scalar_prefetch = 0 : i64, scratch_operands = 0 : i64, tpu.core_type = #tpu.core_type<tc>, window_params = [{transform_indices = @transform_0, window_bounds = array<i64: 1000, 128>}, {pipeline_mode = #tpu.pipeline_mode<synchronous>, transform_indices = @transform_1, window_bounds = array<i64: 128, 128>}, {pipeline_mode = #tpu.pipeline_mode<synchronous>, transform_indices = @transform_2, window_bounds = array<i64: 1, 128>}, {pipeline_mode = #tpu.pipeline_mode<synchronous>, transform_indices = @transform_3, window_bounds = array<i64: 128, 128>}, {pipeline_mode = #tpu.pipeline_mode<synchronous>, transform_indices = @transform_4, window_bounds = array<i64: 1, 128>}, {transform_indices = @transform_5, window_bounds = array<i64: 1000, 128>}, {transform_indices = @transform_6, window_bounds = array<i64: 1000, 128>}]} {
    %get3A = arith.constant 0 : index
    %get3A_0 = arith.constant 0 : index
    %get3A_1 = vector.load %arg1[%get3A, %get3A_0] : memref<1000x128xf32, #tpu.memory_space<vmem>>, vector<1000x128xf32>
    %get3A_2 = arith.constant 0 : index
    %get3A_3 = arith.constant 0 : index
    %get3A_4 = vector.load %arg2[%get3A_2, %get3A_3] : memref<128x128xf32, #tpu.memory_space<vmem>>, vector<128x128xf32>
    %dot_general3A = arith.constant dense<0.000000e+00> : vector<1000x128xf32>
    %dot_general3A_5 = tpu.matmul %get3A_1, %get3A_4, %dot_general3A {dimension_numbers = #tpu.dot_dimension_numbers<[1], [0], [0], [1], [0, 0, 1, 1], [], []>, transpose_lhs_hint = false} : vector<1000x128xf32>, vector<128x128xf32>, vector<1000x128xf32> -> vector<1000x128xf32>
    %get3A_6 = arith.constant 0 : index
    %get3A_7 = arith.constant 0 : index
    %get3A_8 = vector.load %arg3[%get3A_6, %get3A_7] : memref<1x128xf32, #tpu.memory_space<vmem>>, vector<1x128xf32>
    %add3A = vector.broadcast %get3A_8 : vector<1x128xf32> to vector<1000x128xf32>
    %add3A_9 = arith.addf %dot_general3A_5, %add3A : vector<1000x128xf32>
    %swap3A = arith.constant 0 : index
    %swap3A_10 = arith.constant 0 : index
    %swap3A_11 = vector.load %arg6[%swap3A, %swap3A_10] : memref<1000x128xf32, #tpu.memory_space<vmem>>, vector<1000x128xf32>
    tpu.vector_store %arg6[%swap3A, %swap3A_10], %add3A_9 {strides = array<i32>} : memref<1000x128xf32, #tpu.memory_space<vmem>>, vector<1000x128xf32>,
    %get3A_12 = arith.constant 0 : index
    %get3A_13 = arith.constant 0 : index
    %get3A_14 = vector.load %arg4[%get3A_12, %get3A_13] : memref<128x128xf32, #tpu.memory_space<vmem>>, vector<128x128xf32>
    %dot_general3A_15 = arith.constant dense<0.000000e+00> : vector<1000x128xf32>
    %dot_general3A_16 = tpu.matmul %get3A_1, %get3A_14, %dot_general3A_15 {dimension_numbers = #tpu.dot_dimension_numbers<[1], [0], [0], [1], [0, 0, 1, 1], [], []>, transpose_lhs_hint = false} : vector<1000x128xf32>, vector<128x128xf32>, vector<1000x128xf32> -> vector<1000x128xf32>
    %get3A_17 = arith.constant 0 : index
    %get3A_18 = arith.constant 0 : index
    %get3A_19 = vector.load %arg5[%get3A_17, %get3A_18] : memref<1x128xf32, #tpu.memory_space<vmem>>, vector<1x128xf32>
    %add3A_20 = vector.broadcast %get3A_19 : vector<1x128xf32> to vector<1000x128xf32>
    %add3A_21 = arith.addf %dot_general3A_16, %add3A_20 : vector<1000x128xf32>
    %swap3A_22 = arith.constant 0 : index
    %swap3A_23 = arith.constant 0 : index
    %swap3A_24 = vector.load %arg7[%swap3A_22, %swap3A_23] : memref<1000x128xf32, #tpu.memory_space<vmem>>, vector<1000x128xf32>
    tpu.vector_store %arg7[%swap3A_22, %swap3A_23], %add3A_21 {strides = array<i32>} : memref<1000x128xf32, #tpu.memory_space<vmem>>, vector<1000x128xf32>,
    return
  }
  func.func @transform_0(%arg0: i32) -> (i32, i32) {
    %c0_i32 = arith.constant 0 : i32
    %c0_i32_0 = arith.constant 0 : i32
    return %arg0, %c0_i32 : i32, i32
  }
  func.func @transform_1(%arg0: i32) -> (i32, i32) {
    %c0_i32 = arith.constant 0 : i32
    %c0_i32_0 = arith.constant 0 : i32
    %c0_i32_1 = arith.constant 0 : i32
    return %c0_i32, %c0_i32_0 : i32, i32
  }
  func.func @transform_2(%arg0: i32) -> (i32, i32) {
    %c0_i32 = arith.constant 0 : i32
    %c0_i32_0 = arith.constant 0 : i32
    %c0_i32_1 = arith.constant 0 : i32
    return %c0_i32, %c0_i32_0 : i32, i32
  }
  func.func @transform_3(%arg0: i32) -> (i32, i32) {
    %c0_i32 = arith.constant 0 : i32
    %c0_i32_0 = arith.constant 0 : i32
    %c0_i32_1 = arith.constant 0 : i32
    return %c0_i32, %c0_i32_0 : i32, i32
  }
  func.func @transform_4(%arg0: i32) -> (i32, i32) {
    %c0_i32 = arith.constant 0 : i32
    %c0_i32_0 = arith.constant 0 : i32
    %c0_i32_1 = arith.constant 0 : i32
    return %c0_i32, %c0_i32_0 : i32, i32
  }
  func.func @transform_5(%arg0: i32) -> (i32, i32) {
    %c0_i32 = arith.constant 0 : i32
    %c0_i32_0 = arith.constant 0 : i32
    return %arg0, %c0_i32 : i32, i32
  }
  func.func @transform_6(%arg0: i32) -> (i32, i32) {
    %c0_i32 = arith.constant 0 : i32
    %c0_i32_0 = arith.constant 0 : i32
    return %arg0, %c0_i32 : i32, i32
  }
}

module attributes {stable_mosaic.version = 14 : i64} {
  func.func @_ex_body(%arg0: i32, %arg1: memref<10000x128xf32, #tpu.memory_space<vmem>>, %arg2: memref<128x128xf32, #tpu.memory_space<vmem>>, %arg3: memref<10000x128xf32, #tpu.memory_space<vmem>>) attributes {dimension_semantics = [#tpu.dimension_semantics<arbitrary>], iteration_bounds = array<i64: 32>, scalar_prefetch = 0 : i64, scratch_operands = 0 : i64, tpu.core_type = #tpu.core_type<tc>, window_params = [{transform_indices = @transform_0, window_bounds = array<i64: 10000, 128>}, {pipeline_mode = #tpu.pipeline_mode<synchronous>, transform_indices = @transform_1, window_bounds = array<i64: 128, 128>}, {transform_indices = @transform_2, window_bounds = array<i64: 10000, 128>}]} {
    %get3A = arith.constant 0 : index
    %get3A_0 = arith.constant 0 : index
    %get3A_1 = vector.load %arg1[%get3A, %get3A_0] : memref<10000x128xf32, #tpu.memory_space<vmem>>, vector<10000x128xf32>
    %get3A_2 = arith.constant 0 : index
    %get3A_3 = arith.constant 0 : index
    %get3A_4 = vector.load %arg2[%get3A_2, %get3A_3] : memref<128x128xf32, #tpu.memory_space<vmem>>, vector<128x128xf32>
    %dot_general3A = arith.constant dense<0.000000e+00> : vector<10000x128xf32>
    %dot_general3A_5 = tpu.matmul %get3A_1, %get3A_4, %dot_general3A {dimension_numbers = #tpu.dot_dimension_numbers<[1], [0], [0], [1], [0, 0, 1, 1], [], []>, transpose_lhs_hint = false} : vector<10000x128xf32>, vector<128x128xf32>, vector<10000x128xf32> -> vector<10000x128xf32>
    %exp3A = math.exp %dot_general3A_5 : vector<10000x128xf32>
    %swap3A = arith.constant 0 : index
    %swap3A_6 = arith.constant 0 : index
    %swap3A_7 = vector.load %arg3[%swap3A, %swap3A_6] : memref<10000x128xf32, #tpu.memory_space<vmem>>, vector<10000x128xf32>
    tpu.vector_store %arg3[%swap3A, %swap3A_6], %exp3A {strides = array<i32>} : memref<10000x128xf32, #tpu.memory_space<vmem>>, vector<10000x128xf32>,
    return
  }
  func.func @transform_0(%arg0: i32) -> (i32, i32) {
    %c0_i32 = arith.constant 0 : i32
    %c0_i32_0 = arith.constant 0 : i32
    return %arg0, %c0_i32 : i32, i32
  }
  func.func @transform_1(%arg0: i32) -> (i32, i32) {
    %c0_i32 = arith.constant 0 : i32
    %c0_i32_0 = arith.constant 0 : i32
    %c0_i32_1 = arith.constant 0 : i32
    return %c0_i32, %c0_i32_0 : i32, i32
  }
  func.func @transform_2(%arg0: i32) -> (i32, i32) {
    %c0_i32 = arith.constant 0 : i32
    %c0_i32_0 = arith.constant 0 : i32
    return %arg0, %c0_i32 : i32, i32
  }
}

module attributes {stable_mosaic.version = 14 : i64} {
  func.func @_den_body(%arg0: memref<10000x128xf32, #tpu.memory_space<vmem>>, %arg1: memref<10000x128xf32, #tpu.memory_space<vmem>>, %arg2: memref<10000x128xf32, #tpu.memory_space<vmem>>) attributes {dimension_semantics = [], scalar_prefetch = 0 : i64, scratch_operands = 0 : i64, tpu.core_type = #tpu.core_type<tc>} {
    %get3A = arith.constant 0 : index
    %get3A_0 = arith.constant 0 : index
    %get3A_1 = vector.load %arg0[%get3A, %get3A_0] : memref<10000x128xf32, #tpu.memory_space<vmem>>, vector<10000x128xf32>
    %get3A_2 = arith.constant 0 : index
    %get3A_3 = arith.constant 0 : index
    %get3A_4 = vector.load %arg1[%get3A_2, %get3A_3] : memref<10000x128xf32, #tpu.memory_space<vmem>>, vector<10000x128xf32>
    %add3A = arith.addf %get3A_1, %get3A_4 : vector<10000x128xf32>
    %swap3A = arith.constant 0 : index
    %swap3A_5 = arith.constant 0 : index
    %swap3A_6 = vector.load %arg2[%swap3A, %swap3A_5] : memref<10000x128xf32, #tpu.memory_space<vmem>>, vector<10000x128xf32>
    tpu.vector_store %arg2[%swap3A, %swap3A_5], %add3A {strides = array<i32>} : memref<10000x128xf32, #tpu.memory_space<vmem>>, vector<10000x128xf32>,
    return
  }
}

module attributes {stable_mosaic.version = 14 : i64} {
  func.func @_bn_body(%arg0: memref<10000x128xf32, #tpu.memory_space<vmem>>, %arg1: memref<10000x128xf32, #tpu.memory_space<vmem>>, %arg2: memref<10000x128xf32, #tpu.memory_space<vmem>>, %arg3: memref<1x128xf32, #tpu.memory_space<vmem>>, %arg4: memref<1x128xf32, #tpu.memory_space<vmem>>, %arg5: memref<10000x128xf32, #tpu.memory_space<vmem>>) attributes {dimension_semantics = [], scalar_prefetch = 0 : i64, scratch_operands = 0 : i64, tpu.core_type = #tpu.core_type<tc>} {
    %get3A = arith.constant 0 : index
    %get3A_0 = arith.constant 0 : index
    %get3A_1 = vector.load %arg0[%get3A, %get3A_0] : memref<10000x128xf32, #tpu.memory_space<vmem>>, vector<10000x128xf32>
    %get3A_2 = arith.constant 0 : index
    %get3A_3 = arith.constant 0 : index
    %get3A_4 = vector.load %arg1[%get3A_2, %get3A_3] : memref<10000x128xf32, #tpu.memory_space<vmem>>, vector<10000x128xf32>
    %add3A = arith.addf %get3A_1, %get3A_4 : vector<10000x128xf32>
    %get3A_5 = arith.constant 0 : index
    %get3A_6 = arith.constant 0 : index
    %get3A_7 = vector.load %arg2[%get3A_5, %get3A_6] : memref<10000x128xf32, #tpu.memory_space<vmem>>, vector<10000x128xf32>
    %add3A_8 = arith.addf %add3A, %get3A_7 : vector<10000x128xf32>
    %reduce_sum3A = arith.constant dense<0.000000e+00> : vector<128xf32>
    %reduce_sum3A_9 = vector.multi_reduction <add>, %add3A_8, %reduce_sum3A [0] : vector<10000x128xf32> to vector<128xf32>
    %broadcast_in_dim3A = vector.shape_cast %reduce_sum3A_9 : vector<128xf32> to vector<1x128xf32>
    %div3A = arith.constant 1.000000e+04 : f32
    %div3A_10 = vector.broadcast %div3A : f32 to vector<1x128xf32>
    %div3A_11 = arith.divf %broadcast_in_dim3A, %div3A_10 : vector<1x128xf32>
    %sub3A = vector.broadcast %div3A_11 : vector<1x128xf32> to vector<10000x128xf32>
    %sub3A_12 = arith.subf %add3A_8, %sub3A : vector<10000x128xf32>
    %mul3A = arith.mulf %sub3A_12, %sub3A_12 : vector<10000x128xf32>
    %reduce_sum3A_13 = arith.constant dense<0.000000e+00> : vector<128xf32>
    %reduce_sum3A_14 = vector.multi_reduction <add>, %mul3A, %reduce_sum3A_13 [0] : vector<10000x128xf32> to vector<128xf32>
    %broadcast_in_dim3A_15 = vector.shape_cast %reduce_sum3A_14 : vector<128xf32> to vector<1x128xf32>
    %div3A_16 = arith.constant 1.000000e+04 : f32
    %div3A_17 = vector.broadcast %div3A_16 : f32 to vector<1x128xf32>
    %div3A_18 = arith.divf %broadcast_in_dim3A_15, %div3A_17 : vector<1x128xf32>
    %add3A_19 = arith.constant 9.99999974E-6 : f32
    %add3A_20 = vector.broadcast %add3A_19 : f32 to vector<1x128xf32>
    %add3A_21 = arith.addf %div3A_18, %add3A_20 : vector<1x128xf32>
    %rsqrt3A = math.rsqrt %add3A_21 : vector<1x128xf32>
    %mul3A_22 = vector.broadcast %rsqrt3A : vector<1x128xf32> to vector<10000x128xf32>
    %mul3A_23 = arith.mulf %sub3A_12, %mul3A_22 : vector<10000x128xf32>
    %get3A_24 = arith.constant 0 : index
    %get3A_25 = arith.constant 0 : index
    %get3A_26 = vector.load %arg3[%get3A_24, %get3A_25] : memref<1x128xf32, #tpu.memory_space<vmem>>, vector<1x128xf32>
    %mul3A_27 = vector.broadcast %get3A_26 : vector<1x128xf32> to vector<10000x128xf32>
    %mul3A_28 = arith.mulf %mul3A_23, %mul3A_27 : vector<10000x128xf32>
    %get3A_29 = arith.constant 0 : index
    %get3A_30 = arith.constant 0 : index
    %get3A_31 = vector.load %arg4[%get3A_29, %get3A_30] : memref<1x128xf32, #tpu.memory_space<vmem>>, vector<1x128xf32>
    %add3A_32 = vector.broadcast %get3A_31 : vector<1x128xf32> to vector<10000x128xf32>
    %add3A_33 = arith.addf %mul3A_28, %add3A_32 : vector<10000x128xf32>
    %max3A = arith.constant 0.000000e+00 : f32
    %max3A_34 = vector.broadcast %max3A : f32 to vector<10000x128xf32>
    %max3A_35 = arith.maximumf %add3A_33, %max3A_34 : vector<10000x128xf32>
    %swap3A = arith.constant 0 : index
    %swap3A_36 = arith.constant 0 : index
    %swap3A_37 = vector.load %arg5[%swap3A, %swap3A_36] : memref<10000x128xf32, #tpu.memory_space<vmem>>, vector<10000x128xf32>
    tpu.vector_store %arg5[%swap3A, %swap3A_36], %max3A_35 {strides = array<i32>} : memref<10000x128xf32, #tpu.memory_space<vmem>>, vector<10000x128xf32>,
    return
  }
}

</mosaic_0001>

<sc_bundles>
// kernel: kernel.12.cloned.1.call-start
scs
__scs_entry_jumppad:
0x0: {  	(pc) =	sbr.rel $0x88, $3  }
0x1: {  	(tag) =	ssettag $0x0;
	lr =	simm.s32 $0x1  }
0x2: {  	[smem:$0x3F98] =	sst lr;
	_ =	strace $0xD0000000  }
0x3: {  	_ = 	snop  }
0x4: {  	_ = 	snop  }
0x5: {  	_ = 	snop  }
0x6: {  	_ = 	snop  }
0x7: {  	_ = 	snop  }
__scs_overlays_trampoline_lowered:
0x8: {  	[smem:$0x3FA7] =	sst s0  }
0x9: {  	[smem:$0x3FA8] =	sst s1  }
0xa: {  	[smem:$0x3FA9] =	sst s2  }
0xb: {  	[smem:$0x3FAA] =	sst s3  }
0xc: {  	[smem:$0x3FAB] =	sst s4  }
0xd: {  	[smem:$0x3FAC] =	sst s5  }
0xe: {  	[smem:$0x3FAD] =	sst s6  }
0xf: {  	[smem:$0x3FAE] =	sst s7  }
0x10: {  	[smem:$0x3FAF] =	sst s8  }
0x11: {  	[smem:$0x3FB0] =	sst s9;
	s0 =	simm.s32 @!p0 $0x0  }
0x12: {  	s1 =	sld [smem:$0x3F96];
	s0 =	simm.s32 @p0 $0x1  }
0x13: {  	[smem:$0x3FB1] =	sst s0;
	s0 =	simm.s32 @!p1 $0x0  }
0x14: {  	s2 =	sld [smem:$0x3F95];
	s0 =	simm.s32 @p1 $0x1  }
0x15: {  	[smem:$0x3FB2] =	sst s0;
	s0 =	simm.s32 @!p2 $0x0  }
0x16: {  	s3 =	sld [smem:$0x3FDB];
	s0 =	simm.s32 @p2 $0x1  }
0x17: {  	s4 =	simm.s32 $0x1BF5;
	[smem:$0x3FB4] =	sst s0  }
0x18: {  	s0 =	sld [smem:$0x3F97];
	_ =	swait.ge [sflag:s4], $0x0  }
0x19: {  	s7 =	sld [smem:$0x3F98]  }
0x1a: {  	s8 =	sadd.s32 $0xFFFFE003, lr  }
0x1b: {  	s9 =	sadd.s32 $0xFFFFFEF7, lr;
	s5 =	simm.s32 $0xFFFFFFFF;
	p2 =	slt.u32 s8, $0xFFFFF086  }
0x1c: {  	p1 =	slt.u32 s9, $0xF7A;
	s5 =	simm.s32 @!p2 $0x0  }
0x1d: {  	s5 =	simm.s32 @p1 $0x1;
	p0 =	seq.s32 s7, s2  }
0x1e: {  	s7 =	smul.u32 @!p0 $0xF7A, s2;
	p2 =	seq.s32 @!p0 s5, $0x0  }
0x1f: {  	s9 =	smul.u32 $0xF7A, s1;
	s8 =	simm.s32 @!p0 $0x1BF5;
	p2 =	por !p2, p0  }
0x20: {  	[sflag:s8] =	ssyncset.s32 @!p0 $0xFFFFF086;
	s6 =	sadd.s32 @!p0 s3, s7;
	s7 =	simm.s32 @!p0 $0x108  }
0x21: {  	s3 =	sadd.s32 s3, s9;
	s6 =	sadd.s32 @!p0 $0x88, s6;
	s7 =	simm.s32 @p2 $0x1082  }
0x22: {  	[simem:s7], [sflag:s8] =	dma.local @!p0 [hbm:s6], $0xF7A  }
0x23: {  	s9 =	sor.u32 $0xD0000000, s2;
	s6 =	simm.s32 $0x108;
	_ =	swait.ge @!p0 [sflag:s8], $0x0  }
0x24: {  	s3 =	sadd.s32 $0x88, s3;
	s6 =	simm.s32 @!p1 $0x1082;
	[sflag:s4] =	ssyncset.s32 $0xFFFFF086  }
0x25: {  	[simem:s6], [sflag:s4] =	dma.local [hbm:s3], $0xF7A  }
0x26: {  	[smem:$0x3F98] =	sst s1;
	(tag) =	ssettag s2;
	_ =	strace s9  }
0x27: {  	s1 =	sld [smem:$0x3FA8]  }
0x28: {  	s2 =	sld [smem:$0x3FA9]  }
0x29: {  	s4 =	sld [smem:$0x3FAB]  }
0x2a: {  	p0 =	seq.s32 s5, $0x0;
	s5 =	sld [smem:$0x3FAC]  }
0x2b: {  	s6 =	sld [smem:$0x3FAD]  }
0x2c: {  	s7 =	sld [smem:$0x3FAE]  }
0x2d: {  	s3 =	simm.s32 $0x108;
	s8 =	sld [smem:$0x3FAF]  }
0x2e: {  	s3 =	simm.s32 @!p0 $0x1082;
	s9 =	sld [smem:$0x3FB0]  }
0x2f: {  	lr =	sadd.s32 s0, s3;
	s0 =	sld [smem:$0x3FA7]  }
0x30: {  	s3 =	sld [smem:$0x3FAA]  }
0x31: {  	[smem:$0x3FB3] =	sst s10  }
0x32: {  	s10 =	sld [smem:$0x3FB1];
	_ =	sdelay $0x3  }
0x33: {  	p0 =	seq.s32 s10, $0x1;
	s10 =	sld [smem:$0x3FB3];
	_ =	sdelay $0x3  }
0x34: {  	[smem:$0x3FB3] =	sst s10  }
0x35: {  	s10 =	sld [smem:$0x3FB2];
	_ =	sdelay $0x3  }
0x36: {  	p1 =	seq.s32 s10, $0x1;
	s10 =	sld [smem:$0x3FB3];
	_ =	sdelay $0x3  }
0x37: {  	[smem:$0x3FB3] =	sst s10  }
0x38: {  	s10 =	sld [smem:$0x3FB4]  }
0x39: {  	_ = 	snop;
	(pc) =	sbr.ind lr, $3  }
0x3a: {  	_ = 	snop  }
0x3b: {  	_ = 	snop  }
0x3c: {  	p2 =	seq.s32 s10, $0x1;
	s10 =	sld [smem:$0x3FB3]  }
0x3d: {  	_ =	shalt  }
0x3e: {  	_ =	shalt  }
0x3f: {  	_ =	shalt  }
0x40: {  	_ =	shalt  }
0x41: {  	_ =	shalt  }
0x42: {  	_ =	shalt  }
0x43: {  	_ =	shalt  }
0x44: {  	_ =	shalt  }
0x45: {  	_ =	shalt  }
0x46: {  	_ =	shalt  }
0x47: {  	_ =	shalt  }
0x48: {  	_ =	shalt  }
0x49: {  	_ =	shalt  }
0x4a: {  	_ =	shalt  }
0x4b: {  	_ =	shalt  }
0x4c: {  	_ =	shalt  }
0x4d: {  	_ =	shalt  }
0x4e: {  	_ =	shalt  }
0x4f: {  	_ =	shalt  }
0x50: {  	_ =	shalt  }
0x51: {  	_ =	shalt  }
0x52: {  	_ =	shalt  }
0x53: {  	_ =	shalt  }
0x54: {  	_ =	shalt  }
0x55: {  	_ =	shalt  }
0x56: {  	_ =	shalt  }
0x57: {  	_ =	shalt  }
0x58: {  	_ =	shalt  }
0x59: {  	_ =	shalt  }
0x5a: {  	_ =	shalt  }
0x5b: {  	_ =	shalt  }
0x5c: {  	_ =	shalt  }
0x5d: {  	_ =	shalt  }
0x5e: {  	_ =	shalt  }
0x5f: {  	_ =	shalt  }
0x60: {  	_ =	shalt  }
0x61: {  	_ =	shalt  }
0x62: {  	_ =	shalt  }
0x63: {  	_ =	shalt  }
0x64: {  	_ =	shalt  }
0x65: {  	_ =	shalt  }
0x66: {  	_ =	shalt  }
0x67: {  	_ =	shalt  }
0x68: {  	_ =	shalt  }
0x69: {  	_ =	shalt  }
0x6a: {  	_ =	shalt  }
0x6b: {  	_ =	shalt  }
0x6c: {  	_ =	shalt  }
0x6d: {  	_ =	shalt  }
0x6e: {  	_ =	shalt  }
0x6f: {  	_ =	shalt  }
0x70: {  	_ =	shalt  }
0x71: {  	_ =	shalt  }
0x72: {  	_ =	shalt  }
0x73: {  	_ =	shalt  }
0x74: {  	_ =	shalt  }
0x75: {  	_ =	shalt  }
0x76: {  	_ =	shalt  }
0x77: {  	_ =	shalt  }
0x78: {  	_ =	shalt  }
0x79: {  	_ =	shalt  }
0x7a: {  	_ =	shalt  }
0x7b: {  	_ =	shalt  }
0x7c: {  	_ =	shalt  }
0x7d: {  	_ =	shalt  }
0x7e: {  	_ =	shalt  }
0x7f: {  	_ =	shalt  }
0x80: {  	_ =	shalt  }
0x81: {  	_ =	shalt  }
0x82: {  	_ =	shalt  }
0x83: {  	_ =	shalt  }
0x84: {  	_ =	shalt  }
0x85: {  	_ =	shalt  }
0x86: {  	_ =	shalt  }
0x87: {  	_ =	shalt  }
.Lfunc_end0:
.L_simem_size_0:
called_computation.1_lowered:
.L_overlay_start_0:
0x88: {  	s2 =	sld [smem:$0x3FD9]  }
0x89: {  	s3 =	sld [smem:$0x3FFE];
	_ =	sdelay $0x1  }
0x8a: {  	s1 =	srdreg.scid  }
0x8b: {  	s0 =	sand.u32 $0x1, s1  }
0x8c: {  	s14 =	sshll.u32 s0, $0xA;
	s2 =	sadd.s32 s3, s2  }
0x8d: {  	s2 =	sadd.s32 s2, s14  }
0x8e: {  	[smem:$0x3FBF] =	sst s2  }
0x8f: {  	_ = 	snop  }
0x90: {  	s2 =	sld [smem:$0x3FD0];
	_ =	sdelay $0x2  }
0x91: {  	s15 =	simm.s32 $0xA;
	s4 =	simm.s32 $0x10  }
0x92: {  	[smem:s4], [sflag:s15] =	dma.local [hbm:s2], $0x1  }
0x93: {  	_ =	swait.eq [sflag:s15], $0x1  }
0x94: {  	[sflag:s15] =	ssyncset.done $0x0  }
0x95: {  	[sflag:s15] =	ssyncadd.s32 $0xFFFFFFFF  }
0x96: {  	s16 =	sld [smem:$0x11];
	(tm) =	ssettm $0x1  }
0x97: {  	s17 =	sld [smem:$0x3FFB];
	_ =	sdelay $0x3  }
0x98: {  	_ =	strace s17  }
0x99: {  	s3 =	sld [smem:$0x3FFC];
	_ =	sdelay $0x3  }
0x9a: {  	_ =	strace s3  }
0x9b: {  	s3 =	sld [smem:$0x3FFD];
	_ =	sdelay $0x3  }
0x9c: {  	_ =	strace s3  }
0x9d: {  	_ =	strace $0x8FFFFFFF  }
0x9e: {  	s18 =	sld [smem:$0x3FDB];
	_ =	sdelay $0x1  }
0x9f: {  	s19 =	simm.s32 $_scs_section_size  }
0xa0: {  	s5 =	simm.s32 $_size__tile_overlayer_lowered;
	s6 =	simm.s32 $_tile_overlayer_lowered  }
0xa1: {  	s22 =	simm.s32 $0x1BFF;
	s21 =	sshll.u32 s6, $0x1;
	s3 =	sadd.s32 s19, s18  }
0xa2: {  	s7 =	simm.s32 $0x0;
	s20 =	sshll.u32 s5, $0x1;
	s5 =	sadd.s32 s21, s3  }
0xa3: {  	[timem:s7], [sflag:s22] =	dma.local [hbm:s5], s20  }
0xa4: {  	_ =	swait.ge [sflag:s22], s20  }
0xa5: {  	s4 =	ssub.s32 $0x0, s20;
	[sflag:s22] =	ssyncset.done $0x0  }
0xa6: {  	[sflag:s22] =	ssyncadd.s32 s4;
	_ =	sdelay $0x1  }
0xa7: {  	s23 =	simm.s32 $0x1B8B  }
0xa8: {  	_ =	swait.ge [sflag:s23], $0x1  }
0xa9: {  	[sflag:s23] =	ssyncset.done $0x0  }
0xaa: {  	s25 =	simm.s32 $0x1B8E;
	s24 =	sld [smem:$0x3FFE];
	[sflag:s23] =	ssyncadd.s32 $0xFFFFFFFF  }
0xab: {  	s26 =	simm.s32 $execute0_lowered;
	[smem:$0x3FD2] =	sst s25  }
0xac: {  	s5 =	sshll.u32 s26, $0x1;
	_ =	strace $0x80000049;
	[dreg:$0x1] =	wrdreg $0xFFFFFFFF  }
0xad: {  	s28 =	simm.s32 $_size_execute0_lowered;
	s3 =	sadd.s32 s3, s5;
	[dreg:$0x0] =	wrdreg $0x0  }
0xae: {  	s5 =	sshll.u32 s28, $0x1;
	[dreg:$0x2] =	wrdreg s3  }
0xaf: {  	[dreg:$0x3] =	wrdreg s5  }
0xb0: {  	[dreg:$0x4] =	wrdreg $0xC0  }
0xb1: {  	_ =	task [dreg:s7], $0x5FFFF  }
0xb2: {  	[dreg:$0x1] =	wrdreg $0xFFFFFFFF  }
0xb3: {  	[dreg:$0x0] =	wrdreg $0x60  }
0xb4: {  	[dreg:$0x2] =	wrdreg s24  }
0xb5: {  	[dreg:$0x3] =	wrdreg s16  }
0xb6: {  	[dreg:$0x4] =	wrdreg $0x90000  }
0xb7: {  	[dreg:$0x5] =	wrdreg $0x9  }
0xb8: {  	_ =	task.clear_ibuf [dreg:s7], $0x6FFFF;
	_ =	strace $0x90000049  }
0xb9: {  	s29 =	simm.s32 $0x9;
	_ =	strace $0x8000004B  }
0xba: {  	_ =	swait.ge [sflag:s29], $0x1  }
0xbb: {  	[sflag:s29] =	ssyncadd.s32 $0xFFFFFFFF  }
0xbc: {  	_ =	strace $0x9000004B  }
0xbd: {  	_ =	sfence  }
0xbe: {  	s30 =	sld [smem:$0x0];
	_ =	sdelay $0x2  }
0xbf: {  	s31 =	sshll.u32 s1, $0xD;
	s1 =	sshrl.u32 s1, $0x2  }
0xc0: {  	s3 =	sand.u32 $0x4000, s31;
	s1 =	sadd.s32 s1, s30  }
0xc1: {  	s0 =	sor.u32 s3, s0;
	s1 =	sshll.u32 s1, $0x11  }
0xc2: {  	s0 =	sor.u32 s1, s0  }
0xc3: {  	s0 =	sadd.s32 $0x8F2B, s0  }
0xc4: {  	[sflag:s0] =	ssyncadd.remote.s32 $0x1  }
0xc5: {  	_ =	sfence.sel $0xFFFF  }
0xc6: {  	[dreg:$0x0] =	wrdreg $0xFFFFFFFF;
	(pc) =	sbr.abs _section_cstart, $3  }
0xc7: {  	[dreg:$0x1] =	wrdreg $0xFFFFFFFF  }
0xc8: {  	_ =	task.clear_ibuf [dreg:s7], $0x2FFFF;
	_ =	strace $0x9FFFFFFF  }
0xc9: {  	(tm) =	ssettm $0x7FFFFFFF  }
tec
execute0_lowered:
.L_overlay_start_1:
0x0: {  	(tag) =	ssettag $0x1  }
0x1: {  	s0 =	rddreg [dreg:$0x0]  }
0x2: {  	s3 =	rddreg [dreg:$0x1]  }
0x3: {  	s1 =	rddreg [dreg:$0x2];
	s4 =	srdreg.scid  }
0x4: {  	s2 =	simm.s32 $0x0;
	s24 =	stileid.u32;
	s28 =	simm.s32 $0x50  }
0x5: {  	s29 =	simm.s32 $0x2;
	s31 =	simm.s32 $0x0;
	s8 =	smul.u32 $0x4E000, s24  }
0x6: {  	s14 =	sand.u32 $0x1, s4;
	[smem:$0x7FF] =	sst s2;
	s21 =	smul.u32 $0x13800, s24  }
0x7: {  	s19 =	sadd.s32 $0x508C00, s0;
	s22 =	smul.u32 $0x27100, s24;
	p0 =	sne.s32 s24, $0x0  }
0x8: {  	s4 =	sshll.u32 s14, $0x4;
	_ =	strace $0x8000004A;
	s20 =	smul.u32 $0x138800, s14  }
0x9: {  	s5 =	ssub.s32 $0x2, s14;
	s26 =	smul.u32 $0x271000, s14;
	s4 =	sor.u32 s24, s4  }
0xa: {  	s7 =	sshrl.u32 s5, $0x1;
	s8 =	sshrl.u32 s8, $0x2;
	s24 =	simm.s32 $0x4000  }
0xb: {  	s6 =	smul.u32 $0x27100, s4;
	s4 =	sshll.u32 s4, $0xB;
	s7 =	ssub.s32 s5, s7  }
0xc: {  	s23 =	sshrl.u32 s20, $0x3;
	s8 =	sadd.s32 s8, s1;
	s20 =	sadd.s32 s21, s20  }
0xd: {  	s0 =	sadd.s32 s4, s0;
	s4 =	sadd.s32 $0x138000, s1;
	s7 =	smax.u32 s7, $0x1  }
0xe: {  	s9 =	sadd.s32 $0x1800, s8;
	s10 =	sadd.s32 $0x3000, s8;
	s11 =	sadd.s32 $0x4800, s8  }
0xf: {  	s12 =	sadd.s32 $0x6000, s8;
	s13 =	sadd.s32 $0x7800, s8;
	s14 =	sadd.s32 $0x9000, s8  }
0x10: {  	s15 =	sadd.s32 $0xA800, s8;
	s16 =	sadd.s32 $0xC000, s8;
	s17 =	sadd.s32 $0xD800, s8  }
0x11: {  	s18 =	sadd.s32 $0xF000, s8;
	s30 =	sshrl.u32 s20, $0x3;
	s0 =	sadd.s32 $0x4F8C00, s0  }
0x12: {  	s25 =	sadd.s32 s19, s6;
	[dreg:$0x4] =	wrdreg s0;
	s0 =	sadd.s32 s3, s23  }
0x13: {  	s20 =	sadd.s32 $0x12000, s8;
	[dreg:$0x5] =	wrdreg s25;
	s0 =	sadd.s32 $0x27000, s0  }
0x14: {  	s23 =	simm.s32 $0x3;
	[dreg:$0x6] =	wrdreg s0;
	s0 =	sadd.s32 s26, s19  }
0x15: {  	s25 =	simm.s32 $0x6800;
	s19 =	sadd.s32 $0x10800, s8;
	s0 =	sadd.s32 s22, s0  }
0x16: {  	v0 =	vimm.f32 $0.0e+00;
	s26 =	simm.s32 $0x1;
	s22 =	sadd.s32 s30, s3;
	s21 =	sadd.s32 $0xA00, s0  }
.LBB2_1:
0x17: {  	s0 =	rddreg [dreg:$0x4]  }
0x18: {  	[tilespmem:s2], [sflag:$0x3] =	stream.linear.gather [hbm4b:s0+s2], $0x3E80, $0x38;
	[tilespmem:$0x1C880] =	vst v63  }
0x19: {  	_ =	swait.ge [sflag:s23], $0x3E80  }
0x1a: {  	[sflag:s23] =	ssyncset.done $0x0  }
0x1b: {  	s3 =	simm.s32 $0x200;
	s0 =	simm.s32 $0x0;
	[sflag:s23] =	ssyncadd.s32 $0xFFFFC180  }
.LBB2_2:
0x1c: {  	p1 =	sne.s32 s3, $0x5E00;
	[tilespmem:s0+$0x4070] =	vst v0  }
0x1d: {  	[tilespmem:s0+$0x4000] =	vst v0  }
0x1e: {  	[tilespmem:s0+$0x4010] =	vst v0  }
.Ltmp0:
0x1f: {  	[tilespmem:s0+$0x4020] =	vst v0;
	(pc) =	sbr.rel @p1 .LBB2_2-.Ltmp0, $4  }
0x20: {  	[tilespmem:s0+$0x4030] =	vst v0  }
0x21: {  	[tilespmem:s0+$0x4040] =	vst v0  }
0x22: {  	[tilespmem:s0+$0x4050] =	vst v0  }
0x23: {  	[tilespmem:s0+$0x4060] =	vst v0;
	s0 =	sshra.s32 s3, $0x2;
	s3 =	sadd.s32 $0x200, s3  }
0x24: {  	[tilespmem:s0+$0x4070] =	vst v0  }
0x25: {  	[tilespmem:s0+$0x4000] =	vst v0  }
0x26: {  	[tilespmem:s0+$0x4010] =	vst v0  }
0x27: {  	[tilespmem:s0+$0x4020] =	vst v0  }
0x28: {  	[tilespmem:s0+$0x4030] =	vst v0  }
0x29: {  	[tilespmem:s0+$0x4040] =	vst v0  }
0x2a: {  	[tilespmem:s0+$0x4050] =	vst v0  }
0x2b: {  	[tilespmem:s0+$0x4060] =	vst v0  }
0x2c: {  	[spmem:s8] =	stream.linear.scatter [tilespmem:s24], [sflag:$0x3], $0x1800, $0x38;
	[tilespmem:$0x1C880] =	vst v63  }
0x2d: {  	_ =	swait.ge [sflag:s23], $0x1800  }
0x2e: {  	[sflag:s23] =	ssyncset.done $0x0  }
0x2f: {  	[sflag:s23] =	ssyncadd.s32 $0xFFFFE800  }
0x30: {  	[spmem:s9] =	stream.linear.scatter [tilespmem:s24], [sflag:$0x3], $0x1800, $0x38;
	[tilespmem:$0x1C880] =	vst v63  }
0x31: {  	_ =	swait.ge [sflag:s23], $0x1800  }
0x32: {  	[sflag:s23] =	ssyncset.done $0x0  }
0x33: {  	[sflag:s23] =	ssyncadd.s32 $0xFFFFE800  }
0x34: {  	[spmem:s10] =	stream.linear.scatter [tilespmem:s24], [sflag:$0x3], $0x1800, $0x38;
	[tilespmem:$0x1C880] =	vst v63  }
0x35: {  	_ =	swait.ge [sflag:s23], $0x1800  }
0x36: {  	[sflag:s23] =	ssyncset.done $0x0  }
0x37: {  	[sflag:s23] =	ssyncadd.s32 $0xFFFFE800  }
0x38: {  	[spmem:s11] =	stream.linear.scatter [tilespmem:s24], [sflag:$0x3], $0x1800, $0x38;
	[tilespmem:$0x1C880] =	vst v63  }
0x39: {  	_ =	swait.ge [sflag:s23], $0x1800  }
0x3a: {  	[sflag:s23] =	ssyncset.done $0x0  }
0x3b: {  	[sflag:s23] =	ssyncadd.s32 $0xFFFFE800  }
0x3c: {  	[spmem:s12] =	stream.linear.scatter [tilespmem:s24], [sflag:$0x3], $0x1800, $0x38;
	[tilespmem:$0x1C880] =	vst v63  }
0x3d: {  	_ =	swait.ge [sflag:s23], $0x1800  }
0x3e: {  	[sflag:s23] =	ssyncset.done $0x0  }
0x3f: {  	[sflag:s23] =	ssyncadd.s32 $0xFFFFE800  }
0x40: {  	[spmem:s13] =	stream.linear.scatter [tilespmem:s24], [sflag:$0x3], $0x1800, $0x38;
	[tilespmem:$0x1C880] =	vst v63  }
0x41: {  	_ =	swait.ge [sflag:s23], $0x1800  }
0x42: {  	[sflag:s23] =	ssyncset.done $0x0  }
0x43: {  	[sflag:s23] =	ssyncadd.s32 $0xFFFFE800  }
0x44: {  	[spmem:s14] =	stream.linear.scatter [tilespmem:s24], [sflag:$0x3], $0x1800, $0x38;
	[tilespmem:$0x1C880] =	vst v63  }
0x45: {  	_ =	swait.ge [sflag:s23], $0x1800  }
0x46: {  	[sflag:s23] =	ssyncset.done $0x0  }
0x47: {  	[sflag:s23] =	ssyncadd.s32 $0xFFFFE800  }
0x48: {  	[spmem:s15] =	stream.linear.scatter [tilespmem:s24], [sflag:$0x3], $0x1800, $0x38;
	[tilespmem:$0x1C880] =	vst v63  }
0x49: {  	_ =	swait.ge [sflag:s23], $0x1800  }
0x4a: {  	[sflag:s23] =	ssyncset.done $0x0  }
0x4b: {  	[sflag:s23] =	ssyncadd.s32 $0xFFFFE800  }
0x4c: {  	[spmem:s16] =	stream.linear.scatter [tilespmem:s24], [sflag:$0x3], $0x1800, $0x38;
	[tilespmem:$0x1C880] =	vst v63  }
0x4d: {  	_ =	swait.ge [sflag:s23], $0x1800  }
0x4e: {  	[sflag:s23] =	ssyncset.done $0x0  }
0x4f: {  	[sflag:s23] =	ssyncadd.s32 $0xFFFFE800  }
0x50: {  	[spmem:s17] =	stream.linear.scatter [tilespmem:s24], [sflag:$0x3], $0x1800, $0x38;
	[tilespmem:$0x1C880] =	vst v63  }
0x51: {  	_ =	swait.ge [sflag:s23], $0x1800  }
0x52: {  	[sflag:s23] =	ssyncset.done $0x0  }
0x53: {  	[sflag:s23] =	ssyncadd.s32 $0xFFFFE800  }
0x54: {  	[spmem:s18] =	stream.linear.scatter [tilespmem:s24], [sflag:$0x3], $0x1800, $0x38;
	[tilespmem:$0x1C880] =	vst v63  }
0x55: {  	_ =	swait.ge [sflag:s23], $0x1800  }
0x56: {  	[sflag:s23] =	ssyncset.done $0x0  }
0x57: {  	[sflag:s23] =	ssyncadd.s32 $0xFFFFE800  }
0x58: {  	[spmem:s19] =	stream.linear.scatter [tilespmem:s24], [sflag:$0x3], $0x1800, $0x38;
	[tilespmem:$0x1C880] =	vst v63  }
0x59: {  	_ =	swait.ge [sflag:s23], $0x1800  }
0x5a: {  	[sflag:s23] =	ssyncset.done $0x0  }
0x5b: {  	[sflag:s23] =	ssyncadd.s32 $0xFFFFE800  }
0x5c: {  	[spmem:s20] =	stream.linear.scatter [tilespmem:s24], [sflag:$0x3], $0x1800, $0x38;
	[tilespmem:$0x1C880] =	vst v63  }
0x5d: {  	_ =	swait.ge [sflag:s23], $0x1800  }
0x5e: {  	[sflag:s23] =	ssyncset.done $0x0  }
0x5f: {  	s0 =	simm.s32 @!p0 $0x4000;
	[sflag:s23] =	ssyncadd.s32 $0xFFFFE800  }
0x60: {  	[spmem:s4] =	stream.linear.scatter @!p0 [tilespmem:s0], [sflag:$0x3], $0x800, $0x38;
	[tilespmem:$0x1C880] =	vst v63  }
0x61: {  	s0 =	simm.s32 @!p0 $0x3  }
0x62: {  	_ =	swait.ge @!p0 [sflag:s0], $0x800  }
0x63: {  	[sflag:s0] =	ssyncset.done @!p0 $0x0  }
0x64: {  	[sflag:s0] =	ssyncadd.s32 @!p0 $0xFFFFF800  }
0x65: {  	[bflag:$0x0] =	sbarrier.arrive $0xFFFF  }
0x66: {  	s6 =	simm.s32 $0x0;
	s3 =	rddreg [dreg:$0x5]  }
0x67: {  	[tilespmem:s24], [sflag:$0x1] =	stream.linear.gather [hbm4b:s3+s6], $0x2800, $0x38;
	[tilespmem:$0x1C880] =	vst v63  }
0x68: {  	s3 =	sadd.s32 $0xFFFFFB00, s21  }
0x69: {  	[tilespmem:s25], [sflag:$0x2] =	stream.linear.gather [hbm4b:s3+s2], $0x2800, $0x38;
	[tilespmem:$0x1C880] =	vst v63  }
0x6a: {  	_ =	swait.ge [sflag:s26], $0x2800  }
0x6b: {  	[sflag:s26] =	ssyncset.done $0x0  }
0x6c: {  	s5 =	simm.s32 $0x0;
	[sflag:s26] =	ssyncadd.s32 $0xFFFFD800  }
0x6d: {  	[spmem:s1] =	stream.indirect.scatter.add.f32 [tilespmem:s24], [sflag:$0x3], $0x80, s5, s28, $0xb8;
	[tilespmem:$0x1C880] =	vst v63  }
0x6e: {  	_ =	swait.ge [sflag:s23], $0x2800  }
0x6f: {  	[sflag:s23] =	ssyncset.done $0x0  }
0x70: {  	[sflag:s23] =	ssyncadd.s32 $0xFFFFD800  }
0x71: {  	[tilespmem:s24], [sflag:$0x1] =	stream.linear.gather [hbm4b:s21+s2], $0x2800, $0x38;
	[tilespmem:$0x1C880] =	vst v63  }
0x72: {  	_ =	swait.ge [sflag:s29], $0x2800  }
0x73: {  	[sflag:s29] =	ssyncset.done $0x0  }
0x74: {  	s6 =	simm.s32 $0x80;
	[sflag:s29] =	ssyncadd.s32 $0xFFFFD800  }
0x75: {  	[spmem:s1] =	stream.indirect.scatter.add.f32 [tilespmem:s25], [sflag:$0x3], $0x80, s6, s28, $0xb8;
	[tilespmem:$0x1C880] =	vst v63  }
0x76: {  	s30 =	simm.s32 $0x400;
	_ =	swait.ge [sflag:s23], $0x2800  }
0x77: {  	s0 =	sadd.s32 $0xA00, s21;
	s3 =	simm.s32 $0x800;
	[sflag:s23] =	ssyncset.done $0x0  }
.LBB2_4:
0x78: {  	p1 =	sne.s32 s3, $0xF400;
	s5 =	sadd.s32 $0xFFFFFB00, s0;
	[sflag:s23] =	ssyncadd.s32 $0xFFFFD800  }
0x79: {  	[tilespmem:s25], [sflag:$0x2] =	stream.linear.gather [hbm4b:s5+s2], $0x2800, $0x38;
	[tilespmem:$0x1C880] =	vst v63  }
0x7a: {  	s5 =	smov.u32 s3;
	s3 =	sadd.s32 $0x400, s3;
	_ =	swait.ge [sflag:s26], $0x2800  }
0x7b: {  	[sflag:s26] =	ssyncset.done $0x0  }
0x7c: {  	s6 =	sshra.s32 s30, $0x2;
	s30 =	smov.u32 s5;
	[sflag:s26] =	ssyncadd.s32 $0xFFFFD800  }
0x7d: {  	[spmem:s1] =	stream.indirect.scatter.add.f32 [tilespmem:s24], [sflag:$0x3], $0x80, s6, s28, $0xb8;
	[tilespmem:$0x1C880] =	vst v63  }
0x7e: {  	_ =	swait.ge [sflag:s23], $0x2800  }
0x7f: {  	[sflag:s23] =	ssyncset.done $0x0  }
0x80: {  	[sflag:s23] =	ssyncadd.s32 $0xFFFFD800  }
0x81: {  	[tilespmem:s24], [sflag:$0x1] =	stream.linear.gather [hbm4b:s0+s2], $0x2800, $0x38;
	[tilespmem:$0x1C880] =	vst v63  }
0x82: {  	_ =	swait.ge [sflag:s29], $0x2800  }
.Ltmp1:
0x83: {  	[sflag:s29] =	ssyncset.done $0x0;
	(pc) =	sbr.rel @p1 .LBB2_4-.Ltmp1, $4  }
0x84: {  	s5 =	sadd.s32 $0x80, s6;
	[sflag:s29] =	ssyncadd.s32 $0xFFFFD800  }
0x85: {  	[spmem:s1] =	stream.indirect.scatter.add.f32 [tilespmem:s25], [sflag:$0x3], $0x80, s5, s28, $0xb8;
	[tilespmem:$0x1C880] =	vst v63  }
0x86: {  	_ =	swait.ge [sflag:s23], $0x2800  }
0x87: {  	s0 =	sadd.s32 $0xA00, s0;
	[sflag:s23] =	ssyncset.done $0x0  }
0x88: {  	s3 =	sadd.s32 $0xFFFFFB00, s0;
	[sflag:s23] =	ssyncadd.s32 $0xFFFFD800  }
0x89: {  	[tilespmem:s25], [sflag:$0x2] =	stream.linear.gather [hbm4b:s3+s2], $0x2800, $0x38;
	[tilespmem:$0x1C880] =	vst v63  }
0x8a: {  	_ =	swait.ge [sflag:s26], $0x2800  }
0x8b: {  	[sflag:s26] =	ssyncset.done $0x0  }
0x8c: {  	s30 =	sshra.s32 s30, $0x2;
	[sflag:s26] =	ssyncadd.s32 $0xFFFFD800  }
0x8d: {  	[spmem:s1] =	stream.indirect.scatter.add.f32 [tilespmem:s24], [sflag:$0x3], $0x80, s30, s28, $0xb8;
	[tilespmem:$0x1C880] =	vst v63  }
0x8e: {  	_ =	swait.ge [sflag:s23], $0x2800  }
0x8f: {  	[sflag:s23] =	ssyncset.done $0x0  }
0x90: {  	[sflag:s23] =	ssyncadd.s32 $0xFFFFD800  }
0x91: {  	[tilespmem:s24], [sflag:$0x1] =	stream.linear.gather [hbm4b:s0+s2], $0x2800, $0x38;
	[tilespmem:$0x1C880] =	vst v63  }
0x92: {  	_ =	swait.ge [sflag:s29], $0x2800  }
0x93: {  	[sflag:s29] =	ssyncset.done $0x0  }
0x94: {  	s5 =	sadd.s32 $0x80, s30;
	[sflag:s29] =	ssyncadd.s32 $0xFFFFD800  }
0x95: {  	[spmem:s1] =	stream.indirect.scatter.add.f32 [tilespmem:s25], [sflag:$0x3], $0x80, s5, s28, $0xb8;
	[tilespmem:$0x1C880] =	vst v63  }
0x96: {  	_ =	swait.ge [sflag:s23], $0x2800  }
0x97: {  	[sflag:s23] =	ssyncset.done $0x0  }
0x98: {  	[sflag:s23] =	ssyncadd.s32 $0xFFFFD800  }
0x99: {  	_ =	swait.ge [sflag:s26], $0x2800  }
0x9a: {  	[sflag:s26] =	ssyncset.done $0x0  }
0x9b: {  	s6 =	simm.s32 $0x3E00;
	[sflag:s26] =	ssyncadd.s32 $0xFFFFD800  }
0x9c: {  	[spmem:s1] =	stream.indirect.scatter.add.f32 [tilespmem:s24], [sflag:$0x3], $0x80, s6, s28, $0xb8;
	[tilespmem:$0x1C880] =	vst v63  }
0x9d: {  	_ =	swait.ge [sflag:s23], $0x2800  }
0x9e: {  	[sflag:s23] =	ssyncset.done $0x0  }
0x9f: {  	[sflag:s23] =	ssyncadd.s32 $0xFFFFD800  }
0xa0: {  	[bflag:$0x0] =	sbarrier.arrive $0xFFFF  }
0xa1: {  	[tilespmem:s24], [sflag:$0x3] =	stream.linear.gather [spmem:s8], $0x1800, $0x38;
	[tilespmem:$0x1C880] =	vst v63  }
0xa2: {  	_ =	swait.ge [sflag:s23], $0x1800  }
0xa3: {  	[sflag:s23] =	ssyncset.done $0x0  }
0xa4: {  	s30 =	sadd.s32 $0x0, s22;
	[sflag:s23] =	ssyncadd.s32 $0xFFFFE800  }
0xa5: {  	[hbm4b:s30+s2] =	stream.linear.scatter [tilespmem:s24], [sflag:$0x3], $0x1800, $0x38;
	[tilespmem:$0x1C880] =	vst v63  }
0xa6: {  	_ =	swait.ge [sflag:s23], $0x1800  }
0xa7: {  	s3 =	smov.u32 s8;
	s0 =	simm.s32 $0x300;
	[sflag:s23] =	ssyncset.done $0x0  }
.LBB2_6:
0xa8: {  	p1 =	sne.s32 s0, $0x2400;
	[sflag:s23] =	ssyncadd.s32 $0xFFFFE800;
	s3 =	sadd.s32 $0x1800, s3  }
0xa9: {  	[tilespmem:s24], [sflag:$0x3] =	stream.linear.gather [spmem:s3], $0x1800, $0x38;
	[tilespmem:$0x1C880] =	vst v63  }
0xaa: {  	s5 =	smov.u32 s0;
	s0 =	sadd.s32 $0x300, s0;
	_ =	swait.ge [sflag:s23], $0x1800  }
.Ltmp2:
0xab: {  	[sflag:s23] =	ssyncset.done $0x0;
	(pc) =	sbr.rel @p1 .LBB2_6-.Ltmp2, $4  }
0xac: {  	s5 =	sadd.s32 s5, s22;
	[sflag:s23] =	ssyncadd.s32 $0xFFFFE800  }
0xad: {  	[hbm4b:s5+s2] =	stream.linear.scatter [tilespmem:s24], [sflag:$0x3], $0x1800, $0x38;
	[tilespmem:$0x1C880] =	vst v63  }
0xae: {  	_ =	swait.ge [sflag:s23], $0x1800  }
0xaf: {  	[sflag:s23] =	ssyncset.done $0x0  }
0xb0: {  	[sflag:s23] =	ssyncadd.s32 $0xFFFFE800;
	s0 =	simm.s32 @!p0 $0x4000;
	s3 =	simm.s32 @!p0 $0x3  }
0xb1: {  	[tilespmem:s0], [sflag:$0x3] =	stream.linear.gather @!p0 [spmem:s4], $0x800, $0x38;
	[tilespmem:$0x1C880] =	vst v63  }
0xb2: {  	s31 =	sadd.s32 $0x1, s31;
	_ =	swait.ge @!p0 [sflag:s3], $0x800  }
0xb3: {  	s5 =	simm.s32 @!p0 $0x0;
	p1 =	sne.s32 s31, s7;
	[sflag:s3] =	ssyncset.done @!p0 $0x0  }
.Ltmp3:
0xb4: {  	s6 =	rddreg [dreg:$0x6];
	[sflag:s3] =	ssyncadd.s32 @!p0 $0xFFFFF800;
	(pc) =	sbr.rel @p1 .LBB2_1-.Ltmp3, $4  }
0xb5: {  	[hbm4b:s6+s5] =	stream.linear.scatter @!p0 [tilespmem:s0], [sflag:$0x3], $0x800, $0x38;
	[tilespmem:$0x1C880] =	vst v63  }
0xb6: {  	_ =	swait.ge @!p0 [sflag:s3], $0x800  }
0xb7: {  	[sflag:s3] =	ssyncset.done @!p0 $0x0  }
0xb8: {  	[sflag:s3] =	ssyncadd.s32 @!p0 $0xFFFFF800  }
0xb9: {  	_ =	sfence.sel $0x180000  }
0xba: {  	[bflag:$0x0] =	sbarrier.arrive $0xFFFF  }
0xbb: {  	_ =	strace $0x9000004A  }
0xbc: {  	[bflag:$0x2] =	sbarrier.arrive $0xFFFF  }
0xbd: {  	s0 =	rddreg [dreg:$0x3]  }
0xbe: {  	s0 =	sadd.s32 @!p0 $0x100000, s0  }
0xbf: {  	[sflag:s0] =	ssyncadd.tile.s32 @!p0 $0x1;
	_ =	shalt  }
.Lfunc_end2:
_tile_overlayer_lowered:
.L_overlay_start_2:
0xc0: {  	(tag) =	ssettag $0x2  }
0xc1: {  	s0 =	rddreg [dreg:$0x0];
	s2 =	stileid.u32  }
0xc2: {  	s1 =	rddreg [dreg:$0x1];
	p0 =	sne.s32 s2, $0x0  }
0xc3: {  	s3 =	rddreg [dreg:$0x2];
	[bflag:$0x3] =	sbarrier.arrive $0xFFFF;
	s2 =	simm.s32 @!p0 $0x1C03  }
0xc4: {  	[timem:s3], [sflag:s2] =	dma.local @!p0 [hbm:s0], s1  }
0xc5: {  	s0 =	simm.s32 @!p0 $0x3  }
0xc6: {  	_ =	swait.ge @!p0 [sflag:s0], s1  }
0xc7: {  	s1 =	ssub.s32 @!p0 $0x0, s1;
	[sflag:s0] =	ssyncset.done @!p0 $0x0  }
0xc8: {  	[sflag:s0] =	ssyncadd.s32 @!p0 s1  }
0xc9: {  	[bflag:$0x3] =	sbarrier.arrive $0xFFFF  }
0xca: {  	_ =	shalt  }

// kernel: kernel.15.cloned.1.call-start
scs
__scs_entry_jumppad:
0x0: {  	(pc) =	sbr.rel $0x88, $3  }
0x1: {  	(tag) =	ssettag $0x0;
	lr =	simm.s32 $0x1  }
0x2: {  	[smem:$0x3F98] =	sst lr;
	_ =	strace $0xD0000000  }
0x3: {  	_ = 	snop  }
0x4: {  	_ = 	snop  }
0x5: {  	_ = 	snop  }
0x6: {  	_ = 	snop  }
0x7: {  	_ = 	snop  }
__scs_overlays_trampoline_lowered:
0x8: {  	[smem:$0x3FA7] =	sst s0  }
0x9: {  	[smem:$0x3FA8] =	sst s1  }
0xa: {  	[smem:$0x3FA9] =	sst s2  }
0xb: {  	[smem:$0x3FAA] =	sst s3  }
0xc: {  	[smem:$0x3FAB] =	sst s4  }
0xd: {  	[smem:$0x3FAC] =	sst s5  }
0xe: {  	[smem:$0x3FAD] =	sst s6  }
0xf: {  	[smem:$0x3FAE] =	sst s7  }
0x10: {  	[smem:$0x3FAF] =	sst s8  }
0x11: {  	[smem:$0x3FB0] =	sst s9;
	s0 =	simm.s32 @!p0 $0x0  }
0x12: {  	s1 =	sld [smem:$0x3F96];
	s0 =	simm.s32 @p0 $0x1  }
0x13: {  	[smem:$0x3FB1] =	sst s0;
	s0 =	simm.s32 @!p1 $0x0  }
0x14: {  	s2 =	sld [smem:$0x3F95];
	s0 =	simm.s32 @p1 $0x1  }
0x15: {  	[smem:$0x3FB2] =	sst s0;
	s0 =	simm.s32 @!p2 $0x0  }
0x16: {  	s3 =	sld [smem:$0x3FDB];
	s0 =	simm.s32 @p2 $0x1  }
0x17: {  	s4 =	simm.s32 $0x1BF5;
	[smem:$0x3FB4] =	sst s0  }
0x18: {  	s0 =	sld [smem:$0x3F97];
	_ =	swait.ge [sflag:s4], $0x0  }
0x19: {  	s7 =	sld [smem:$0x3F98]  }
0x1a: {  	s8 =	sadd.s32 $0xFFFFE003, lr  }
0x1b: {  	s9 =	sadd.s32 $0xFFFFFEF7, lr;
	s5 =	simm.s32 $0xFFFFFFFF;
	p2 =	slt.u32 s8, $0xFFFFF086  }
0x1c: {  	p1 =	slt.u32 s9, $0xF7A;
	s5 =	simm.s32 @!p2 $0x0  }
0x1d: {  	s5 =	simm.s32 @p1 $0x1;
	p0 =	seq.s32 s7, s2  }
0x1e: {  	s7 =	smul.u32 @!p0 $0xF7A, s2;
	p2 =	seq.s32 @!p0 s5, $0x0  }
0x1f: {  	s9 =	smul.u32 $0xF7A, s1;
	s8 =	simm.s32 @!p0 $0x1BF5;
	p2 =	por !p2, p0  }
0x20: {  	[sflag:s8] =	ssyncset.s32 @!p0 $0xFFFFF086;
	s6 =	sadd.s32 @!p0 s3, s7;
	s7 =	simm.s32 @!p0 $0x108  }
0x21: {  	s3 =	sadd.s32 s3, s9;
	s6 =	sadd.s32 @!p0 $0x88, s6;
	s7 =	simm.s32 @p2 $0x1082  }
0x22: {  	[simem:s7], [sflag:s8] =	dma.local @!p0 [hbm:s6], $0xF7A  }
0x23: {  	s9 =	sor.u32 $0xD0000000, s2;
	s6 =	simm.s32 $0x108;
	_ =	swait.ge @!p0 [sflag:s8], $0x0  }
0x24: {  	s3 =	sadd.s32 $0x88, s3;
	s6 =	simm.s32 @!p1 $0x1082;
	[sflag:s4] =	ssyncset.s32 $0xFFFFF086  }
0x25: {  	[simem:s6], [sflag:s4] =	dma.local [hbm:s3], $0xF7A  }
0x26: {  	[smem:$0x3F98] =	sst s1;
	(tag) =	ssettag s2;
	_ =	strace s9  }
0x27: {  	s1 =	sld [smem:$0x3FA8]  }
0x28: {  	s2 =	sld [smem:$0x3FA9]  }
0x29: {  	s4 =	sld [smem:$0x3FAB]  }
0x2a: {  	p0 =	seq.s32 s5, $0x0;
	s5 =	sld [smem:$0x3FAC]  }
0x2b: {  	s6 =	sld [smem:$0x3FAD]  }
0x2c: {  	s7 =	sld [smem:$0x3FAE]  }
0x2d: {  	s3 =	simm.s32 $0x108;
	s8 =	sld [smem:$0x3FAF]  }
0x2e: {  	s3 =	simm.s32 @!p0 $0x1082;
	s9 =	sld [smem:$0x3FB0]  }
0x2f: {  	lr =	sadd.s32 s0, s3;
	s0 =	sld [smem:$0x3FA7]  }
0x30: {  	s3 =	sld [smem:$0x3FAA]  }
0x31: {  	[smem:$0x3FB3] =	sst s10  }
0x32: {  	s10 =	sld [smem:$0x3FB1];
	_ =	sdelay $0x3  }
0x33: {  	p0 =	seq.s32 s10, $0x1;
	s10 =	sld [smem:$0x3FB3];
	_ =	sdelay $0x3  }
0x34: {  	[smem:$0x3FB3] =	sst s10  }
0x35: {  	s10 =	sld [smem:$0x3FB2];
	_ =	sdelay $0x3  }
0x36: {  	p1 =	seq.s32 s10, $0x1;
	s10 =	sld [smem:$0x3FB3];
	_ =	sdelay $0x3  }
0x37: {  	[smem:$0x3FB3] =	sst s10  }
0x38: {  	s10 =	sld [smem:$0x3FB4]  }
0x39: {  	_ = 	snop;
	(pc) =	sbr.ind lr, $3  }
0x3a: {  	_ = 	snop  }
0x3b: {  	_ = 	snop  }
0x3c: {  	p2 =	seq.s32 s10, $0x1;
	s10 =	sld [smem:$0x3FB3]  }
0x3d: {  	_ =	shalt  }
0x3e: {  	_ =	shalt  }
0x3f: {  	_ =	shalt  }
0x40: {  	_ =	shalt  }
0x41: {  	_ =	shalt  }
0x42: {  	_ =	shalt  }
0x43: {  	_ =	shalt  }
0x44: {  	_ =	shalt  }
0x45: {  	_ =	shalt  }
0x46: {  	_ =	shalt  }
0x47: {  	_ =	shalt  }
0x48: {  	_ =	shalt  }
0x49: {  	_ =	shalt  }
0x4a: {  	_ =	shalt  }
0x4b: {  	_ =	shalt  }
0x4c: {  	_ =	shalt  }
0x4d: {  	_ =	shalt  }
0x4e: {  	_ =	shalt  }
0x4f: {  	_ =	shalt  }
0x50: {  	_ =	shalt  }
0x51: {  	_ =	shalt  }
0x52: {  	_ =	shalt  }
0x53: {  	_ =	shalt  }
0x54: {  	_ =	shalt  }
0x55: {  	_ =	shalt  }
0x56: {  	_ =	shalt  }
0x57: {  	_ =	shalt  }
0x58: {  	_ =	shalt  }
0x59: {  	_ =	shalt  }
0x5a: {  	_ =	shalt  }
0x5b: {  	_ =	shalt  }
0x5c: {  	_ =	shalt  }
0x5d: {  	_ =	shalt  }
0x5e: {  	_ =	shalt  }
0x5f: {  	_ =	shalt  }
0x60: {  	_ =	shalt  }
0x61: {  	_ =	shalt  }
0x62: {  	_ =	shalt  }
0x63: {  	_ =	shalt  }
0x64: {  	_ =	shalt  }
0x65: {  	_ =	shalt  }
0x66: {  	_ =	shalt  }
0x67: {  	_ =	shalt  }
0x68: {  	_ =	shalt  }
0x69: {  	_ =	shalt  }
0x6a: {  	_ =	shalt  }
0x6b: {  	_ =	shalt  }
0x6c: {  	_ =	shalt  }
0x6d: {  	_ =	shalt  }
0x6e: {  	_ =	shalt  }
0x6f: {  	_ =	shalt  }
0x70: {  	_ =	shalt  }
0x71: {  	_ =	shalt  }
0x72: {  	_ =	shalt  }
0x73: {  	_ =	shalt  }
0x74: {  	_ =	shalt  }
0x75: {  	_ =	shalt  }
0x76: {  	_ =	shalt  }
0x77: {  	_ =	shalt  }
0x78: {  	_ =	shalt  }
0x79: {  	_ =	shalt  }
0x7a: {  	_ =	shalt  }
0x7b: {  	_ =	shalt  }
0x7c: {  	_ =	shalt  }
0x7d: {  	_ =	shalt  }
0x7e: {  	_ =	shalt  }
0x7f: {  	_ =	shalt  }
0x80: {  	_ =	shalt  }
0x81: {  	_ =	shalt  }
0x82: {  	_ =	shalt  }
0x83: {  	_ =	shalt  }
0x84: {  	_ =	shalt  }
0x85: {  	_ =	shalt  }
0x86: {  	_ =	shalt  }
0x87: {  	_ =	shalt  }
.Lfunc_end0:
.L_simem_size_0:
called_computation.2_lowered:
.L_overlay_start_0:
0x88: {  	s2 =	sld [smem:$0x3FD9]  }
0x89: {  	s3 =	sld [smem:$0x3FFE];
	_ =	sdelay $0x1  }
0x8a: {  	s1 =	srdreg.scid  }
0x8b: {  	s0 =	sand.u32 $0x1, s1  }
0x8c: {  	s14 =	sshll.u32 s0, $0xA;
	s2 =	sadd.s32 s3, s2  }
0x8d: {  	s2 =	sadd.s32 s2, s14  }
0x8e: {  	[smem:$0x3FBF] =	sst s2  }
0x8f: {  	_ = 	snop  }
0x90: {  	s2 =	sld [smem:$0x3FD0];
	_ =	sdelay $0x2  }
0x91: {  	s15 =	simm.s32 $0xA;
	s4 =	simm.s32 $0x10  }
0x92: {  	[smem:s4], [sflag:s15] =	dma.local [hbm:s2], $0x1  }
0x93: {  	_ =	swait.eq [sflag:s15], $0x1  }
0x94: {  	[sflag:s15] =	ssyncset.done $0x0  }
0x95: {  	s16 =	sld [smem:$0x10];
	[sflag:s15] =	ssyncadd.s32 $0xFFFFFFFF  }
0x96: {  	s17 =	sld [smem:$0x11];
	(tm) =	ssettm $0x1  }
0x97: {  	s18 =	sld [smem:$0x3FFB];
	_ =	sdelay $0x3  }
0x98: {  	_ =	strace s18  }
0x99: {  	s4 =	sld [smem:$0x3FFC];
	_ =	sdelay $0x3  }
0x9a: {  	_ =	strace s4  }
0x9b: {  	s4 =	sld [smem:$0x3FFD];
	_ =	sdelay $0x3  }
0x9c: {  	_ =	strace s4  }
0x9d: {  	_ =	strace $0x8FFFFFFF  }
0x9e: {  	s19 =	sld [smem:$0x3FDB];
	_ =	sdelay $0x1  }
0x9f: {  	s5 =	simm.s32 $_scs_section_size  }
0xa0: {  	s6 =	simm.s32 $_size__tile_overlayer_lowered;
	s7 =	simm.s32 $_tile_overlayer_lowered  }
0xa1: {  	s22 =	simm.s32 $0x1BFF;
	s21 =	sshll.u32 s7, $0x1;
	s4 =	sadd.s32 s5, s19  }
0xa2: {  	s8 =	simm.s32 $0x0;
	s20 =	sshll.u32 s6, $0x1;
	s6 =	sadd.s32 s21, s4  }
0xa3: {  	[timem:s8], [sflag:s22] =	dma.local [hbm:s6], s20  }
0xa4: {  	_ =	swait.ge [sflag:s22], s20  }
0xa5: {  	s5 =	ssub.s32 $0x0, s20;
	[sflag:s22] =	ssyncset.done $0x0  }
0xa6: {  	[sflag:s22] =	ssyncadd.s32 s5;
	_ =	sdelay $0x1  }
0xa7: {  	s23 =	simm.s32 $0x1B8B  }
0xa8: {  	_ =	swait.ge [sflag:s23], $0x1  }
0xa9: {  	[sflag:s23] =	ssyncset.done $0x0  }
0xaa: {  	s25 =	simm.s32 $0x1B8E;
	s24 =	sld [smem:$0x3FFE];
	[sflag:s23] =	ssyncadd.s32 $0xFFFFFFFF  }
0xab: {  	s26 =	simm.s32 $execute0_lowered;
	[smem:$0x3FD2] =	sst s25  }
0xac: {  	s6 =	sshll.u32 s26, $0x1;
	_ =	strace $0x8000004C;
	[dreg:$0x1] =	wrdreg $0xFFFFFFFF  }
0xad: {  	s28 =	simm.s32 $_size_execute0_lowered;
	s4 =	sadd.s32 s4, s6;
	[dreg:$0x0] =	wrdreg $0x0  }
0xae: {  	s6 =	sshll.u32 s28, $0x1;
	[dreg:$0x2] =	wrdreg s4  }
0xaf: {  	[dreg:$0x3] =	wrdreg s6  }
0xb0: {  	[dreg:$0x4] =	wrdreg $0xC0  }
0xb1: {  	_ =	task [dreg:s8], $0x5FFFF  }
0xb2: {  	[dreg:$0x1] =	wrdreg $0xFFFFFFFF  }
0xb3: {  	[dreg:$0x0] =	wrdreg $0x60  }
0xb4: {  	[dreg:$0x2] =	wrdreg s16  }
0xb5: {  	[dreg:$0x3] =	wrdreg s24  }
0xb6: {  	[dreg:$0x4] =	wrdreg s17  }
0xb7: {  	[dreg:$0x5] =	wrdreg $0x7B800  }
0xb8: {  	[dreg:$0x6] =	wrdreg $0x9  }
0xb9: {  	_ =	task.clear_ibuf [dreg:s8], $0x7FFFF;
	_ =	strace $0x9000004C  }
0xba: {  	s29 =	simm.s32 $0x9;
	_ =	strace $0x8000004E  }
0xbb: {  	_ =	swait.ge [sflag:s29], $0x1  }
0xbc: {  	[sflag:s29] =	ssyncadd.s32 $0xFFFFFFFF  }
0xbd: {  	_ =	strace $0x9000004E  }
0xbe: {  	_ =	sfence  }
0xbf: {  	s30 =	sld [smem:$0x0];
	_ =	sdelay $0x2  }
0xc0: {  	s31 =	sshll.u32 s1, $0xD;
	s1 =	sshrl.u32 s1, $0x2  }
0xc1: {  	s3 =	sand.u32 $0x4000, s31;
	s1 =	sadd.s32 s1, s30  }
0xc2: {  	s0 =	sor.u32 s3, s0;
	s1 =	sshll.u32 s1, $0x11  }
0xc3: {  	s0 =	sor.u32 s1, s0  }
0xc4: {  	s0 =	sadd.s32 $0x8F2B, s0  }
0xc5: {  	[sflag:s0] =	ssyncadd.remote.s32 $0x1  }
0xc6: {  	_ =	sfence.sel $0xFFFF  }
0xc7: {  	[dreg:$0x0] =	wrdreg $0xFFFFFFFF;
	(pc) =	sbr.abs _section_cstart, $3  }
0xc8: {  	[dreg:$0x1] =	wrdreg $0xFFFFFFFF  }
0xc9: {  	_ =	task.clear_ibuf [dreg:s8], $0x2FFFF;
	_ =	strace $0x9FFFFFFF  }
0xca: {  	(tm) =	ssettm $0x7FFFFFFF  }
0xcb: {  	_ =	shalt  }
tec
execute0_lowered:
.L_overlay_start_1:
0x0: {  	(tag) =	ssettag $0x1  }
0x1: {  	s29 =	rddreg [dreg:$0x0]  }
0x2: {  	s0 =	rddreg [dreg:$0x1]  }
0x3: {  	s28 =	rddreg [dreg:$0x2]  }
0x4: {  	s3 =	rddreg [dreg:$0x3];
	s5 =	srdreg.scid;
	s4 =	simm.s32 $0x0  }
0x5: {  	s11 =	stileid.u32;
	s19 =	simm.s32 $0x6780;
	s20 =	simm.s32 $0x3  }
0x6: {  	s30 =	simm.s32 $0x5200;
	s31 =	simm.s32 $0x1;
	s10 =	sand.u32 $0x1, s5  }
0x7: {  	[smem:$0x7FF] =	sst s4;
	s5 =	sadd.s32 $0xCE00, s0;
	s15 =	smul.u32 $0x13800, s11  }
0x8: {  	s7 =	sadd.s32 $0x508C00, s0;
	s9 =	sadd.s32 $0x16C00, s0;
	s17 =	smul.u32 $0x4E000, s11  }
0x9: {  	p0 =	sne.s32 s11, $0x0;
	s6 =	sshll.u32 s10, $0x4;
	_ =	strace $0x8000004D  }
0xa: {  	s12 =	ssub.s32 $0x2, s10;
	s10 =	smul.u32 $0x138800, s10;
	s8 =	sor.u32 s11, s6  }
0xb: {  	s6 =	sadd.s32 $0x3000, s0;
	s0 =	sadd.s32 $0x3DE00, s0;
	s13 =	sshrl.u32 s12, $0x1  }
0xc: {  	s26 =	sshrl.u32 s17, $0x2;
	s1 =	smul.u32 $0x2710, s8;
	s12 =	ssub.s32 s12, s13  }
0xd: {  	s8 =	sadd.s32 $0x138000, s3;
	s22 =	sshrl.u32 s10, $0x3;
	s10 =	sadd.s32 s15, s10  }
0xe: {  	s17 =	sadd.s32 s26, s3;
	s26 =	simm.s32 $0x180;
	s16 =	sadd.s32 s0, s22  }
0xf: {  	s25 =	smax.u32 s12, $0x1;
	s10 =	sshrl.u32 s10, $0x3;
	s22 =	simm.s32 $0x28  }
0x10: {  	[dreg:$0x5] =	wrdreg s8;
	s14 =	sshrl.u32 s1, $0x3;
	s23 =	sadd.s32 $0x28, s1  }
0x11: {  	s13 =	smov.u32 s1;
	s24 =	sadd.s32 $0x27000, s16;
	[dreg:$0xa] =	wrdreg s25  }
0x12: {  	s18 =	sadd.s32 s10, s0;
	s25 =	simm.s32 $0x100;
	[dreg:$0x8] =	wrdreg s23  }
0x13: {  	s0 =	simm.s32 $0x6600;
	s2 =	sadd.s32 s5, s14;
	[dreg:$0x9] =	wrdreg s24  }
0x14: {  	s21 =	sadd.s32 s6, s14;
	s14 =	sadd.s32 $0x50, s1;
	[dreg:$0x6] =	wrdreg s2  }
0x15: {  	v0 =	vimm.f32 $0.0e+00;
	s23 =	simm.s32 $0x2;
	[dreg:$0x7] =	wrdreg s21;
	s2 =	simm.s32 $0x0  }
.LBB2_1:
0x16: {  	s10 =	simm.s32 $0x0;
	s11 =	simm.s32 $0x200  }
.LBB2_2:
0x17: {  	p1 =	sne.s32 s11, $0x2E00;
	[tilespmem:s10+$0x67F0] =	vst v0  }
0x18: {  	[tilespmem:s10+$0x6780] =	vst v0  }
0x19: {  	[tilespmem:s10+$0x6790] =	vst v0  }
.Ltmp0:
0x1a: {  	[tilespmem:s10+$0x67A0] =	vst v0;
	(pc) =	sbr.rel @p1 .LBB2_2-.Ltmp0, $4  }
0x1b: {  	[tilespmem:s10+$0x67B0] =	vst v0  }
0x1c: {  	[tilespmem:s10+$0x67C0] =	vst v0  }
0x1d: {  	[tilespmem:s10+$0x67D0] =	vst v0  }
0x1e: {  	[tilespmem:s10+$0x67E0] =	vst v0;
	s10 =	sshra.s32 s11, $0x2;
	s11 =	sadd.s32 $0x200, s11  }
0x1f: {  	[tilespmem:s10+$0x67F0] =	vst v0  }
0x20: {  	[tilespmem:s10+$0x6780] =	vst v0  }
0x21: {  	[tilespmem:s10+$0x6790] =	vst v0  }
0x22: {  	[tilespmem:s10+$0x67A0] =	vst v0  }
0x23: {  	[tilespmem:s10+$0x67B0] =	vst v0  }
0x24: {  	[tilespmem:s10+$0x67C0] =	vst v0  }
0x25: {  	[tilespmem:s10+$0x67D0] =	vst v0  }
0x26: {  	[dreg:$0xb] =	wrdreg s2;
	[tilespmem:s10+$0x67E0] =	vst v0;
	s24 =	sadd.s32 $0x0, s17  }
0x27: {  	[spmem:s24] =	stream.linear.scatter [tilespmem:s19], [sflag:$0x3], $0xC00, $0x38;
	[tilespmem:$0x1B400] =	vst v63  }
0x28: {  	s10 =	simm.s32 $0x3000;
	_ =	swait.ge [sflag:s20], $0xC00  }
.LBB2_4:
0x29: {  	s11 =	sshra.s32 s10, $0x2;
	[sflag:s20] =	ssyncset.done $0x0;
	p1 =	sne.s32 s10, $0x4B000  }
.Ltmp1:
0x2a: {  	s11 =	sadd.s32 s11, s17;
	[sflag:s20] =	ssyncadd.s32 $0xFFFFF400;
	(pc) =	sbr.rel @p1 .LBB2_4-.Ltmp1, $3  }
0x2b: {  	[spmem:s11] =	stream.linear.scatter [tilespmem:s19], [sflag:$0x3], $0xC00, $0x38;
	[tilespmem:$0x1B400] =	vst v63  }
0x2c: {  	s10 =	sadd.s32 $0x3000, s10;
	_ =	sdelay $0x1  }
0x2d: {  	_ =	swait.ge [sflag:s20], $0xC00  }
0x2e: {  	[sflag:s20] =	ssyncset.done $0x0  }
0x2f: {  	s10 =	simm.s32 @!p0 $0x6780;
	[sflag:s20] =	ssyncadd.s32 $0xFFFFF400  }
0x30: {  	[spmem:s8] =	stream.linear.scatter @!p0 [tilespmem:s10], [sflag:$0x3], $0x800, $0x38;
	[tilespmem:$0x1B400] =	vst v63  }
0x31: {  	s10 =	simm.s32 @!p0 $0x3  }
0x32: {  	_ =	swait.ge @!p0 [sflag:s10], $0x800  }
0x33: {  	[sflag:s10] =	ssyncset.done @!p0 $0x0  }
0x34: {  	[sflag:s10] =	ssyncadd.s32 @!p0 $0xFFFFF800  }
0x35: {  	[bflag:$0x0] =	sbarrier.arrive $0xFFFF  }
0x36: {  	s11 =	simm.s32 $0x0;
	s1 =	rddreg [dreg:$0x6]  }
0x37: {  	[tilespmem:s11], [sflag:$0x3] =	stream.linear.gather [hbm4b:s1+s11], $0x28, $0x38;
	[tilespmem:$0x1B400] =	vst v63  }
0x38: {  	_ =	swait.ge [sflag:s20], $0x28  }
0x39: {  	[sflag:s20] =	ssyncset.done $0x0  }
0x3a: {  	s2 =	simm.s32 $0x80;
	s16 =	rddreg [dreg:$0x7];
	[sflag:s20] =	ssyncadd.s32 $0xFFFFFFD8  }
0x3b: {  	[tilespmem:s2], [sflag:$0x3] =	stream.linear.gather [hbm4b:s16+s11], $0x28, $0x38;
	[tilespmem:$0x1B400] =	vst v63  }
0x3c: {  	_ =	swait.ge [sflag:s20], $0x28  }
0x3d: {  	[sflag:s20] =	ssyncset.done $0x0  }
0x3e: {  	s21 =	simm.s32 $0x200;
	[sflag:s20] =	ssyncadd.s32 $0xFFFFFFD8  }
0x3f: {  	[tilespmem:s21], [sflag:$0x1] =	stream.indirect.gather [hbm4b:s29+s22], $0x80, s11, s22, $0xb8;
	[tilespmem:$0x1B400] =	vst v63  }
0x40: {  	s24 =	simm.s32 $0x2A00;
	s12 =	simm.s32 $0x0  }
0x41: {  	[tilespmem:s24], [sflag:$0x1] =	stream.indirect.gather [hbm4b:s9+s22], $0x80, s2, s22, $0xb8;
	[tilespmem:$0x1B400] =	vst v63  }
.LBB2_6:
0x42: {  	s16 =	smul.u32 $0x50, s12  }
0x43: {  	s2 =	rddreg [dreg:$0x8]  }
0x44: {  	s15 =	sadd.s32 s16, s2  }
0x45: {  	s10 =	sshrl.u32 s15, $0x3  }
0x46: {  	s21 =	sadd.s32 s5, s10  }
0x47: {  	[tilespmem:s25], [sflag:$0x3] =	stream.linear.gather [hbm4b:s21+s11], $0x28, $0x38;
	[tilespmem:$0x1B400] =	vst v63  }
0x48: {  	_ =	swait.ge [sflag:s20], $0x28  }
0x49: {  	[sflag:s20] =	ssyncset.done $0x0  }
0x4a: {  	s10 =	sadd.s32 s6, s10;
	[sflag:s20] =	ssyncadd.s32 $0xFFFFFFD8  }
0x4b: {  	[tilespmem:s26], [sflag:$0x3] =	stream.linear.gather [hbm4b:s10+s11], $0x28, $0x38;
	[tilespmem:$0x1B400] =	vst v63  }
0x4c: {  	_ =	swait.ge [sflag:s20], $0x28  }
0x4d: {  	[sflag:s20] =	ssyncset.done $0x0  }
0x4e: {  	s10 =	simm.s32 $0x1600;
	[sflag:s20] =	ssyncadd.s32 $0xFFFFFFD8  }
0x4f: {  	[tilespmem:s10], [sflag:$0x2] =	stream.indirect.gather [hbm4b:s29+s22], $0x80, s25, s22, $0xb8;
	[tilespmem:$0x1B400] =	vst v63  }
0x50: {  	s10 =	sadd.s32 s13, s16  }
0x51: {  	s21 =	simm.s32 $0x3E00;
	s24 =	sshll.u32 s10, $0x4  }
0x52: {  	[tilespmem:s21], [sflag:$0x2] =	stream.indirect.gather [hbm4b:s9+s22], $0x80, s26, s22, $0xb8;
	[tilespmem:$0x1B400] =	vst v63  }
0x53: {  	s21 =	sadd.s32 s7, s24  }
0x54: {  	[tilespmem:s30], [sflag:$0x1] =	stream.linear.gather [hbm4b:s21+s11], $0x1400, $0x38;
	[tilespmem:$0x1B400] =	vst v63  }
0x55: {  	_ =	swait.ge [sflag:s31], $0x1400  }
0x56: {  	[sflag:s31] =	ssyncset.done $0x0  }
0x57: {  	[sflag:s31] =	ssyncadd.s32 $0xFFFFEC00  }
0x58: {  	_ =	swait.ge [sflag:s31], $0x1400  }
0x59: {  	[sflag:s31] =	ssyncset.done $0x0  }
0x5a: {  	[sflag:s31] =	ssyncadd.s32 $0xFFFFEC00  }
0x5b: {  	_ =	swait.ge [sflag:s31], $0x1400  }
0x5c: {  	s1 =	smov.u32 s3;
	[sflag:s31] =	ssyncset.done $0x0  }
0x5d: {  	s3 =	smov.u32 s28;
	s28 =	simm.s32 $0x0;
	[sflag:s31] =	ssyncadd.s32 $0xFFFFEC00  }
0x5e: {  	v1 =	vld [tilespmem:s28+$0x2A00];
	_ =	sdelay $0x4  }
0x5f: {  	v1 =	vadd.f32 $9.999999710e-10, v1;
	_ =	sdelay $0x1  }
0x60: {  	(erf) = vrcp.f32 v1;
	_ =	sdelay $0x4  }
0x61: {  	v1 =	vld [tilespmem:s28+$0x5200];
	_ =	sdelay $0x3  }
0x62: {  	v2 =	vpop (erf)  }
0x63: {  	v1 =	vmul.f32 v2, v1  }
0x64: {  	s8 =	smov.u32 s29;
	s29 =	simm.s32 $0x6600  }
0x65: {  	s24 =	simm.s32 $0x80;
	[tilespmem:s29+$0x0] =	vst v1  }
0x66: {  	v3 =	vld [tilespmem:s24+$0x2A00]  }
0x67: {  	v7 =	vld [tilespmem:s28+$0x270]  }
0x68: {  	v6 =	vld [tilespmem:s28+$0x220]  }
0x69: {  	v5 =	vld [tilespmem:s28+$0x240]  }
0x6a: {  	v2 =	vbroadcast v1, $0x4;
	v4 =	vld [tilespmem:s28+$0x250]  }
0x6b: {  	s21 =	simm.s32 $0x400;
	v10 =	vbroadcast v1, $0x7;
	v9 =	vbroadcast v1, $0x2;
	v8 =	vadd.f32 $9.999999710e-10, v3;
	v3 =	vld [tilespmem:s28+$0x260]  }
.LBB2_7:
0x6c: {  	p1 =	sne.s32 s21, $0x4E00  }
0x6d: {  	v11 =	vld [tilespmem:s28+$0x210];
	v12 =	vbroadcast v1, $0x5;
	v7 =	vmul.f32 v7, v10;
	s29 =	sadd.s32 $0x8, s29;
	s2 =	smov.u32 s21;
	s21 =	sadd.s32 $0x200, s21  }
0x6e: {  	(erf) = vrcp.f32 v8;
	v6 =	vmul.f32 v6, v9;
	v8 =	vld [tilespmem:s28+$0x230]  }
0x6f: {  	v9 =	vld [tilespmem:s28+$0x200];
	v2 =	vmul.f32 v5, v2;
	v5 =	vbroadcast v1, $0x6;
	[tilespmem:s28+$0x67F0] =	vst v7  }
0x70: {  	v7 =	vbroadcast v1, $0x1;
	[tilespmem:s28+$0x67A0] =	vst v6;
	v4 =	vmul.f32 v4, v12  }
0x71: {  	v6 =	vbroadcast v1, $0x3;
	[tilespmem:s28+$0x67C0] =	vst v2;
	v2 =	vmul.f32 v3, v5  }
0x72: {  	v1 =	vbroadcast v1, $0x0;
	v3 =	vmul.f32 v11, v7;
	[tilespmem:s28+$0x67D0] =	vst v4  }
0x73: {  	v4 =	vld [tilespmem:s24+$0x5200];
	v5 =	vmul.f32 v8, v6;
	[tilespmem:s28+$0x67E0] =	vst v2  }
0x74: {  	v2 =	vmul.f32 v1, v9;
	[tilespmem:s28+$0x6790] =	vst v3  }
0x75: {  	[tilespmem:s28+$0x67B0] =	vst v5  }
0x76: {  	[tilespmem:s28+$0x6780] =	vst v2;
	s28 =	smov.u32 s24  }
0x77: {  	v1 =	vpop (erf)  }
0x78: {  	v1 =	vmul.f32 v1, v4;
	_ =	sdelay $0x1  }
0x79: {  	v2 =	vbroadcast v1, $0x4  }
0x7a: {  	s24 =	sshra.s32 s2, $0x2;
	[tilespmem:s29+$0x0] =	vst v1  }
0x7b: {  	v3 =	vld [tilespmem:s24+$0x2A00]  }
.Ltmp2:
0x7c: {  	v7 =	vld [tilespmem:s28+$0x270];
	(pc) =	sbr.rel @p1 .LBB2_7-.Ltmp2, $4  }
0x7d: {  	v6 =	vld [tilespmem:s28+$0x220]  }
0x7e: {  	v5 =	vld [tilespmem:s28+$0x240]  }
0x7f: {  	v10 =	vbroadcast v1, $0x7;
	v4 =	vld [tilespmem:s28+$0x250]  }
0x80: {  	v9 =	vbroadcast v1, $0x2;
	v8 =	vadd.f32 $9.999999710e-10, v3;
	v3 =	vld [tilespmem:s28+$0x260]  }
0x81: {  	v12 =	vbroadcast v1, $0x5;
	v7 =	vmul.f32 v7, v10  }
0x82: {  	(erf) = vrcp.f32 v8;
	v6 =	vmul.f32 v6, v9  }
0x83: {  	v2 =	vmul.f32 v5, v2;
	[tilespmem:s28+$0x67F0] =	vst v7  }
0x84: {  	v11 =	vld [tilespmem:s28+$0x210];
	[tilespmem:s28+$0x67A0] =	vst v6;
	v4 =	vmul.f32 v4, v12  }
0x85: {  	v10 =	vld [tilespmem:s28+$0x230];
	[tilespmem:s28+$0x67C0] =	vst v2;
	v2 =	vbroadcast v1, $0x6  }
0x86: {  	v8 =	vld [tilespmem:s28+$0x200];
	[tilespmem:s28+$0x67D0] =	vst v4  }
0x87: {  	v4 =	vbroadcast v1, $0x1;
	v5 =	vld [tilespmem:s24+$0x5200];
	v2 =	vmul.f32 v3, v2  }
0x88: {  	v6 =	vbroadcast v1, $0x3  }
0x89: {  	v1 =	vbroadcast v1, $0x0;
	v3 =	vmul.f32 v11, v4  }
0x8a: {  	v4 =	vmul.f32 v10, v6;
	[tilespmem:s28+$0x67E0] =	vst v2  }
0x8b: {  	v1 =	vmul.f32 v1, v8;
	[tilespmem:s28+$0x6790] =	vst v3;
	v2 =	vpop (erf)  }
0x8c: {  	[tilespmem:s28+$0x67B0] =	vst v4;
	v2 =	vmul.f32 v2, v5  }
0x8d: {  	s2 =	sadd.s32 $0x8, s29;
	[tilespmem:s28+$0x6780] =	vst v1  }
0x8e: {  	[tilespmem:s2+$0x0] =	vst v2  }
0x8f: {  	v1 =	vld [tilespmem:s24+$0x270]  }
0x90: {  	v3 =	vld [tilespmem:s24+$0x220]  }
0x91: {  	v4 =	vld [tilespmem:s24+$0x240]  }
0x92: {  	v6 =	vbroadcast v2, $0x7;
	v5 =	vld [tilespmem:s24+$0x250]  }
0x93: {  	v8 =	vbroadcast v2, $0x2;
	v7 =	vld [tilespmem:s24+$0x260]  }
0x94: {  	v10 =	vbroadcast v2, $0x4;
	v9 =	vld [tilespmem:s24+$0x210];
	v1 =	vmul.f32 v1, v6  }
0x95: {  	v11 =	vbroadcast v2, $0x5;
	v6 =	vld [tilespmem:s24+$0x230];
	v3 =	vmul.f32 v3, v8  }
0x96: {  	v8 =	vld [tilespmem:s24+$0x200];
	v4 =	vmul.f32 v4, v10;
	v10 =	vbroadcast v2, $0x6;
	[tilespmem:s24+$0x67F0] =	vst v1  }
0x97: {  	v1 =	vbroadcast v2, $0x1;
	[tilespmem:s24+$0x67A0] =	vst v3;
	v3 =	vmul.f32 v5, v11  }
0x98: {  	v5 =	vbroadcast v2, $0x3;
	[tilespmem:s24+$0x67C0] =	vst v4;
	v4 =	vmul.f32 v7, v10  }
0x99: {  	v2 =	vbroadcast v2, $0x0;
	v1 =	vmul.f32 v9, v1;
	[tilespmem:s24+$0x67D0] =	vst v3  }
0x9a: {  	[tilespmem:s24+$0x67E0] =	vst v4;
	v3 =	vmul.f32 v6, v5  }
0x9b: {  	v2 =	vmul.f32 v2, v8;
	[tilespmem:s24+$0x6790] =	vst v1  }
0x9c: {  	[tilespmem:s24+$0x67B0] =	vst v3  }
0x9d: {  	s28 =	smov.u32 s3;
	s3 =	sadd.s32 s3, s10;
	[tilespmem:s24+$0x6780] =	vst v2  }
0x9e: {  	[hbm4b:s3+s4] =	stream.linear.scatter [tilespmem:s0], [sflag:$0x3], $0x140, $0x38;
	[tilespmem:$0x1B400] =	vst v63  }
0x9f: {  	_ =	swait.ge [sflag:s20], $0x140  }
0xa0: {  	p1 =	seq.s32 s12, $0x7C;
	[sflag:s20] =	ssyncset.done $0x0  }
0xa1: {  	s10 =	simm.s32 $0x80;
	s3 =	smov.u32 s1;
	[sflag:s20] =	ssyncadd.s32 $0xFFFFFEC0  }
0xa2: {  	[spmem:s3] =	stream.indirect.scatter.add.f32 [tilespmem:s19], [sflag:$0x3], $0x80, s10, s22, $0xb8;
	[tilespmem:$0x1B400] =	vst v63  }
0xa3: {  	s2 =	sadd.s32 @!p1 s16, s14;
	_ =	swait.ge [sflag:s20], $0x1400  }
0xa4: {  	s2 =	sshrl.u32 @!p1 s2, $0x3;
	[sflag:s20] =	ssyncset.done $0x0  }
0xa5: {  	s16 =	simm.s32 @!p1 $0x0;
	s10 =	sadd.s32 @!p1 s5, s2;
	[sflag:s20] =	ssyncadd.s32 $0xFFFFEC00  }
0xa6: {  	[tilespmem:s16], [sflag:$0x3] =	stream.linear.gather @!p1 [hbm4b:s10+s16], $0x28, $0x38;
	[tilespmem:$0x1B400] =	vst v63  }
0xa7: {  	s10 =	simm.s32 @!p1 $0x3  }
0xa8: {  	_ =	swait.ge @!p1 [sflag:s10], $0x28  }
0xa9: {  	[sflag:s10] =	ssyncset.done @!p1 $0x0  }
0xaa: {  	s21 =	simm.s32 @!p1 $0x80;
	s2 =	sadd.s32 @!p1 s6, s2;
	[sflag:s10] =	ssyncadd.s32 @!p1 $0xFFFFFFD8  }
0xab: {  	[tilespmem:s21], [sflag:$0x3] =	stream.linear.gather @!p1 [hbm4b:s2+s16], $0x28, $0x38;
	[tilespmem:$0x1B400] =	vst v63  }
0xac: {  	_ =	swait.ge @!p1 [sflag:s10], $0x28  }
0xad: {  	[sflag:s10] =	ssyncset.done @!p1 $0x0  }
0xae: {  	s2 =	simm.s32 @!p1 $0x28;
	[sflag:s10] =	ssyncadd.s32 @!p1 $0xFFFFFFD8;
	s10 =	simm.s32 @!p1 $0x200  }
0xaf: {  	[tilespmem:s10], [sflag:$0x1] =	stream.indirect.gather @!p1 [hbm4b:s8+s2], $0x80, s16, s2, $0xb8;
	[tilespmem:$0x1B400] =	vst v63  }
0xb0: {  	s10 =	simm.s32 @!p1 $0x2A00  }
0xb1: {  	[tilespmem:s10], [sflag:$0x1] =	stream.indirect.gather @!p1 [hbm4b:s9+s2], $0x80, s21, s2, $0xb8;
	[tilespmem:$0x1B400] =	vst v63  }
0xb2: {  	s21 =	sshll.u32 s15, $0x4  }
0xb3: {  	s24 =	simm.s32 $0x0;
	s2 =	sadd.s32 s7, s21  }
0xb4: {  	[tilespmem:s30], [sflag:$0x2] =	stream.linear.gather [hbm4b:s2+s24], $0x1400, $0x38;
	[tilespmem:$0x1B400] =	vst v63  }
0xb5: {  	_ =	swait.ge [sflag:s23], $0x1400  }
0xb6: {  	[sflag:s23] =	ssyncset.done $0x0  }
0xb7: {  	[sflag:s23] =	ssyncadd.s32 $0xFFFFEC00  }
0xb8: {  	_ =	swait.ge [sflag:s23], $0x1400  }
0xb9: {  	[sflag:s23] =	ssyncset.done $0x0  }
0xba: {  	[sflag:s23] =	ssyncadd.s32 $0xFFFFEC00  }
0xbb: {  	_ =	swait.ge [sflag:s23], $0x1400  }
0xbc: {  	[sflag:s23] =	ssyncset.done $0x0  }
0xbd: {  	s16 =	simm.s32 $0x0;
	[sflag:s23] =	ssyncadd.s32 $0xFFFFEC00  }
0xbe: {  	v1 =	vld [tilespmem:s16+$0x3E00];
	_ =	sdelay $0x4  }
0xbf: {  	v1 =	vadd.f32 $9.999999710e-10, v1;
	_ =	sdelay $0x1  }
0xc0: {  	(erf) = vrcp.f32 v1;
	_ =	sdelay $0x4  }
0xc1: {  	v1 =	vld [tilespmem:s16+$0x5200];
	_ =	sdelay $0x3  }
0xc2: {  	v2 =	vpop (erf)  }
0xc3: {  	v1 =	vmul.f32 v2, v1  }
0xc4: {  	s24 =	simm.s32 $0x6600  }
0xc5: {  	s10 =	simm.s32 $0x80;
	[tilespmem:s24+$0x0] =	vst v1  }
0xc6: {  	v3 =	vld [tilespmem:s10+$0x3E00]  }
0xc7: {  	v7 =	vld [tilespmem:s16+$0x1670]  }
0xc8: {  	v6 =	vld [tilespmem:s16+$0x1620]  }
0xc9: {  	v5 =	vld [tilespmem:s16+$0x1640]  }
0xca: {  	v2 =	vbroadcast v1, $0x4;
	v4 =	vld [tilespmem:s16+$0x1650]  }
0xcb: {  	s29 =	smov.u32 s8;
	s21 =	simm.s32 $0x400;
	v10 =	vbroadcast v1, $0x7;
	v9 =	vbroadcast v1, $0x2;
	v8 =	vadd.f32 $9.999999710e-10, v3;
	v3 =	vld [tilespmem:s16+$0x1660]  }
.LBB2_9:
0xcc: {  	p1 =	sne.s32 s21, $0x4E00  }
0xcd: {  	v11 =	vld [tilespmem:s16+$0x1610];
	v12 =	vbroadcast v1, $0x5;
	v7 =	vmul.f32 v7, v10;
	s24 =	sadd.s32 $0x8, s24;
	s2 =	smov.u32 s21;
	s21 =	sadd.s32 $0x200, s21  }
0xce: {  	(erf) = vrcp.f32 v8;
	v6 =	vmul.f32 v6, v9;
	v8 =	vld [tilespmem:s16+$0x1630]  }
0xcf: {  	v9 =	vld [tilespmem:s16+$0x1600];
	v2 =	vmul.f32 v5, v2;
	v5 =	vbroadcast v1, $0x6;
	[tilespmem:s16+$0x67F0] =	vst v7  }
0xd0: {  	v7 =	vbroadcast v1, $0x1;
	[tilespmem:s16+$0x67A0] =	vst v6;
	v4 =	vmul.f32 v4, v12  }
0xd1: {  	v6 =	vbroadcast v1, $0x3;
	[tilespmem:s16+$0x67C0] =	vst v2;
	v2 =	vmul.f32 v3, v5  }
0xd2: {  	v1 =	vbroadcast v1, $0x0;
	v3 =	vmul.f32 v11, v7;
	[tilespmem:s16+$0x67D0] =	vst v4  }
0xd3: {  	v4 =	vld [tilespmem:s10+$0x5200];
	v5 =	vmul.f32 v8, v6;
	[tilespmem:s16+$0x67E0] =	vst v2  }
0xd4: {  	v2 =	vmul.f32 v1, v9;
	[tilespmem:s16+$0x6790] =	vst v3  }
0xd5: {  	[tilespmem:s16+$0x67B0] =	vst v5  }
0xd6: {  	[tilespmem:s16+$0x6780] =	vst v2;
	s16 =	smov.u32 s10  }
0xd7: {  	v1 =	vpop (erf)  }
0xd8: {  	v1 =	vmul.f32 v1, v4;
	_ =	sdelay $0x1  }
0xd9: {  	v2 =	vbroadcast v1, $0x4  }
0xda: {  	s10 =	sshra.s32 s2, $0x2;
	[tilespmem:s24+$0x0] =	vst v1  }
0xdb: {  	v3 =	vld [tilespmem:s10+$0x3E00]  }
.Ltmp3:
0xdc: {  	v7 =	vld [tilespmem:s16+$0x1670];
	(pc) =	sbr.rel @p1 .LBB2_9-.Ltmp3, $4  }
0xdd: {  	v6 =	vld [tilespmem:s16+$0x1620]  }
0xde: {  	v5 =	vld [tilespmem:s16+$0x1640]  }
0xdf: {  	v10 =	vbroadcast v1, $0x7;
	v4 =	vld [tilespmem:s16+$0x1650]  }
0xe0: {  	v9 =	vbroadcast v1, $0x2;
	v8 =	vadd.f32 $9.999999710e-10, v3;
	v3 =	vld [tilespmem:s16+$0x1660]  }
0xe1: {  	v12 =	vbroadcast v1, $0x5;
	v7 =	vmul.f32 v7, v10  }
0xe2: {  	(erf) = vrcp.f32 v8;
	v6 =	vmul.f32 v6, v9  }
0xe3: {  	v47 =	vld [tilespmem:s16+$0x1630];
	v2 =	vmul.f32 v5, v2;
	[tilespmem:s16+$0x67F0] =	vst v7  }
0xe4: {  	[tilespmem:s16+$0x67A0] =	vst v6;
	v4 =	vmul.f32 v4, v12  }
0xe5: {  	v11 =	vld [tilespmem:s16+$0x1610];
	[tilespmem:s16+$0x67C0] =	vst v2;
	v2 =	vbroadcast v1, $0x6  }
0xe6: {  	v48 =	vld [tilespmem:s16+$0x1600];
	v51 =	vbroadcast v1, $0x3;
	[tilespmem:s16+$0x67D0] =	vst v4  }
0xe7: {  	v50 =	vld [tilespmem:s10+$0x5200];
	v2 =	vmul.f32 v3, v2  }
0xe8: {  	v49 =	vbroadcast v1, $0x1;
	v52 =	vmul.f32 v47, v51  }
0xe9: {  	v1 =	vbroadcast v1, $0x0  }
0xea: {  	v3 =	vmul.f32 v11, v49;
	[tilespmem:s16+$0x67B0] =	vst v52  }
0xeb: {  	v1 =	vmul.f32 v1, v48;
	[tilespmem:s16+$0x67E0] =	vst v2;
	v2 =	vpop (erf)  }
0xec: {  	[tilespmem:s16+$0x6790] =	vst v3;
	v2 =	vmul.f32 v2, v50  }
0xed: {  	s2 =	sadd.s32 $0x8, s24;
	[tilespmem:s16+$0x6780] =	vst v1  }
0xee: {  	[tilespmem:s2+$0x0] =	vst v2  }
0xef: {  	v1 =	vld [tilespmem:s10+$0x1670]  }
0xf0: {  	v3 =	vld [tilespmem:s10+$0x1620]  }
0xf1: {  	v4 =	vld [tilespmem:s10+$0x1640]  }
0xf2: {  	v54 =	vbroadcast v2, $0x7;
	v7 =	vld [tilespmem:s10+$0x1660]  }
0xf3: {  	v55 =	vbroadcast v2, $0x2;
	v53 =	vld [tilespmem:s10+$0x1650]  }
0xf4: {  	v57 =	vbroadcast v2, $0x4;
	v56 =	vld [tilespmem:s10+$0x1610];
	v1 =	vmul.f32 v1, v54  }
0xf5: {  	v61 =	vbroadcast v2, $0x6;
	v58 =	vld [tilespmem:s10+$0x1630];
	v3 =	vmul.f32 v3, v55  }
0xf6: {  	v59 =	vbroadcast v2, $0x5;
	v60 =	vld [tilespmem:s10+$0x1600];
	v4 =	vmul.f32 v4, v57;
	[tilespmem:s10+$0x67F0] =	vst v1  }
0xf7: {  	v63 =	vmul.f32 v7, v61;
	v1 =	vbroadcast v2, $0x1;
	[tilespmem:s10+$0x67A0] =	vst v3  }
0xf8: {  	v62 =	vbroadcast v2, $0x3;
	v3 =	vmul.f32 v53, v59;
	[tilespmem:s10+$0x67C0] =	vst v4  }
0xf9: {  	v2 =	vbroadcast v2, $0x0;
	[tilespmem:s10+$0x67E0] =	vst v63;
	v1 =	vmul.f32 v56, v1  }
0xfa: {  	[tilespmem:s10+$0x67D0] =	vst v3;
	v3 =	vmul.f32 v58, v62  }
0xfb: {  	v2 =	vmul.f32 v2, v60;
	[tilespmem:s10+$0x6790] =	vst v1  }
0xfc: {  	[tilespmem:s10+$0x67B0] =	vst v3  }
0xfd: {  	s24 =	sadd.s32 s28, s15;
	[tilespmem:s10+$0x6780] =	vst v2  }
0xfe: {  	[hbm4b:s24+s4] =	stream.linear.scatter [tilespmem:s0], [sflag:$0x3], $0x140, $0x38;
	[tilespmem:$0x1B400] =	vst v63  }
0xff: {  	s12 =	sadd.s32 $0x1, s12;
	_ =	swait.ge [sflag:s20], $0x140  }
0x100: {  	p1 =	sne.s32 s12, $0x7D;
	[sflag:s20] =	ssyncset.done $0x0  }
.Ltmp4:
0x101: {  	[sflag:s20] =	ssyncadd.s32 $0xFFFFFEC0;
	(pc) =	sbr.rel @p1 .LBB2_6-.Ltmp4, $4  }
0x102: {  	[spmem:s3] =	stream.indirect.scatter.add.f32 [tilespmem:s19], [sflag:$0x3], $0x80, s26, s22, $0xb8;
	[tilespmem:$0x1B400] =	vst v63  }
0x103: {  	_ =	swait.ge [sflag:s20], $0x1400  }
0x104: {  	[sflag:s20] =	ssyncset.done $0x0  }
0x105: {  	[sflag:s20] =	ssyncadd.s32 $0xFFFFEC00  }
0x106: {  	[bflag:$0x0] =	sbarrier.arrive $0xFFFF  }
0x107: {  	[tilespmem:s19], [sflag:$0x3] =	stream.linear.gather [spmem:s17], $0xC00, $0x38;
	[tilespmem:$0x1B400] =	vst v63  }
0x108: {  	_ =	swait.ge [sflag:s20], $0xC00  }
0x109: {  	[sflag:s20] =	ssyncset.done $0x0  }
0x10a: {  	s2 =	sadd.s32 $0x0, s18;
	[sflag:s20] =	ssyncadd.s32 $0xFFFFF400  }
0x10b: {  	[hbm4b:s2+s4] =	stream.linear.scatter [tilespmem:s19], [sflag:$0x3], $0xC00, $0x38;
	[tilespmem:$0x1B400] =	vst v63  }
0x10c: {  	_ =	swait.ge [sflag:s20], $0xC00  }
0x10d: {  	s10 =	simm.s32 $0x180;
	s11 =	smov.u32 s17;
	[sflag:s20] =	ssyncset.done $0x0  }
.LBB2_12:
0x10e: {  	p1 =	sne.s32 s10, $0x2580;
	[sflag:s20] =	ssyncadd.s32 $0xFFFFF400;
	s11 =	sadd.s32 $0xC00, s11  }
0x10f: {  	[tilespmem:s19], [sflag:$0x3] =	stream.linear.gather [spmem:s11], $0xC00, $0x38;
	[tilespmem:$0x1B400] =	vst v63  }
0x110: {  	s2 =	smov.u32 s10;
	s10 =	sadd.s32 $0x180, s10;
	_ =	swait.ge [sflag:s20], $0xC00  }
.Ltmp5:
0x111: {  	[sflag:s20] =	ssyncset.done $0x0;
	(pc) =	sbr.rel @p1 .LBB2_12-.Ltmp5, $4  }
0x112: {  	s2 =	sadd.s32 s2, s18;
	[sflag:s20] =	ssyncadd.s32 $0xFFFFF400  }
0x113: {  	[hbm4b:s2+s4] =	stream.linear.scatter [tilespmem:s19], [sflag:$0x3], $0xC00, $0x38;
	[tilespmem:$0x1B400] =	vst v63  }
0x114: {  	_ =	swait.ge [sflag:s20], $0xC00  }
0x115: {  	[sflag:s20] =	ssyncset.done $0x0  }
0x116: {  	[sflag:s20] =	ssyncadd.s32 $0xFFFFF400  }
0x117: {  	s2 =	simm.s32 @!p0 $0x6780;
	s8 =	rddreg [dreg:$0x5];
	s10 =	simm.s32 @!p0 $0x3  }
0x118: {  	[tilespmem:s2], [sflag:$0x3] =	stream.linear.gather @!p0 [spmem:s8], $0x800, $0x38;
	[tilespmem:$0x1B400] =	vst v63  }
0x119: {  	_ =	swait.ge @!p0 [sflag:s10], $0x800  }
0x11a: {  	[sflag:s10] =	ssyncset.done @!p0 $0x0  }
0x11b: {  	s11 =	simm.s32 @!p0 $0x0;
	s1 =	rddreg [dreg:$0x9];
	[sflag:s10] =	ssyncadd.s32 @!p0 $0xFFFFF800  }
0x11c: {  	[hbm4b:s1+s11] =	stream.linear.scatter @!p0 [tilespmem:s2], [sflag:$0x3], $0x800, $0x38;
	[tilespmem:$0x1B400] =	vst v63  }
0x11d: {  	_ =	swait.ge @!p0 [sflag:s10], $0x800  }
0x11e: {  	s21 =	rddreg [dreg:$0xb]  }
0x11f: {  	s24 =	rddreg [dreg:$0xa];
	s2 =	sadd.s32 $0x1, s21  }
0x120: {  	p1 =	sne.s32 s2, s24  }
.Ltmp6:
0x121: {  	_ = 	snop;
	(pc) =	sbr.rel @p1 .LBB2_1-.Ltmp6, $3  }
0x122: {  	_ =	sdelay $0x1  }
0x123: {  	[sflag:s10] =	ssyncset.done @!p0 $0x0  }
0x124: {  	[sflag:s10] =	ssyncadd.s32 @!p0 $0xFFFFF800  }
0x125: {  	_ =	sfence.sel $0x180000  }
0x126: {  	[bflag:$0x0] =	sbarrier.arrive $0xFFFF  }
0x127: {  	_ =	strace $0x9000004D  }
0x128: {  	[bflag:$0x2] =	sbarrier.arrive $0xFFFF  }
0x129: {  	s0 =	rddreg [dreg:$0x4]  }
0x12a: {  	s0 =	sadd.s32 @!p0 $0x100000, s0  }
0x12b: {  	[sflag:s0] =	ssyncadd.tile.s32 @!p0 $0x1;
	_ =	shalt  }
.Lfunc_end2:
_tile_overlayer_lowered:
.L_overlay_start_2:
0x12c: {  	(tag) =	ssettag $0x2  }
0x12d: {  	s0 =	rddreg [dreg:$0x0];
	s2 =	stileid.u32  }
0x12e: {  	s1 =	rddreg [dreg:$0x1];
	p0 =	sne.s32 s2, $0x0  }
0x12f: {  	s3 =	rddreg [dreg:$0x2];
	[bflag:$0x3] =	sbarrier.arrive $0xFFFF;
	s2 =	simm.s32 @!p0 $0x1C03  }
0x130: {  	[timem:s3], [sflag:s2] =	dma.local @!p0 [hbm:s0], s1  }
0x131: {  	s0 =	simm.s32 @!p0 $0x3  }
0x132: {  	_ =	swait.ge @!p0 [sflag:s0], s1  }
0x133: {  	s1 =	ssub.s32 @!p0 $0x0, s1;
	[sflag:s0] =	ssyncset.done @!p0 $0x0  }
0x134: {  	[sflag:s0] =	ssyncadd.s32 @!p0 s1  }
0x135: {  	[bflag:$0x3] =	sbarrier.arrive $0xFFFF  }
0x136: {  	_ =	shalt  }

// kernel: kernel.9.cloned.1.call-start
scs
__scs_entry_jumppad:
0x0: {  	(pc) =	sbr.rel $0x88, $3  }
0x1: {  	(tag) =	ssettag $0x0;
	lr =	simm.s32 $0x1  }
0x2: {  	[smem:$0x3F98] =	sst lr;
	_ =	strace $0xD0000000  }
0x3: {  	_ = 	snop  }
0x4: {  	_ = 	snop  }
0x5: {  	_ = 	snop  }
0x6: {  	_ = 	snop  }
0x7: {  	_ = 	snop  }
__scs_overlays_trampoline_lowered:
0x8: {  	[smem:$0x3FA7] =	sst s0  }
0x9: {  	[smem:$0x3FA8] =	sst s1  }
0xa: {  	[smem:$0x3FA9] =	sst s2  }
0xb: {  	[smem:$0x3FAA] =	sst s3  }
0xc: {  	[smem:$0x3FAB] =	sst s4  }
0xd: {  	[smem:$0x3FAC] =	sst s5  }
0xe: {  	[smem:$0x3FAD] =	sst s6  }
0xf: {  	[smem:$0x3FAE] =	sst s7  }
0x10: {  	[smem:$0x3FAF] =	sst s8  }
0x11: {  	[smem:$0x3FB0] =	sst s9;
	s0 =	simm.s32 @!p0 $0x0  }
0x12: {  	s1 =	sld [smem:$0x3F96];
	s0 =	simm.s32 @p0 $0x1  }
0x13: {  	[smem:$0x3FB1] =	sst s0;
	s0 =	simm.s32 @!p1 $0x0  }
0x14: {  	s2 =	sld [smem:$0x3F95];
	s0 =	simm.s32 @p1 $0x1  }
0x15: {  	[smem:$0x3FB2] =	sst s0;
	s0 =	simm.s32 @!p2 $0x0  }
0x16: {  	s3 =	sld [smem:$0x3FDB];
	s0 =	simm.s32 @p2 $0x1  }
0x17: {  	s4 =	simm.s32 $0x1BF5;
	[smem:$0x3FB4] =	sst s0  }
0x18: {  	s0 =	sld [smem:$0x3F97];
	_ =	swait.ge [sflag:s4], $0x0  }
0x19: {  	s7 =	sld [smem:$0x3F98]  }
0x1a: {  	s8 =	sadd.s32 $0xFFFFE003, lr  }
0x1b: {  	s9 =	sadd.s32 $0xFFFFFEF7, lr;
	s5 =	simm.s32 $0xFFFFFFFF;
	p2 =	slt.u32 s8, $0xFFFFF086  }
0x1c: {  	p1 =	slt.u32 s9, $0xF7A;
	s5 =	simm.s32 @!p2 $0x0  }
0x1d: {  	s5 =	simm.s32 @p1 $0x1;
	p0 =	seq.s32 s7, s2  }
0x1e: {  	s7 =	smul.u32 @!p0 $0xF7A, s2;
	p2 =	seq.s32 @!p0 s5, $0x0  }
0x1f: {  	s9 =	smul.u32 $0xF7A, s1;
	s8 =	simm.s32 @!p0 $0x1BF5;
	p2 =	por !p2, p0  }
0x20: {  	[sflag:s8] =	ssyncset.s32 @!p0 $0xFFFFF086;
	s6 =	sadd.s32 @!p0 s3, s7;
	s7 =	simm.s32 @!p0 $0x108  }
0x21: {  	s3 =	sadd.s32 s3, s9;
	s6 =	sadd.s32 @!p0 $0x88, s6;
	s7 =	simm.s32 @p2 $0x1082  }
0x22: {  	[simem:s7], [sflag:s8] =	dma.local @!p0 [hbm:s6], $0xF7A  }
0x23: {  	s9 =	sor.u32 $0xD0000000, s2;
	s6 =	simm.s32 $0x108;
	_ =	swait.ge @!p0 [sflag:s8], $0x0  }
0x24: {  	s3 =	sadd.s32 $0x88, s3;
	s6 =	simm.s32 @!p1 $0x1082;
	[sflag:s4] =	ssyncset.s32 $0xFFFFF086  }
0x25: {  	[simem:s6], [sflag:s4] =	dma.local [hbm:s3], $0xF7A  }
0x26: {  	[smem:$0x3F98] =	sst s1;
	(tag) =	ssettag s2;
	_ =	strace s9  }
0x27: {  	s1 =	sld [smem:$0x3FA8]  }
0x28: {  	s2 =	sld [smem:$0x3FA9]  }
0x29: {  	s4 =	sld [smem:$0x3FAB]  }
0x2a: {  	p0 =	seq.s32 s5, $0x0;
	s5 =	sld [smem:$0x3FAC]  }
0x2b: {  	s6 =	sld [smem:$0x3FAD]  }
0x2c: {  	s7 =	sld [smem:$0x3FAE]  }
0x2d: {  	s3 =	simm.s32 $0x108;
	s8 =	sld [smem:$0x3FAF]  }
0x2e: {  	s3 =	simm.s32 @!p0 $0x1082;
	s9 =	sld [smem:$0x3FB0]  }
0x2f: {  	lr =	sadd.s32 s0, s3;
	s0 =	sld [smem:$0x3FA7]  }
0x30: {  	s3 =	sld [smem:$0x3FAA]  }
0x31: {  	[smem:$0x3FB3] =	sst s10  }
0x32: {  	s10 =	sld [smem:$0x3FB1];
	_ =	sdelay $0x3  }
0x33: {  	p0 =	seq.s32 s10, $0x1;
	s10 =	sld [smem:$0x3FB3];
	_ =	sdelay $0x3  }
0x34: {  	[smem:$0x3FB3] =	sst s10  }
0x35: {  	s10 =	sld [smem:$0x3FB2];
	_ =	sdelay $0x3  }
0x36: {  	p1 =	seq.s32 s10, $0x1;
	s10 =	sld [smem:$0x3FB3];
	_ =	sdelay $0x3  }
0x37: {  	[smem:$0x3FB3] =	sst s10  }
0x38: {  	s10 =	sld [smem:$0x3FB4]  }
0x39: {  	_ = 	snop;
	(pc) =	sbr.ind lr, $3  }
0x3a: {  	_ = 	snop  }
0x3b: {  	_ = 	snop  }
0x3c: {  	p2 =	seq.s32 s10, $0x1;
	s10 =	sld [smem:$0x3FB3]  }
0x3d: {  	_ =	shalt  }
0x3e: {  	_ =	shalt  }
0x3f: {  	_ =	shalt  }
0x40: {  	_ =	shalt  }
0x41: {  	_ =	shalt  }
0x42: {  	_ =	shalt  }
0x43: {  	_ =	shalt  }
0x44: {  	_ =	shalt  }
0x45: {  	_ =	shalt  }
0x46: {  	_ =	shalt  }
0x47: {  	_ =	shalt  }
0x48: {  	_ =	shalt  }
0x49: {  	_ =	shalt  }
0x4a: {  	_ =	shalt  }
0x4b: {  	_ =	shalt  }
0x4c: {  	_ =	shalt  }
0x4d: {  	_ =	shalt  }
0x4e: {  	_ =	shalt  }
0x4f: {  	_ =	shalt  }
0x50: {  	_ =	shalt  }
0x51: {  	_ =	shalt  }
0x52: {  	_ =	shalt  }
0x53: {  	_ =	shalt  }
0x54: {  	_ =	shalt  }
0x55: {  	_ =	shalt  }
0x56: {  	_ =	shalt  }
0x57: {  	_ =	shalt  }
0x58: {  	_ =	shalt  }
0x59: {  	_ =	shalt  }
0x5a: {  	_ =	shalt  }
0x5b: {  	_ =	shalt  }
0x5c: {  	_ =	shalt  }
0x5d: {  	_ =	shalt  }
0x5e: {  	_ =	shalt  }
0x5f: {  	_ =	shalt  }
0x60: {  	_ =	shalt  }
0x61: {  	_ =	shalt  }
0x62: {  	_ =	shalt  }
0x63: {  	_ =	shalt  }
0x64: {  	_ =	shalt  }
0x65: {  	_ =	shalt  }
0x66: {  	_ =	shalt  }
0x67: {  	_ =	shalt  }
0x68: {  	_ =	shalt  }
0x69: {  	_ =	shalt  }
0x6a: {  	_ =	shalt  }
0x6b: {  	_ =	shalt  }
0x6c: {  	_ =	shalt  }
0x6d: {  	_ =	shalt  }
0x6e: {  	_ =	shalt  }
0x6f: {  	_ =	shalt  }
0x70: {  	_ =	shalt  }
0x71: {  	_ =	shalt  }
0x72: {  	_ =	shalt  }
0x73: {  	_ =	shalt  }
0x74: {  	_ =	shalt  }
0x75: {  	_ =	shalt  }
0x76: {  	_ =	shalt  }
0x77: {  	_ =	shalt  }
0x78: {  	_ =	shalt  }
0x79: {  	_ =	shalt  }
0x7a: {  	_ =	shalt  }
0x7b: {  	_ =	shalt  }
0x7c: {  	_ =	shalt  }
0x7d: {  	_ =	shalt  }
0x7e: {  	_ =	shalt  }
0x7f: {  	_ =	shalt  }
0x80: {  	_ =	shalt  }
0x81: {  	_ =	shalt  }
0x82: {  	_ =	shalt  }
0x83: {  	_ =	shalt  }
0x84: {  	_ =	shalt  }
0x85: {  	_ =	shalt  }
0x86: {  	_ =	shalt  }
0x87: {  	_ =	shalt  }
.Lfunc_end0:
.L_simem_size_0:
called_computation_lowered:
.L_overlay_start_0:
0x88: {  	s2 =	sld [smem:$0x3FD9]  }
0x89: {  	s3 =	sld [smem:$0x3FFE];
	_ =	sdelay $0x1  }
0x8a: {  	s1 =	srdreg.scid  }
0x8b: {  	s0 =	sand.u32 $0x1, s1  }
0x8c: {  	s14 =	sshll.u32 s0, $0xA;
	s2 =	sadd.s32 s3, s2  }
0x8d: {  	s2 =	sadd.s32 s2, s14  }
0x8e: {  	[smem:$0x3FBF] =	sst s2  }
0x8f: {  	_ = 	snop  }
0x90: {  	s2 =	sld [smem:$0x3FD0];
	_ =	sdelay $0x2  }
0x91: {  	s15 =	simm.s32 $0xA;
	s4 =	simm.s32 $0x10  }
0x92: {  	[smem:s4], [sflag:s15] =	dma.local [hbm:s2], $0x1  }
0x93: {  	_ =	swait.eq [sflag:s15], $0x1  }
0x94: {  	[sflag:s15] =	ssyncset.done $0x0  }
0x95: {  	s16 =	sld [smem:$0x10];
	[sflag:s15] =	ssyncadd.s32 $0xFFFFFFFF  }
0x96: {  	s17 =	sld [smem:$0x11];
	(tm) =	ssettm $0x1  }
0x97: {  	s18 =	sld [smem:$0x3FFB];
	_ =	sdelay $0x3  }
0x98: {  	_ =	strace s18  }
0x99: {  	s4 =	sld [smem:$0x3FFC];
	_ =	sdelay $0x3  }
0x9a: {  	_ =	strace s4  }
0x9b: {  	s4 =	sld [smem:$0x3FFD];
	_ =	sdelay $0x3  }
0x9c: {  	_ =	strace s4  }
0x9d: {  	_ =	strace $0x8FFFFFFF  }
0x9e: {  	s19 =	sld [smem:$0x3FDB];
	_ =	sdelay $0x1  }
0x9f: {  	s5 =	simm.s32 $_scs_section_size  }
0xa0: {  	s6 =	simm.s32 $_size__tile_overlayer_lowered;
	s7 =	simm.s32 $_tile_overlayer_lowered  }
0xa1: {  	s22 =	simm.s32 $0x1BFF;
	s21 =	sshll.u32 s7, $0x1;
	s4 =	sadd.s32 s5, s19  }
0xa2: {  	s8 =	simm.s32 $0x0;
	s20 =	sshll.u32 s6, $0x1;
	s6 =	sadd.s32 s21, s4  }
0xa3: {  	[timem:s8], [sflag:s22] =	dma.local [hbm:s6], s20  }
0xa4: {  	_ =	swait.ge [sflag:s22], s20  }
0xa5: {  	s5 =	ssub.s32 $0x0, s20;
	[sflag:s22] =	ssyncset.done $0x0  }
0xa6: {  	[sflag:s22] =	ssyncadd.s32 s5;
	_ =	sdelay $0x1  }
0xa7: {  	s23 =	simm.s32 $0x1B8B  }
0xa8: {  	_ =	swait.ge [sflag:s23], $0x1  }
0xa9: {  	[sflag:s23] =	ssyncset.done $0x0  }
0xaa: {  	s25 =	simm.s32 $0x1B8E;
	s24 =	sld [smem:$0x3FFE];
	[sflag:s23] =	ssyncadd.s32 $0xFFFFFFFF  }
0xab: {  	s26 =	simm.s32 $execute0_lowered;
	[smem:$0x3FD2] =	sst s25  }
0xac: {  	s6 =	sshll.u32 s26, $0x1;
	_ =	strace $0x80000046;
	[dreg:$0x1] =	wrdreg $0xFFFFFFFF  }
0xad: {  	s28 =	simm.s32 $_size_execute0_lowered;
	s4 =	sadd.s32 s4, s6;
	[dreg:$0x0] =	wrdreg $0x0  }
0xae: {  	s6 =	sshll.u32 s28, $0x1;
	[dreg:$0x2] =	wrdreg s4  }
0xaf: {  	[dreg:$0x3] =	wrdreg s6  }
0xb0: {  	[dreg:$0x4] =	wrdreg $0xC0  }
0xb1: {  	_ =	task [dreg:s8], $0x5FFFF  }
0xb2: {  	[dreg:$0x1] =	wrdreg $0xFFFFFFFF  }
0xb3: {  	[dreg:$0x0] =	wrdreg $0x60  }
0xb4: {  	[dreg:$0x2] =	wrdreg s16  }
0xb5: {  	[dreg:$0x3] =	wrdreg s17  }
0xb6: {  	[dreg:$0x4] =	wrdreg s24  }
0xb7: {  	[dreg:$0x5] =	wrdreg $0x9  }
0xb8: {  	_ =	task.clear_ibuf [dreg:s8], $0x6FFFF;
	_ =	strace $0x90000046  }
0xb9: {  	s29 =	simm.s32 $0x9;
	_ =	strace $0x80000048  }
0xba: {  	_ =	swait.ge [sflag:s29], $0x1  }
0xbb: {  	[sflag:s29] =	ssyncadd.s32 $0xFFFFFFFF  }
0xbc: {  	_ =	strace $0x90000048  }
0xbd: {  	_ =	sfence  }
0xbe: {  	s30 =	sld [smem:$0x0];
	_ =	sdelay $0x2  }
0xbf: {  	s31 =	sshll.u32 s1, $0xD;
	s1 =	sshrl.u32 s1, $0x2  }
0xc0: {  	s3 =	sand.u32 $0x4000, s31;
	s1 =	sadd.s32 s1, s30  }
0xc1: {  	s0 =	sor.u32 s3, s0;
	s1 =	sshll.u32 s1, $0x11  }
0xc2: {  	s0 =	sor.u32 s1, s0  }
0xc3: {  	s0 =	sadd.s32 $0x8F2B, s0  }
0xc4: {  	[sflag:s0] =	ssyncadd.remote.s32 $0x1  }
0xc5: {  	_ =	sfence.sel $0xFFFF  }
0xc6: {  	[dreg:$0x0] =	wrdreg $0xFFFFFFFF;
	(pc) =	sbr.abs _section_cstart, $3  }
0xc7: {  	[dreg:$0x1] =	wrdreg $0xFFFFFFFF  }
0xc8: {  	_ =	task.clear_ibuf [dreg:s8], $0x2FFFF;
	_ =	strace $0x9FFFFFFF  }
0xc9: {  	(tm) =	ssettm $0x7FFFFFFF  }
tec
execute0_lowered:
.L_overlay_start_1:
0x0: {  	(tag) =	ssettag $0x1  }
0x1: {  	s1 =	rddreg [dreg:$0x0]  }
0x2: {  	s0 =	srdreg.scid;
	s3 =	rddreg [dreg:$0x1]  }
0x3: {  	s7 =	rddreg [dreg:$0x2];
	s4 =	simm.s32 $0x0;
	s12 =	simm.s32 $0x2780  }
0x4: {  	s13 =	simm.s32 $0x50;
	s14 =	simm.s32 $0x4F00;
	s15 =	simm.s32 $0x7700  }
0x5: {  	s16 =	simm.s32 $0x9F00;
	s17 =	simm.s32 $0xC700;
	s6 =	sand.u32 $0x1, s0  }
0x6: {  	s18 =	simm.s32 $0x1;
	s0 =	stileid.u32;
	s2 =	sshll.u32 s6, $0x4  }
0x7: {  	s19 =	simm.s32 $0x2;
	s20 =	simm.s32 $0x0;
	s8 =	sor.u32 s0, s2  }
0x8: {  	[smem:$0x7FF] =	sst s4;
	s10 =	ssub.s32 $0x2, s6;
	s5 =	smul.u32 $0x2710, s8  }
0x9: {  	s6 =	sadd.s32 $0x16C00, s7;
	s11 =	sshrl.u32 s10, $0x1;
	s8 =	smul.u32 $0x138800, s8  }
0xa: {  	s2 =	rddreg [dreg:$0x3];
	_ =	strace $0x80000047;
	s10 =	ssub.s32 s10, s11  }
0xb: {  	s11 =	simm.s32 $0x3;
	s9 =	sshrl.u32 s5, $0x3;
	s30 =	sshrl.u32 s8, $0x3  }
0xc: {  	s10 =	smax.u32 s10, $0x1;
	s9 =	sadd.s32 s9, s7;
	s31 =	sadd.s32 s6, s30  }
0xd: {  	s7 =	sadd.s32 $0xCE00, s9;
	s8 =	sadd.s32 $0x3000, s9;
	s9 =	sadd.s32 $0x26C00, s31  }
.LBB2_1:
0xe: {  	[tilespmem:s4], [sflag:$0x3] =	stream.linear.gather [hbm4b:s7+s4], $0x2710, $0x38;
	[tilespmem:$0xEF00] =	vst v63  }
0xf: {  	_ =	swait.ge [sflag:s11], $0x2710  }
0x10: {  	[sflag:s11] =	ssyncset.done $0x0  }
0x11: {  	[sflag:s11] =	ssyncadd.s32 $0xFFFFD8F0  }
0x12: {  	[tilespmem:s12], [sflag:$0x3] =	stream.linear.gather [hbm4b:s8+s4], $0x2710, $0x38;
	[tilespmem:$0xEF00] =	vst v63  }
0x13: {  	_ =	swait.ge [sflag:s11], $0x2710  }
0x14: {  	[sflag:s11] =	ssyncset.done $0x0  }
0x15: {  	[sflag:s11] =	ssyncadd.s32 $0xFFFFD8F0  }
0x16: {  	[tilespmem:s14], [sflag:$0x1] =	stream.indirect.gather [hbm4b:s1+s13], $0x80, s4, s13, $0xb8;
	[tilespmem:$0xEF00] =	vst v63  }
0x17: {  	s21 =	simm.s32 $0x0  }
0x18: {  	[tilespmem:s15], [sflag:$0x1] =	stream.indirect.gather [hbm4b:s3+s13], $0x80, s12, s13, $0xb8;
	[tilespmem:$0xEF00] =	vst v63  }
.LBB2_2:
0x19: {  	s23 =	smul.u32 $0xA0, s21;
	_ =	sdelay $0x1  }
0x1a: {  	s22 =	sadd.s32 $0x50, s23  }
0x1b: {  	[tilespmem:s16], [sflag:$0x2] =	stream.indirect.gather [hbm4b:s1+s13], $0x80, s22, s13, $0xb8;
	[tilespmem:$0xEF00] =	vst v63  }
0x1c: {  	s24 =	sadd.s32 $0x27D0, s23  }
0x1d: {  	[tilespmem:s17], [sflag:$0x2] =	stream.indirect.gather [hbm4b:s3+s13], $0x80, s24, s13, $0xb8;
	[tilespmem:$0xEF00] =	vst v63  }
0x1e: {  	_ =	swait.ge [sflag:s18], $0x2800  }
0x1f: {  	[sflag:s18] =	ssyncset.done $0x0  }
0x20: {  	[sflag:s18] =	ssyncadd.s32 $0xFFFFD800  }
0x21: {  	_ =	swait.ge [sflag:s18], $0x2800  }
0x22: {  	[sflag:s18] =	ssyncset.done $0x0  }
0x23: {  	s25 =	simm.s32 $0x0;
	[sflag:s18] =	ssyncadd.s32 $0xFFFFD800  }
0x24: {  	v0 =	vld [tilespmem:s25+$0x7770]  }
0x25: {  	v1 =	vld [tilespmem:s25+$0x7760]  }
0x26: {  	v2 =	vld [tilespmem:s25+$0x4F70]  }
0x27: {  	v3 =	vld [tilespmem:s25+$0x4F60]  }
0x28: {  	v4 =	vld [tilespmem:s25+$0x7710]  }
0x29: {  	v5 =	vld [tilespmem:s25+$0x7750]  }
0x2a: {  	v6 =	vld [tilespmem:s25+$0x7700]  }
0x2b: {  	v7 =	vld [tilespmem:s25+$0x4F50]  }
0x2c: {  	v8 =	vld [tilespmem:s25+$0x7720];
	v0 =	vadd.f32 v0, v2  }
0x2d: {  	v9 =	vld [tilespmem:s25+$0x7740]  }
0x2e: {  	v11 =	vld [tilespmem:s25+$0x7730];
	v10 =	vmin.f32 v0, $0.0e+00  }
0x2f: {  	v12 =	vld [tilespmem:s25+$0x4F20];
	v1 =	vadd.f32 v1, v3;
	v10 =	vmul.f32 $2.000000030e-01, v10  }
0x30: {  	v3 =	vld [tilespmem:s25+$0x4F10];
	v0 =	vmax.f32 v0, $0.0e+00  }
0x31: {  	s24 =	simm.s32 $0x80;
	v2 =	vld [tilespmem:s25+$0x4F00];
	v0 =	vadd.f32 v10, v0;
	v10 =	vmin.f32 v1, $0.0e+00  }
0x32: {  	v13 =	vld [tilespmem:s24+$0x7770];
	v10 =	vmul.f32 $2.000000030e-01, v10  }
0x33: {  	v14 =	vld [tilespmem:s24+$0x7760];
	[tilespmem:s25+$0x4F70] =	vst v0;
	v0 =	vmax.f32 v1, $0.0e+00;
	v1 =	vadd.f32 v5, v7  }
0x34: {  	v7 =	vld [tilespmem:s25+$0x4F30];
	v0 =	vadd.f32 v10, v0  }
0x35: {  	v4 =	vadd.f32 v4, v3;
	v15 =	vld [tilespmem:s24+$0x4F70];
	v5 =	vmin.f32 v1, $0.0e+00  }
0x36: {  	v6 =	vadd.f32 v6, v2;
	v10 =	vld [tilespmem:s25+$0x4F40];
	[tilespmem:s25+$0x4F60] =	vst v0;
	v5 =	vmul.f32 $2.000000030e-01, v5  }
0x37: {  	v17 =	vmin.f32 v4, $0.0e+00;
	v1 =	vmax.f32 v1, $0.0e+00;
	v16 =	vld [tilespmem:s24+$0x4F60]  }
0x38: {  	v0 =	vld [tilespmem:s24+$0x7710];
	v1 =	vadd.f32 v5, v1;
	v5 =	vadd.f32 v8, v12;
	v8 =	vmin.f32 v6, $0.0e+00  }
0x39: {  	v18 =	vmax.f32 v4, $0.0e+00;
	v2 =	vld [tilespmem:s24+$0x7750];
	v12 =	vmax.f32 v6, $0.0e+00;
	v8 =	vmul.f32 $2.000000030e-01, v8  }
0x3a: {  	v3 =	vld [tilespmem:s24+$0x7700];
	v7 =	vadd.f32 v11, v7;
	v15 =	vadd.f32 v13, v15;
	[tilespmem:s25+$0x4F50] =	vst v1;
	v1 =	vmin.f32 v5, $0.0e+00  }
0x3b: {  	v4 =	vmax.f32 v5, $0.0e+00;
	v6 =	vld [tilespmem:s24+$0x4F50];
	v12 =	vadd.f32 v8, v12;
	v11 =	vmul.f32 $2.000000030e-01, v1  }
0x3c: {  	v13 =	vmin.f32 v7, $0.0e+00;
	v5 =	vld [tilespmem:s24+$0x7720];
	v8 =	vadd.f32 v9, v10;
	v10 =	vadd.f32 v14, v16  }
0x3d: {  	v1 =	vld [tilespmem:s24+$0x7740];
	v16 =	vmul.f32 $2.000000030e-01, v17;
	v14 =	vmax.f32 v15, $0.0e+00;
	[tilespmem:s25+$0x4F00] =	vst v12;
	v17 =	vadd.f32 v11, v4  }
0x3e: {  	v15 =	vmin.f32 v15, $0.0e+00;
	v12 =	vmin.f32 v8, $0.0e+00;
	v9 =	vld [tilespmem:s24+$0x4F00];
	v11 =	vmin.f32 v10, $0.0e+00  }
0x3f: {  	s26 =	simm.s32 $0x400;
	v15 =	vmul.f32 $2.000000030e-01, v15;
	v4 =	vld [tilespmem:s24+$0x7730];
	v16 =	vadd.f32 v16, v18;
	v11 =	vmul.f32 $2.000000030e-01, v11;
	[tilespmem:s25+$0x4F20] =	vst v17  }
.LBB2_3:
0x40: {  	s28 =	sshra.s32 s26, $0x2;
	p0 =	sne.s32 s26, $0x9E00;
	s26 =	sadd.s32 $0x200, s26;
	v17 =	vld [tilespmem:s24+$0x4F20];
	v10 =	vmax.f32 v10, $0.0e+00;
	v13 =	vmul.f32 $2.000000030e-01, v13;
	v12 =	vmul.f32 $2.000000030e-01, v12  }
0x41: {  	v7 =	vmax.f32 v7, $0.0e+00;
	v8 =	vmax.f32 v8, $0.0e+00;
	v18 =	vld [tilespmem:s28+$0x7770];
	v14 =	vadd.f32 v15, v14;
	[tilespmem:s25+$0x4F10] =	vst v16  }
0x42: {  	v10 =	vadd.f32 v11, v10;
	v15 =	vld [tilespmem:s24+$0x4F10];
	v7 =	vadd.f32 v13, v7  }
0x43: {  	v2 =	vadd.f32 v2, v6;
	v6 =	vadd.f32 v12, v8;
	v11 =	vld [tilespmem:s28+$0x7760];
	[tilespmem:s24+$0x4F70] =	vst v14  }
0x44: {  	v3 =	vadd.f32 v3, v9;
	v12 =	vld [tilespmem:s28+$0x4F70];
	[tilespmem:s25+$0x4F30] =	vst v7  }
0x45: {  	v8 =	vmin.f32 v2, $0.0e+00;
	v5 =	vadd.f32 v5, v17;
	v7 =	vld [tilespmem:s24+$0x4F30];
	[tilespmem:s25+$0x4F40] =	vst v6;
	s25 =	smov.u32 s24;
	s24 =	smov.u32 s28  }
0x46: {  	v8 =	vmul.f32 $2.000000030e-01, v8;
	v6 =	vmin.f32 v3, $0.0e+00;
	v9 =	vld [tilespmem:s25+$0x4F40];
	[tilespmem:s25+$0x4F60] =	vst v10  }
0x47: {  	v2 =	vmax.f32 v2, $0.0e+00;
	v13 =	vmul.f32 $2.000000030e-01, v6;
	v10 =	vld [tilespmem:s24+$0x4F60];
	v6 =	vadd.f32 v0, v15  }
0x48: {  	v8 =	vadd.f32 v8, v2;
	v14 =	vmin.f32 v5, $0.0e+00;
	v0 =	vld [tilespmem:s24+$0x7710]  }
0x49: {  	v15 =	vmax.f32 v3, $0.0e+00;
	v2 =	vld [tilespmem:s24+$0x7750];
	v16 =	vmin.f32 v6, $0.0e+00  }
0x4a: {  	v19 =	vmax.f32 v5, $0.0e+00;
	v17 =	vmax.f32 v6, $0.0e+00;
	v3 =	vld [tilespmem:s24+$0x7700];
	v7 =	vadd.f32 v4, v7;
	[tilespmem:s25+$0x4F50] =	vst v8  }
.Ltmp0:
0x4b: {  	v4 =	vadd.f32 v13, v15;
	v13 =	vmul.f32 $2.000000030e-01, v14;
	v6 =	vld [tilespmem:s24+$0x4F50];
	v8 =	vadd.f32 v1, v9;
	(pc) =	sbr.rel @p0 .LBB2_3-.Ltmp0, $4  }
0x4c: {  	v16 =	vmul.f32 $2.000000030e-01, v16;
	v5 =	vld [tilespmem:s24+$0x7720];
	v10 =	vadd.f32 v11, v10;
	v11 =	vadd.f32 v18, v12  }
0x4d: {  	v18 =	vadd.f32 v13, v19;
	v13 =	vmin.f32 v7, $0.0e+00;
	v1 =	vld [tilespmem:s24+$0x7740];
	[tilespmem:s25+$0x4F00] =	vst v4;
	v12 =	vmin.f32 v8, $0.0e+00  }
0x4e: {  	v9 =	vld [tilespmem:s24+$0x4F00];
	v15 =	vmin.f32 v10, $0.0e+00;
	v14 =	vmax.f32 v11, $0.0e+00;
	v19 =	vmin.f32 v11, $0.0e+00  }
0x4f: {  	v16 =	vadd.f32 v16, v17;
	v4 =	vld [tilespmem:s24+$0x7730];
	v11 =	vmul.f32 $2.000000030e-01, v15;
	v15 =	vmul.f32 $2.000000030e-01, v19;
	[tilespmem:s25+$0x4F20] =	vst v18  }
0x50: {  	v13 =	vmul.f32 $2.000000030e-01, v13  }
0x51: {  	v7 =	vmax.f32 v7, $0.0e+00;
	v12 =	vmul.f32 $2.000000030e-01, v12;
	v14 =	vadd.f32 v15, v14  }
0x52: {  	v17 =	vld [tilespmem:s24+$0x4F20];
	v8 =	vmax.f32 v8, $0.0e+00;
	[tilespmem:s25+$0x4F10] =	vst v16;
	v7 =	vadd.f32 v13, v7  }
0x53: {  	v8 =	vadd.f32 v12, v8;
	[tilespmem:s24+$0x4F70] =	vst v14  }
0x54: {  	v2 =	vadd.f32 v2, v6;
	v15 =	vld [tilespmem:s24+$0x4F10];
	[tilespmem:s25+$0x4F30] =	vst v7  }
0x55: {  	v3 =	vadd.f32 v3, v9;
	v7 =	vmax.f32 v10, $0.0e+00;
	v6 =	vld [tilespmem:s24+$0x4F30];
	[tilespmem:s25+$0x4F40] =	vst v8  }
0x56: {  	v7 =	vadd.f32 v11, v7;
	v8 =	vmin.f32 v2, $0.0e+00;
	v9 =	vld [tilespmem:s24+$0x4F40]  }
0x57: {  	v5 =	vadd.f32 v5, v17;
	v10 =	vmin.f32 v3, $0.0e+00;
	v8 =	vmul.f32 $2.000000030e-01, v8  }
0x58: {  	v2 =	vmax.f32 v2, $0.0e+00;
	v3 =	vmax.f32 v3, $0.0e+00;
	v10 =	vmul.f32 $2.000000030e-01, v10  }
0x59: {  	v0 =	vadd.f32 v0, v15;
	v11 =	vmin.f32 v5, $0.0e+00;
	v2 =	vadd.f32 v8, v2  }
0x5a: {  	v5 =	vmax.f32 v5, $0.0e+00;
	v3 =	vadd.f32 v10, v3;
	v4 =	vadd.f32 v4, v6  }
0x5b: {  	v8 =	vmin.f32 v0, $0.0e+00;
	v6 =	vmul.f32 $2.000000030e-01, v11;
	v1 =	vadd.f32 v1, v9  }
0x5c: {  	[tilespmem:s24+$0x4F60] =	vst v7;
	v0 =	vmax.f32 v0, $0.0e+00;
	v7 =	vmul.f32 $2.000000030e-01, v8;
	v8 =	vmin.f32 v4, $0.0e+00  }
0x5d: {  	[tilespmem:s24+$0x4F50] =	vst v2;
	v2 =	vadd.f32 v6, v5;
	v5 =	vmin.f32 v1, $0.0e+00;
	v6 =	vmul.f32 $2.000000030e-01, v8  }
0x5e: {  	[tilespmem:s24+$0x4F00] =	vst v3;
	v0 =	vadd.f32 v7, v0;
	v4 =	vmax.f32 v4, $0.0e+00;
	v3 =	vmul.f32 $2.000000030e-01, v5  }
0x5f: {  	v1 =	vmax.f32 v1, $0.0e+00;
	[tilespmem:s24+$0x4F20] =	vst v2;
	v2 =	vadd.f32 v6, v4  }
0x60: {  	s26 =	sadd.s32 s5, s23;
	[tilespmem:s24+$0x4F10] =	vst v0;
	v0 =	vadd.f32 v3, v1  }
0x61: {  	s25 =	sshll.u32 s26, $0x4;
	[tilespmem:s24+$0x4F30] =	vst v2  }
0x62: {  	s29 =	simm.s32 $0x0;
	s28 =	sadd.s32 s6, s25;
	[tilespmem:s24+$0x4F40] =	vst v0  }
0x63: {  	[hbm4b:s28+s29] =	stream.linear.scatter [tilespmem:s14], [sflag:$0x3], $0x2800, $0x38;
	[tilespmem:$0xEF00] =	vst v63  }
0x64: {  	_ =	swait.ge [sflag:s11], $0x2800  }
0x65: {  	[sflag:s11] =	ssyncset.done $0x0  }
0x66: {  	s30 =	sadd.s32 $0xA0, s23;
	[sflag:s11] =	ssyncadd.s32 $0xFFFFD800  }
0x67: {  	[tilespmem:s14], [sflag:$0x1] =	stream.indirect.gather [hbm4b:s1+s13], $0x80, s30, s13, $0xb8;
	[tilespmem:$0xEF00] =	vst v63  }
0x68: {  	s31 =	sadd.s32 $0x2820, s23  }
0x69: {  	[tilespmem:s15], [sflag:$0x1] =	stream.indirect.gather [hbm4b:s3+s13], $0x80, s31, s13, $0xb8;
	[tilespmem:$0xEF00] =	vst v63  }
0x6a: {  	_ =	swait.ge [sflag:s19], $0x2800  }
0x6b: {  	[sflag:s19] =	ssyncset.done $0x0  }
0x6c: {  	[sflag:s19] =	ssyncadd.s32 $0xFFFFD800  }
0x6d: {  	_ =	swait.ge [sflag:s19], $0x2800  }
0x6e: {  	[sflag:s19] =	ssyncset.done $0x0  }
0x6f: {  	s24 =	simm.s32 $0x0;
	[sflag:s19] =	ssyncadd.s32 $0xFFFFD800  }
0x70: {  	v0 =	vld [tilespmem:s24+$0xC770]  }
0x71: {  	v1 =	vld [tilespmem:s24+$0xC760]  }
0x72: {  	v2 =	vld [tilespmem:s24+$0x9F70]  }
0x73: {  	v3 =	vld [tilespmem:s24+$0x9F60]  }
0x74: {  	v4 =	vld [tilespmem:s24+$0xC710]  }
0x75: {  	v5 =	vld [tilespmem:s24+$0xC750]  }
0x76: {  	v6 =	vld [tilespmem:s24+$0xC700]  }
0x77: {  	v7 =	vld [tilespmem:s24+$0x9F50]  }
0x78: {  	v8 =	vld [tilespmem:s24+$0xC720];
	v0 =	vadd.f32 v0, v2  }
0x79: {  	v9 =	vld [tilespmem:s24+$0xC740]  }
0x7a: {  	v11 =	vld [tilespmem:s24+$0xC730];
	v10 =	vmin.f32 v0, $0.0e+00  }
0x7b: {  	v12 =	vld [tilespmem:s24+$0x9F20];
	v1 =	vadd.f32 v1, v3;
	v10 =	vmul.f32 $2.000000030e-01, v10  }
0x7c: {  	v3 =	vld [tilespmem:s24+$0x9F10];
	v0 =	vmax.f32 v0, $0.0e+00  }
0x7d: {  	s23 =	simm.s32 $0x80;
	v2 =	vld [tilespmem:s24+$0x9F00];
	v0 =	vadd.f32 v10, v0;
	v10 =	vmin.f32 v1, $0.0e+00  }
0x7e: {  	v13 =	vld [tilespmem:s23+$0xC770];
	v10 =	vmul.f32 $2.000000030e-01, v10  }
0x7f: {  	v14 =	vld [tilespmem:s23+$0xC760];
	[tilespmem:s24+$0x9F70] =	vst v0;
	v0 =	vmax.f32 v1, $0.0e+00;
	v1 =	vadd.f32 v5, v7  }
0x80: {  	v7 =	vld [tilespmem:s24+$0x9F30];
	v0 =	vadd.f32 v10, v0  }
0x81: {  	v4 =	vadd.f32 v4, v3;
	v15 =	vld [tilespmem:s23+$0x9F70];
	v5 =	vmin.f32 v1, $0.0e+00  }
0x82: {  	v6 =	vadd.f32 v6, v2;
	v10 =	vld [tilespmem:s24+$0x9F40];
	[tilespmem:s24+$0x9F60] =	vst v0;
	v5 =	vmul.f32 $2.000000030e-01, v5  }
0x83: {  	v17 =	vmin.f32 v4, $0.0e+00;
	v1 =	vmax.f32 v1, $0.0e+00;
	v16 =	vld [tilespmem:s23+$0x9F60]  }
0x84: {  	v0 =	vld [tilespmem:s23+$0xC710];
	v1 =	vadd.f32 v5, v1;
	v5 =	vadd.f32 v8, v12;
	v8 =	vmin.f32 v6, $0.0e+00  }
0x85: {  	v18 =	vmax.f32 v4, $0.0e+00;
	v2 =	vld [tilespmem:s23+$0xC750];
	v12 =	vmax.f32 v6, $0.0e+00;
	v8 =	vmul.f32 $2.000000030e-01, v8  }
0x86: {  	v3 =	vld [tilespmem:s23+$0xC700];
	v7 =	vadd.f32 v11, v7;
	v15 =	vadd.f32 v13, v15;
	[tilespmem:s24+$0x9F50] =	vst v1;
	v1 =	vmin.f32 v5, $0.0e+00  }
0x87: {  	v4 =	vmax.f32 v5, $0.0e+00;
	v6 =	vld [tilespmem:s23+$0x9F50];
	v12 =	vadd.f32 v8, v12;
	v11 =	vmul.f32 $2.000000030e-01, v1  }
0x88: {  	v13 =	vmin.f32 v7, $0.0e+00;
	v5 =	vld [tilespmem:s23+$0xC720];
	v8 =	vadd.f32 v9, v10;
	v10 =	vadd.f32 v14, v16  }
0x89: {  	v1 =	vld [tilespmem:s23+$0xC740];
	v16 =	vmul.f32 $2.000000030e-01, v17;
	v14 =	vmax.f32 v15, $0.0e+00;
	[tilespmem:s24+$0x9F00] =	vst v12;
	v17 =	vadd.f32 v11, v4  }
0x8a: {  	v15 =	vmin.f32 v15, $0.0e+00;
	v12 =	vmin.f32 v8, $0.0e+00;
	v9 =	vld [tilespmem:s23+$0x9F00];
	v11 =	vmin.f32 v10, $0.0e+00  }
0x8b: {  	s25 =	simm.s32 $0x400;
	v15 =	vmul.f32 $2.000000030e-01, v15;
	v4 =	vld [tilespmem:s23+$0xC730];
	v16 =	vadd.f32 v16, v18;
	v11 =	vmul.f32 $2.000000030e-01, v11;
	[tilespmem:s24+$0x9F20] =	vst v17  }
.LBB2_5:
0x8c: {  	s26 =	sshra.s32 s25, $0x2;
	p0 =	sne.s32 s25, $0x9E00;
	s25 =	sadd.s32 $0x200, s25;
	v17 =	vld [tilespmem:s23+$0x9F20];
	v10 =	vmax.f32 v10, $0.0e+00;
	v13 =	vmul.f32 $2.000000030e-01, v13;
	v12 =	vmul.f32 $2.000000030e-01, v12  }
0x8d: {  	v7 =	vmax.f32 v7, $0.0e+00;
	v8 =	vmax.f32 v8, $0.0e+00;
	v18 =	vld [tilespmem:s26+$0xC770];
	v14 =	vadd.f32 v15, v14;
	[tilespmem:s24+$0x9F10] =	vst v16  }
0x8e: {  	v10 =	vadd.f32 v11, v10;
	v15 =	vld [tilespmem:s23+$0x9F10];
	v7 =	vadd.f32 v13, v7  }
0x8f: {  	v2 =	vadd.f32 v2, v6;
	v6 =	vadd.f32 v12, v8;
	v11 =	vld [tilespmem:s26+$0xC760];
	[tilespmem:s23+$0x9F70] =	vst v14  }
0x90: {  	v3 =	vadd.f32 v3, v9;
	v12 =	vld [tilespmem:s26+$0x9F70];
	[tilespmem:s24+$0x9F30] =	vst v7  }
0x91: {  	v8 =	vmin.f32 v2, $0.0e+00;
	v5 =	vadd.f32 v5, v17;
	v7 =	vld [tilespmem:s23+$0x9F30];
	[tilespmem:s24+$0x9F40] =	vst v6;
	s24 =	smov.u32 s23;
	s23 =	smov.u32 s26  }
0x92: {  	v8 =	vmul.f32 $2.000000030e-01, v8;
	v6 =	vmin.f32 v3, $0.0e+00;
	v9 =	vld [tilespmem:s24+$0x9F40];
	[tilespmem:s24+$0x9F60] =	vst v10  }
0x93: {  	v2 =	vmax.f32 v2, $0.0e+00;
	v13 =	vmul.f32 $2.000000030e-01, v6;
	v10 =	vld [tilespmem:s23+$0x9F60];
	v6 =	vadd.f32 v0, v15  }
0x94: {  	v8 =	vadd.f32 v8, v2;
	v14 =	vmin.f32 v5, $0.0e+00;
	v0 =	vld [tilespmem:s23+$0xC710]  }
0x95: {  	v15 =	vmax.f32 v3, $0.0e+00;
	v2 =	vld [tilespmem:s23+$0xC750];
	v16 =	vmin.f32 v6, $0.0e+00  }
0x96: {  	v19 =	vmax.f32 v5, $0.0e+00;
	v17 =	vmax.f32 v6, $0.0e+00;
	v3 =	vld [tilespmem:s23+$0xC700];
	v7 =	vadd.f32 v4, v7;
	[tilespmem:s24+$0x9F50] =	vst v8  }
.Ltmp1:
0x97: {  	v4 =	vadd.f32 v13, v15;
	v13 =	vmul.f32 $2.000000030e-01, v14;
	v6 =	vld [tilespmem:s23+$0x9F50];
	v8 =	vadd.f32 v1, v9;
	(pc) =	sbr.rel @p0 .LBB2_5-.Ltmp1, $4  }
0x98: {  	v16 =	vmul.f32 $2.000000030e-01, v16;
	v5 =	vld [tilespmem:s23+$0xC720];
	v10 =	vadd.f32 v11, v10;
	v11 =	vadd.f32 v18, v12  }
0x99: {  	v18 =	vadd.f32 v13, v19;
	v13 =	vmin.f32 v7, $0.0e+00;
	v1 =	vld [tilespmem:s23+$0xC740];
	[tilespmem:s24+$0x9F00] =	vst v4;
	v12 =	vmin.f32 v8, $0.0e+00  }
0x9a: {  	v9 =	vld [tilespmem:s23+$0x9F00];
	v15 =	vmin.f32 v10, $0.0e+00;
	v14 =	vmax.f32 v11, $0.0e+00;
	v19 =	vmin.f32 v11, $0.0e+00  }
0x9b: {  	v16 =	vadd.f32 v16, v17;
	v4 =	vld [tilespmem:s23+$0xC730];
	v11 =	vmul.f32 $2.000000030e-01, v15;
	v15 =	vmul.f32 $2.000000030e-01, v19;
	[tilespmem:s24+$0x9F20] =	vst v18  }
0x9c: {  	v13 =	vmul.f32 $2.000000030e-01, v13  }
0x9d: {  	v7 =	vmax.f32 v7, $0.0e+00;
	v12 =	vmul.f32 $2.000000030e-01, v12;
	v14 =	vadd.f32 v15, v14  }
0x9e: {  	v17 =	vld [tilespmem:s23+$0x9F20];
	v8 =	vmax.f32 v8, $0.0e+00;
	[tilespmem:s24+$0x9F10] =	vst v16;
	v7 =	vadd.f32 v13, v7  }
0x9f: {  	v8 =	vadd.f32 v12, v8;
	[tilespmem:s23+$0x9F70] =	vst v14  }
0xa0: {  	v2 =	vadd.f32 v2, v6;
	v47 =	vld [tilespmem:s23+$0x9F10];
	[tilespmem:s24+$0x9F30] =	vst v7  }
0xa1: {  	v3 =	vadd.f32 v3, v9;
	v48 =	vld [tilespmem:s23+$0x9F30];
	[tilespmem:s24+$0x9F40] =	vst v8  }
0xa2: {  	v49 =	vmax.f32 v10, $0.0e+00;
	v50 =	vmin.f32 v2, $0.0e+00;
	v2 =	vmax.f32 v2, $0.0e+00;
	v51 =	vld [tilespmem:s23+$0x9F40]  }
0xa3: {  	v5 =	vadd.f32 v5, v17;
	v52 =	vmin.f32 v3, $0.0e+00;
	v8 =	vmul.f32 $2.000000030e-01, v50  }
0xa4: {  	v7 =	vadd.f32 v11, v49;
	v3 =	vmax.f32 v3, $0.0e+00;
	v10 =	vmul.f32 $2.000000030e-01, v52  }
0xa5: {  	v0 =	vadd.f32 v0, v47;
	v53 =	vmin.f32 v5, $0.0e+00;
	v2 =	vadd.f32 v8, v2  }
0xa6: {  	v5 =	vmax.f32 v5, $0.0e+00;
	v55 =	vmul.f32 $2.000000030e-01, v53;
	v4 =	vadd.f32 v4, v48  }
0xa7: {  	v3 =	vadd.f32 v10, v3;
	v54 =	vmin.f32 v0, $0.0e+00;
	v1 =	vadd.f32 v1, v51  }
0xa8: {  	[tilespmem:s23+$0x9F60] =	vst v7;
	v0 =	vmax.f32 v0, $0.0e+00;
	v56 =	vmul.f32 $2.000000030e-01, v54;
	v57 =	vmin.f32 v4, $0.0e+00  }
0xa9: {  	[tilespmem:s23+$0x9F50] =	vst v2;
	v58 =	vadd.f32 v55, v5;
	v59 =	vmin.f32 v1, $0.0e+00;
	v60 =	vmul.f32 $2.000000030e-01, v57  }
0xaa: {  	[tilespmem:s23+$0x9F00] =	vst v3;
	v0 =	vadd.f32 v56, v0;
	v4 =	vmax.f32 v4, $0.0e+00;
	v61 =	vmul.f32 $2.000000030e-01, v59  }
0xab: {  	[tilespmem:s23+$0x9F20] =	vst v58;
	v1 =	vmax.f32 v1, $0.0e+00;
	v62 =	vadd.f32 v60, v4  }
0xac: {  	s22 =	sadd.s32 s5, s22;
	s21 =	sadd.s32 $0x1, s21;
	[tilespmem:s23+$0x9F10] =	vst v0;
	v63 =	vadd.f32 v61, v1  }
0xad: {  	s22 =	sshll.u32 s22, $0x4;
	p0 =	sne.s32 s21, $0x3E;
	[tilespmem:s23+$0x9F30] =	vst v62  }
.Ltmp2:
0xae: {  	s22 =	sadd.s32 s6, s22;
	[tilespmem:s23+$0x9F40] =	vst v63;
	(pc) =	sbr.rel @p0 .LBB2_2-.Ltmp2, $4  }
0xaf: {  	[hbm4b:s22+s4] =	stream.linear.scatter [tilespmem:s16], [sflag:$0x3], $0x2800, $0x38;
	[tilespmem:$0xEF00] =	vst v63  }
0xb0: {  	_ =	swait.ge [sflag:s11], $0x2800  }
0xb1: {  	[sflag:s11] =	ssyncset.done $0x0  }
0xb2: {  	[sflag:s11] =	ssyncadd.s32 $0xFFFFD800  }
0xb3: {  	_ =	swait.ge [sflag:s18], $0x2800  }
0xb4: {  	[sflag:s18] =	ssyncset.done $0x0  }
0xb5: {  	[sflag:s18] =	ssyncadd.s32 $0xFFFFD800  }
0xb6: {  	_ =	swait.ge [sflag:s18], $0x2800  }
0xb7: {  	[sflag:s18] =	ssyncset.done $0x0  }
0xb8: {  	s22 =	simm.s32 $0x0;
	[sflag:s18] =	ssyncadd.s32 $0xFFFFD800  }
0xb9: {  	v0 =	vld [tilespmem:s22+$0x7770]  }
0xba: {  	v1 =	vld [tilespmem:s22+$0x7760]  }
0xbb: {  	v2 =	vld [tilespmem:s22+$0x4F70]  }
0xbc: {  	v3 =	vld [tilespmem:s22+$0x4F60]  }
0xbd: {  	v4 =	vld [tilespmem:s22+$0x7710]  }
0xbe: {  	v5 =	vld [tilespmem:s22+$0x7750]  }
0xbf: {  	v6 =	vld [tilespmem:s22+$0x7700]  }
0xc0: {  	v7 =	vld [tilespmem:s22+$0x4F50]  }
0xc1: {  	v8 =	vld [tilespmem:s22+$0x7720];
	v0 =	vadd.f32 v0, v2  }
0xc2: {  	v9 =	vld [tilespmem:s22+$0x7740]  }
0xc3: {  	v11 =	vld [tilespmem:s22+$0x7730];
	v10 =	vmin.f32 v0, $0.0e+00  }
0xc4: {  	v12 =	vld [tilespmem:s22+$0x4F20];
	v1 =	vadd.f32 v1, v3;
	v10 =	vmul.f32 $2.000000030e-01, v10  }
0xc5: {  	v3 =	vld [tilespmem:s22+$0x4F10];
	v0 =	vmax.f32 v0, $0.0e+00  }
0xc6: {  	s21 =	simm.s32 $0x80;
	v2 =	vld [tilespmem:s22+$0x4F00];
	v0 =	vadd.f32 v10, v0;
	v10 =	vmin.f32 v1, $0.0e+00  }
0xc7: {  	v13 =	vld [tilespmem:s21+$0x7770];
	v10 =	vmul.f32 $2.000000030e-01, v10  }
0xc8: {  	v14 =	vld [tilespmem:s21+$0x7760];
	[tilespmem:s22+$0x4F70] =	vst v0;
	v0 =	vmax.f32 v1, $0.0e+00;
	v1 =	vadd.f32 v5, v7  }
0xc9: {  	v7 =	vld [tilespmem:s22+$0x4F30];
	v0 =	vadd.f32 v10, v0  }
0xca: {  	v4 =	vadd.f32 v4, v3;
	v15 =	vld [tilespmem:s21+$0x4F70];
	v5 =	vmin.f32 v1, $0.0e+00  }
0xcb: {  	v6 =	vadd.f32 v6, v2;
	v10 =	vld [tilespmem:s22+$0x4F40];
	[tilespmem:s22+$0x4F60] =	vst v0;
	v5 =	vmul.f32 $2.000000030e-01, v5  }
0xcc: {  	v17 =	vmin.f32 v4, $0.0e+00;
	v1 =	vmax.f32 v1, $0.0e+00;
	v16 =	vld [tilespmem:s21+$0x4F60]  }
0xcd: {  	v0 =	vld [tilespmem:s21+$0x7710];
	v1 =	vadd.f32 v5, v1;
	v5 =	vadd.f32 v8, v12;
	v8 =	vmin.f32 v6, $0.0e+00  }
0xce: {  	v18 =	vmax.f32 v4, $0.0e+00;
	v2 =	vld [tilespmem:s21+$0x7750];
	v12 =	vmax.f32 v6, $0.0e+00;
	v8 =	vmul.f32 $2.000000030e-01, v8  }
0xcf: {  	v3 =	vld [tilespmem:s21+$0x7700];
	v7 =	vadd.f32 v11, v7;
	v15 =	vadd.f32 v13, v15;
	[tilespmem:s22+$0x4F50] =	vst v1;
	v1 =	vmin.f32 v5, $0.0e+00  }
0xd0: {  	v4 =	vmax.f32 v5, $0.0e+00;
	v6 =	vld [tilespmem:s21+$0x4F50];
	v12 =	vadd.f32 v8, v12;
	v11 =	vmul.f32 $2.000000030e-01, v1  }
0xd1: {  	v13 =	vmin.f32 v7, $0.0e+00;
	v5 =	vld [tilespmem:s21+$0x7720];
	v8 =	vadd.f32 v9, v10;
	v10 =	vadd.f32 v14, v16  }
0xd2: {  	v1 =	vld [tilespmem:s21+$0x7740];
	v16 =	vmul.f32 $2.000000030e-01, v17;
	v14 =	vmax.f32 v15, $0.0e+00;
	[tilespmem:s22+$0x4F00] =	vst v12;
	v17 =	vadd.f32 v11, v4  }
0xd3: {  	v15 =	vmin.f32 v15, $0.0e+00;
	v12 =	vmin.f32 v8, $0.0e+00;
	v9 =	vld [tilespmem:s21+$0x4F00];
	v11 =	vmin.f32 v10, $0.0e+00  }
0xd4: {  	s23 =	simm.s32 $0x400;
	v15 =	vmul.f32 $2.000000030e-01, v15;
	v4 =	vld [tilespmem:s21+$0x7730];
	v16 =	vadd.f32 v16, v18;
	v11 =	vmul.f32 $2.000000030e-01, v11;
	[tilespmem:s22+$0x4F20] =	vst v17  }
.LBB2_8:
0xd5: {  	s24 =	sshra.s32 s23, $0x2;
	p0 =	sne.s32 s23, $0x9E00;
	s23 =	sadd.s32 $0x200, s23;
	v17 =	vld [tilespmem:s21+$0x4F20];
	v10 =	vmax.f32 v10, $0.0e+00;
	v13 =	vmul.f32 $2.000000030e-01, v13;
	v12 =	vmul.f32 $2.000000030e-01, v12  }
0xd6: {  	v7 =	vmax.f32 v7, $0.0e+00;
	v8 =	vmax.f32 v8, $0.0e+00;
	v18 =	vld [tilespmem:s24+$0x7770];
	v14 =	vadd.f32 v15, v14;
	[tilespmem:s22+$0x4F10] =	vst v16  }
0xd7: {  	v10 =	vadd.f32 v11, v10;
	v15 =	vld [tilespmem:s21+$0x4F10];
	v7 =	vadd.f32 v13, v7  }
0xd8: {  	v2 =	vadd.f32 v2, v6;
	v6 =	vadd.f32 v12, v8;
	v11 =	vld [tilespmem:s24+$0x7760];
	[tilespmem:s21+$0x4F70] =	vst v14  }
0xd9: {  	v3 =	vadd.f32 v3, v9;
	v12 =	vld [tilespmem:s24+$0x4F70];
	[tilespmem:s22+$0x4F30] =	vst v7  }
0xda: {  	v8 =	vmin.f32 v2, $0.0e+00;
	v5 =	vadd.f32 v5, v17;
	v7 =	vld [tilespmem:s21+$0x4F30];
	[tilespmem:s22+$0x4F40] =	vst v6;
	s22 =	smov.u32 s21;
	s21 =	smov.u32 s24  }
0xdb: {  	v8 =	vmul.f32 $2.000000030e-01, v8;
	v6 =	vmin.f32 v3, $0.0e+00;
	v9 =	vld [tilespmem:s22+$0x4F40];
	[tilespmem:s22+$0x4F60] =	vst v10  }
0xdc: {  	v2 =	vmax.f32 v2, $0.0e+00;
	v13 =	vmul.f32 $2.000000030e-01, v6;
	v10 =	vld [tilespmem:s21+$0x4F60];
	v6 =	vadd.f32 v0, v15  }
0xdd: {  	v8 =	vadd.f32 v8, v2;
	v14 =	vmin.f32 v5, $0.0e+00;
	v0 =	vld [tilespmem:s21+$0x7710]  }
0xde: {  	v15 =	vmax.f32 v3, $0.0e+00;
	v2 =	vld [tilespmem:s21+$0x7750];
	v16 =	vmin.f32 v6, $0.0e+00  }
0xdf: {  	v19 =	vmax.f32 v5, $0.0e+00;
	v17 =	vmax.f32 v6, $0.0e+00;
	v3 =	vld [tilespmem:s21+$0x7700];
	v7 =	vadd.f32 v4, v7;
	[tilespmem:s22+$0x4F50] =	vst v8  }
.Ltmp3:
0xe0: {  	v4 =	vadd.f32 v13, v15;
	v13 =	vmul.f32 $2.000000030e-01, v14;
	v6 =	vld [tilespmem:s21+$0x4F50];
	v8 =	vadd.f32 v1, v9;
	(pc) =	sbr.rel @p0 .LBB2_8-.Ltmp3, $4  }
0xe1: {  	v16 =	vmul.f32 $2.000000030e-01, v16;
	v5 =	vld [tilespmem:s21+$0x7720];
	v10 =	vadd.f32 v11, v10;
	v11 =	vadd.f32 v18, v12  }
0xe2: {  	v18 =	vadd.f32 v13, v19;
	v13 =	vmin.f32 v7, $0.0e+00;
	v1 =	vld [tilespmem:s21+$0x7740];
	[tilespmem:s22+$0x4F00] =	vst v4;
	v12 =	vmin.f32 v8, $0.0e+00  }
0xe3: {  	v9 =	vld [tilespmem:s21+$0x4F00];
	v15 =	vmin.f32 v10, $0.0e+00;
	v14 =	vmax.f32 v11, $0.0e+00;
	v19 =	vmin.f32 v11, $0.0e+00  }
0xe4: {  	v16 =	vadd.f32 v16, v17;
	v4 =	vld [tilespmem:s21+$0x7730];
	v11 =	vmul.f32 $2.000000030e-01, v15;
	v15 =	vmul.f32 $2.000000030e-01, v19;
	[tilespmem:s22+$0x4F20] =	vst v18  }
0xe5: {  	v13 =	vmul.f32 $2.000000030e-01, v13  }
0xe6: {  	v7 =	vmax.f32 v7, $0.0e+00;
	v12 =	vmul.f32 $2.000000030e-01, v12;
	v14 =	vadd.f32 v15, v14  }
0xe7: {  	v17 =	vld [tilespmem:s21+$0x4F20];
	v8 =	vmax.f32 v8, $0.0e+00;
	[tilespmem:s22+$0x4F10] =	vst v16;
	v7 =	vadd.f32 v13, v7  }
0xe8: {  	v8 =	vadd.f32 v12, v8;
	[tilespmem:s21+$0x4F70] =	vst v14  }
0xe9: {  	v2 =	vadd.f32 v2, v6;
	v47 =	vld [tilespmem:s21+$0x4F10];
	[tilespmem:s22+$0x4F30] =	vst v7  }
0xea: {  	v3 =	vadd.f32 v3, v9;
	v48 =	vld [tilespmem:s21+$0x4F30];
	[tilespmem:s22+$0x4F40] =	vst v8  }
0xeb: {  	v49 =	vmax.f32 v10, $0.0e+00;
	v50 =	vmin.f32 v2, $0.0e+00;
	v2 =	vmax.f32 v2, $0.0e+00;
	v51 =	vld [tilespmem:s21+$0x4F40]  }
0xec: {  	v5 =	vadd.f32 v5, v17;
	v52 =	vmin.f32 v3, $0.0e+00;
	v8 =	vmul.f32 $2.000000030e-01, v50  }
0xed: {  	v7 =	vadd.f32 v11, v49;
	v3 =	vmax.f32 v3, $0.0e+00;
	v10 =	vmul.f32 $2.000000030e-01, v52  }
0xee: {  	v0 =	vadd.f32 v0, v47;
	v53 =	vmin.f32 v5, $0.0e+00;
	v2 =	vadd.f32 v8, v2  }
0xef: {  	v5 =	vmax.f32 v5, $0.0e+00;
	v55 =	vmul.f32 $2.000000030e-01, v53;
	v4 =	vadd.f32 v4, v48  }
0xf0: {  	v3 =	vadd.f32 v10, v3;
	v54 =	vmin.f32 v0, $0.0e+00;
	v1 =	vadd.f32 v1, v51  }
0xf1: {  	[tilespmem:s21+$0x4F60] =	vst v7;
	v0 =	vmax.f32 v0, $0.0e+00;
	v56 =	vmul.f32 $2.000000030e-01, v54;
	v57 =	vmin.f32 v4, $0.0e+00  }
0xf2: {  	[tilespmem:s21+$0x4F50] =	vst v2;
	v58 =	vadd.f32 v55, v5;
	v59 =	vmin.f32 v1, $0.0e+00;
	v60 =	vmul.f32 $2.000000030e-01, v57  }
0xf3: {  	[tilespmem:s21+$0x4F00] =	vst v3;
	v0 =	vadd.f32 v56, v0;
	v4 =	vmax.f32 v4, $0.0e+00;
	v61 =	vmul.f32 $2.000000030e-01, v59  }
0xf4: {  	[tilespmem:s21+$0x4F20] =	vst v58;
	v1 =	vmax.f32 v1, $0.0e+00;
	v62 =	vadd.f32 v60, v4  }
0xf5: {  	s20 =	sadd.s32 $0x1, s20;
	[tilespmem:s21+$0x4F10] =	vst v0;
	v63 =	vadd.f32 v61, v1  }
0xf6: {  	p0 =	sne.s32 s20, s10;
	[tilespmem:s21+$0x4F30] =	vst v62  }
.Ltmp4:
0xf7: {  	[tilespmem:s21+$0x4F40] =	vst v63;
	(pc) =	sbr.rel @p0 .LBB2_1-.Ltmp4, $4  }
0xf8: {  	[hbm4b:s9+s4] =	stream.linear.scatter [tilespmem:s14], [sflag:$0x3], $0x2800, $0x38;
	[tilespmem:$0xEF00] =	vst v63  }
0xf9: {  	_ =	swait.ge [sflag:s11], $0x2800  }
0xfa: {  	[sflag:s11] =	ssyncset.done $0x0  }
0xfb: {  	[sflag:s11] =	ssyncadd.s32 $0xFFFFD800  }
0xfc: {  	_ =	sfence.sel $0x180000  }
0xfd: {  	[bflag:$0x0] =	sbarrier.arrive $0xFFFF  }
0xfe: {  	p0 =	sne.s32 s0, $0x0;
	_ =	strace $0x90000047  }
0xff: {  	s0 =	sadd.s32 @!p0 $0x100000, s2;
	[bflag:$0x2] =	sbarrier.arrive $0xFFFF  }
0x100: {  	[sflag:s0] =	ssyncadd.tile.s32 @!p0 $0x1;
	_ =	shalt  }
.Lfunc_end2:
_tile_overlayer_lowered:
.L_overlay_start_2:
0x101: {  	(tag) =	ssettag $0x2  }
0x102: {  	s0 =	rddreg [dreg:$0x0];
	s2 =	stileid.u32  }
0x103: {  	s1 =	rddreg [dreg:$0x1];
	p0 =	sne.s32 s2, $0x0  }
0x104: {  	s3 =	rddreg [dreg:$0x2];
	[bflag:$0x3] =	sbarrier.arrive $0xFFFF;
	s2 =	simm.s32 @!p0 $0x1C03  }
0x105: {  	[timem:s3], [sflag:s2] =	dma.local @!p0 [hbm:s0], s1  }
0x106: {  	s0 =	simm.s32 @!p0 $0x3  }
0x107: {  	_ =	swait.ge @!p0 [sflag:s0], s1  }
0x108: {  	s1 =	ssub.s32 @!p0 $0x0, s1;
	[sflag:s0] =	ssyncset.done @!p0 $0x0  }
0x109: {  	[sflag:s0] =	ssyncadd.s32 @!p0 s1  }
0x10a: {  	[bflag:$0x3] =	sbarrier.arrive $0xFFFF  }
0x10b: {  	_ =	shalt  }

</sc_bundles>
